<compile_context>
chip_gen: v7x
topology: tpu7x:2x2x1
jax: 0.10.2.dev20260603
libtpu: 0.0.44.dev20260713+nightly
codegen_flags: <defaults>
</compile_context>

<pallas_src>
import functools

import jax
import jax.numpy as jnp
from jax import lax
from jax.experimental import pallas as pl
from jax.experimental.pallas import tpu as pltpu
from jax.experimental.pallas import tpu_sc as plsc

N_NODES = 10000
N_EDGES = 320000
D_FEAT = 128
HIDDEN = 128
N_CLASSES = 3
D2 = 128

NC, NS, L = 2, 16, 16
NW = NC * NS
NPAD = 10240
CHUNK = 80
NCHUNKS = N_EDGES // CHUNK
CPW = -(-NCHUNKS // NW)
ROWS_PT = NPAD // NS
BPT = ROWS_PT // CHUNK
EPW = N_EDGES // NW
TPW = EPW // CHUNK
SCHUNK = 80
STPW = EPW // SCHUNK
SNB = 3
SNG = STPW // SNB
SNREM = STPW - SNG * SNB
SBPT = ROWS_PT // SCHUNK

_MESH = plsc.VectorSubcoreMesh(core_axis_name="c", subcore_axis_name="s")


def _zero_buf(buf, d, n=None):
    n = CHUNK if n is None else n
    zv = jnp.zeros((L,), jnp.float32)
    if d == 0:
        def body(i, _):
            buf[pl.ds(i * L, L)] = zv
            return 0
        lax.fori_loop(0, n // L, body, 0)
    else:
        def body(i, _):
            for j in range(d // L):
                buf[i, pl.ds(j * L, L)] = zv
            return 0
        lax.fori_loop(0, n, body, 0)


DNB = 5
DEPW = N_EDGES // NW // CHUNK
DNG = DEPW // DNB
DNREM = DEPW - DNG * DNB


@functools.partial(
    pl.kernel,
    out_type=jax.ShapeDtypeStruct((NC * NPAD,), jnp.float32),
    mesh=_MESH,
    scratch_types=[
        pltpu.VMEM((DNB, CHUNK), jnp.int32),
        pltpu.VMEM((CHUNK,), jnp.float32),
        pltpu.VMEM((ROWS_PT,), jnp.float32),
        pltpu.VMEM_SHARED((NPAD,), jnp.float32),
        pltpu.SemaphoreType.DMA,
        pltpu.SemaphoreType.DMA,
        pltpu.SemaphoreType.DMA,
        pltpu.SemaphoreType.DMA,
        pltpu.SemaphoreType.DMA,
        pltpu.SemaphoreType.DMA,
        pltpu.SemaphoreType.DMA,
        pltpu.SemaphoreType.DMA,
        pltpu.SemaphoreType.DMA,
        pltpu.SemaphoreType.DMA,
    ],
)
def _deg_kernel(dst_hbm, out_hbm, didx, buf, wb, acc,
                si0, si1, si2, si3, si4, ss0, ss1, ss2, ss3, ss4):
    c = lax.axis_index("c")
    s = lax.axis_index("s")
    wid = s * NC + c
    base = wid * EPW
    sem_i = [si0, si1, si2, si3, si4]
    sem_s = [ss0, ss1, ss2, ss3, ss4]
    _zero_buf(wb, 0, ROWS_PT)
    pltpu.sync_copy(wb, acc.at[pl.ds(s * ROWS_PT, ROWS_PT)])
    plsc.subcore_barrier()
    ov = jnp.ones((L,), jnp.float32)

    def fill(i, _):
        buf[pl.ds(i * L, L)] = ov
        return 0
    lax.fori_loop(0, CHUNK // L, fill, 0)

    def outer(i, _):
        ihandles = []
        for b in range(DNB):
            off = base + (i * DNB + b) * CHUNK

            @pl.when(i > 0)
            def _():
                pltpu.make_async_copy(dst_hbm.at[pl.ds(0, CHUNK)],
                                      didx.at[b], sem_s[b]).wait()
            ihandles.append(
                pltpu.async_copy(dst_hbm.at[pl.ds(off, CHUNK)],
                                 didx.at[b], sem_i[b]))
        for b in range(DNB):
            ihandles[b].wait()
            pltpu.async_copy(buf, acc.at[didx.at[b]], sem_s[b], add=True)
        return 0
    lax.fori_loop(0, DNG, outer, 0)
    for b in range(DNB):
        pltpu.make_async_copy(dst_hbm.at[pl.ds(0, CHUNK)], didx.at[b],
                              sem_s[b]).wait()
    for r in range(DNREM):
        off = base + (DNG * DNB + r) * CHUNK
        pltpu.sync_copy(dst_hbm.at[pl.ds(off, CHUNK)], didx.at[0])
        pltpu.sync_copy(buf, acc.at[didx.at[0]], add=True)
    plsc.subcore_barrier()
    pltpu.sync_copy(acc.at[pl.ds(s * ROWS_PT, ROWS_PT)], wb)
    pltpu.sync_copy(wb, out_hbm.at[pl.ds(c * NPAD + s * ROWS_PT, ROWS_PT)])


def _make_spmm(d):

    @functools.partial(
        pl.kernel,
        out_type=jax.ShapeDtypeStruct((NC, NPAD, d), jnp.float32),
        mesh=_MESH,
        scratch_types=[
            pltpu.VMEM((EPW,), jnp.int32),
            pltpu.VMEM((SNB, SCHUNK), jnp.int32),
            pltpu.VMEM((SNB, SCHUNK, d), jnp.float32),
            pltpu.VMEM_SHARED((NPAD, d), jnp.float32),
            pltpu.SemaphoreType.DMA,
            pltpu.SemaphoreType.DMA,
            pltpu.SemaphoreType.DMA,
            pltpu.SemaphoreType.DMA,
            pltpu.SemaphoreType.DMA,
            pltpu.SemaphoreType.DMA,
            pltpu.SemaphoreType.DMA,
            pltpu.SemaphoreType.DMA,
            pltpu.SemaphoreType.DMA,
        ],
    )
    def spmm(src_hbm, dst_hbm, h_hbm, out_hbm, sidx_all, didx, rows,
             acc, si0, si1, si2, sg0, sg1, sg2, ss0, ss1, ss2):
        c = lax.axis_index("c")
        s = lax.axis_index("s")
        wid = s * NC + c
        base = wid * EPW
        sem_i = [si0, si1, si2]
        sem_g = [sg0, sg1, sg2]
        sem_s = [ss0, ss1, ss2]

        pre = pltpu.async_copy(src_hbm.at[pl.ds(base, EPW)], sidx_all, si0)

        zv = jnp.zeros((L,), jnp.float32)

        def zbody(i, _):
            for j in range(d // L):
                rows[0, i, pl.ds(j * L, L)] = zv
            return 0
        lax.fori_loop(0, SCHUNK, zbody, 0)
        for k in range(SBPT):
            pltpu.sync_copy(rows.at[0],
                            acc.at[pl.ds(s * ROWS_PT + k * SCHUNK, SCHUNK)])
        pre.wait()
        plsc.subcore_barrier()

        def outer(i, _):
            ihandles = []
            ghandles = []
            for b in range(SNB):
                t = i * SNB + b

                @pl.when(i > 0)
                def _():
                    pltpu.make_async_copy(h_hbm.at[pl.ds(0, SCHUNK)],
                                          rows.at[b], sem_s[b]).wait()
                ghandles.append(
                    pltpu.async_copy(
                        h_hbm.at[sidx_all.at[pl.ds(t * SCHUNK, SCHUNK)]],
                        rows.at[b], sem_g[b]))
                ihandles.append(
                    pltpu.async_copy(dst_hbm.at[pl.ds(base + t * SCHUNK, SCHUNK)],
                                     didx.at[b], sem_i[b]))
            for b in range(SNB):
                ghandles[b].wait()
                ihandles[b].wait()
                pltpu.async_copy(rows.at[b], acc.at[didx.at[b]], sem_s[b],
                                 add=True)
            return 0
        lax.fori_loop(0, SNG, outer, 0)
        for b in range(SNB):
            pltpu.make_async_copy(h_hbm.at[pl.ds(0, SCHUNK)], rows.at[b],
                                  sem_s[b]).wait()
        for r in range(SNREM):
            t = SNG * SNB + r
            pltpu.sync_copy(dst_hbm.at[pl.ds(base + t * SCHUNK, SCHUNK)],
                            didx.at[0])
            pltpu.async_copy(
                h_hbm.at[sidx_all.at[pl.ds(t * SCHUNK, SCHUNK)]],
                rows.at[0], sg0).wait()
            pltpu.sync_copy(rows.at[0], acc.at[didx.at[0]], add=True)
        plsc.subcore_barrier()
        for k in range(SBPT):
            r0 = s * ROWS_PT + k * SCHUNK
            pltpu.sync_copy(acc.at[pl.ds(r0, SCHUNK)], rows.at[0])
            pltpu.sync_copy(rows.at[0], out_hbm.at[c, pl.ds(r0, SCHUNK)])

    return spmm


_spmm128 = _make_spmm(HIDDEN)
_spmm2 = _make_spmm(D2)

BR = 640
GRID = NPAD // BR


def _dis(degp_blk):
    d = lax.rsqrt(degp_blk[0] + degp_blk[1] + 1.0)
    return d[:, None]


def _tca_body(x_ref, w1_ref, degp_ref, ht_ref):
    dis = _dis(degp_ref[...])
    h = jnp.dot(x_ref[...], w1_ref[...], preferred_element_type=jnp.float32)
    ht_ref[...] = h * dis


_tca = pl.pallas_call(
    _tca_body,
    grid=(GRID,),
    in_specs=[
        pl.BlockSpec((BR, D_FEAT), lambda i: (i, 0)),
        pl.BlockSpec((D_FEAT, HIDDEN), lambda i: (0, 0)),
        pl.BlockSpec((NC, BR), lambda i: (0, i)),
    ],
    out_specs=pl.BlockSpec((BR, HIDDEN), lambda i: (i, 0)),
    out_shape=jax.ShapeDtypeStruct((N_NODES, HIDDEN), jnp.float32),
)


def _tcb_body(y1_ref, ht1_ref, degp_ref, b1_ref, w2_ref, ht2_ref):
    dis = _dis(degp_ref[...])
    y = y1_ref[0] + y1_ref[1] + ht1_ref[...]
    o1 = y * dis + b1_ref[...]
    r = jnp.maximum(o1, 0.0)
    h2 = jnp.dot(r, w2_ref[...], preferred_element_type=jnp.float32)
    ht2_ref[...] = h2 * dis


_tcb = pl.pallas_call(
    _tcb_body,
    grid=(GRID,),
    in_specs=[
        pl.BlockSpec((NC, BR, HIDDEN), lambda i: (0, i, 0)),
        pl.BlockSpec((BR, HIDDEN), lambda i: (i, 0)),
        pl.BlockSpec((NC, BR), lambda i: (0, i)),
        pl.BlockSpec((1, HIDDEN), lambda i: (0, 0)),
        pl.BlockSpec((HIDDEN, D2), lambda i: (0, 0)),
    ],
    out_specs=pl.BlockSpec((BR, D2), lambda i: (i, 0)),
    out_shape=jax.ShapeDtypeStruct((N_NODES, D2), jnp.float32),
)


def _tcc_body(y2_ref, ht2_ref, degp_ref, b2_ref, out_ref):
    dis = _dis(degp_ref[...])
    y = y2_ref[0] + y2_ref[1] + ht2_ref[...]
    o = y * dis
    out_ref[...] = o[:, :N_CLASSES] + b2_ref[...]


_tcc = pl.pallas_call(
    _tcc_body,
    grid=(GRID,),
    in_specs=[
        pl.BlockSpec((NC, BR, D2), lambda i: (0, i, 0)),
        pl.BlockSpec((BR, D2), lambda i: (i, 0)),
        pl.BlockSpec((NC, BR), lambda i: (0, i)),
        pl.BlockSpec((1, N_CLASSES), lambda i: (0, 0)),
    ],
    out_specs=pl.BlockSpec((BR, N_CLASSES), lambda i: (i, 0)),
    out_shape=jax.ShapeDtypeStruct((N_NODES, N_CLASSES), jnp.float32),
)


def kernel(x, edge_index, W1, b1, W2, b2):
    dst = edge_index[1].astype(jnp.int32)
    (src_rows,) = lax.optimization_barrier((edge_index[0],))
    src = src_rows.astype(jnp.int32)
    w2p = jnp.zeros((HIDDEN, D2), jnp.float32).at[:, :N_CLASSES].set(W2)
    b1r = b1.reshape(1, HIDDEN)
    b2r = b2.reshape(1, N_CLASSES)

    degp = _deg_kernel(dst)
    degp_col = degp.reshape(NC, NPAD)
    ht1 = _tca(x, W1, degp_col)
    y1p = _spmm128(src, dst, ht1)
    ht2 = _tcb(y1p, ht1, degp_col, b1r, w2p)
    y2p = _spmm2(src, dst, ht2)
    out = _tcc(y2p, ht2, degp_col, b2r)
    return out

# --- scband reference (transcript-rebuilt; emitter-appended) ---
"""Pipeline reference for scband-gnnprototype-15668040696096 (READ-ONLY COPY).

The authoritative reference and input builder live on the scoring server;
editing this copy changes nothing except your own understanding.
"""

import jax, jax.numpy as jnp
import numpy as np

N_NODES = 10000
N_EDGES = 320000
D_FEAT = 128
HIDDEN = 128
N_CLASSES = 3


def setup_inputs(seed: int = 0) -> dict:
    key = jax.random.key(seed)
    k1, k2, k3, k4, k5, k6 = jax.random.split(key, 6)
    x = jax.random.normal(k1, (N_NODES, D_FEAT), dtype=jnp.float32)
    edge_index = jax.random.randint(k2, (2, N_EDGES), 0, N_NODES, dtype=jnp.int64)
    # GCNConv layer 1: in=D_FEAT, out=HIDDEN (glorot-like init)
    W1 = jax.random.normal(k3, (D_FEAT, HIDDEN), dtype=jnp.float32) * (1.0 / np.sqrt(D_FEAT))
    b1 = jnp.zeros((HIDDEN,), dtype=jnp.float32)
    # GCNConv layer 2: in=HIDDEN, out=N_CLASSES
    W2 = jax.random.normal(k4, (HIDDEN, N_CLASSES), dtype=jnp.float32) * (1.0 / np.sqrt(HIDDEN))
    b2 = jnp.zeros((N_CLASSES,), dtype=jnp.float32)
    return {"x": x, "edge_index": edge_index, "W1": W1, "b1": b1, "W2": W2, "b2": b2}


def _gcn_conv(x, src, dst, norm, W, b):
    # PyG GCNConv: h = x @ W, then propagate with symmetric normalization, then + bias
    h = x @ W
    msg = h[src] * norm[:, None]
    out = jnp.zeros((x.shape[0], W.shape[1]), dtype=x.dtype).at[dst].add(msg)
    return out + b


def _build_norm(edge_index, num_nodes):
    # add self loops
    loop = jnp.arange(num_nodes, dtype=edge_index.dtype)
    src = jnp.concatenate([edge_index[0], loop])
    dst = jnp.concatenate([edge_index[1], loop])
    deg = jnp.zeros((num_nodes,), dtype=jnp.float32).at[dst].add(1.0)
    deg_inv_sqrt = jnp.where(deg > 0, 1.0 / jnp.sqrt(deg), 0.0)
    norm = deg_inv_sqrt[src] * deg_inv_sqrt[dst]
    return src, dst, norm


def reference(x, edge_index, W1, b1, W2, b2):
    src, dst, norm = _build_norm(edge_index, x.shape[0])
    h = _gcn_conv(x, src, dst, norm, W1, b1)
    h = jax.nn.relu(h)
    out = _gcn_conv(h, src, dst, norm, W2, b2)
    return out

if __name__ == "__main__":
    import jax
    _d = setup_inputs()
    print(jax.jit(kernel)(*tuple(_d.values())))

</pallas_src>

<mosaic_0001>
#map = affine_map<(d0, d1) -> (0)>
#map1 = affine_map<(d0, d1) -> (0, 0)>
#map2 = affine_map<(d0, d1) -> (0, 0, 0)>
module attributes {stable_mosaic.version = 14 : i64} {
  func.func @spmm(%arg0: i32, %arg1: i32, %arg2: memref<320000xi32, #tpu.memory_space<hbm>>, %arg3: memref<320000xi32, #tpu.memory_space<hbm>>, %arg4: memref<10000x128xf32, #tpu.memory_space<hbm>>, %arg5: memref<2x10240x128xf32, #tpu.memory_space<hbm>>, %arg6: memref<10000xi32, #tpu.memory_space<vmem>>, %arg7: memref<3x80xi32, #tpu.memory_space<vmem>>, %arg8: memref<3x80x128xf32, #tpu.memory_space<vmem>>, %arg9: memref<10240x128xf32, #tpu.memory_space<vmem_shared>>, %arg10: memref<!tpu.dma_semaphore, #tpu.memory_space<semaphore_mem>>, %arg11: memref<!tpu.dma_semaphore, #tpu.memory_space<semaphore_mem>>, %arg12: memref<!tpu.dma_semaphore, #tpu.memory_space<semaphore_mem>>, %arg13: memref<!tpu.dma_semaphore, #tpu.memory_space<semaphore_mem>>, %arg14: memref<!tpu.dma_semaphore, #tpu.memory_space<semaphore_mem>>, %arg15: memref<!tpu.dma_semaphore, #tpu.memory_space<semaphore_mem>>, %arg16: memref<!tpu.dma_semaphore, #tpu.memory_space<semaphore_mem>>, %arg17: memref<!tpu.dma_semaphore, #tpu.memory_space<semaphore_mem>>, %arg18: memref<!tpu.dma_semaphore, #tpu.memory_space<semaphore_mem>>) attributes {dimension_semantics = [#tpu.dimension_semantics<core_parallel>, #tpu.dimension_semantics<subcore_parallel>], iteration_bounds = array<i64: 2, 16>, scalar_prefetch = 0 : i64, scratch_operands = 13 : i64, tpu.core_type = #tpu.core_type<sc_vector_subcore>, window_params = [{transform_indices = #map}, {transform_indices = #map}, {transform_indices = #map1}, {transform_indices = #map2}]} {
    %mul3A = arith.constant 2 : i32
    %mul3A_0 = arith.muli %arg1, %mul3A : i32
    %add3A = arith.addi %mul3A_0, %arg0 : i32
    %mul3A_1 = arith.constant 10000 : i32
    %mul3A_2 = arith.muli %add3A, %mul3A_1 : i32
    %dma_start3A = tpu.memref_slice %arg2[%mul3A_2] : memref<320000xi32, #tpu.memory_space<hbm>> -> memref<10000xi32, #tpu.memory_space<hbm>>
    %dma_start3A_3 = tpu.memref_slice %arg2[%mul3A_2] : memref<320000xi32, #tpu.memory_space<hbm>> -> memref<10000xi32, #tpu.memory_space<hbm>>
    tpu.enqueue_dma source(%dma_start3A_3 : memref<10000xi32, #tpu.memory_space<hbm>>) target(%arg6 : memref<10000xi32, #tpu.memory_space<vmem>>) target_semaphore(%arg10 : memref<!tpu.dma_semaphore, #tpu.memory_space<semaphore_mem>>)
    %broadcast_in_dim3A = arith.constant 0.000000e+00 : f32
    %broadcast_in_dim3A_4 = vector.broadcast %broadcast_in_dim3A : f32 to vector<16xf32>
    %scan3A = arith.constant 0 : i32
    %scan3A_5 = arith.constant 0 : i32
    %scan3A_6 = arith.constant 80 : i32
    %scan3A_7 = arith.addi %scan3A_5, %scan3A_6 : i32
    %scan3A_8 = arith.constant 1 : i32
    %scan3A_9 = scf.for %scan3A_202 = %scan3A_5 to %scan3A_7 step %scan3A_8 iter_args(%scan3A_203 = %scan3A) -> (i32)  : i32 {
      %swap3A = arith.constant 0 : i32
      %swap3A_204 = arith.index_cast %swap3A : i32 to index
      %swap3A_205 = arith.index_cast %scan3A_202 : i32 to index
      %swap3A_206 = arith.constant 0 : index
      %swap3A_207 = tpu.vector_load %arg8[%swap3A_204, %swap3A_205, %swap3A_206] {strides = array<i32>} : memref<3x80x128xf32, #tpu.memory_space<vmem>>, vector<1x1x16xf32>,
      %swap3A_208 = vector.shape_cast %swap3A_207 : vector<1x1x16xf32> to vector<16xf32>
      %swap3A_209 = vector.shape_cast %broadcast_in_dim3A_4 : vector<16xf32> to vector<1x1x16xf32>
      tpu.vector_store %arg8[%swap3A_204, %swap3A_205, %swap3A_206], %swap3A_209 {strides = array<i32>} : memref<3x80x128xf32, #tpu.memory_space<vmem>>, vector<1x1x16xf32>,
      %swap3A_210 = arith.constant 0 : i32
      %swap3A_211 = arith.index_cast %swap3A_210 : i32 to index
      %swap3A_212 = arith.index_cast %scan3A_202 : i32 to index
      %swap3A_213 = arith.constant 16 : index
      %swap3A_214 = tpu.vector_load %arg8[%swap3A_211, %swap3A_212, %swap3A_213] {strides = array<i32>} : memref<3x80x128xf32, #tpu.memory_space<vmem>>, vector<1x1x16xf32>,
      %swap3A_215 = vector.shape_cast %swap3A_214 : vector<1x1x16xf32> to vector<16xf32>
      %swap3A_216 = vector.shape_cast %broadcast_in_dim3A_4 : vector<16xf32> to vector<1x1x16xf32>
      tpu.vector_store %arg8[%swap3A_211, %swap3A_212, %swap3A_213], %swap3A_216 {strides = array<i32>} : memref<3x80x128xf32, #tpu.memory_space<vmem>>, vector<1x1x16xf32>,
      %swap3A_217 = arith.constant 0 : i32
      %swap3A_218 = arith.index_cast %swap3A_217 : i32 to index
      %swap3A_219 = arith.index_cast %scan3A_202 : i32 to index
      %swap3A_220 = arith.constant 32 : index
      %swap3A_221 = tpu.vector_load %arg8[%swap3A_218, %swap3A_219, %swap3A_220] {strides = array<i32>} : memref<3x80x128xf32, #tpu.memory_space<vmem>>, vector<1x1x16xf32>,
      %swap3A_222 = vector.shape_cast %swap3A_221 : vector<1x1x16xf32> to vector<16xf32>
      %swap3A_223 = vector.shape_cast %broadcast_in_dim3A_4 : vector<16xf32> to vector<1x1x16xf32>
      tpu.vector_store %arg8[%swap3A_218, %swap3A_219, %swap3A_220], %swap3A_223 {strides = array<i32>} : memref<3x80x128xf32, #tpu.memory_space<vmem>>, vector<1x1x16xf32>,
      %swap3A_224 = arith.constant 0 : i32
      %swap3A_225 = arith.index_cast %swap3A_224 : i32 to index
      %swap3A_226 = arith.index_cast %scan3A_202 : i32 to index
      %swap3A_227 = arith.constant 48 : index
      %swap3A_228 = tpu.vector_load %arg8[%swap3A_225, %swap3A_226, %swap3A_227] {strides = array<i32>} : memref<3x80x128xf32, #tpu.memory_space<vmem>>, vector<1x1x16xf32>,
      %swap3A_229 = vector.shape_cast %swap3A_228 : vector<1x1x16xf32> to vector<16xf32>
      %swap3A_230 = vector.shape_cast %broadcast_in_dim3A_4 : vector<16xf32> to vector<1x1x16xf32>
      tpu.vector_store %arg8[%swap3A_225, %swap3A_226, %swap3A_227], %swap3A_230 {strides = array<i32>} : memref<3x80x128xf32, #tpu.memory_space<vmem>>, vector<1x1x16xf32>,
      %swap3A_231 = arith.constant 0 : i32
      %swap3A_232 = arith.index_cast %swap3A_231 : i32 to index
      %swap3A_233 = arith.index_cast %scan3A_202 : i32 to index
      %swap3A_234 = arith.constant 64 : index
      %swap3A_235 = tpu.vector_load %arg8[%swap3A_232, %swap3A_233, %swap3A_234] {strides = array<i32>} : memref<3x80x128xf32, #tpu.memory_space<vmem>>, vector<1x1x16xf32>,
      %swap3A_236 = vector.shape_cast %swap3A_235 : vector<1x1x16xf32> to vector<16xf32>
      %swap3A_237 = vector.shape_cast %broadcast_in_dim3A_4 : vector<16xf32> to vector<1x1x16xf32>
      tpu.vector_store %arg8[%swap3A_232, %swap3A_233, %swap3A_234], %swap3A_237 {strides = array<i32>} : memref<3x80x128xf32, #tpu.memory_space<vmem>>, vector<1x1x16xf32>,
      %swap3A_238 = arith.constant 0 : i32
      %swap3A_239 = arith.index_cast %swap3A_238 : i32 to index
      %swap3A_240 = arith.index_cast %scan3A_202 : i32 to index
      %swap3A_241 = arith.constant 80 : index
      %swap3A_242 = tpu.vector_load %arg8[%swap3A_239, %swap3A_240, %swap3A_241] {strides = array<i32>} : memref<3x80x128xf32, #tpu.memory_space<vmem>>, vector<1x1x16xf32>,
      %swap3A_243 = vector.shape_cast %swap3A_242 : vector<1x1x16xf32> to vector<16xf32>
      %swap3A_244 = vector.shape_cast %broadcast_in_dim3A_4 : vector<16xf32> to vector<1x1x16xf32>
      tpu.vector_store %arg8[%swap3A_239, %swap3A_240, %swap3A_241], %swap3A_244 {strides = array<i32>} : memref<3x80x128xf32, #tpu.memory_space<vmem>>, vector<1x1x16xf32>,
      %swap3A_245 = arith.constant 0 : i32
      %swap3A_246 = arith.index_cast %swap3A_245 : i32 to index
      %swap3A_247 = arith.index_cast %scan3A_202 : i32 to index
      %swap3A_248 = arith.constant 96 : index
      %swap3A_249 = tpu.vector_load %arg8[%swap3A_246, %swap3A_247, %swap3A_248] {strides = array<i32>} : memref<3x80x128xf32, #tpu.memory_space<vmem>>, vector<1x1x16xf32>,
      %swap3A_250 = vector.shape_cast %swap3A_249 : vector<1x1x16xf32> to vector<16xf32>
      %swap3A_251 = vector.shape_cast %broadcast_in_dim3A_4 : vector<16xf32> to vector<1x1x16xf32>
      tpu.vector_store %arg8[%swap3A_246, %swap3A_247, %swap3A_248], %swap3A_251 {strides = array<i32>} : memref<3x80x128xf32, #tpu.memory_space<vmem>>, vector<1x1x16xf32>,
      %swap3A_252 = arith.constant 0 : i32
      %swap3A_253 = arith.index_cast %swap3A_252 : i32 to index
      %swap3A_254 = arith.index_cast %scan3A_202 : i32 to index
      %swap3A_255 = arith.constant 112 : index
      %swap3A_256 = tpu.vector_load %arg8[%swap3A_253, %swap3A_254, %swap3A_255] {strides = array<i32>} : memref<3x80x128xf32, #tpu.memory_space<vmem>>, vector<1x1x16xf32>,
      %swap3A_257 = vector.shape_cast %swap3A_256 : vector<1x1x16xf32> to vector<16xf32>
      %swap3A_258 = vector.shape_cast %broadcast_in_dim3A_4 : vector<16xf32> to vector<1x1x16xf32>
      tpu.vector_store %arg8[%swap3A_253, %swap3A_254, %swap3A_255], %swap3A_258 {strides = array<i32>} : memref<3x80x128xf32, #tpu.memory_space<vmem>>, vector<1x1x16xf32>,
      %scan3A_259 = arith.constant 0 : i32
      scf.yield %scan3A_259 : i32
    }
    %scan3A_10 = arith.constant 80 : i32
    %mul3A_11 = arith.constant 640 : i32
    %mul3A_12 = arith.muli %arg1, %mul3A_11 : i32
    %add3A_13 = arith.constant 0 : i32
    %add3A_14 = arith.addi %mul3A_12, %add3A_13 : i32
    %run_scoped3A = arith.constant 0 : i32
    "tpu.region"() ({
      %run_scoped3A_202 = tpu.sem_alloc : memref<!tpu.dma_semaphore, #tpu.memory_space<semaphore_mem>>
      %dma_start3A_203 = arith.constant 0 : i32
      %dma_start3A_204 = arith.constant 0 : i32
      %dma_start3A_205 = tpu.memref_slice %arg8[%run_scoped3A, %dma_start3A_203, %dma_start3A_204] : memref<3x80x128xf32, #tpu.memory_space<vmem>> -> memref<1x80x128xf32, #tpu.memory_space<vmem>>
      %dma_start3A_206 = tpu.memref_squeeze %dma_start3A_205 : memref<1x80x128xf32, #tpu.memory_space<vmem>> -> memref<80x128xf32, #tpu.memory_space<vmem>>
      %dma_start3A_207 = arith.constant 0 : i32
      %dma_start3A_208 = tpu.memref_slice %arg9[%add3A_14, %dma_start3A_207] : memref<10240x128xf32, #tpu.memory_space<vmem_shared>> -> memref<80x128xf32, #tpu.memory_space<vmem_shared>>
      %dma_start3A_209 = arith.constant 0 : i32
      %dma_start3A_210 = tpu.memref_slice %arg9[%add3A_14, %dma_start3A_209] : memref<10240x128xf32, #tpu.memory_space<vmem_shared>> -> memref<80x128xf32, #tpu.memory_space<vmem_shared>>
      %dma_start3A_211 = arith.constant 0 : i32
      %dma_start3A_212 = arith.constant 0 : i32
      %dma_start3A_213 = tpu.memref_slice %arg8[%run_scoped3A, %dma_start3A_211, %dma_start3A_212] : memref<3x80x128xf32, #tpu.memory_space<vmem>> -> memref<1x80x128xf32, #tpu.memory_space<vmem>>
      %dma_start3A_214 = tpu.memref_squeeze %dma_start3A_213 : memref<1x80x128xf32, #tpu.memory_space<vmem>> -> memref<80x128xf32, #tpu.memory_space<vmem>>
      tpu.enqueue_dma source(%dma_start3A_214 : memref<80x128xf32, #tpu.memory_space<vmem>>) target(%dma_start3A_210 : memref<80x128xf32, #tpu.memory_space<vmem_shared>>) target_semaphore(%run_scoped3A_202 : memref<!tpu.dma_semaphore, #tpu.memory_space<semaphore_mem>>)
      %dma_wait3A_215 = arith.constant 0 : i32
      %dma_wait3A_216 = arith.constant 0 : i32
      %dma_wait3A_217 = tpu.memref_slice %arg8[%run_scoped3A, %dma_wait3A_215, %dma_wait3A_216] : memref<3x80x128xf32, #tpu.memory_space<vmem>> -> memref<1x80x128xf32, #tpu.memory_space<vmem>>
      %dma_wait3A_218 = tpu.memref_squeeze %dma_wait3A_217 : memref<1x80x128xf32, #tpu.memory_space<vmem>> -> memref<80x128xf32, #tpu.memory_space<vmem>>
      %dma_wait3A_219 = arith.constant 0 : i32
      %dma_wait3A_220 = tpu.memref_slice %arg9[%add3A_14, %dma_wait3A_219] : memref<10240x128xf32, #tpu.memory_space<vmem_shared>> -> memref<80x128xf32, #tpu.memory_space<vmem_shared>>
      %dma_wait3A_221 = arith.constant 0 : i32
      %dma_wait3A_222 = tpu.memref_slice %arg9[%add3A_14, %dma_wait3A_221] : memref<10240x128xf32, #tpu.memory_space<vmem_shared>> -> memref<80x128xf32, #tpu.memory_space<vmem_shared>>
      %dma_wait3A_223 = arith.constant 0 : i32
      %dma_wait3A_224 = arith.constant 0 : i32
      %dma_wait3A_225 = tpu.memref_slice %arg8[%run_scoped3A, %dma_wait3A_223, %dma_wait3A_224] : memref<3x80x128xf32, #tpu.memory_space<vmem>> -> memref<1x80x128xf32, #tpu.memory_space<vmem>>
      %dma_wait3A_226 = tpu.memref_squeeze %dma_wait3A_225 : memref<1x80x128xf32, #tpu.memory_space<vmem>> -> memref<80x128xf32, #tpu.memory_space<vmem>>
      tpu.wait_dma2 semaphore(%run_scoped3A_202 : memref<!tpu.dma_semaphore, #tpu.memory_space<semaphore_mem>>) src(%dma_wait3A_226 : memref<80x128xf32, #tpu.memory_space<vmem>>) dst(%dma_wait3A_222 : memref<80x128xf32, #tpu.memory_space<vmem_shared>>)
      tpu.yield
    }) : () -> ()
    %mul3A_15 = arith.constant 640 : i32
    %mul3A_16 = arith.muli %arg1, %mul3A_15 : i32
    %add3A_17 = arith.constant 80 : i32
    %add3A_18 = arith.addi %mul3A_16, %add3A_17 : i32
    %run_scoped3A_19 = arith.constant 0 : i32
    "tpu.region"() ({
      %run_scoped3A_202 = tpu.sem_alloc : memref<!tpu.dma_semaphore, #tpu.memory_space<semaphore_mem>>
      %dma_start3A_203 = arith.constant 0 : i32
      %dma_start3A_204 = arith.constant 0 : i32
      %dma_start3A_205 = tpu.memref_slice %arg8[%run_scoped3A_19, %dma_start3A_203, %dma_start3A_204] : memref<3x80x128xf32, #tpu.memory_space<vmem>> -> memref<1x80x128xf32, #tpu.memory_space<vmem>>
      %dma_start3A_206 = tpu.memref_squeeze %dma_start3A_205 : memref<1x80x128xf32, #tpu.memory_space<vmem>> -> memref<80x128xf32, #tpu.memory_space<vmem>>
      %dma_start3A_207 = arith.constant 0 : i32
      %dma_start3A_208 = tpu.memref_slice %arg9[%add3A_18, %dma_start3A_207] : memref<10240x128xf32, #tpu.memory_space<vmem_shared>> -> memref<80x128xf32, #tpu.memory_space<vmem_shared>>
      %dma_start3A_209 = arith.constant 0 : i32
      %dma_start3A_210 = tpu.memref_slice %arg9[%add3A_18, %dma_start3A_209] : memref<10240x128xf32, #tpu.memory_space<vmem_shared>> -> memref<80x128xf32, #tpu.memory_space<vmem_shared>>
      %dma_start3A_211 = arith.constant 0 : i32
      %dma_start3A_212 = arith.constant 0 : i32
      %dma_start3A_213 = tpu.memref_slice %arg8[%run_scoped3A_19, %dma_start3A_211, %dma_start3A_212] : memref<3x80x128xf32, #tpu.memory_space<vmem>> -> memref<1x80x128xf32, #tpu.memory_space<vmem>>
      %dma_start3A_214 = tpu.memref_squeeze %dma_start3A_213 : memref<1x80x128xf32, #tpu.memory_space<vmem>> -> memref<80x128xf32, #tpu.memory_space<vmem>>
      tpu.enqueue_dma source(%dma_start3A_214 : memref<80x128xf32, #tpu.memory_space<vmem>>) target(%dma_start3A_210 : memref<80x128xf32, #tpu.memory_space<vmem_shared>>) target_semaphore(%run_scoped3A_202 : memref<!tpu.dma_semaphore, #tpu.memory_space<semaphore_mem>>)
      %dma_wait3A_215 = arith.constant 0 : i32
      %dma_wait3A_216 = arith.constant 0 : i32
      %dma_wait3A_217 = tpu.memref_slice %arg8[%run_scoped3A_19, %dma_wait3A_215, %dma_wait3A_216] : memref<3x80x128xf32, #tpu.memory_space<vmem>> -> memref<1x80x128xf32, #tpu.memory_space<vmem>>
      %dma_wait3A_218 = tpu.memref_squeeze %dma_wait3A_217 : memref<1x80x128xf32, #tpu.memory_space<vmem>> -> memref<80x128xf32, #tpu.memory_space<vmem>>
      %dma_wait3A_219 = arith.constant 0 : i32
      %dma_wait3A_220 = tpu.memref_slice %arg9[%add3A_18, %dma_wait3A_219] : memref<10240x128xf32, #tpu.memory_space<vmem_shared>> -> memref<80x128xf32, #tpu.memory_space<vmem_shared>>
      %dma_wait3A_221 = arith.constant 0 : i32
      %dma_wait3A_222 = tpu.memref_slice %arg9[%add3A_18, %dma_wait3A_221] : memref<10240x128xf32, #tpu.memory_space<vmem_shared>> -> memref<80x128xf32, #tpu.memory_space<vmem_shared>>
      %dma_wait3A_223 = arith.constant 0 : i32
      %dma_wait3A_224 = arith.constant 0 : i32
      %dma_wait3A_225 = tpu.memref_slice %arg8[%run_scoped3A_19, %dma_wait3A_223, %dma_wait3A_224] : memref<3x80x128xf32, #tpu.memory_space<vmem>> -> memref<1x80x128xf32, #tpu.memory_space<vmem>>
      %dma_wait3A_226 = tpu.memref_squeeze %dma_wait3A_225 : memref<1x80x128xf32, #tpu.memory_space<vmem>> -> memref<80x128xf32, #tpu.memory_space<vmem>>
      tpu.wait_dma2 semaphore(%run_scoped3A_202 : memref<!tpu.dma_semaphore, #tpu.memory_space<semaphore_mem>>) src(%dma_wait3A_226 : memref<80x128xf32, #tpu.memory_space<vmem>>) dst(%dma_wait3A_222 : memref<80x128xf32, #tpu.memory_space<vmem_shared>>)
      tpu.yield
    }) : () -> ()
    %mul3A_20 = arith.constant 640 : i32
    %mul3A_21 = arith.muli %arg1, %mul3A_20 : i32
    %add3A_22 = arith.constant 160 : i32
    %add3A_23 = arith.addi %mul3A_21, %add3A_22 : i32
    %run_scoped3A_24 = arith.constant 0 : i32
    "tpu.region"() ({
      %run_scoped3A_202 = tpu.sem_alloc : memref<!tpu.dma_semaphore, #tpu.memory_space<semaphore_mem>>
      %dma_start3A_203 = arith.constant 0 : i32
      %dma_start3A_204 = arith.constant 0 : i32
      %dma_start3A_205 = tpu.memref_slice %arg8[%run_scoped3A_24, %dma_start3A_203, %dma_start3A_204] : memref<3x80x128xf32, #tpu.memory_space<vmem>> -> memref<1x80x128xf32, #tpu.memory_space<vmem>>
      %dma_start3A_206 = tpu.memref_squeeze %dma_start3A_205 : memref<1x80x128xf32, #tpu.memory_space<vmem>> -> memref<80x128xf32, #tpu.memory_space<vmem>>
      %dma_start3A_207 = arith.constant 0 : i32
      %dma_start3A_208 = tpu.memref_slice %arg9[%add3A_23, %dma_start3A_207] : memref<10240x128xf32, #tpu.memory_space<vmem_shared>> -> memref<80x128xf32, #tpu.memory_space<vmem_shared>>
      %dma_start3A_209 = arith.constant 0 : i32
      %dma_start3A_210 = tpu.memref_slice %arg9[%add3A_23, %dma_start3A_209] : memref<10240x128xf32, #tpu.memory_space<vmem_shared>> -> memref<80x128xf32, #tpu.memory_space<vmem_shared>>
      %dma_start3A_211 = arith.constant 0 : i32
      %dma_start3A_212 = arith.constant 0 : i32
      %dma_start3A_213 = tpu.memref_slice %arg8[%run_scoped3A_24, %dma_start3A_211, %dma_start3A_212] : memref<3x80x128xf32, #tpu.memory_space<vmem>> -> memref<1x80x128xf32, #tpu.memory_space<vmem>>
      %dma_start3A_214 = tpu.memref_squeeze %dma_start3A_213 : memref<1x80x128xf32, #tpu.memory_space<vmem>> -> memref<80x128xf32, #tpu.memory_space<vmem>>
      tpu.enqueue_dma source(%dma_start3A_214 : memref<80x128xf32, #tpu.memory_space<vmem>>) target(%dma_start3A_210 : memref<80x128xf32, #tpu.memory_space<vmem_shared>>) target_semaphore(%run_scoped3A_202 : memref<!tpu.dma_semaphore, #tpu.memory_space<semaphore_mem>>)
      %dma_wait3A_215 = arith.constant 0 : i32
      %dma_wait3A_216 = arith.constant 0 : i32
      %dma_wait3A_217 = tpu.memref_slice %arg8[%run_scoped3A_24, %dma_wait3A_215, %dma_wait3A_216] : memref<3x80x128xf32, #tpu.memory_space<vmem>> -> memref<1x80x128xf32, #tpu.memory_space<vmem>>
      %dma_wait3A_218 = tpu.memref_squeeze %dma_wait3A_217 : memref<1x80x128xf32, #tpu.memory_space<vmem>> -> memref<80x128xf32, #tpu.memory_space<vmem>>
      %dma_wait3A_219 = arith.constant 0 : i32
      %dma_wait3A_220 = tpu.memref_slice %arg9[%add3A_23, %dma_wait3A_219] : memref<10240x128xf32, #tpu.memory_space<vmem_shared>> -> memref<80x128xf32, #tpu.memory_space<vmem_shared>>
      %dma_wait3A_221 = arith.constant 0 : i32
      %dma_wait3A_222 = tpu.memref_slice %arg9[%add3A_23, %dma_wait3A_221] : memref<10240x128xf32, #tpu.memory_space<vmem_shared>> -> memref<80x128xf32, #tpu.memory_space<vmem_shared>>
      %dma_wait3A_223 = arith.constant 0 : i32
      %dma_wait3A_224 = arith.constant 0 : i32
      %dma_wait3A_225 = tpu.memref_slice %arg8[%run_scoped3A_24, %dma_wait3A_223, %dma_wait3A_224] : memref<3x80x128xf32, #tpu.memory_space<vmem>> -> memref<1x80x128xf32, #tpu.memory_space<vmem>>
      %dma_wait3A_226 = tpu.memref_squeeze %dma_wait3A_225 : memref<1x80x128xf32, #tpu.memory_space<vmem>> -> memref<80x128xf32, #tpu.memory_space<vmem>>
      tpu.wait_dma2 semaphore(%run_scoped3A_202 : memref<!tpu.dma_semaphore, #tpu.memory_space<semaphore_mem>>) src(%dma_wait3A_226 : memref<80x128xf32, #tpu.memory_space<vmem>>) dst(%dma_wait3A_222 : memref<80x128xf32, #tpu.memory_space<vmem_shared>>)
      tpu.yield
    }) : () -> ()
    %mul3A_25 = arith.constant 640 : i32
    %mul3A_26 = arith.muli %arg1, %mul3A_25 : i32
    %add3A_27 = arith.constant 240 : i32
    %add3A_28 = arith.addi %mul3A_26, %add3A_27 : i32
    %run_scoped3A_29 = arith.constant 0 : i32
    "tpu.region"() ({
      %run_scoped3A_202 = tpu.sem_alloc : memref<!tpu.dma_semaphore, #tpu.memory_space<semaphore_mem>>
      %dma_start3A_203 = arith.constant 0 : i32
      %dma_start3A_204 = arith.constant 0 : i32
      %dma_start3A_205 = tpu.memref_slice %arg8[%run_scoped3A_29, %dma_start3A_203, %dma_start3A_204] : memref<3x80x128xf32, #tpu.memory_space<vmem>> -> memref<1x80x128xf32, #tpu.memory_space<vmem>>
      %dma_start3A_206 = tpu.memref_squeeze %dma_start3A_205 : memref<1x80x128xf32, #tpu.memory_space<vmem>> -> memref<80x128xf32, #tpu.memory_space<vmem>>
      %dma_start3A_207 = arith.constant 0 : i32
      %dma_start3A_208 = tpu.memref_slice %arg9[%add3A_28, %dma_start3A_207] : memref<10240x128xf32, #tpu.memory_space<vmem_shared>> -> memref<80x128xf32, #tpu.memory_space<vmem_shared>>
      %dma_start3A_209 = arith.constant 0 : i32
      %dma_start3A_210 = tpu.memref_slice %arg9[%add3A_28, %dma_start3A_209] : memref<10240x128xf32, #tpu.memory_space<vmem_shared>> -> memref<80x128xf32, #tpu.memory_space<vmem_shared>>
      %dma_start3A_211 = arith.constant 0 : i32
      %dma_start3A_212 = arith.constant 0 : i32
      %dma_start3A_213 = tpu.memref_slice %arg8[%run_scoped3A_29, %dma_start3A_211, %dma_start3A_212] : memref<3x80x128xf32, #tpu.memory_space<vmem>> -> memref<1x80x128xf32, #tpu.memory_space<vmem>>
      %dma_start3A_214 = tpu.memref_squeeze %dma_start3A_213 : memref<1x80x128xf32, #tpu.memory_space<vmem>> -> memref<80x128xf32, #tpu.memory_space<vmem>>
      tpu.enqueue_dma source(%dma_start3A_214 : memref<80x128xf32, #tpu.memory_space<vmem>>) target(%dma_start3A_210 : memref<80x128xf32, #tpu.memory_space<vmem_shared>>) target_semaphore(%run_scoped3A_202 : memref<!tpu.dma_semaphore, #tpu.memory_space<semaphore_mem>>)
      %dma_wait3A_215 = arith.constant 0 : i32
      %dma_wait3A_216 = arith.constant 0 : i32
      %dma_wait3A_217 = tpu.memref_slice %arg8[%run_scoped3A_29, %dma_wait3A_215, %dma_wait3A_216] : memref<3x80x128xf32, #tpu.memory_space<vmem>> -> memref<1x80x128xf32, #tpu.memory_space<vmem>>
      %dma_wait3A_218 = tpu.memref_squeeze %dma_wait3A_217 : memref<1x80x128xf32, #tpu.memory_space<vmem>> -> memref<80x128xf32, #tpu.memory_space<vmem>>
      %dma_wait3A_219 = arith.constant 0 : i32
      %dma_wait3A_220 = tpu.memref_slice %arg9[%add3A_28, %dma_wait3A_219] : memref<10240x128xf32, #tpu.memory_space<vmem_shared>> -> memref<80x128xf32, #tpu.memory_space<vmem_shared>>
      %dma_wait3A_221 = arith.constant 0 : i32
      %dma_wait3A_222 = tpu.memref_slice %arg9[%add3A_28, %dma_wait3A_221] : memref<10240x128xf32, #tpu.memory_space<vmem_shared>> -> memref<80x128xf32, #tpu.memory_space<vmem_shared>>
      %dma_wait3A_223 = arith.constant 0 : i32
      %dma_wait3A_224 = arith.constant 0 : i32
      %dma_wait3A_225 = tpu.memref_slice %arg8[%run_scoped3A_29, %dma_wait3A_223, %dma_wait3A_224] : memref<3x80x128xf32, #tpu.memory_space<vmem>> -> memref<1x80x128xf32, #tpu.memory_space<vmem>>
      %dma_wait3A_226 = tpu.memref_squeeze %dma_wait3A_225 : memref<1x80x128xf32, #tpu.memory_space<vmem>> -> memref<80x128xf32, #tpu.memory_space<vmem>>
      tpu.wait_dma2 semaphore(%run_scoped3A_202 : memref<!tpu.dma_semaphore, #tpu.memory_space<semaphore_mem>>) src(%dma_wait3A_226 : memref<80x128xf32, #tpu.memory_space<vmem>>) dst(%dma_wait3A_222 : memref<80x128xf32, #tpu.memory_space<vmem_shared>>)
      tpu.yield
    }) : () -> ()
    %mul3A_30 = arith.constant 640 : i32
    %mul3A_31 = arith.muli %arg1, %mul3A_30 : i32
    %add3A_32 = arith.constant 320 : i32
    %add3A_33 = arith.addi %mul3A_31, %add3A_32 : i32
    %run_scoped3A_34 = arith.constant 0 : i32
    "tpu.region"() ({
      %run_scoped3A_202 = tpu.sem_alloc : memref<!tpu.dma_semaphore, #tpu.memory_space<semaphore_mem>>
      %dma_start3A_203 = arith.constant 0 : i32
      %dma_start3A_204 = arith.constant 0 : i32
      %dma_start3A_205 = tpu.memref_slice %arg8[%run_scoped3A_34, %dma_start3A_203, %dma_start3A_204] : memref<3x80x128xf32, #tpu.memory_space<vmem>> -> memref<1x80x128xf32, #tpu.memory_space<vmem>>
      %dma_start3A_206 = tpu.memref_squeeze %dma_start3A_205 : memref<1x80x128xf32, #tpu.memory_space<vmem>> -> memref<80x128xf32, #tpu.memory_space<vmem>>
      %dma_start3A_207 = arith.constant 0 : i32
      %dma_start3A_208 = tpu.memref_slice %arg9[%add3A_33, %dma_start3A_207] : memref<10240x128xf32, #tpu.memory_space<vmem_shared>> -> memref<80x128xf32, #tpu.memory_space<vmem_shared>>
      %dma_start3A_209 = arith.constant 0 : i32
      %dma_start3A_210 = tpu.memref_slice %arg9[%add3A_33, %dma_start3A_209] : memref<10240x128xf32, #tpu.memory_space<vmem_shared>> -> memref<80x128xf32, #tpu.memory_space<vmem_shared>>
      %dma_start3A_211 = arith.constant 0 : i32
      %dma_start3A_212 = arith.constant 0 : i32
      %dma_start3A_213 = tpu.memref_slice %arg8[%run_scoped3A_34, %dma_start3A_211, %dma_start3A_212] : memref<3x80x128xf32, #tpu.memory_space<vmem>> -> memref<1x80x128xf32, #tpu.memory_space<vmem>>
      %dma_start3A_214 = tpu.memref_squeeze %dma_start3A_213 : memref<1x80x128xf32, #tpu.memory_space<vmem>> -> memref<80x128xf32, #tpu.memory_space<vmem>>
      tpu.enqueue_dma source(%dma_start3A_214 : memref<80x128xf32, #tpu.memory_space<vmem>>) target(%dma_start3A_210 : memref<80x128xf32, #tpu.memory_space<vmem_shared>>) target_semaphore(%run_scoped3A_202 : memref<!tpu.dma_semaphore, #tpu.memory_space<semaphore_mem>>)
      %dma_wait3A_215 = arith.constant 0 : i32
      %dma_wait3A_216 = arith.constant 0 : i32
      %dma_wait3A_217 = tpu.memref_slice %arg8[%run_scoped3A_34, %dma_wait3A_215, %dma_wait3A_216] : memref<3x80x128xf32, #tpu.memory_space<vmem>> -> memref<1x80x128xf32, #tpu.memory_space<vmem>>
      %dma_wait3A_218 = tpu.memref_squeeze %dma_wait3A_217 : memref<1x80x128xf32, #tpu.memory_space<vmem>> -> memref<80x128xf32, #tpu.memory_space<vmem>>
      %dma_wait3A_219 = arith.constant 0 : i32
      %dma_wait3A_220 = tpu.memref_slice %arg9[%add3A_33, %dma_wait3A_219] : memref<10240x128xf32, #tpu.memory_space<vmem_shared>> -> memref<80x128xf32, #tpu.memory_space<vmem_shared>>
      %dma_wait3A_221 = arith.constant 0 : i32
      %dma_wait3A_222 = tpu.memref_slice %arg9[%add3A_33, %dma_wait3A_221] : memref<10240x128xf32, #tpu.memory_space<vmem_shared>> -> memref<80x128xf32, #tpu.memory_space<vmem_shared>>
      %dma_wait3A_223 = arith.constant 0 : i32
      %dma_wait3A_224 = arith.constant 0 : i32
      %dma_wait3A_225 = tpu.memref_slice %arg8[%run_scoped3A_34, %dma_wait3A_223, %dma_wait3A_224] : memref<3x80x128xf32, #tpu.memory_space<vmem>> -> memref<1x80x128xf32, #tpu.memory_space<vmem>>
      %dma_wait3A_226 = tpu.memref_squeeze %dma_wait3A_225 : memref<1x80x128xf32, #tpu.memory_space<vmem>> -> memref<80x128xf32, #tpu.memory_space<vmem>>
      tpu.wait_dma2 semaphore(%run_scoped3A_202 : memref<!tpu.dma_semaphore, #tpu.memory_space<semaphore_mem>>) src(%dma_wait3A_226 : memref<80x128xf32, #tpu.memory_space<vmem>>) dst(%dma_wait3A_222 : memref<80x128xf32, #tpu.memory_space<vmem_shared>>)
      tpu.yield
    }) : () -> ()
    %mul3A_35 = arith.constant 640 : i32
    %mul3A_36 = arith.muli %arg1, %mul3A_35 : i32
    %add3A_37 = arith.constant 400 : i32
    %add3A_38 = arith.addi %mul3A_36, %add3A_37 : i32
    %run_scoped3A_39 = arith.constant 0 : i32
    "tpu.region"() ({
      %run_scoped3A_202 = tpu.sem_alloc : memref<!tpu.dma_semaphore, #tpu.memory_space<semaphore_mem>>
      %dma_start3A_203 = arith.constant 0 : i32
      %dma_start3A_204 = arith.constant 0 : i32
      %dma_start3A_205 = tpu.memref_slice %arg8[%run_scoped3A_39, %dma_start3A_203, %dma_start3A_204] : memref<3x80x128xf32, #tpu.memory_space<vmem>> -> memref<1x80x128xf32, #tpu.memory_space<vmem>>
      %dma_start3A_206 = tpu.memref_squeeze %dma_start3A_205 : memref<1x80x128xf32, #tpu.memory_space<vmem>> -> memref<80x128xf32, #tpu.memory_space<vmem>>
      %dma_start3A_207 = arith.constant 0 : i32
      %dma_start3A_208 = tpu.memref_slice %arg9[%add3A_38, %dma_start3A_207] : memref<10240x128xf32, #tpu.memory_space<vmem_shared>> -> memref<80x128xf32, #tpu.memory_space<vmem_shared>>
      %dma_start3A_209 = arith.constant 0 : i32
      %dma_start3A_210 = tpu.memref_slice %arg9[%add3A_38, %dma_start3A_209] : memref<10240x128xf32, #tpu.memory_space<vmem_shared>> -> memref<80x128xf32, #tpu.memory_space<vmem_shared>>
      %dma_start3A_211 = arith.constant 0 : i32
      %dma_start3A_212 = arith.constant 0 : i32
      %dma_start3A_213 = tpu.memref_slice %arg8[%run_scoped3A_39, %dma_start3A_211, %dma_start3A_212] : memref<3x80x128xf32, #tpu.memory_space<vmem>> -> memref<1x80x128xf32, #tpu.memory_space<vmem>>
      %dma_start3A_214 = tpu.memref_squeeze %dma_start3A_213 : memref<1x80x128xf32, #tpu.memory_space<vmem>> -> memref<80x128xf32, #tpu.memory_space<vmem>>
      tpu.enqueue_dma source(%dma_start3A_214 : memref<80x128xf32, #tpu.memory_space<vmem>>) target(%dma_start3A_210 : memref<80x128xf32, #tpu.memory_space<vmem_shared>>) target_semaphore(%run_scoped3A_202 : memref<!tpu.dma_semaphore, #tpu.memory_space<semaphore_mem>>)
      %dma_wait3A_215 = arith.constant 0 : i32
      %dma_wait3A_216 = arith.constant 0 : i32
      %dma_wait3A_217 = tpu.memref_slice %arg8[%run_scoped3A_39, %dma_wait3A_215, %dma_wait3A_216] : memref<3x80x128xf32, #tpu.memory_space<vmem>> -> memref<1x80x128xf32, #tpu.memory_space<vmem>>
      %dma_wait3A_218 = tpu.memref_squeeze %dma_wait3A_217 : memref<1x80x128xf32, #tpu.memory_space<vmem>> -> memref<80x128xf32, #tpu.memory_space<vmem>>
      %dma_wait3A_219 = arith.constant 0 : i32
      %dma_wait3A_220 = tpu.memref_slice %arg9[%add3A_38, %dma_wait3A_219] : memref<10240x128xf32, #tpu.memory_space<vmem_shared>> -> memref<80x128xf32, #tpu.memory_space<vmem_shared>>
      %dma_wait3A_221 = arith.constant 0 : i32
      %dma_wait3A_222 = tpu.memref_slice %arg9[%add3A_38, %dma_wait3A_221] : memref<10240x128xf32, #tpu.memory_space<vmem_shared>> -> memref<80x128xf32, #tpu.memory_space<vmem_shared>>
      %dma_wait3A_223 = arith.constant 0 : i32
      %dma_wait3A_224 = arith.constant 0 : i32
      %dma_wait3A_225 = tpu.memref_slice %arg8[%run_scoped3A_39, %dma_wait3A_223, %dma_wait3A_224] : memref<3x80x128xf32, #tpu.memory_space<vmem>> -> memref<1x80x128xf32, #tpu.memory_space<vmem>>
      %dma_wait3A_226 = tpu.memref_squeeze %dma_wait3A_225 : memref<1x80x128xf32, #tpu.memory_space<vmem>> -> memref<80x128xf32, #tpu.memory_space<vmem>>
      tpu.wait_dma2 semaphore(%run_scoped3A_202 : memref<!tpu.dma_semaphore, #tpu.memory_space<semaphore_mem>>) src(%dma_wait3A_226 : memref<80x128xf32, #tpu.memory_space<vmem>>) dst(%dma_wait3A_222 : memref<80x128xf32, #tpu.memory_space<vmem_shared>>)
      tpu.yield
    }) : () -> ()
    %mul3A_40 = arith.constant 640 : i32
    %mul3A_41 = arith.muli %arg1, %mul3A_40 : i32
    %add3A_42 = arith.constant 480 : i32
    %add3A_43 = arith.addi %mul3A_41, %add3A_42 : i32
    %run_scoped3A_44 = arith.constant 0 : i32
    "tpu.region"() ({
      %run_scoped3A_202 = tpu.sem_alloc : memref<!tpu.dma_semaphore, #tpu.memory_space<semaphore_mem>>
      %dma_start3A_203 = arith.constant 0 : i32
      %dma_start3A_204 = arith.constant 0 : i32
      %dma_start3A_205 = tpu.memref_slice %arg8[%run_scoped3A_44, %dma_start3A_203, %dma_start3A_204] : memref<3x80x128xf32, #tpu.memory_space<vmem>> -> memref<1x80x128xf32, #tpu.memory_space<vmem>>
      %dma_start3A_206 = tpu.memref_squeeze %dma_start3A_205 : memref<1x80x128xf32, #tpu.memory_space<vmem>> -> memref<80x128xf32, #tpu.memory_space<vmem>>
      %dma_start3A_207 = arith.constant 0 : i32
      %dma_start3A_208 = tpu.memref_slice %arg9[%add3A_43, %dma_start3A_207] : memref<10240x128xf32, #tpu.memory_space<vmem_shared>> -> memref<80x128xf32, #tpu.memory_space<vmem_shared>>
      %dma_start3A_209 = arith.constant 0 : i32
      %dma_start3A_210 = tpu.memref_slice %arg9[%add3A_43, %dma_start3A_209] : memref<10240x128xf32, #tpu.memory_space<vmem_shared>> -> memref<80x128xf32, #tpu.memory_space<vmem_shared>>
      %dma_start3A_211 = arith.constant 0 : i32
      %dma_start3A_212 = arith.constant 0 : i32
      %dma_start3A_213 = tpu.memref_slice %arg8[%run_scoped3A_44, %dma_start3A_211, %dma_start3A_212] : memref<3x80x128xf32, #tpu.memory_space<vmem>> -> memref<1x80x128xf32, #tpu.memory_space<vmem>>
      %dma_start3A_214 = tpu.memref_squeeze %dma_start3A_213 : memref<1x80x128xf32, #tpu.memory_space<vmem>> -> memref<80x128xf32, #tpu.memory_space<vmem>>
      tpu.enqueue_dma source(%dma_start3A_214 : memref<80x128xf32, #tpu.memory_space<vmem>>) target(%dma_start3A_210 : memref<80x128xf32, #tpu.memory_space<vmem_shared>>) target_semaphore(%run_scoped3A_202 : memref<!tpu.dma_semaphore, #tpu.memory_space<semaphore_mem>>)
      %dma_wait3A_215 = arith.constant 0 : i32
      %dma_wait3A_216 = arith.constant 0 : i32
      %dma_wait3A_217 = tpu.memref_slice %arg8[%run_scoped3A_44, %dma_wait3A_215, %dma_wait3A_216] : memref<3x80x128xf32, #tpu.memory_space<vmem>> -> memref<1x80x128xf32, #tpu.memory_space<vmem>>
      %dma_wait3A_218 = tpu.memref_squeeze %dma_wait3A_217 : memref<1x80x128xf32, #tpu.memory_space<vmem>> -> memref<80x128xf32, #tpu.memory_space<vmem>>
      %dma_wait3A_219 = arith.constant 0 : i32
      %dma_wait3A_220 = tpu.memref_slice %arg9[%add3A_43, %dma_wait3A_219] : memref<10240x128xf32, #tpu.memory_space<vmem_shared>> -> memref<80x128xf32, #tpu.memory_space<vmem_shared>>
      %dma_wait3A_221 = arith.constant 0 : i32
      %dma_wait3A_222 = tpu.memref_slice %arg9[%add3A_43, %dma_wait3A_221] : memref<10240x128xf32, #tpu.memory_space<vmem_shared>> -> memref<80x128xf32, #tpu.memory_space<vmem_shared>>
      %dma_wait3A_223 = arith.constant 0 : i32
      %dma_wait3A_224 = arith.constant 0 : i32
      %dma_wait3A_225 = tpu.memref_slice %arg8[%run_scoped3A_44, %dma_wait3A_223, %dma_wait3A_224] : memref<3x80x128xf32, #tpu.memory_space<vmem>> -> memref<1x80x128xf32, #tpu.memory_space<vmem>>
      %dma_wait3A_226 = tpu.memref_squeeze %dma_wait3A_225 : memref<1x80x128xf32, #tpu.memory_space<vmem>> -> memref<80x128xf32, #tpu.memory_space<vmem>>
      tpu.wait_dma2 semaphore(%run_scoped3A_202 : memref<!tpu.dma_semaphore, #tpu.memory_space<semaphore_mem>>) src(%dma_wait3A_226 : memref<80x128xf32, #tpu.memory_space<vmem>>) dst(%dma_wait3A_222 : memref<80x128xf32, #tpu.memory_space<vmem_shared>>)
      tpu.yield
    }) : () -> ()
    %mul3A_45 = arith.constant 640 : i32
    %mul3A_46 = arith.muli %arg1, %mul3A_45 : i32
    %add3A_47 = arith.constant 560 : i32
    %add3A_48 = arith.addi %mul3A_46, %add3A_47 : i32
    %run_scoped3A_49 = arith.constant 0 : i32
    "tpu.region"() ({
      %run_scoped3A_202 = tpu.sem_alloc : memref<!tpu.dma_semaphore, #tpu.memory_space<semaphore_mem>>
      %dma_start3A_203 = arith.constant 0 : i32
      %dma_start3A_204 = arith.constant 0 : i32
      %dma_start3A_205 = tpu.memref_slice %arg8[%run_scoped3A_49, %dma_start3A_203, %dma_start3A_204] : memref<3x80x128xf32, #tpu.memory_space<vmem>> -> memref<1x80x128xf32, #tpu.memory_space<vmem>>
      %dma_start3A_206 = tpu.memref_squeeze %dma_start3A_205 : memref<1x80x128xf32, #tpu.memory_space<vmem>> -> memref<80x128xf32, #tpu.memory_space<vmem>>
      %dma_start3A_207 = arith.constant 0 : i32
      %dma_start3A_208 = tpu.memref_slice %arg9[%add3A_48, %dma_start3A_207] : memref<10240x128xf32, #tpu.memory_space<vmem_shared>> -> memref<80x128xf32, #tpu.memory_space<vmem_shared>>
      %dma_start3A_209 = arith.constant 0 : i32
      %dma_start3A_210 = tpu.memref_slice %arg9[%add3A_48, %dma_start3A_209] : memref<10240x128xf32, #tpu.memory_space<vmem_shared>> -> memref<80x128xf32, #tpu.memory_space<vmem_shared>>
      %dma_start3A_211 = arith.constant 0 : i32
      %dma_start3A_212 = arith.constant 0 : i32
      %dma_start3A_213 = tpu.memref_slice %arg8[%run_scoped3A_49, %dma_start3A_211, %dma_start3A_212] : memref<3x80x128xf32, #tpu.memory_space<vmem>> -> memref<1x80x128xf32, #tpu.memory_space<vmem>>
      %dma_start3A_214 = tpu.memref_squeeze %dma_start3A_213 : memref<1x80x128xf32, #tpu.memory_space<vmem>> -> memref<80x128xf32, #tpu.memory_space<vmem>>
      tpu.enqueue_dma source(%dma_start3A_214 : memref<80x128xf32, #tpu.memory_space<vmem>>) target(%dma_start3A_210 : memref<80x128xf32, #tpu.memory_space<vmem_shared>>) target_semaphore(%run_scoped3A_202 : memref<!tpu.dma_semaphore, #tpu.memory_space<semaphore_mem>>)
      %dma_wait3A_215 = arith.constant 0 : i32
      %dma_wait3A_216 = arith.constant 0 : i32
      %dma_wait3A_217 = tpu.memref_slice %arg8[%run_scoped3A_49, %dma_wait3A_215, %dma_wait3A_216] : memref<3x80x128xf32, #tpu.memory_space<vmem>> -> memref<1x80x128xf32, #tpu.memory_space<vmem>>
      %dma_wait3A_218 = tpu.memref_squeeze %dma_wait3A_217 : memref<1x80x128xf32, #tpu.memory_space<vmem>> -> memref<80x128xf32, #tpu.memory_space<vmem>>
      %dma_wait3A_219 = arith.constant 0 : i32
      %dma_wait3A_220 = tpu.memref_slice %arg9[%add3A_48, %dma_wait3A_219] : memref<10240x128xf32, #tpu.memory_space<vmem_shared>> -> memref<80x128xf32, #tpu.memory_space<vmem_shared>>
      %dma_wait3A_221 = arith.constant 0 : i32
      %dma_wait3A_222 = tpu.memref_slice %arg9[%add3A_48, %dma_wait3A_221] : memref<10240x128xf32, #tpu.memory_space<vmem_shared>> -> memref<80x128xf32, #tpu.memory_space<vmem_shared>>
      %dma_wait3A_223 = arith.constant 0 : i32
      %dma_wait3A_224 = arith.constant 0 : i32
      %dma_wait3A_225 = tpu.memref_slice %arg8[%run_scoped3A_49, %dma_wait3A_223, %dma_wait3A_224] : memref<3x80x128xf32, #tpu.memory_space<vmem>> -> memref<1x80x128xf32, #tpu.memory_space<vmem>>
      %dma_wait3A_226 = tpu.memref_squeeze %dma_wait3A_225 : memref<1x80x128xf32, #tpu.memory_space<vmem>> -> memref<80x128xf32, #tpu.memory_space<vmem>>
      tpu.wait_dma2 semaphore(%run_scoped3A_202 : memref<!tpu.dma_semaphore, #tpu.memory_space<semaphore_mem>>) src(%dma_wait3A_226 : memref<80x128xf32, #tpu.memory_space<vmem>>) dst(%dma_wait3A_222 : memref<80x128xf32, #tpu.memory_space<vmem_shared>>)
      tpu.yield
    }) : () -> ()
    %dma_wait3A = tpu.memref_slice %arg2[%mul3A_2] : memref<320000xi32, #tpu.memory_space<hbm>> -> memref<10000xi32, #tpu.memory_space<hbm>>
    %dma_wait3A_50 = tpu.memref_slice %arg2[%mul3A_2] : memref<320000xi32, #tpu.memory_space<hbm>> -> memref<10000xi32, #tpu.memory_space<hbm>>
    tpu.wait_dma2 semaphore(%arg10 : memref<!tpu.dma_semaphore, #tpu.memory_space<semaphore_mem>>) src(%dma_wait3A_50 : memref<10000xi32, #tpu.memory_space<hbm>>) dst(%arg6 : memref<10000xi32, #tpu.memory_space<vmem>>)
    %barrier3A = arith.constant 0 : index
    tpu.barrier barrier_id(%barrier3A)
    %scan3A_51 = arith.constant 0 : i32
    %scan3A_52 = arith.constant 0 : i32
    %scan3A_53 = arith.constant 41 : i32
    %scan3A_54 = arith.addi %scan3A_52, %scan3A_53 : i32
    %scan3A_55 = arith.constant 1 : i32
    %scan3A_56 = scf.for %scan3A_202 = %scan3A_52 to %scan3A_54 step %scan3A_55 iter_args(%scan3A_203 = %scan3A_51) -> (i32)  : i32 {
      %mul3A_204 = arith.constant 3 : i32
      %mul3A_205 = arith.muli %scan3A_202, %mul3A_204 : i32
      %add3A_206 = arith.constant 0 : i32
      %add3A_207 = arith.addi %mul3A_205, %add3A_206 : i32
      %gt3A = arith.constant 0 : i32
      %gt3A_208 = arith.cmpi sgt, %scan3A_202, %gt3A : i32
      %convert_element_type3A = arith.extui %gt3A_208 : i1 to i32
      %cond3A = arith.constant 0 : i32
      %cond3A_209 = arith.cmpi ne, %convert_element_type3A, %cond3A : i32
      scf.if %cond3A_209 {
        %dma_wait3A_388 = arith.constant 0 : i32
        %dma_wait3A_389 = arith.constant 0 : i32
        %dma_wait3A_390 = arith.constant 0 : i32
        %dma_wait3A_391 = tpu.memref_slice %arg8[%dma_wait3A_388, %dma_wait3A_389, %dma_wait3A_390] : memref<3x80x128xf32, #tpu.memory_space<vmem>> -> memref<1x80x128xf32, #tpu.memory_space<vmem>>
        %dma_wait3A_392 = tpu.memref_squeeze %dma_wait3A_391 : memref<1x80x128xf32, #tpu.memory_space<vmem>> -> memref<80x128xf32, #tpu.memory_space<vmem>>
        %dma_wait3A_393 = arith.constant 0 : i32
        %dma_wait3A_394 = arith.constant 0 : i32
        %dma_wait3A_395 = tpu.memref_slice %arg4[%dma_wait3A_393, %dma_wait3A_394] : memref<10000x128xf32, #tpu.memory_space<hbm>> -> memref<80x128xf32, #tpu.memory_space<hbm>>
        %dma_wait3A_396 = arith.constant 0 : i32
        %dma_wait3A_397 = arith.constant 0 : i32
        %dma_wait3A_398 = tpu.memref_slice %arg8[%dma_wait3A_388, %dma_wait3A_396, %dma_wait3A_397] : memref<3x80x128xf32, #tpu.memory_space<vmem>> -> memref<1x80x128xf32, #tpu.memory_space<vmem>>
        %dma_wait3A_399 = tpu.memref_squeeze %dma_wait3A_398 : memref<1x80x128xf32, #tpu.memory_space<vmem>> -> memref<80x128xf32, #tpu.memory_space<vmem>>
        %dma_wait3A_400 = arith.constant 0 : i32
        %dma_wait3A_401 = arith.constant 0 : i32
        %dma_wait3A_402 = tpu.memref_slice %arg4[%dma_wait3A_400, %dma_wait3A_401] : memref<10000x128xf32, #tpu.memory_space<hbm>> -> memref<80x128xf32, #tpu.memory_space<hbm>>
        tpu.wait_dma2 semaphore(%arg16 : memref<!tpu.dma_semaphore, #tpu.memory_space<semaphore_mem>>) src(%dma_wait3A_402 : memref<80x128xf32, #tpu.memory_space<hbm>>) dst(%dma_wait3A_399 : memref<80x128xf32, #tpu.memory_space<vmem>>)
      } else {
      }
      %mul3A_210 = arith.constant 80 : i32
      %mul3A_211 = arith.muli %add3A_207, %mul3A_210 : i32
      %dma_start3A_212 = arith.constant 0 : i32
      %dma_start3A_213 = arith.constant 0 : i32
      %dma_start3A_214 = arith.constant 0 : i32
      %dma_start3A_215 = tpu.memref_slice %arg8[%dma_start3A_212, %dma_start3A_213, %dma_start3A_214] : memref<3x80x128xf32, #tpu.memory_space<vmem>> -> memref<1x80x128xf32, #tpu.memory_space<vmem>>
      %dma_start3A_216 = tpu.memref_squeeze %dma_start3A_215 : memref<1x80x128xf32, #tpu.memory_space<vmem>> -> memref<80x128xf32, #tpu.memory_space<vmem>>
      %dma_start3A_217 = tpu.memref_slice %arg6[%mul3A_211] : memref<10000xi32, #tpu.memory_space<vmem>> -> memref<80xi32, #tpu.memory_space<vmem>>
      %dma_start3A_218 = arith.constant 0 : i32
      %dma_start3A_219 = arith.constant 0 : i32
      %dma_start3A_220 = tpu.memref_slice %arg4[%dma_start3A_218, %dma_start3A_219] : memref<10000x128xf32, #tpu.memory_space<hbm>> -> memref<10000x128xf32, #tpu.memory_space<hbm>>
      tpu.enqueue_indirect_dma source(%dma_start3A_220 : memref<10000x128xf32, #tpu.memory_space<hbm>>) target(%dma_start3A_216 : memref<80x128xf32, #tpu.memory_space<vmem>>) offsets(%dma_start3A_217 : memref<80xi32, #tpu.memory_space<vmem>>) semaphore(%arg13 : memref<!tpu.dma_semaphore, #tpu.memory_space<semaphore_mem>>)
      %mul3A_221 = arith.constant 80 : i32
      %mul3A_222 = arith.muli %add3A_207, %mul3A_221 : i32
      %add3A_223 = arith.addi %mul3A_2, %mul3A_222 : i32
      %dma_start3A_224 = arith.constant 0 : i32
      %dma_start3A_225 = arith.constant 0 : i32
      %dma_start3A_226 = tpu.memref_slice %arg7[%dma_start3A_224, %dma_start3A_225] : memref<3x80xi32, #tpu.memory_space<vmem>> -> memref<1x80xi32, #tpu.memory_space<vmem>>
      %dma_start3A_227 = tpu.memref_squeeze %dma_start3A_226 : memref<1x80xi32, #tpu.memory_space<vmem>> -> memref<80xi32, #tpu.memory_space<vmem>>
      %dma_start3A_228 = tpu.memref_slice %arg3[%add3A_223] : memref<320000xi32, #tpu.memory_space<hbm>> -> memref<80xi32, #tpu.memory_space<hbm>>
      %dma_start3A_229 = arith.constant 0 : i32
      %dma_start3A_230 = tpu.memref_slice %arg7[%dma_start3A_224, %dma_start3A_229] : memref<3x80xi32, #tpu.memory_space<vmem>> -> memref<1x80xi32, #tpu.memory_space<vmem>>
      %dma_start3A_231 = tpu.memref_squeeze %dma_start3A_230 : memref<1x80xi32, #tpu.memory_space<vmem>> -> memref<80xi32, #tpu.memory_space<vmem>>
      %dma_start3A_232 = tpu.memref_slice %arg3[%add3A_223] : memref<320000xi32, #tpu.memory_space<hbm>> -> memref<80xi32, #tpu.memory_space<hbm>>
      tpu.enqueue_dma source(%dma_start3A_232 : memref<80xi32, #tpu.memory_space<hbm>>) target(%dma_start3A_231 : memref<80xi32, #tpu.memory_space<vmem>>) target_semaphore(%arg10 : memref<!tpu.dma_semaphore, #tpu.memory_space<semaphore_mem>>)
      %mul3A_233 = arith.constant 3 : i32
      %mul3A_234 = arith.muli %scan3A_202, %mul3A_233 : i32
      %add3A_235 = arith.constant 1 : i32
      %add3A_236 = arith.addi %mul3A_234, %add3A_235 : i32
      %gt3A_237 = arith.constant 0 : i32
      %gt3A_238 = arith.cmpi sgt, %scan3A_202, %gt3A_237 : i32
      %convert_element_type3A_239 = arith.extui %gt3A_238 : i1 to i32
      %cond3A_240 = arith.constant 0 : i32
      %cond3A_241 = arith.cmpi ne, %convert_element_type3A_239, %cond3A_240 : i32
      scf.if %cond3A_241 {
        %dma_wait3A_388 = arith.constant 1 : i32
        %dma_wait3A_389 = arith.constant 0 : i32
        %dma_wait3A_390 = arith.constant 0 : i32
        %dma_wait3A_391 = tpu.memref_slice %arg8[%dma_wait3A_388, %dma_wait3A_389, %dma_wait3A_390] : memref<3x80x128xf32, #tpu.memory_space<vmem>> -> memref<1x80x128xf32, #tpu.memory_space<vmem>>
        %dma_wait3A_392 = tpu.memref_squeeze %dma_wait3A_391 : memref<1x80x128xf32, #tpu.memory_space<vmem>> -> memref<80x128xf32, #tpu.memory_space<vmem>>
        %dma_wait3A_393 = arith.constant 0 : i32
        %dma_wait3A_394 = arith.constant 0 : i32
        %dma_wait3A_395 = tpu.memref_slice %arg4[%dma_wait3A_393, %dma_wait3A_394] : memref<10000x128xf32, #tpu.memory_space<hbm>> -> memref<80x128xf32, #tpu.memory_space<hbm>>
        %dma_wait3A_396 = arith.constant 0 : i32
        %dma_wait3A_397 = arith.constant 0 : i32
        %dma_wait3A_398 = tpu.memref_slice %arg8[%dma_wait3A_388, %dma_wait3A_396, %dma_wait3A_397] : memref<3x80x128xf32, #tpu.memory_space<vmem>> -> memref<1x80x128xf32, #tpu.memory_space<vmem>>
        %dma_wait3A_399 = tpu.memref_squeeze %dma_wait3A_398 : memref<1x80x128xf32, #tpu.memory_space<vmem>> -> memref<80x128xf32, #tpu.memory_space<vmem>>
        %dma_wait3A_400 = arith.constant 0 : i32
        %dma_wait3A_401 = arith.constant 0 : i32
        %dma_wait3A_402 = tpu.memref_slice %arg4[%dma_wait3A_400, %dma_wait3A_401] : memref<10000x128xf32, #tpu.memory_space<hbm>> -> memref<80x128xf32, #tpu.memory_space<hbm>>
        tpu.wait_dma2 semaphore(%arg17 : memref<!tpu.dma_semaphore, #tpu.memory_space<semaphore_mem>>) src(%dma_wait3A_402 : memref<80x128xf32, #tpu.memory_space<hbm>>) dst(%dma_wait3A_399 : memref<80x128xf32, #tpu.memory_space<vmem>>)
      } else {
      }
      %mul3A_242 = arith.constant 80 : i32
      %mul3A_243 = arith.muli %add3A_236, %mul3A_242 : i32
      %dma_start3A_244 = arith.constant 1 : i32
      %dma_start3A_245 = arith.constant 0 : i32
      %dma_start3A_246 = arith.constant 0 : i32
      %dma_start3A_247 = tpu.memref_slice %arg8[%dma_start3A_244, %dma_start3A_245, %dma_start3A_246] : memref<3x80x128xf32, #tpu.memory_space<vmem>> -> memref<1x80x128xf32, #tpu.memory_space<vmem>>
      %dma_start3A_248 = tpu.memref_squeeze %dma_start3A_247 : memref<1x80x128xf32, #tpu.memory_space<vmem>> -> memref<80x128xf32, #tpu.memory_space<vmem>>
      %dma_start3A_249 = tpu.memref_slice %arg6[%mul3A_243] : memref<10000xi32, #tpu.memory_space<vmem>> -> memref<80xi32, #tpu.memory_space<vmem>>
      %dma_start3A_250 = arith.constant 0 : i32
      %dma_start3A_251 = arith.constant 0 : i32
      %dma_start3A_252 = tpu.memref_slice %arg4[%dma_start3A_250, %dma_start3A_251] : memref<10000x128xf32, #tpu.memory_space<hbm>> -> memref<10000x128xf32, #tpu.memory_space<hbm>>
      tpu.enqueue_indirect_dma source(%dma_start3A_252 : memref<10000x128xf32, #tpu.memory_space<hbm>>) target(%dma_start3A_248 : memref<80x128xf32, #tpu.memory_space<vmem>>) offsets(%dma_start3A_249 : memref<80xi32, #tpu.memory_space<vmem>>) semaphore(%arg14 : memref<!tpu.dma_semaphore, #tpu.memory_space<semaphore_mem>>)
      %mul3A_253 = arith.constant 80 : i32
      %mul3A_254 = arith.muli %add3A_236, %mul3A_253 : i32
      %add3A_255 = arith.addi %mul3A_2, %mul3A_254 : i32
      %dma_start3A_256 = arith.constant 1 : i32
      %dma_start3A_257 = arith.constant 0 : i32
      %dma_start3A_258 = tpu.memref_slice %arg7[%dma_start3A_256, %dma_start3A_257] : memref<3x80xi32, #tpu.memory_space<vmem>> -> memref<1x80xi32, #tpu.memory_space<vmem>>
      %dma_start3A_259 = tpu.memref_squeeze %dma_start3A_258 : memref<1x80xi32, #tpu.memory_space<vmem>> -> memref<80xi32, #tpu.memory_space<vmem>>
      %dma_start3A_260 = tpu.memref_slice %arg3[%add3A_255] : memref<320000xi32, #tpu.memory_space<hbm>> -> memref<80xi32, #tpu.memory_space<hbm>>
      %dma_start3A_261 = arith.constant 0 : i32
      %dma_start3A_262 = tpu.memref_slice %arg7[%dma_start3A_256, %dma_start3A_261] : memref<3x80xi32, #tpu.memory_space<vmem>> -> memref<1x80xi32, #tpu.memory_space<vmem>>
      %dma_start3A_263 = tpu.memref_squeeze %dma_start3A_262 : memref<1x80xi32, #tpu.memory_space<vmem>> -> memref<80xi32, #tpu.memory_space<vmem>>
      %dma_start3A_264 = tpu.memref_slice %arg3[%add3A_255] : memref<320000xi32, #tpu.memory_space<hbm>> -> memref<80xi32, #tpu.memory_space<hbm>>
      tpu.enqueue_dma source(%dma_start3A_264 : memref<80xi32, #tpu.memory_space<hbm>>) target(%dma_start3A_263 : memref<80xi32, #tpu.memory_space<vmem>>) target_semaphore(%arg11 : memref<!tpu.dma_semaphore, #tpu.memory_space<semaphore_mem>>)
      %mul3A_265 = arith.constant 3 : i32
      %mul3A_266 = arith.muli %scan3A_202, %mul3A_265 : i32
      %add3A_267 = arith.constant 2 : i32
      %add3A_268 = arith.addi %mul3A_266, %add3A_267 : i32
      %gt3A_269 = arith.constant 0 : i32
      %gt3A_270 = arith.cmpi sgt, %scan3A_202, %gt3A_269 : i32
      %convert_element_type3A_271 = arith.extui %gt3A_270 : i1 to i32
      %cond3A_272 = arith.constant 0 : i32
      %cond3A_273 = arith.cmpi ne, %convert_element_type3A_271, %cond3A_272 : i32
      scf.if %cond3A_273 {
        %dma_wait3A_388 = arith.constant 2 : i32
        %dma_wait3A_389 = arith.constant 0 : i32
        %dma_wait3A_390 = arith.constant 0 : i32
        %dma_wait3A_391 = tpu.memref_slice %arg8[%dma_wait3A_388, %dma_wait3A_389, %dma_wait3A_390] : memref<3x80x128xf32, #tpu.memory_space<vmem>> -> memref<1x80x128xf32, #tpu.memory_space<vmem>>
        %dma_wait3A_392 = tpu.memref_squeeze %dma_wait3A_391 : memref<1x80x128xf32, #tpu.memory_space<vmem>> -> memref<80x128xf32, #tpu.memory_space<vmem>>
        %dma_wait3A_393 = arith.constant 0 : i32
        %dma_wait3A_394 = arith.constant 0 : i32
        %dma_wait3A_395 = tpu.memref_slice %arg4[%dma_wait3A_393, %dma_wait3A_394] : memref<10000x128xf32, #tpu.memory_space<hbm>> -> memref<80x128xf32, #tpu.memory_space<hbm>>
        %dma_wait3A_396 = arith.constant 0 : i32
        %dma_wait3A_397 = arith.constant 0 : i32
        %dma_wait3A_398 = tpu.memref_slice %arg8[%dma_wait3A_388, %dma_wait3A_396, %dma_wait3A_397] : memref<3x80x128xf32, #tpu.memory_space<vmem>> -> memref<1x80x128xf32, #tpu.memory_space<vmem>>
        %dma_wait3A_399 = tpu.memref_squeeze %dma_wait3A_398 : memref<1x80x128xf32, #tpu.memory_space<vmem>> -> memref<80x128xf32, #tpu.memory_space<vmem>>
        %dma_wait3A_400 = arith.constant 0 : i32
        %dma_wait3A_401 = arith.constant 0 : i32
        %dma_wait3A_402 = tpu.memref_slice %arg4[%dma_wait3A_400, %dma_wait3A_401] : memref<10000x128xf32, #tpu.memory_space<hbm>> -> memref<80x128xf32, #tpu.memory_space<hbm>>
        tpu.wait_dma2 semaphore(%arg18 : memref<!tpu.dma_semaphore, #tpu.memory_space<semaphore_mem>>) src(%dma_wait3A_402 : memref<80x128xf32, #tpu.memory_space<hbm>>) dst(%dma_wait3A_399 : memref<80x128xf32, #tpu.memory_space<vmem>>)
      } else {
      }
      %mul3A_274 = arith.constant 80 : i32
      %mul3A_275 = arith.muli %add3A_268, %mul3A_274 : i32
      %dma_start3A_276 = arith.constant 2 : i32
      %dma_start3A_277 = arith.constant 0 : i32
      %dma_start3A_278 = arith.constant 0 : i32
      %dma_start3A_279 = tpu.memref_slice %arg8[%dma_start3A_276, %dma_start3A_277, %dma_start3A_278] : memref<3x80x128xf32, #tpu.memory_space<vmem>> -> memref<1x80x128xf32, #tpu.memory_space<vmem>>
      %dma_start3A_280 = tpu.memref_squeeze %dma_start3A_279 : memref<1x80x128xf32, #tpu.memory_space<vmem>> -> memref<80x128xf32, #tpu.memory_space<vmem>>
      %dma_start3A_281 = tpu.memref_slice %arg6[%mul3A_275] : memref<10000xi32, #tpu.memory_space<vmem>> -> memref<80xi32, #tpu.memory_space<vmem>>
      %dma_start3A_282 = arith.constant 0 : i32
      %dma_start3A_283 = arith.constant 0 : i32
      %dma_start3A_284 = tpu.memref_slice %arg4[%dma_start3A_282, %dma_start3A_283] : memref<10000x128xf32, #tpu.memory_space<hbm>> -> memref<10000x128xf32, #tpu.memory_space<hbm>>
      tpu.enqueue_indirect_dma source(%dma_start3A_284 : memref<10000x128xf32, #tpu.memory_space<hbm>>) target(%dma_start3A_280 : memref<80x128xf32, #tpu.memory_space<vmem>>) offsets(%dma_start3A_281 : memref<80xi32, #tpu.memory_space<vmem>>) semaphore(%arg15 : memref<!tpu.dma_semaphore, #tpu.memory_space<semaphore_mem>>)
      %mul3A_285 = arith.constant 80 : i32
      %mul3A_286 = arith.muli %add3A_268, %mul3A_285 : i32
      %add3A_287 = arith.addi %mul3A_2, %mul3A_286 : i32
      %dma_start3A_288 = arith.constant 2 : i32
      %dma_start3A_289 = arith.constant 0 : i32
      %dma_start3A_290 = tpu.memref_slice %arg7[%dma_start3A_288, %dma_start3A_289] : memref<3x80xi32, #tpu.memory_space<vmem>> -> memref<1x80xi32, #tpu.memory_space<vmem>>
      %dma_start3A_291 = tpu.memref_squeeze %dma_start3A_290 : memref<1x80xi32, #tpu.memory_space<vmem>> -> memref<80xi32, #tpu.memory_space<vmem>>
      %dma_start3A_292 = tpu.memref_slice %arg3[%add3A_287] : memref<320000xi32, #tpu.memory_space<hbm>> -> memref<80xi32, #tpu.memory_space<hbm>>
      %dma_start3A_293 = arith.constant 0 : i32
      %dma_start3A_294 = tpu.memref_slice %arg7[%dma_start3A_288, %dma_start3A_293] : memref<3x80xi32, #tpu.memory_space<vmem>> -> memref<1x80xi32, #tpu.memory_space<vmem>>
      %dma_start3A_295 = tpu.memref_squeeze %dma_start3A_294 : memref<1x80xi32, #tpu.memory_space<vmem>> -> memref<80xi32, #tpu.memory_space<vmem>>
      %dma_start3A_296 = tpu.memref_slice %arg3[%add3A_287] : memref<320000xi32, #tpu.memory_space<hbm>> -> memref<80xi32, #tpu.memory_space<hbm>>
      tpu.enqueue_dma source(%dma_start3A_296 : memref<80xi32, #tpu.memory_space<hbm>>) target(%dma_start3A_295 : memref<80xi32, #tpu.memory_space<vmem>>) target_semaphore(%arg12 : memref<!tpu.dma_semaphore, #tpu.memory_space<semaphore_mem>>)
      %dma_wait3A_297 = arith.constant 0 : i32
      %dma_wait3A_298 = arith.constant 0 : i32
      %dma_wait3A_299 = arith.constant 0 : i32
      %dma_wait3A_300 = tpu.memref_slice %arg8[%dma_wait3A_297, %dma_wait3A_298, %dma_wait3A_299] : memref<3x80x128xf32, #tpu.memory_space<vmem>> -> memref<1x80x128xf32, #tpu.memory_space<vmem>>
      %dma_wait3A_301 = tpu.memref_squeeze %dma_wait3A_300 : memref<1x80x128xf32, #tpu.memory_space<vmem>> -> memref<80x128xf32, #tpu.memory_space<vmem>>
      %dma_wait3A_302 = tpu.memref_slice %arg6[%mul3A_211] : memref<10000xi32, #tpu.memory_space<vmem>> -> memref<80xi32, #tpu.memory_space<vmem>>
      %dma_wait3A_303 = arith.constant 0 : i32
      %dma_wait3A_304 = arith.constant 0 : i32
      %dma_wait3A_305 = tpu.memref_slice %arg4[%dma_wait3A_303, %dma_wait3A_304] : memref<10000x128xf32, #tpu.memory_space<hbm>> -> memref<10000x128xf32, #tpu.memory_space<hbm>>
      tpu.wait_indirect_dma semaphore(%arg13 : memref<!tpu.dma_semaphore, #tpu.memory_space<semaphore_mem>>) src(%dma_wait3A_305 : memref<10000x128xf32, #tpu.memory_space<hbm>>) dst(%dma_wait3A_301 : memref<80x128xf32, #tpu.memory_space<vmem>>)
      %dma_wait3A_306 = arith.constant 0 : i32
      %dma_wait3A_307 = arith.constant 0 : i32
      %dma_wait3A_308 = tpu.memref_slice %arg7[%dma_wait3A_306, %dma_wait3A_307] : memref<3x80xi32, #tpu.memory_space<vmem>> -> memref<1x80xi32, #tpu.memory_space<vmem>>
      %dma_wait3A_309 = tpu.memref_squeeze %dma_wait3A_308 : memref<1x80xi32, #tpu.memory_space<vmem>> -> memref<80xi32, #tpu.memory_space<vmem>>
      %dma_wait3A_310 = tpu.memref_slice %arg3[%add3A_223] : memref<320000xi32, #tpu.memory_space<hbm>> -> memref<80xi32, #tpu.memory_space<hbm>>
      %dma_wait3A_311 = arith.constant 0 : i32
      %dma_wait3A_312 = tpu.memref_slice %arg7[%dma_wait3A_306, %dma_wait3A_311] : memref<3x80xi32, #tpu.memory_space<vmem>> -> memref<1x80xi32, #tpu.memory_space<vmem>>
      %dma_wait3A_313 = tpu.memref_squeeze %dma_wait3A_312 : memref<1x80xi32, #tpu.memory_space<vmem>> -> memref<80xi32, #tpu.memory_space<vmem>>
      %dma_wait3A_314 = tpu.memref_slice %arg3[%add3A_223] : memref<320000xi32, #tpu.memory_space<hbm>> -> memref<80xi32, #tpu.memory_space<hbm>>
      tpu.wait_dma2 semaphore(%arg10 : memref<!tpu.dma_semaphore, #tpu.memory_space<semaphore_mem>>) src(%dma_wait3A_314 : memref<80xi32, #tpu.memory_space<hbm>>) dst(%dma_wait3A_313 : memref<80xi32, #tpu.memory_space<vmem>>)
      %dma_start3A_315 = arith.constant 0 : i32
      %dma_start3A_316 = arith.constant 0 : i32
      %dma_start3A_317 = arith.constant 0 : i32
      %dma_start3A_318 = arith.constant 0 : i32
      %dma_start3A_319 = tpu.memref_slice %arg8[%dma_start3A_315, %dma_start3A_317, %dma_start3A_318] : memref<3x80x128xf32, #tpu.memory_space<vmem>> -> memref<1x80x128xf32, #tpu.memory_space<vmem>>
      %dma_start3A_320 = tpu.memref_squeeze %dma_start3A_319 : memref<1x80x128xf32, #tpu.memory_space<vmem>> -> memref<80x128xf32, #tpu.memory_space<vmem>>
      %dma_start3A_321 = arith.constant 0 : i32
      %dma_start3A_322 = tpu.memref_slice %arg7[%dma_start3A_316, %dma_start3A_321] : memref<3x80xi32, #tpu.memory_space<vmem>> -> memref<1x80xi32, #tpu.memory_space<vmem>>
      %dma_start3A_323 = tpu.memref_squeeze %dma_start3A_322 : memref<1x80xi32, #tpu.memory_space<vmem>> -> memref<80xi32, #tpu.memory_space<vmem>>
      %dma_start3A_324 = arith.constant 0 : i32
      %dma_start3A_325 = arith.constant 0 : i32
      %dma_start3A_326 = tpu.memref_slice %arg9[%dma_start3A_324, %dma_start3A_325] : memref<10240x128xf32, #tpu.memory_space<vmem_shared>> -> memref<10240x128xf32, #tpu.memory_space<vmem_shared>>
      tpu.enqueue_indirect_dma source(%dma_start3A_320 : memref<80x128xf32, #tpu.memory_space<vmem>>) target(%dma_start3A_326 : memref<10240x128xf32, #tpu.memory_space<vmem_shared>>) offsets(%dma_start3A_323 : memref<80xi32, #tpu.memory_space<vmem>>) semaphore(%arg16 : memref<!tpu.dma_semaphore, #tpu.memory_space<semaphore_mem>>) {add = true}
      %dma_wait3A_327 = arith.constant 1 : i32
      %dma_wait3A_328 = arith.constant 0 : i32
      %dma_wait3A_329 = arith.constant 0 : i32
      %dma_wait3A_330 = tpu.memref_slice %arg8[%dma_wait3A_327, %dma_wait3A_328, %dma_wait3A_329] : memref<3x80x128xf32, #tpu.memory_space<vmem>> -> memref<1x80x128xf32, #tpu.memory_space<vmem>>
      %dma_wait3A_331 = tpu.memref_squeeze %dma_wait3A_330 : memref<1x80x128xf32, #tpu.memory_space<vmem>> -> memref<80x128xf32, #tpu.memory_space<vmem>>
      %dma_wait3A_332 = tpu.memref_slice %arg6[%mul3A_243] : memref<10000xi32, #tpu.memory_space<vmem>> -> memref<80xi32, #tpu.memory_space<vmem>>
      %dma_wait3A_333 = arith.constant 0 : i32
      %dma_wait3A_334 = arith.constant 0 : i32
      %dma_wait3A_335 = tpu.memref_slice %arg4[%dma_wait3A_333, %dma_wait3A_334] : memref<10000x128xf32, #tpu.memory_space<hbm>> -> memref<10000x128xf32, #tpu.memory_space<hbm>>
      tpu.wait_indirect_dma semaphore(%arg14 : memref<!tpu.dma_semaphore, #tpu.memory_space<semaphore_mem>>) src(%dma_wait3A_335 : memref<10000x128xf32, #tpu.memory_space<hbm>>) dst(%dma_wait3A_331 : memref<80x128xf32, #tpu.memory_space<vmem>>)
      %dma_wait3A_336 = arith.constant 1 : i32
      %dma_wait3A_337 = arith.constant 0 : i32
      %dma_wait3A_338 = tpu.memref_slice %arg7[%dma_wait3A_336, %dma_wait3A_337] : memref<3x80xi32, #tpu.memory_space<vmem>> -> memref<1x80xi32, #tpu.memory_space<vmem>>
      %dma_wait3A_339 = tpu.memref_squeeze %dma_wait3A_338 : memref<1x80xi32, #tpu.memory_space<vmem>> -> memref<80xi32, #tpu.memory_space<vmem>>
      %dma_wait3A_340 = tpu.memref_slice %arg3[%add3A_255] : memref<320000xi32, #tpu.memory_space<hbm>> -> memref<80xi32, #tpu.memory_space<hbm>>
      %dma_wait3A_341 = arith.constant 0 : i32
      %dma_wait3A_342 = tpu.memref_slice %arg7[%dma_wait3A_336, %dma_wait3A_341] : memref<3x80xi32, #tpu.memory_space<vmem>> -> memref<1x80xi32, #tpu.memory_space<vmem>>
      %dma_wait3A_343 = tpu.memref_squeeze %dma_wait3A_342 : memref<1x80xi32, #tpu.memory_space<vmem>> -> memref<80xi32, #tpu.memory_space<vmem>>
      %dma_wait3A_344 = tpu.memref_slice %arg3[%add3A_255] : memref<320000xi32, #tpu.memory_space<hbm>> -> memref<80xi32, #tpu.memory_space<hbm>>
      tpu.wait_dma2 semaphore(%arg11 : memref<!tpu.dma_semaphore, #tpu.memory_space<semaphore_mem>>) src(%dma_wait3A_344 : memref<80xi32, #tpu.memory_space<hbm>>) dst(%dma_wait3A_343 : memref<80xi32, #tpu.memory_space<vmem>>)
      %dma_start3A_345 = arith.constant 1 : i32
      %dma_start3A_346 = arith.constant 1 : i32
      %dma_start3A_347 = arith.constant 0 : i32
      %dma_start3A_348 = arith.constant 0 : i32
      %dma_start3A_349 = tpu.memref_slice %arg8[%dma_start3A_345, %dma_start3A_347, %dma_start3A_348] : memref<3x80x128xf32, #tpu.memory_space<vmem>> -> memref<1x80x128xf32, #tpu.memory_space<vmem>>
      %dma_start3A_350 = tpu.memref_squeeze %dma_start3A_349 : memref<1x80x128xf32, #tpu.memory_space<vmem>> -> memref<80x128xf32, #tpu.memory_space<vmem>>
      %dma_start3A_351 = arith.constant 0 : i32
      %dma_start3A_352 = tpu.memref_slice %arg7[%dma_start3A_346, %dma_start3A_351] : memref<3x80xi32, #tpu.memory_space<vmem>> -> memref<1x80xi32, #tpu.memory_space<vmem>>
      %dma_start3A_353 = tpu.memref_squeeze %dma_start3A_352 : memref<1x80xi32, #tpu.memory_space<vmem>> -> memref<80xi32, #tpu.memory_space<vmem>>
      %dma_start3A_354 = arith.constant 0 : i32
      %dma_start3A_355 = arith.constant 0 : i32
      %dma_start3A_356 = tpu.memref_slice %arg9[%dma_start3A_354, %dma_start3A_355] : memref<10240x128xf32, #tpu.memory_space<vmem_shared>> -> memref<10240x128xf32, #tpu.memory_space<vmem_shared>>
      tpu.enqueue_indirect_dma source(%dma_start3A_350 : memref<80x128xf32, #tpu.memory_space<vmem>>) target(%dma_start3A_356 : memref<10240x128xf32, #tpu.memory_space<vmem_shared>>) offsets(%dma_start3A_353 : memref<80xi32, #tpu.memory_space<vmem>>) semaphore(%arg17 : memref<!tpu.dma_semaphore, #tpu.memory_space<semaphore_mem>>) {add = true}
      %dma_wait3A_357 = arith.constant 2 : i32
      %dma_wait3A_358 = arith.constant 0 : i32
      %dma_wait3A_359 = arith.constant 0 : i32
      %dma_wait3A_360 = tpu.memref_slice %arg8[%dma_wait3A_357, %dma_wait3A_358, %dma_wait3A_359] : memref<3x80x128xf32, #tpu.memory_space<vmem>> -> memref<1x80x128xf32, #tpu.memory_space<vmem>>
      %dma_wait3A_361 = tpu.memref_squeeze %dma_wait3A_360 : memref<1x80x128xf32, #tpu.memory_space<vmem>> -> memref<80x128xf32, #tpu.memory_space<vmem>>
      %dma_wait3A_362 = tpu.memref_slice %arg6[%mul3A_275] : memref<10000xi32, #tpu.memory_space<vmem>> -> memref<80xi32, #tpu.memory_space<vmem>>
      %dma_wait3A_363 = arith.constant 0 : i32
      %dma_wait3A_364 = arith.constant 0 : i32
      %dma_wait3A_365 = tpu.memref_slice %arg4[%dma_wait3A_363, %dma_wait3A_364] : memref<10000x128xf32, #tpu.memory_space<hbm>> -> memref<10000x128xf32, #tpu.memory_space<hbm>>
      tpu.wait_indirect_dma semaphore(%arg15 : memref<!tpu.dma_semaphore, #tpu.memory_space<semaphore_mem>>) src(%dma_wait3A_365 : memref<10000x128xf32, #tpu.memory_space<hbm>>) dst(%dma_wait3A_361 : memref<80x128xf32, #tpu.memory_space<vmem>>)
      %dma_wait3A_366 = arith.constant 2 : i32
      %dma_wait3A_367 = arith.constant 0 : i32
      %dma_wait3A_368 = tpu.memref_slice %arg7[%dma_wait3A_366, %dma_wait3A_367] : memref<3x80xi32, #tpu.memory_space<vmem>> -> memref<1x80xi32, #tpu.memory_space<vmem>>
      %dma_wait3A_369 = tpu.memref_squeeze %dma_wait3A_368 : memref<1x80xi32, #tpu.memory_space<vmem>> -> memref<80xi32, #tpu.memory_space<vmem>>
      %dma_wait3A_370 = tpu.memref_slice %arg3[%add3A_287] : memref<320000xi32, #tpu.memory_space<hbm>> -> memref<80xi32, #tpu.memory_space<hbm>>
      %dma_wait3A_371 = arith.constant 0 : i32
      %dma_wait3A_372 = tpu.memref_slice %arg7[%dma_wait3A_366, %dma_wait3A_371] : memref<3x80xi32, #tpu.memory_space<vmem>> -> memref<1x80xi32, #tpu.memory_space<vmem>>
      %dma_wait3A_373 = tpu.memref_squeeze %dma_wait3A_372 : memref<1x80xi32, #tpu.memory_space<vmem>> -> memref<80xi32, #tpu.memory_space<vmem>>
      %dma_wait3A_374 = tpu.memref_slice %arg3[%add3A_287] : memref<320000xi32, #tpu.memory_space<hbm>> -> memref<80xi32, #tpu.memory_space<hbm>>
      tpu.wait_dma2 semaphore(%arg12 : memref<!tpu.dma_semaphore, #tpu.memory_space<semaphore_mem>>) src(%dma_wait3A_374 : memref<80xi32, #tpu.memory_space<hbm>>) dst(%dma_wait3A_373 : memref<80xi32, #tpu.memory_space<vmem>>)
      %dma_start3A_375 = arith.constant 2 : i32
      %dma_start3A_376 = arith.constant 2 : i32
      %dma_start3A_377 = arith.constant 0 : i32
      %dma_start3A_378 = arith.constant 0 : i32
      %dma_start3A_379 = tpu.memref_slice %arg8[%dma_start3A_375, %dma_start3A_377, %dma_start3A_378] : memref<3x80x128xf32, #tpu.memory_space<vmem>> -> memref<1x80x128xf32, #tpu.memory_space<vmem>>
      %dma_start3A_380 = tpu.memref_squeeze %dma_start3A_379 : memref<1x80x128xf32, #tpu.memory_space<vmem>> -> memref<80x128xf32, #tpu.memory_space<vmem>>
      %dma_start3A_381 = arith.constant 0 : i32
      %dma_start3A_382 = tpu.memref_slice %arg7[%dma_start3A_376, %dma_start3A_381] : memref<3x80xi32, #tpu.memory_space<vmem>> -> memref<1x80xi32, #tpu.memory_space<vmem>>
      %dma_start3A_383 = tpu.memref_squeeze %dma_start3A_382 : memref<1x80xi32, #tpu.memory_space<vmem>> -> memref<80xi32, #tpu.memory_space<vmem>>
      %dma_start3A_384 = arith.constant 0 : i32
      %dma_start3A_385 = arith.constant 0 : i32
      %dma_start3A_386 = tpu.memref_slice %arg9[%dma_start3A_384, %dma_start3A_385] : memref<10240x128xf32, #tpu.memory_space<vmem_shared>> -> memref<10240x128xf32, #tpu.memory_space<vmem_shared>>
      tpu.enqueue_indirect_dma source(%dma_start3A_380 : memref<80x128xf32, #tpu.memory_space<vmem>>) target(%dma_start3A_386 : memref<10240x128xf32, #tpu.memory_space<vmem_shared>>) offsets(%dma_start3A_383 : memref<80xi32, #tpu.memory_space<vmem>>) semaphore(%arg18 : memref<!tpu.dma_semaphore, #tpu.memory_space<semaphore_mem>>) {add = true}
      %scan3A_387 = arith.constant 0 : i32
      scf.yield %scan3A_387 : i32
    }
    %scan3A_57 = arith.constant 41 : i32
    %dma_wait3A_58 = arith.constant 0 : i32
    %dma_wait3A_59 = arith.constant 0 : i32
    %dma_wait3A_60 = arith.constant 0 : i32
    %dma_wait3A_61 = tpu.memref_slice %arg8[%dma_wait3A_58, %dma_wait3A_59, %dma_wait3A_60] : memref<3x80x128xf32, #tpu.memory_space<vmem>> -> memref<1x80x128xf32, #tpu.memory_space<vmem>>
    %dma_wait3A_62 = tpu.memref_squeeze %dma_wait3A_61 : memref<1x80x128xf32, #tpu.memory_space<vmem>> -> memref<80x128xf32, #tpu.memory_space<vmem>>
    %dma_wait3A_63 = arith.constant 0 : i32
    %dma_wait3A_64 = arith.constant 0 : i32
    %dma_wait3A_65 = tpu.memref_slice %arg4[%dma_wait3A_63, %dma_wait3A_64] : memref<10000x128xf32, #tpu.memory_space<hbm>> -> memref<80x128xf32, #tpu.memory_space<hbm>>
    %dma_wait3A_66 = arith.constant 0 : i32
    %dma_wait3A_67 = arith.constant 0 : i32
    %dma_wait3A_68 = tpu.memref_slice %arg8[%dma_wait3A_58, %dma_wait3A_66, %dma_wait3A_67] : memref<3x80x128xf32, #tpu.memory_space<vmem>> -> memref<1x80x128xf32, #tpu.memory_space<vmem>>
    %dma_wait3A_69 = tpu.memref_squeeze %dma_wait3A_68 : memref<1x80x128xf32, #tpu.memory_space<vmem>> -> memref<80x128xf32, #tpu.memory_space<vmem>>
    %dma_wait3A_70 = arith.constant 0 : i32
    %dma_wait3A_71 = arith.constant 0 : i32
    %dma_wait3A_72 = tpu.memref_slice %arg4[%dma_wait3A_70, %dma_wait3A_71] : memref<10000x128xf32, #tpu.memory_space<hbm>> -> memref<80x128xf32, #tpu.memory_space<hbm>>
    tpu.wait_dma2 semaphore(%arg16 : memref<!tpu.dma_semaphore, #tpu.memory_space<semaphore_mem>>) src(%dma_wait3A_72 : memref<80x128xf32, #tpu.memory_space<hbm>>) dst(%dma_wait3A_69 : memref<80x128xf32, #tpu.memory_space<vmem>>)
    %dma_wait3A_73 = arith.constant 1 : i32
    %dma_wait3A_74 = arith.constant 0 : i32
    %dma_wait3A_75 = arith.constant 0 : i32
    %dma_wait3A_76 = tpu.memref_slice %arg8[%dma_wait3A_73, %dma_wait3A_74, %dma_wait3A_75] : memref<3x80x128xf32, #tpu.memory_space<vmem>> -> memref<1x80x128xf32, #tpu.memory_space<vmem>>
    %dma_wait3A_77 = tpu.memref_squeeze %dma_wait3A_76 : memref<1x80x128xf32, #tpu.memory_space<vmem>> -> memref<80x128xf32, #tpu.memory_space<vmem>>
    %dma_wait3A_78 = arith.constant 0 : i32
    %dma_wait3A_79 = arith.constant 0 : i32
    %dma_wait3A_80 = tpu.memref_slice %arg4[%dma_wait3A_78, %dma_wait3A_79] : memref<10000x128xf32, #tpu.memory_space<hbm>> -> memref<80x128xf32, #tpu.memory_space<hbm>>
    %dma_wait3A_81 = arith.constant 0 : i32
    %dma_wait3A_82 = arith.constant 0 : i32
    %dma_wait3A_83 = tpu.memref_slice %arg8[%dma_wait3A_73, %dma_wait3A_81, %dma_wait3A_82] : memref<3x80x128xf32, #tpu.memory_space<vmem>> -> memref<1x80x128xf32, #tpu.memory_space<vmem>>
    %dma_wait3A_84 = tpu.memref_squeeze %dma_wait3A_83 : memref<1x80x128xf32, #tpu.memory_space<vmem>> -> memref<80x128xf32, #tpu.memory_space<vmem>>
    %dma_wait3A_85 = arith.constant 0 : i32
    %dma_wait3A_86 = arith.constant 0 : i32
    %dma_wait3A_87 = tpu.memref_slice %arg4[%dma_wait3A_85, %dma_wait3A_86] : memref<10000x128xf32, #tpu.memory_space<hbm>> -> memref<80x128xf32, #tpu.memory_space<hbm>>
    tpu.wait_dma2 semaphore(%arg17 : memref<!tpu.dma_semaphore, #tpu.memory_space<semaphore_mem>>) src(%dma_wait3A_87 : memref<80x128xf32, #tpu.memory_space<hbm>>) dst(%dma_wait3A_84 : memref<80x128xf32, #tpu.memory_space<vmem>>)
    %dma_wait3A_88 = arith.constant 2 : i32
    %dma_wait3A_89 = arith.constant 0 : i32
    %dma_wait3A_90 = arith.constant 0 : i32
    %dma_wait3A_91 = tpu.memref_slice %arg8[%dma_wait3A_88, %dma_wait3A_89, %dma_wait3A_90] : memref<3x80x128xf32, #tpu.memory_space<vmem>> -> memref<1x80x128xf32, #tpu.memory_space<vmem>>
    %dma_wait3A_92 = tpu.memref_squeeze %dma_wait3A_91 : memref<1x80x128xf32, #tpu.memory_space<vmem>> -> memref<80x128xf32, #tpu.memory_space<vmem>>
    %dma_wait3A_93 = arith.constant 0 : i32
    %dma_wait3A_94 = arith.constant 0 : i32
    %dma_wait3A_95 = tpu.memref_slice %arg4[%dma_wait3A_93, %dma_wait3A_94] : memref<10000x128xf32, #tpu.memory_space<hbm>> -> memref<80x128xf32, #tpu.memory_space<hbm>>
    %dma_wait3A_96 = arith.constant 0 : i32
    %dma_wait3A_97 = arith.constant 0 : i32
    %dma_wait3A_98 = tpu.memref_slice %arg8[%dma_wait3A_88, %dma_wait3A_96, %dma_wait3A_97] : memref<3x80x128xf32, #tpu.memory_space<vmem>> -> memref<1x80x128xf32, #tpu.memory_space<vmem>>
    %dma_wait3A_99 = tpu.memref_squeeze %dma_wait3A_98 : memref<1x80x128xf32, #tpu.memory_space<vmem>> -> memref<80x128xf32, #tpu.memory_space<vmem>>
    %dma_wait3A_100 = arith.constant 0 : i32
    %dma_wait3A_101 = arith.constant 0 : i32
    %dma_wait3A_102 = tpu.memref_slice %arg4[%dma_wait3A_100, %dma_wait3A_101] : memref<10000x128xf32, #tpu.memory_space<hbm>> -> memref<80x128xf32, #tpu.memory_space<hbm>>
    tpu.wait_dma2 semaphore(%arg18 : memref<!tpu.dma_semaphore, #tpu.memory_space<semaphore_mem>>) src(%dma_wait3A_102 : memref<80x128xf32, #tpu.memory_space<hbm>>) dst(%dma_wait3A_99 : memref<80x128xf32, #tpu.memory_space<vmem>>)
    %add3A_103 = arith.constant 9840 : i32
    %add3A_104 = arith.addi %mul3A_2, %add3A_103 : i32
    %run_scoped3A_105 = arith.constant 0 : i32
    "tpu.region"() ({
      %run_scoped3A_202 = tpu.sem_alloc : memref<!tpu.dma_semaphore, #tpu.memory_space<semaphore_mem>>
      %dma_start3A_203 = arith.constant 0 : i32
      %dma_start3A_204 = tpu.memref_slice %arg7[%run_scoped3A_105, %dma_start3A_203] : memref<3x80xi32, #tpu.memory_space<vmem>> -> memref<1x80xi32, #tpu.memory_space<vmem>>
      %dma_start3A_205 = tpu.memref_squeeze %dma_start3A_204 : memref<1x80xi32, #tpu.memory_space<vmem>> -> memref<80xi32, #tpu.memory_space<vmem>>
      %dma_start3A_206 = tpu.memref_slice %arg3[%add3A_104] : memref<320000xi32, #tpu.memory_space<hbm>> -> memref<80xi32, #tpu.memory_space<hbm>>
      %dma_start3A_207 = arith.constant 0 : i32
      %dma_start3A_208 = tpu.memref_slice %arg7[%run_scoped3A_105, %dma_start3A_207] : memref<3x80xi32, #tpu.memory_space<vmem>> -> memref<1x80xi32, #tpu.memory_space<vmem>>
      %dma_start3A_209 = tpu.memref_squeeze %dma_start3A_208 : memref<1x80xi32, #tpu.memory_space<vmem>> -> memref<80xi32, #tpu.memory_space<vmem>>
      %dma_start3A_210 = tpu.memref_slice %arg3[%add3A_104] : memref<320000xi32, #tpu.memory_space<hbm>> -> memref<80xi32, #tpu.memory_space<hbm>>
      tpu.enqueue_dma source(%dma_start3A_210 : memref<80xi32, #tpu.memory_space<hbm>>) target(%dma_start3A_209 : memref<80xi32, #tpu.memory_space<vmem>>) target_semaphore(%run_scoped3A_202 : memref<!tpu.dma_semaphore, #tpu.memory_space<semaphore_mem>>)
      %dma_wait3A_211 = arith.constant 0 : i32
      %dma_wait3A_212 = tpu.memref_slice %arg7[%run_scoped3A_105, %dma_wait3A_211] : memref<3x80xi32, #tpu.memory_space<vmem>> -> memref<1x80xi32, #tpu.memory_space<vmem>>
      %dma_wait3A_213 = tpu.memref_squeeze %dma_wait3A_212 : memref<1x80xi32, #tpu.memory_space<vmem>> -> memref<80xi32, #tpu.memory_space<vmem>>
      %dma_wait3A_214 = tpu.memref_slice %arg3[%add3A_104] : memref<320000xi32, #tpu.memory_space<hbm>> -> memref<80xi32, #tpu.memory_space<hbm>>
      %dma_wait3A_215 = arith.constant 0 : i32
      %dma_wait3A_216 = tpu.memref_slice %arg7[%run_scoped3A_105, %dma_wait3A_215] : memref<3x80xi32, #tpu.memory_space<vmem>> -> memref<1x80xi32, #tpu.memory_space<vmem>>
      %dma_wait3A_217 = tpu.memref_squeeze %dma_wait3A_216 : memref<1x80xi32, #tpu.memory_space<vmem>> -> memref<80xi32, #tpu.memory_space<vmem>>
      %dma_wait3A_218 = tpu.memref_slice %arg3[%add3A_104] : memref<320000xi32, #tpu.memory_space<hbm>> -> memref<80xi32, #tpu.memory_space<hbm>>
      tpu.wait_dma2 semaphore(%run_scoped3A_202 : memref<!tpu.dma_semaphore, #tpu.memory_space<semaphore_mem>>) src(%dma_wait3A_218 : memref<80xi32, #tpu.memory_space<hbm>>) dst(%dma_wait3A_217 : memref<80xi32, #tpu.memory_space<vmem>>)
      tpu.yield
    }) : () -> ()
    %dma_start3A_106 = arith.constant 0 : i32
    %dma_start3A_107 = arith.constant 0 : i32
    %dma_start3A_108 = arith.constant 0 : i32
    %dma_start3A_109 = tpu.memref_slice %arg8[%dma_start3A_106, %dma_start3A_107, %dma_start3A_108] : memref<3x80x128xf32, #tpu.memory_space<vmem>> -> memref<1x80x128xf32, #tpu.memory_space<vmem>>
    %dma_start3A_110 = tpu.memref_squeeze %dma_start3A_109 : memref<1x80x128xf32, #tpu.memory_space<vmem>> -> memref<80x128xf32, #tpu.memory_space<vmem>>
    %dma_start3A_111 = arith.constant 9840 : i32
    %dma_start3A_112 = tpu.memref_slice %arg6[%dma_start3A_111] : memref<10000xi32, #tpu.memory_space<vmem>> -> memref<80xi32, #tpu.memory_space<vmem>>
    %dma_start3A_113 = arith.constant 0 : i32
    %dma_start3A_114 = arith.constant 0 : i32
    %dma_start3A_115 = tpu.memref_slice %arg4[%dma_start3A_113, %dma_start3A_114] : memref<10000x128xf32, #tpu.memory_space<hbm>> -> memref<10000x128xf32, #tpu.memory_space<hbm>>
    tpu.enqueue_indirect_dma source(%dma_start3A_115 : memref<10000x128xf32, #tpu.memory_space<hbm>>) target(%dma_start3A_110 : memref<80x128xf32, #tpu.memory_space<vmem>>) offsets(%dma_start3A_112 : memref<80xi32, #tpu.memory_space<vmem>>) semaphore(%arg13 : memref<!tpu.dma_semaphore, #tpu.memory_space<semaphore_mem>>)
    %dma_wait3A_116 = arith.constant 0 : i32
    %dma_wait3A_117 = arith.constant 0 : i32
    %dma_wait3A_118 = arith.constant 0 : i32
    %dma_wait3A_119 = tpu.memref_slice %arg8[%dma_wait3A_116, %dma_wait3A_117, %dma_wait3A_118] : memref<3x80x128xf32, #tpu.memory_space<vmem>> -> memref<1x80x128xf32, #tpu.memory_space<vmem>>
    %dma_wait3A_120 = tpu.memref_squeeze %dma_wait3A_119 : memref<1x80x128xf32, #tpu.memory_space<vmem>> -> memref<80x128xf32, #tpu.memory_space<vmem>>
    %dma_wait3A_121 = arith.constant 9840 : i32
    %dma_wait3A_122 = tpu.memref_slice %arg6[%dma_wait3A_121] : memref<10000xi32, #tpu.memory_space<vmem>> -> memref<80xi32, #tpu.memory_space<vmem>>
    %dma_wait3A_123 = arith.constant 0 : i32
    %dma_wait3A_124 = arith.constant 0 : i32
    %dma_wait3A_125 = tpu.memref_slice %arg4[%dma_wait3A_123, %dma_wait3A_124] : memref<10000x128xf32, #tpu.memory_space<hbm>> -> memref<10000x128xf32, #tpu.memory_space<hbm>>
    tpu.wait_indirect_dma semaphore(%arg13 : memref<!tpu.dma_semaphore, #tpu.memory_space<semaphore_mem>>) src(%dma_wait3A_125 : memref<10000x128xf32, #tpu.memory_space<hbm>>) dst(%dma_wait3A_120 : memref<80x128xf32, #tpu.memory_space<vmem>>)
    %run_scoped3A_126 = arith.constant 0 : i32
    %run_scoped3A_127 = arith.constant 0 : i32
    "tpu.region"() ({
      %run_scoped3A_202 = tpu.sem_alloc : memref<!tpu.dma_semaphore, #tpu.memory_space<semaphore_mem>>
      %dma_start3A_203 = arith.constant 0 : i32
      %dma_start3A_204 = arith.constant 0 : i32
      %dma_start3A_205 = tpu.memref_slice %arg8[%run_scoped3A_126, %dma_start3A_203, %dma_start3A_204] : memref<3x80x128xf32, #tpu.memory_space<vmem>> -> memref<1x80x128xf32, #tpu.memory_space<vmem>>
      %dma_start3A_206 = tpu.memref_squeeze %dma_start3A_205 : memref<1x80x128xf32, #tpu.memory_space<vmem>> -> memref<80x128xf32, #tpu.memory_space<vmem>>
      %dma_start3A_207 = arith.constant 0 : i32
      %dma_start3A_208 = tpu.memref_slice %arg7[%run_scoped3A_127, %dma_start3A_207] : memref<3x80xi32, #tpu.memory_space<vmem>> -> memref<1x80xi32, #tpu.memory_space<vmem>>
      %dma_start3A_209 = tpu.memref_squeeze %dma_start3A_208 : memref<1x80xi32, #tpu.memory_space<vmem>> -> memref<80xi32, #tpu.memory_space<vmem>>
      %dma_start3A_210 = arith.constant 0 : i32
      %dma_start3A_211 = arith.constant 0 : i32
      %dma_start3A_212 = tpu.memref_slice %arg9[%dma_start3A_210, %dma_start3A_211] : memref<10240x128xf32, #tpu.memory_space<vmem_shared>> -> memref<10240x128xf32, #tpu.memory_space<vmem_shared>>
      tpu.enqueue_indirect_dma source(%dma_start3A_206 : memref<80x128xf32, #tpu.memory_space<vmem>>) target(%dma_start3A_212 : memref<10240x128xf32, #tpu.memory_space<vmem_shared>>) offsets(%dma_start3A_209 : memref<80xi32, #tpu.memory_space<vmem>>) semaphore(%run_scoped3A_202 : memref<!tpu.dma_semaphore, #tpu.memory_space<semaphore_mem>>) {add = true}
      %dma_wait3A_213 = arith.constant 0 : i32
      %dma_wait3A_214 = arith.constant 0 : i32
      %dma_wait3A_215 = tpu.memref_slice %arg8[%run_scoped3A_126, %dma_wait3A_213, %dma_wait3A_214] : memref<3x80x128xf32, #tpu.memory_space<vmem>> -> memref<1x80x128xf32, #tpu.memory_space<vmem>>
      %dma_wait3A_216 = tpu.memref_squeeze %dma_wait3A_215 : memref<1x80x128xf32, #tpu.memory_space<vmem>> -> memref<80x128xf32, #tpu.memory_space<vmem>>
      %dma_wait3A_217 = arith.constant 0 : i32
      %dma_wait3A_218 = tpu.memref_slice %arg7[%run_scoped3A_127, %dma_wait3A_217] : memref<3x80xi32, #tpu.memory_space<vmem>> -> memref<1x80xi32, #tpu.memory_space<vmem>>
      %dma_wait3A_219 = tpu.memref_squeeze %dma_wait3A_218 : memref<1x80xi32, #tpu.memory_space<vmem>> -> memref<80xi32, #tpu.memory_space<vmem>>
      %dma_wait3A_220 = arith.constant 0 : i32
      %dma_wait3A_221 = arith.constant 0 : i32
      %dma_wait3A_222 = tpu.memref_slice %arg9[%dma_wait3A_220, %dma_wait3A_221] : memref<10240x128xf32, #tpu.memory_space<vmem_shared>> -> memref<10240x128xf32, #tpu.memory_space<vmem_shared>>
      tpu.wait_indirect_dma semaphore(%run_scoped3A_202 : memref<!tpu.dma_semaphore, #tpu.memory_space<semaphore_mem>>) src(%dma_wait3A_216 : memref<80x128xf32, #tpu.memory_space<vmem>>) dst(%dma_wait3A_222 : memref<10240x128xf32, #tpu.memory_space<vmem_shared>>)
      tpu.yield
    }) : () -> ()
    %add3A_128 = arith.constant 9920 : i32
    %add3A_129 = arith.addi %mul3A_2, %add3A_128 : i32
    %run_scoped3A_130 = arith.constant 0 : i32
    "tpu.region"() ({
      %run_scoped3A_202 = tpu.sem_alloc : memref<!tpu.dma_semaphore, #tpu.memory_space<semaphore_mem>>
      %dma_start3A_203 = arith.constant 0 : i32
      %dma_start3A_204 = tpu.memref_slice %arg7[%run_scoped3A_130, %dma_start3A_203] : memref<3x80xi32, #tpu.memory_space<vmem>> -> memref<1x80xi32, #tpu.memory_space<vmem>>
      %dma_start3A_205 = tpu.memref_squeeze %dma_start3A_204 : memref<1x80xi32, #tpu.memory_space<vmem>> -> memref<80xi32, #tpu.memory_space<vmem>>
      %dma_start3A_206 = tpu.memref_slice %arg3[%add3A_129] : memref<320000xi32, #tpu.memory_space<hbm>> -> memref<80xi32, #tpu.memory_space<hbm>>
      %dma_start3A_207 = arith.constant 0 : i32
      %dma_start3A_208 = tpu.memref_slice %arg7[%run_scoped3A_130, %dma_start3A_207] : memref<3x80xi32, #tpu.memory_space<vmem>> -> memref<1x80xi32, #tpu.memory_space<vmem>>
      %dma_start3A_209 = tpu.memref_squeeze %dma_start3A_208 : memref<1x80xi32, #tpu.memory_space<vmem>> -> memref<80xi32, #tpu.memory_space<vmem>>
      %dma_start3A_210 = tpu.memref_slice %arg3[%add3A_129] : memref<320000xi32, #tpu.memory_space<hbm>> -> memref<80xi32, #tpu.memory_space<hbm>>
      tpu.enqueue_dma source(%dma_start3A_210 : memref<80xi32, #tpu.memory_space<hbm>>) target(%dma_start3A_209 : memref<80xi32, #tpu.memory_space<vmem>>) target_semaphore(%run_scoped3A_202 : memref<!tpu.dma_semaphore, #tpu.memory_space<semaphore_mem>>)
      %dma_wait3A_211 = arith.constant 0 : i32
      %dma_wait3A_212 = tpu.memref_slice %arg7[%run_scoped3A_130, %dma_wait3A_211] : memref<3x80xi32, #tpu.memory_space<vmem>> -> memref<1x80xi32, #tpu.memory_space<vmem>>
      %dma_wait3A_213 = tpu.memref_squeeze %dma_wait3A_212 : memref<1x80xi32, #tpu.memory_space<vmem>> -> memref<80xi32, #tpu.memory_space<vmem>>
      %dma_wait3A_214 = tpu.memref_slice %arg3[%add3A_129] : memref<320000xi32, #tpu.memory_space<hbm>> -> memref<80xi32, #tpu.memory_space<hbm>>
      %dma_wait3A_215 = arith.constant 0 : i32
      %dma_wait3A_216 = tpu.memref_slice %arg7[%run_scoped3A_130, %dma_wait3A_215] : memref<3x80xi32, #tpu.memory_space<vmem>> -> memref<1x80xi32, #tpu.memory_space<vmem>>
      %dma_wait3A_217 = tpu.memref_squeeze %dma_wait3A_216 : memref<1x80xi32, #tpu.memory_space<vmem>> -> memref<80xi32, #tpu.memory_space<vmem>>
      %dma_wait3A_218 = tpu.memref_slice %arg3[%add3A_129] : memref<320000xi32, #tpu.memory_space<hbm>> -> memref<80xi32, #tpu.memory_space<hbm>>
      tpu.wait_dma2 semaphore(%run_scoped3A_202 : memref<!tpu.dma_semaphore, #tpu.memory_space<semaphore_mem>>) src(%dma_wait3A_218 : memref<80xi32, #tpu.memory_space<hbm>>) dst(%dma_wait3A_217 : memref<80xi32, #tpu.memory_space<vmem>>)
      tpu.yield
    }) : () -> ()
    %dma_start3A_131 = arith.constant 0 : i32
    %dma_start3A_132 = arith.constant 0 : i32
    %dma_start3A_133 = arith.constant 0 : i32
    %dma_start3A_134 = tpu.memref_slice %arg8[%dma_start3A_131, %dma_start3A_132, %dma_start3A_133] : memref<3x80x128xf32, #tpu.memory_space<vmem>> -> memref<1x80x128xf32, #tpu.memory_space<vmem>>
    %dma_start3A_135 = tpu.memref_squeeze %dma_start3A_134 : memref<1x80x128xf32, #tpu.memory_space<vmem>> -> memref<80x128xf32, #tpu.memory_space<vmem>>
    %dma_start3A_136 = arith.constant 9920 : i32
    %dma_start3A_137 = tpu.memref_slice %arg6[%dma_start3A_136] : memref<10000xi32, #tpu.memory_space<vmem>> -> memref<80xi32, #tpu.memory_space<vmem>>
    %dma_start3A_138 = arith.constant 0 : i32
    %dma_start3A_139 = arith.constant 0 : i32
    %dma_start3A_140 = tpu.memref_slice %arg4[%dma_start3A_138, %dma_start3A_139] : memref<10000x128xf32, #tpu.memory_space<hbm>> -> memref<10000x128xf32, #tpu.memory_space<hbm>>
    tpu.enqueue_indirect_dma source(%dma_start3A_140 : memref<10000x128xf32, #tpu.memory_space<hbm>>) target(%dma_start3A_135 : memref<80x128xf32, #tpu.memory_space<vmem>>) offsets(%dma_start3A_137 : memref<80xi32, #tpu.memory_space<vmem>>) semaphore(%arg13 : memref<!tpu.dma_semaphore, #tpu.memory_space<semaphore_mem>>)
    %dma_wait3A_141 = arith.constant 0 : i32
    %dma_wait3A_142 = arith.constant 0 : i32
    %dma_wait3A_143 = arith.constant 0 : i32
    %dma_wait3A_144 = tpu.memref_slice %arg8[%dma_wait3A_141, %dma_wait3A_142, %dma_wait3A_143] : memref<3x80x128xf32, #tpu.memory_space<vmem>> -> memref<1x80x128xf32, #tpu.memory_space<vmem>>
    %dma_wait3A_145 = tpu.memref_squeeze %dma_wait3A_144 : memref<1x80x128xf32, #tpu.memory_space<vmem>> -> memref<80x128xf32, #tpu.memory_space<vmem>>
    %dma_wait3A_146 = arith.constant 9920 : i32
    %dma_wait3A_147 = tpu.memref_slice %arg6[%dma_wait3A_146] : memref<10000xi32, #tpu.memory_space<vmem>> -> memref<80xi32, #tpu.memory_space<vmem>>
    %dma_wait3A_148 = arith.constant 0 : i32
    %dma_wait3A_149 = arith.constant 0 : i32
    %dma_wait3A_150 = tpu.memref_slice %arg4[%dma_wait3A_148, %dma_wait3A_149] : memref<10000x128xf32, #tpu.memory_space<hbm>> -> memref<10000x128xf32, #tpu.memory_space<hbm>>
    tpu.wait_indirect_dma semaphore(%arg13 : memref<!tpu.dma_semaphore, #tpu.memory_space<semaphore_mem>>) src(%dma_wait3A_150 : memref<10000x128xf32, #tpu.memory_space<hbm>>) dst(%dma_wait3A_145 : memref<80x128xf32, #tpu.memory_space<vmem>>)
    %run_scoped3A_151 = arith.constant 0 : i32
    %run_scoped3A_152 = arith.constant 0 : i32
    "tpu.region"() ({
      %run_scoped3A_202 = tpu.sem_alloc : memref<!tpu.dma_semaphore, #tpu.memory_space<semaphore_mem>>
      %dma_start3A_203 = arith.constant 0 : i32
      %dma_start3A_204 = arith.constant 0 : i32
      %dma_start3A_205 = tpu.memref_slice %arg8[%run_scoped3A_151, %dma_start3A_203, %dma_start3A_204] : memref<3x80x128xf32, #tpu.memory_space<vmem>> -> memref<1x80x128xf32, #tpu.memory_space<vmem>>
      %dma_start3A_206 = tpu.memref_squeeze %dma_start3A_205 : memref<1x80x128xf32, #tpu.memory_space<vmem>> -> memref<80x128xf32, #tpu.memory_space<vmem>>
      %dma_start3A_207 = arith.constant 0 : i32
      %dma_start3A_208 = tpu.memref_slice %arg7[%run_scoped3A_152, %dma_start3A_207] : memref<3x80xi32, #tpu.memory_space<vmem>> -> memref<1x80xi32, #tpu.memory_space<vmem>>
      %dma_start3A_209 = tpu.memref_squeeze %dma_start3A_208 : memref<1x80xi32, #tpu.memory_space<vmem>> -> memref<80xi32, #tpu.memory_space<vmem>>
      %dma_start3A_210 = arith.constant 0 : i32
      %dma_start3A_211 = arith.constant 0 : i32
      %dma_start3A_212 = tpu.memref_slice %arg9[%dma_start3A_210, %dma_start3A_211] : memref<10240x128xf32, #tpu.memory_space<vmem_shared>> -> memref<10240x128xf32, #tpu.memory_space<vmem_shared>>
      tpu.enqueue_indirect_dma source(%dma_start3A_206 : memref<80x128xf32, #tpu.memory_space<vmem>>) target(%dma_start3A_212 : memref<10240x128xf32, #tpu.memory_space<vmem_shared>>) offsets(%dma_start3A_209 : memref<80xi32, #tpu.memory_space<vmem>>) semaphore(%run_scoped3A_202 : memref<!tpu.dma_semaphore, #tpu.memory_space<semaphore_mem>>) {add = true}
      %dma_wait3A_213 = arith.constant 0 : i32
      %dma_wait3A_214 = arith.constant 0 : i32
      %dma_wait3A_215 = tpu.memref_slice %arg8[%run_scoped3A_151, %dma_wait3A_213, %dma_wait3A_214] : memref<3x80x128xf32, #tpu.memory_space<vmem>> -> memref<1x80x128xf32, #tpu.memory_space<vmem>>
      %dma_wait3A_216 = tpu.memref_squeeze %dma_wait3A_215 : memref<1x80x128xf32, #tpu.memory_space<vmem>> -> memref<80x128xf32, #tpu.memory_space<vmem>>
      %dma_wait3A_217 = arith.constant 0 : i32
      %dma_wait3A_218 = tpu.memref_slice %arg7[%run_scoped3A_152, %dma_wait3A_217] : memref<3x80xi32, #tpu.memory_space<vmem>> -> memref<1x80xi32, #tpu.memory_space<vmem>>
      %dma_wait3A_219 = tpu.memref_squeeze %dma_wait3A_218 : memref<1x80xi32, #tpu.memory_space<vmem>> -> memref<80xi32, #tpu.memory_space<vmem>>
      %dma_wait3A_220 = arith.constant 0 : i32
      %dma_wait3A_221 = arith.constant 0 : i32
      %dma_wait3A_222 = tpu.memref_slice %arg9[%dma_wait3A_220, %dma_wait3A_221] : memref<10240x128xf32, #tpu.memory_space<vmem_shared>> -> memref<10240x128xf32, #tpu.memory_space<vmem_shared>>
      tpu.wait_indirect_dma semaphore(%run_scoped3A_202 : memref<!tpu.dma_semaphore, #tpu.memory_space<semaphore_mem>>) src(%dma_wait3A_216 : memref<80x128xf32, #tpu.memory_space<vmem>>) dst(%dma_wait3A_222 : memref<10240x128xf32, #tpu.memory_space<vmem_shared>>)
      tpu.yield
    }) : () -> ()
    %barrier3A_153 = arith.constant 0 : index
    tpu.barrier barrier_id(%barrier3A_153)
    %mul3A_154 = arith.constant 640 : i32
    %mul3A_155 = arith.muli %arg1, %mul3A_154 : i32
    %add3A_156 = arith.constant 0 : i32
    %add3A_157 = arith.addi %mul3A_155, %add3A_156 : i32
    %run_scoped3A_158 = arith.constant 0 : i32
    "tpu.region"() ({
      %run_scoped3A_202 = tpu.sem_alloc : memref<!tpu.dma_semaphore, #tpu.memory_space<semaphore_mem>>
      %dma_start3A_203 = arith.constant 0 : i32
      %dma_start3A_204 = arith.constant 0 : i32
      %dma_start3A_205 = tpu.memref_slice %arg8[%run_scoped3A_158, %dma_start3A_203, %dma_start3A_204] : memref<3x80x128xf32, #tpu.memory_space<vmem>> -> memref<1x80x128xf32, #tpu.memory_space<vmem>>
      %dma_start3A_206 = tpu.memref_squeeze %dma_start3A_205 : memref<1x80x128xf32, #tpu.memory_space<vmem>> -> memref<80x128xf32, #tpu.memory_space<vmem>>
      %dma_start3A_207 = arith.constant 0 : i32
      %dma_start3A_208 = tpu.memref_slice %arg9[%add3A_157, %dma_start3A_207] : memref<10240x128xf32, #tpu.memory_space<vmem_shared>> -> memref<80x128xf32, #tpu.memory_space<vmem_shared>>
      %dma_start3A_209 = arith.constant 0 : i32
      %dma_start3A_210 = arith.constant 0 : i32
      %dma_start3A_211 = tpu.memref_slice %arg8[%run_scoped3A_158, %dma_start3A_209, %dma_start3A_210] : memref<3x80x128xf32, #tpu.memory_space<vmem>> -> memref<1x80x128xf32, #tpu.memory_space<vmem>>
      %dma_start3A_212 = tpu.memref_squeeze %dma_start3A_211 : memref<1x80x128xf32, #tpu.memory_space<vmem>> -> memref<80x128xf32, #tpu.memory_space<vmem>>
      %dma_start3A_213 = arith.constant 0 : i32
      %dma_start3A_214 = tpu.memref_slice %arg9[%add3A_157, %dma_start3A_213] : memref<10240x128xf32, #tpu.memory_space<vmem_shared>> -> memref<80x128xf32, #tpu.memory_space<vmem_shared>>
      tpu.enqueue_dma source(%dma_start3A_214 : memref<80x128xf32, #tpu.memory_space<vmem_shared>>) target(%dma_start3A_212 : memref<80x128xf32, #tpu.memory_space<vmem>>) target_semaphore(%run_scoped3A_202 : memref<!tpu.dma_semaphore, #tpu.memory_space<semaphore_mem>>)
      %dma_wait3A_215 = arith.constant 0 : i32
      %dma_wait3A_216 = arith.constant 0 : i32
      %dma_wait3A_217 = tpu.memref_slice %arg8[%run_scoped3A_158, %dma_wait3A_215, %dma_wait3A_216] : memref<3x80x128xf32, #tpu.memory_space<vmem>> -> memref<1x80x128xf32, #tpu.memory_space<vmem>>
      %dma_wait3A_218 = tpu.memref_squeeze %dma_wait3A_217 : memref<1x80x128xf32, #tpu.memory_space<vmem>> -> memref<80x128xf32, #tpu.memory_space<vmem>>
      %dma_wait3A_219 = arith.constant 0 : i32
      %dma_wait3A_220 = tpu.memref_slice %arg9[%add3A_157, %dma_wait3A_219] : memref<10240x128xf32, #tpu.memory_space<vmem_shared>> -> memref<80x128xf32, #tpu.memory_space<vmem_shared>>
      %dma_wait3A_221 = arith.constant 0 : i32
      %dma_wait3A_222 = arith.constant 0 : i32
      %dma_wait3A_223 = tpu.memref_slice %arg8[%run_scoped3A_158, %dma_wait3A_221, %dma_wait3A_222] : memref<3x80x128xf32, #tpu.memory_space<vmem>> -> memref<1x80x128xf32, #tpu.memory_space<vmem>>
      %dma_wait3A_224 = tpu.memref_squeeze %dma_wait3A_223 : memref<1x80x128xf32, #tpu.memory_space<vmem>> -> memref<80x128xf32, #tpu.memory_space<vmem>>
      %dma_wait3A_225 = arith.constant 0 : i32
      %dma_wait3A_226 = tpu.memref_slice %arg9[%add3A_157, %dma_wait3A_225] : memref<10240x128xf32, #tpu.memory_space<vmem_shared>> -> memref<80x128xf32, #tpu.memory_space<vmem_shared>>
      tpu.wait_dma2 semaphore(%run_scoped3A_202 : memref<!tpu.dma_semaphore, #tpu.memory_space<semaphore_mem>>) src(%dma_wait3A_226 : memref<80x128xf32, #tpu.memory_space<vmem_shared>>) dst(%dma_wait3A_224 : memref<80x128xf32, #tpu.memory_space<vmem>>)
      tpu.yield
    }) : () -> ()
    %run_scoped3A_159 = arith.constant 0 : i32
    "tpu.region"() ({
      %run_scoped3A_202 = tpu.sem_alloc : memref<!tpu.dma_semaphore, #tpu.memory_space<semaphore_mem>>
      %dma_start3A_203 = arith.constant 0 : i32
      %dma_start3A_204 = arith.constant 0 : i32
      %dma_start3A_205 = tpu.memref_slice %arg8[%run_scoped3A_159, %dma_start3A_203, %dma_start3A_204] : memref<3x80x128xf32, #tpu.memory_space<vmem>> -> memref<1x80x128xf32, #tpu.memory_space<vmem>>
      %dma_start3A_206 = tpu.memref_squeeze %dma_start3A_205 : memref<1x80x128xf32, #tpu.memory_space<vmem>> -> memref<80x128xf32, #tpu.memory_space<vmem>>
      %dma_start3A_207 = arith.constant 0 : i32
      %dma_start3A_208 = tpu.memref_slice %arg5[%arg0, %add3A_157, %dma_start3A_207] : memref<2x10240x128xf32, #tpu.memory_space<hbm>> -> memref<1x80x128xf32, #tpu.memory_space<hbm>>
      %dma_start3A_209 = tpu.memref_squeeze %dma_start3A_208 : memref<1x80x128xf32, #tpu.memory_space<hbm>> -> memref<80x128xf32, #tpu.memory_space<hbm>>
      %dma_start3A_210 = arith.constant 0 : i32
      %dma_start3A_211 = tpu.memref_slice %arg5[%arg0, %add3A_157, %dma_start3A_210] : memref<2x10240x128xf32, #tpu.memory_space<hbm>> -> memref<1x80x128xf32, #tpu.memory_space<hbm>>
      %dma_start3A_212 = tpu.memref_squeeze %dma_start3A_211 : memref<1x80x128xf32, #tpu.memory_space<hbm>> -> memref<80x128xf32, #tpu.memory_space<hbm>>
      %dma_start3A_213 = arith.constant 0 : i32
      %dma_start3A_214 = arith.constant 0 : i32
      %dma_start3A_215 = tpu.memref_slice %arg8[%run_scoped3A_159, %dma_start3A_213, %dma_start3A_214] : memref<3x80x128xf32, #tpu.memory_space<vmem>> -> memref<1x80x128xf32, #tpu.memory_space<vmem>>
      %dma_start3A_216 = tpu.memref_squeeze %dma_start3A_215 : memref<1x80x128xf32, #tpu.memory_space<vmem>> -> memref<80x128xf32, #tpu.memory_space<vmem>>
      tpu.enqueue_dma source(%dma_start3A_216 : memref<80x128xf32, #tpu.memory_space<vmem>>) target(%dma_start3A_212 : memref<80x128xf32, #tpu.memory_space<hbm>>) target_semaphore(%run_scoped3A_202 : memref<!tpu.dma_semaphore, #tpu.memory_space<semaphore_mem>>)
      %dma_wait3A_217 = arith.constant 0 : i32
      %dma_wait3A_218 = arith.constant 0 : i32
      %dma_wait3A_219 = tpu.memref_slice %arg8[%run_scoped3A_159, %dma_wait3A_217, %dma_wait3A_218] : memref<3x80x128xf32, #tpu.memory_space<vmem>> -> memref<1x80x128xf32, #tpu.memory_space<vmem>>
      %dma_wait3A_220 = tpu.memref_squeeze %dma_wait3A_219 : memref<1x80x128xf32, #tpu.memory_space<vmem>> -> memref<80x128xf32, #tpu.memory_space<vmem>>
      %dma_wait3A_221 = arith.constant 0 : i32
      %dma_wait3A_222 = tpu.memref_slice %arg5[%arg0, %add3A_157, %dma_wait3A_221] : memref<2x10240x128xf32, #tpu.memory_space<hbm>> -> memref<1x80x128xf32, #tpu.memory_space<hbm>>
      %dma_wait3A_223 = tpu.memref_squeeze %dma_wait3A_222 : memref<1x80x128xf32, #tpu.memory_space<hbm>> -> memref<80x128xf32, #tpu.memory_space<hbm>>
      %dma_wait3A_224 = arith.constant 0 : i32
      %dma_wait3A_225 = tpu.memref_slice %arg5[%arg0, %add3A_157, %dma_wait3A_224] : memref<2x10240x128xf32, #tpu.memory_space<hbm>> -> memref<1x80x128xf32, #tpu.memory_space<hbm>>
      %dma_wait3A_226 = tpu.memref_squeeze %dma_wait3A_225 : memref<1x80x128xf32, #tpu.memory_space<hbm>> -> memref<80x128xf32, #tpu.memory_space<hbm>>
      %dma_wait3A_227 = arith.constant 0 : i32
      %dma_wait3A_228 = arith.constant 0 : i32
      %dma_wait3A_229 = tpu.memref_slice %arg8[%run_scoped3A_159, %dma_wait3A_227, %dma_wait3A_228] : memref<3x80x128xf32, #tpu.memory_space<vmem>> -> memref<1x80x128xf32, #tpu.memory_space<vmem>>
      %dma_wait3A_230 = tpu.memref_squeeze %dma_wait3A_229 : memref<1x80x128xf32, #tpu.memory_space<vmem>> -> memref<80x128xf32, #tpu.memory_space<vmem>>
      tpu.wait_dma2 semaphore(%run_scoped3A_202 : memref<!tpu.dma_semaphore, #tpu.memory_space<semaphore_mem>>) src(%dma_wait3A_230 : memref<80x128xf32, #tpu.memory_space<vmem>>) dst(%dma_wait3A_226 : memref<80x128xf32, #tpu.memory_space<hbm>>)
      tpu.yield
    }) : () -> ()
    %mul3A_160 = arith.constant 640 : i32
    %mul3A_161 = arith.muli %arg1, %mul3A_160 : i32
    %add3A_162 = arith.constant 80 : i32
    %add3A_163 = arith.addi %mul3A_161, %add3A_162 : i32
    %run_scoped3A_164 = arith.constant 0 : i32
    "tpu.region"() ({
      %run_scoped3A_202 = tpu.sem_alloc : memref<!tpu.dma_semaphore, #tpu.memory_space<semaphore_mem>>
      %dma_start3A_203 = arith.constant 0 : i32
      %dma_start3A_204 = arith.constant 0 : i32
      %dma_start3A_205 = tpu.memref_slice %arg8[%run_scoped3A_164, %dma_start3A_203, %dma_start3A_204] : memref<3x80x128xf32, #tpu.memory_space<vmem>> -> memref<1x80x128xf32, #tpu.memory_space<vmem>>
      %dma_start3A_206 = tpu.memref_squeeze %dma_start3A_205 : memref<1x80x128xf32, #tpu.memory_space<vmem>> -> memref<80x128xf32, #tpu.memory_space<vmem>>
      %dma_start3A_207 = arith.constant 0 : i32
      %dma_start3A_208 = tpu.memref_slice %arg9[%add3A_163, %dma_start3A_207] : memref<10240x128xf32, #tpu.memory_space<vmem_shared>> -> memref<80x128xf32, #tpu.memory_space<vmem_shared>>
      %dma_start3A_209 = arith.constant 0 : i32
      %dma_start3A_210 = arith.constant 0 : i32
      %dma_start3A_211 = tpu.memref_slice %arg8[%run_scoped3A_164, %dma_start3A_209, %dma_start3A_210] : memref<3x80x128xf32, #tpu.memory_space<vmem>> -> memref<1x80x128xf32, #tpu.memory_space<vmem>>
      %dma_start3A_212 = tpu.memref_squeeze %dma_start3A_211 : memref<1x80x128xf32, #tpu.memory_space<vmem>> -> memref<80x128xf32, #tpu.memory_space<vmem>>
      %dma_start3A_213 = arith.constant 0 : i32
      %dma_start3A_214 = tpu.memref_slice %arg9[%add3A_163, %dma_start3A_213] : memref<10240x128xf32, #tpu.memory_space<vmem_shared>> -> memref<80x128xf32, #tpu.memory_space<vmem_shared>>
      tpu.enqueue_dma source(%dma_start3A_214 : memref<80x128xf32, #tpu.memory_space<vmem_shared>>) target(%dma_start3A_212 : memref<80x128xf32, #tpu.memory_space<vmem>>) target_semaphore(%run_scoped3A_202 : memref<!tpu.dma_semaphore, #tpu.memory_space<semaphore_mem>>)
      %dma_wait3A_215 = arith.constant 0 : i32
      %dma_wait3A_216 = arith.constant 0 : i32
      %dma_wait3A_217 = tpu.memref_slice %arg8[%run_scoped3A_164, %dma_wait3A_215, %dma_wait3A_216] : memref<3x80x128xf32, #tpu.memory_space<vmem>> -> memref<1x80x128xf32, #tpu.memory_space<vmem>>
      %dma_wait3A_218 = tpu.memref_squeeze %dma_wait3A_217 : memref<1x80x128xf32, #tpu.memory_space<vmem>> -> memref<80x128xf32, #tpu.memory_space<vmem>>
      %dma_wait3A_219 = arith.constant 0 : i32
      %dma_wait3A_220 = tpu.memref_slice %arg9[%add3A_163, %dma_wait3A_219] : memref<10240x128xf32, #tpu.memory_space<vmem_shared>> -> memref<80x128xf32, #tpu.memory_space<vmem_shared>>
      %dma_wait3A_221 = arith.constant 0 : i32
      %dma_wait3A_222 = arith.constant 0 : i32
      %dma_wait3A_223 = tpu.memref_slice %arg8[%run_scoped3A_164, %dma_wait3A_221, %dma_wait3A_222] : memref<3x80x128xf32, #tpu.memory_space<vmem>> -> memref<1x80x128xf32, #tpu.memory_space<vmem>>
      %dma_wait3A_224 = tpu.memref_squeeze %dma_wait3A_223 : memref<1x80x128xf32, #tpu.memory_space<vmem>> -> memref<80x128xf32, #tpu.memory_space<vmem>>
      %dma_wait3A_225 = arith.constant 0 : i32
      %dma_wait3A_226 = tpu.memref_slice %arg9[%add3A_163, %dma_wait3A_225] : memref<10240x128xf32, #tpu.memory_space<vmem_shared>> -> memref<80x128xf32, #tpu.memory_space<vmem_shared>>
      tpu.wait_dma2 semaphore(%run_scoped3A_202 : memref<!tpu.dma_semaphore, #tpu.memory_space<semaphore_mem>>) src(%dma_wait3A_226 : memref<80x128xf32, #tpu.memory_space<vmem_shared>>) dst(%dma_wait3A_224 : memref<80x128xf32, #tpu.memory_space<vmem>>)
      tpu.yield
    }) : () -> ()
    %run_scoped3A_165 = arith.constant 0 : i32
    "tpu.region"() ({
      %run_scoped3A_202 = tpu.sem_alloc : memref<!tpu.dma_semaphore, #tpu.memory_space<semaphore_mem>>
      %dma_start3A_203 = arith.constant 0 : i32
      %dma_start3A_204 = arith.constant 0 : i32
      %dma_start3A_205 = tpu.memref_slice %arg8[%run_scoped3A_165, %dma_start3A_203, %dma_start3A_204] : memref<3x80x128xf32, #tpu.memory_space<vmem>> -> memref<1x80x128xf32, #tpu.memory_space<vmem>>
      %dma_start3A_206 = tpu.memref_squeeze %dma_start3A_205 : memref<1x80x128xf32, #tpu.memory_space<vmem>> -> memref<80x128xf32, #tpu.memory_space<vmem>>
      %dma_start3A_207 = arith.constant 0 : i32
      %dma_start3A_208 = tpu.memref_slice %arg5[%arg0, %add3A_163, %dma_start3A_207] : memref<2x10240x128xf32, #tpu.memory_space<hbm>> -> memref<1x80x128xf32, #tpu.memory_space<hbm>>
      %dma_start3A_209 = tpu.memref_squeeze %dma_start3A_208 : memref<1x80x128xf32, #tpu.memory_space<hbm>> -> memref<80x128xf32, #tpu.memory_space<hbm>>
      %dma_start3A_210 = arith.constant 0 : i32
      %dma_start3A_211 = tpu.memref_slice %arg5[%arg0, %add3A_163, %dma_start3A_210] : memref<2x10240x128xf32, #tpu.memory_space<hbm>> -> memref<1x80x128xf32, #tpu.memory_space<hbm>>
      %dma_start3A_212 = tpu.memref_squeeze %dma_start3A_211 : memref<1x80x128xf32, #tpu.memory_space<hbm>> -> memref<80x128xf32, #tpu.memory_space<hbm>>
      %dma_start3A_213 = arith.constant 0 : i32
      %dma_start3A_214 = arith.constant 0 : i32
      %dma_start3A_215 = tpu.memref_slice %arg8[%run_scoped3A_165, %dma_start3A_213, %dma_start3A_214] : memref<3x80x128xf32, #tpu.memory_space<vmem>> -> memref<1x80x128xf32, #tpu.memory_space<vmem>>
      %dma_start3A_216 = tpu.memref_squeeze %dma_start3A_215 : memref<1x80x128xf32, #tpu.memory_space<vmem>> -> memref<80x128xf32, #tpu.memory_space<vmem>>
      tpu.enqueue_dma source(%dma_start3A_216 : memref<80x128xf32, #tpu.memory_space<vmem>>) target(%dma_start3A_212 : memref<80x128xf32, #tpu.memory_space<hbm>>) target_semaphore(%run_scoped3A_202 : memref<!tpu.dma_semaphore, #tpu.memory_space<semaphore_mem>>)
      %dma_wait3A_217 = arith.constant 0 : i32
      %dma_wait3A_218 = arith.constant 0 : i32
      %dma_wait3A_219 = tpu.memref_slice %arg8[%run_scoped3A_165, %dma_wait3A_217, %dma_wait3A_218] : memref<3x80x128xf32, #tpu.memory_space<vmem>> -> memref<1x80x128xf32, #tpu.memory_space<vmem>>
      %dma_wait3A_220 = tpu.memref_squeeze %dma_wait3A_219 : memref<1x80x128xf32, #tpu.memory_space<vmem>> -> memref<80x128xf32, #tpu.memory_space<vmem>>
      %dma_wait3A_221 = arith.constant 0 : i32
      %dma_wait3A_222 = tpu.memref_slice %arg5[%arg0, %add3A_163, %dma_wait3A_221] : memref<2x10240x128xf32, #tpu.memory_space<hbm>> -> memref<1x80x128xf32, #tpu.memory_space<hbm>>
      %dma_wait3A_223 = tpu.memref_squeeze %dma_wait3A_222 : memref<1x80x128xf32, #tpu.memory_space<hbm>> -> memref<80x128xf32, #tpu.memory_space<hbm>>
      %dma_wait3A_224 = arith.constant 0 : i32
      %dma_wait3A_225 = tpu.memref_slice %arg5[%arg0, %add3A_163, %dma_wait3A_224] : memref<2x10240x128xf32, #tpu.memory_space<hbm>> -> memref<1x80x128xf32, #tpu.memory_space<hbm>>
      %dma_wait3A_226 = tpu.memref_squeeze %dma_wait3A_225 : memref<1x80x128xf32, #tpu.memory_space<hbm>> -> memref<80x128xf32, #tpu.memory_space<hbm>>
      %dma_wait3A_227 = arith.constant 0 : i32
      %dma_wait3A_228 = arith.constant 0 : i32
      %dma_wait3A_229 = tpu.memref_slice %arg8[%run_scoped3A_165, %dma_wait3A_227, %dma_wait3A_228] : memref<3x80x128xf32, #tpu.memory_space<vmem>> -> memref<1x80x128xf32, #tpu.memory_space<vmem>>
      %dma_wait3A_230 = tpu.memref_squeeze %dma_wait3A_229 : memref<1x80x128xf32, #tpu.memory_space<vmem>> -> memref<80x128xf32, #tpu.memory_space<vmem>>
      tpu.wait_dma2 semaphore(%run_scoped3A_202 : memref<!tpu.dma_semaphore, #tpu.memory_space<semaphore_mem>>) src(%dma_wait3A_230 : memref<80x128xf32, #tpu.memory_space<vmem>>) dst(%dma_wait3A_226 : memref<80x128xf32, #tpu.memory_space<hbm>>)
      tpu.yield
    }) : () -> ()
    %mul3A_166 = arith.constant 640 : i32
    %mul3A_167 = arith.muli %arg1, %mul3A_166 : i32
    %add3A_168 = arith.constant 160 : i32
    %add3A_169 = arith.addi %mul3A_167, %add3A_168 : i32
    %run_scoped3A_170 = arith.constant 0 : i32
    "tpu.region"() ({
      %run_scoped3A_202 = tpu.sem_alloc : memref<!tpu.dma_semaphore, #tpu.memory_space<semaphore_mem>>
      %dma_start3A_203 = arith.constant 0 : i32
      %dma_start3A_204 = arith.constant 0 : i32
      %dma_start3A_205 = tpu.memref_slice %arg8[%run_scoped3A_170, %dma_start3A_203, %dma_start3A_204] : memref<3x80x128xf32, #tpu.memory_space<vmem>> -> memref<1x80x128xf32, #tpu.memory_space<vmem>>
      %dma_start3A_206 = tpu.memref_squeeze %dma_start3A_205 : memref<1x80x128xf32, #tpu.memory_space<vmem>> -> memref<80x128xf32, #tpu.memory_space<vmem>>
      %dma_start3A_207 = arith.constant 0 : i32
      %dma_start3A_208 = tpu.memref_slice %arg9[%add3A_169, %dma_start3A_207] : memref<10240x128xf32, #tpu.memory_space<vmem_shared>> -> memref<80x128xf32, #tpu.memory_space<vmem_shared>>
      %dma_start3A_209 = arith.constant 0 : i32
      %dma_start3A_210 = arith.constant 0 : i32
      %dma_start3A_211 = tpu.memref_slice %arg8[%run_scoped3A_170, %dma_start3A_209, %dma_start3A_210] : memref<3x80x128xf32, #tpu.memory_space<vmem>> -> memref<1x80x128xf32, #tpu.memory_space<vmem>>
      %dma_start3A_212 = tpu.memref_squeeze %dma_start3A_211 : memref<1x80x128xf32, #tpu.memory_space<vmem>> -> memref<80x128xf32, #tpu.memory_space<vmem>>
      %dma_start3A_213 = arith.constant 0 : i32
      %dma_start3A_214 = tpu.memref_slice %arg9[%add3A_169, %dma_start3A_213] : memref<10240x128xf32, #tpu.memory_space<vmem_shared>> -> memref<80x128xf32, #tpu.memory_space<vmem_shared>>
      tpu.enqueue_dma source(%dma_start3A_214 : memref<80x128xf32, #tpu.memory_space<vmem_shared>>) target(%dma_start3A_212 : memref<80x128xf32, #tpu.memory_space<vmem>>) target_semaphore(%run_scoped3A_202 : memref<!tpu.dma_semaphore, #tpu.memory_space<semaphore_mem>>)
      %dma_wait3A_215 = arith.constant 0 : i32
      %dma_wait3A_216 = arith.constant 0 : i32
      %dma_wait3A_217 = tpu.memref_slice %arg8[%run_scoped3A_170, %dma_wait3A_215, %dma_wait3A_216] : memref<3x80x128xf32, #tpu.memory_space<vmem>> -> memref<1x80x128xf32, #tpu.memory_space<vmem>>
      %dma_wait3A_218 = tpu.memref_squeeze %dma_wait3A_217 : memref<1x80x128xf32, #tpu.memory_space<vmem>> -> memref<80x128xf32, #tpu.memory_space<vmem>>
      %dma_wait3A_219 = arith.constant 0 : i32
      %dma_wait3A_220 = tpu.memref_slice %arg9[%add3A_169, %dma_wait3A_219] : memref<10240x128xf32, #tpu.memory_space<vmem_shared>> -> memref<80x128xf32, #tpu.memory_space<vmem_shared>>
      %dma_wait3A_221 = arith.constant 0 : i32
      %dma_wait3A_222 = arith.constant 0 : i32
      %dma_wait3A_223 = tpu.memref_slice %arg8[%run_scoped3A_170, %dma_wait3A_221, %dma_wait3A_222] : memref<3x80x128xf32, #tpu.memory_space<vmem>> -> memref<1x80x128xf32, #tpu.memory_space<vmem>>
      %dma_wait3A_224 = tpu.memref_squeeze %dma_wait3A_223 : memref<1x80x128xf32, #tpu.memory_space<vmem>> -> memref<80x128xf32, #tpu.memory_space<vmem>>
      %dma_wait3A_225 = arith.constant 0 : i32
      %dma_wait3A_226 = tpu.memref_slice %arg9[%add3A_169, %dma_wait3A_225] : memref<10240x128xf32, #tpu.memory_space<vmem_shared>> -> memref<80x128xf32, #tpu.memory_space<vmem_shared>>
      tpu.wait_dma2 semaphore(%run_scoped3A_202 : memref<!tpu.dma_semaphore, #tpu.memory_space<semaphore_mem>>) src(%dma_wait3A_226 : memref<80x128xf32, #tpu.memory_space<vmem_shared>>) dst(%dma_wait3A_224 : memref<80x128xf32, #tpu.memory_space<vmem>>)
      tpu.yield
    }) : () -> ()
    %run_scoped3A_171 = arith.constant 0 : i32
    "tpu.region"() ({
      %run_scoped3A_202 = tpu.sem_alloc : memref<!tpu.dma_semaphore, #tpu.memory_space<semaphore_mem>>
      %dma_start3A_203 = arith.constant 0 : i32
      %dma_start3A_204 = arith.constant 0 : i32
      %dma_start3A_205 = tpu.memref_slice %arg8[%run_scoped3A_171, %dma_start3A_203, %dma_start3A_204] : memref<3x80x128xf32, #tpu.memory_space<vmem>> -> memref<1x80x128xf32, #tpu.memory_space<vmem>>
      %dma_start3A_206 = tpu.memref_squeeze %dma_start3A_205 : memref<1x80x128xf32, #tpu.memory_space<vmem>> -> memref<80x128xf32, #tpu.memory_space<vmem>>
      %dma_start3A_207 = arith.constant 0 : i32
      %dma_start3A_208 = tpu.memref_slice %arg5[%arg0, %add3A_169, %dma_start3A_207] : memref<2x10240x128xf32, #tpu.memory_space<hbm>> -> memref<1x80x128xf32, #tpu.memory_space<hbm>>
      %dma_start3A_209 = tpu.memref_squeeze %dma_start3A_208 : memref<1x80x128xf32, #tpu.memory_space<hbm>> -> memref<80x128xf32, #tpu.memory_space<hbm>>
      %dma_start3A_210 = arith.constant 0 : i32
      %dma_start3A_211 = tpu.memref_slice %arg5[%arg0, %add3A_169, %dma_start3A_210] : memref<2x10240x128xf32, #tpu.memory_space<hbm>> -> memref<1x80x128xf32, #tpu.memory_space<hbm>>
      %dma_start3A_212 = tpu.memref_squeeze %dma_start3A_211 : memref<1x80x128xf32, #tpu.memory_space<hbm>> -> memref<80x128xf32, #tpu.memory_space<hbm>>
      %dma_start3A_213 = arith.constant 0 : i32
      %dma_start3A_214 = arith.constant 0 : i32
      %dma_start3A_215 = tpu.memref_slice %arg8[%run_scoped3A_171, %dma_start3A_213, %dma_start3A_214] : memref<3x80x128xf32, #tpu.memory_space<vmem>> -> memref<1x80x128xf32, #tpu.memory_space<vmem>>
      %dma_start3A_216 = tpu.memref_squeeze %dma_start3A_215 : memref<1x80x128xf32, #tpu.memory_space<vmem>> -> memref<80x128xf32, #tpu.memory_space<vmem>>
      tpu.enqueue_dma source(%dma_start3A_216 : memref<80x128xf32, #tpu.memory_space<vmem>>) target(%dma_start3A_212 : memref<80x128xf32, #tpu.memory_space<hbm>>) target_semaphore(%run_scoped3A_202 : memref<!tpu.dma_semaphore, #tpu.memory_space<semaphore_mem>>)
      %dma_wait3A_217 = arith.constant 0 : i32
      %dma_wait3A_218 = arith.constant 0 : i32
      %dma_wait3A_219 = tpu.memref_slice %arg8[%run_scoped3A_171, %dma_wait3A_217, %dma_wait3A_218] : memref<3x80x128xf32, #tpu.memory_space<vmem>> -> memref<1x80x128xf32, #tpu.memory_space<vmem>>
      %dma_wait3A_220 = tpu.memref_squeeze %dma_wait3A_219 : memref<1x80x128xf32, #tpu.memory_space<vmem>> -> memref<80x128xf32, #tpu.memory_space<vmem>>
      %dma_wait3A_221 = arith.constant 0 : i32
      %dma_wait3A_222 = tpu.memref_slice %arg5[%arg0, %add3A_169, %dma_wait3A_221] : memref<2x10240x128xf32, #tpu.memory_space<hbm>> -> memref<1x80x128xf32, #tpu.memory_space<hbm>>
      %dma_wait3A_223 = tpu.memref_squeeze %dma_wait3A_222 : memref<1x80x128xf32, #tpu.memory_space<hbm>> -> memref<80x128xf32, #tpu.memory_space<hbm>>
      %dma_wait3A_224 = arith.constant 0 : i32
      %dma_wait3A_225 = tpu.memref_slice %arg5[%arg0, %add3A_169, %dma_wait3A_224] : memref<2x10240x128xf32, #tpu.memory_space<hbm>> -> memref<1x80x128xf32, #tpu.memory_space<hbm>>
      %dma_wait3A_226 = tpu.memref_squeeze %dma_wait3A_225 : memref<1x80x128xf32, #tpu.memory_space<hbm>> -> memref<80x128xf32, #tpu.memory_space<hbm>>
      %dma_wait3A_227 = arith.constant 0 : i32
      %dma_wait3A_228 = arith.constant 0 : i32
      %dma_wait3A_229 = tpu.memref_slice %arg8[%run_scoped3A_171, %dma_wait3A_227, %dma_wait3A_228] : memref<3x80x128xf32, #tpu.memory_space<vmem>> -> memref<1x80x128xf32, #tpu.memory_space<vmem>>
      %dma_wait3A_230 = tpu.memref_squeeze %dma_wait3A_229 : memref<1x80x128xf32, #tpu.memory_space<vmem>> -> memref<80x128xf32, #tpu.memory_space<vmem>>
      tpu.wait_dma2 semaphore(%run_scoped3A_202 : memref<!tpu.dma_semaphore, #tpu.memory_space<semaphore_mem>>) src(%dma_wait3A_230 : memref<80x128xf32, #tpu.memory_space<vmem>>) dst(%dma_wait3A_226 : memref<80x128xf32, #tpu.memory_space<hbm>>)
      tpu.yield
    }) : () -> ()
    %mul3A_172 = arith.constant 640 : i32
    %mul3A_173 = arith.muli %arg1, %mul3A_172 : i32
    %add3A_174 = arith.constant 240 : i32
    %add3A_175 = arith.addi %mul3A_173, %add3A_174 : i32
    %run_scoped3A_176 = arith.constant 0 : i32
    "tpu.region"() ({
      %run_scoped3A_202 = tpu.sem_alloc : memref<!tpu.dma_semaphore, #tpu.memory_space<semaphore_mem>>
      %dma_start3A_203 = arith.constant 0 : i32
      %dma_start3A_204 = arith.constant 0 : i32
      %dma_start3A_205 = tpu.memref_slice %arg8[%run_scoped3A_176, %dma_start3A_203, %dma_start3A_204] : memref<3x80x128xf32, #tpu.memory_space<vmem>> -> memref<1x80x128xf32, #tpu.memory_space<vmem>>
      %dma_start3A_206 = tpu.memref_squeeze %dma_start3A_205 : memref<1x80x128xf32, #tpu.memory_space<vmem>> -> memref<80x128xf32, #tpu.memory_space<vmem>>
      %dma_start3A_207 = arith.constant 0 : i32
      %dma_start3A_208 = tpu.memref_slice %arg9[%add3A_175, %dma_start3A_207] : memref<10240x128xf32, #tpu.memory_space<vmem_shared>> -> memref<80x128xf32, #tpu.memory_space<vmem_shared>>
      %dma_start3A_209 = arith.constant 0 : i32
      %dma_start3A_210 = arith.constant 0 : i32
      %dma_start3A_211 = tpu.memref_slice %arg8[%run_scoped3A_176, %dma_start3A_209, %dma_start3A_210] : memref<3x80x128xf32, #tpu.memory_space<vmem>> -> memref<1x80x128xf32, #tpu.memory_space<vmem>>
      %dma_start3A_212 = tpu.memref_squeeze %dma_start3A_211 : memref<1x80x128xf32, #tpu.memory_space<vmem>> -> memref<80x128xf32, #tpu.memory_space<vmem>>
      %dma_start3A_213 = arith.constant 0 : i32
      %dma_start3A_214 = tpu.memref_slice %arg9[%add3A_175, %dma_start3A_213] : memref<10240x128xf32, #tpu.memory_space<vmem_shared>> -> memref<80x128xf32, #tpu.memory_space<vmem_shared>>
      tpu.enqueue_dma source(%dma_start3A_214 : memref<80x128xf32, #tpu.memory_space<vmem_shared>>) target(%dma_start3A_212 : memref<80x128xf32, #tpu.memory_space<vmem>>) target_semaphore(%run_scoped3A_202 : memref<!tpu.dma_semaphore, #tpu.memory_space<semaphore_mem>>)
      %dma_wait3A_215 = arith.constant 0 : i32
      %dma_wait3A_216 = arith.constant 0 : i32
      %dma_wait3A_217 = tpu.memref_slice %arg8[%run_scoped3A_176, %dma_wait3A_215, %dma_wait3A_216] : memref<3x80x128xf32, #tpu.memory_space<vmem>> -> memref<1x80x128xf32, #tpu.memory_space<vmem>>
      %dma_wait3A_218 = tpu.memref_squeeze %dma_wait3A_217 : memref<1x80x128xf32, #tpu.memory_space<vmem>> -> memref<80x128xf32, #tpu.memory_space<vmem>>
      %dma_wait3A_219 = arith.constant 0 : i32
      %dma_wait3A_220 = tpu.memref_slice %arg9[%add3A_175, %dma_wait3A_219] : memref<10240x128xf32, #tpu.memory_space<vmem_shared>> -> memref<80x128xf32, #tpu.memory_space<vmem_shared>>
      %dma_wait3A_221 = arith.constant 0 : i32
      %dma_wait3A_222 = arith.constant 0 : i32
      %dma_wait3A_223 = tpu.memref_slice %arg8[%run_scoped3A_176, %dma_wait3A_221, %dma_wait3A_222] : memref<3x80x128xf32, #tpu.memory_space<vmem>> -> memref<1x80x128xf32, #tpu.memory_space<vmem>>
      %dma_wait3A_224 = tpu.memref_squeeze %dma_wait3A_223 : memref<1x80x128xf32, #tpu.memory_space<vmem>> -> memref<80x128xf32, #tpu.memory_space<vmem>>
      %dma_wait3A_225 = arith.constant 0 : i32
      %dma_wait3A_226 = tpu.memref_slice %arg9[%add3A_175, %dma_wait3A_225] : memref<10240x128xf32, #tpu.memory_space<vmem_shared>> -> memref<80x128xf32, #tpu.memory_space<vmem_shared>>
      tpu.wait_dma2 semaphore(%run_scoped3A_202 : memref<!tpu.dma_semaphore, #tpu.memory_space<semaphore_mem>>) src(%dma_wait3A_226 : memref<80x128xf32, #tpu.memory_space<vmem_shared>>) dst(%dma_wait3A_224 : memref<80x128xf32, #tpu.memory_space<vmem>>)
      tpu.yield
    }) : () -> ()
    %run_scoped3A_177 = arith.constant 0 : i32
    "tpu.region"() ({
      %run_scoped3A_202 = tpu.sem_alloc : memref<!tpu.dma_semaphore, #tpu.memory_space<semaphore_mem>>
      %dma_start3A_203 = arith.constant 0 : i32
      %dma_start3A_204 = arith.constant 0 : i32
      %dma_start3A_205 = tpu.memref_slice %arg8[%run_scoped3A_177, %dma_start3A_203, %dma_start3A_204] : memref<3x80x128xf32, #tpu.memory_space<vmem>> -> memref<1x80x128xf32, #tpu.memory_space<vmem>>
      %dma_start3A_206 = tpu.memref_squeeze %dma_start3A_205 : memref<1x80x128xf32, #tpu.memory_space<vmem>> -> memref<80x128xf32, #tpu.memory_space<vmem>>
      %dma_start3A_207 = arith.constant 0 : i32
      %dma_start3A_208 = tpu.memref_slice %arg5[%arg0, %add3A_175, %dma_start3A_207] : memref<2x10240x128xf32, #tpu.memory_space<hbm>> -> memref<1x80x128xf32, #tpu.memory_space<hbm>>
      %dma_start3A_209 = tpu.memref_squeeze %dma_start3A_208 : memref<1x80x128xf32, #tpu.memory_space<hbm>> -> memref<80x128xf32, #tpu.memory_space<hbm>>
      %dma_start3A_210 = arith.constant 0 : i32
      %dma_start3A_211 = tpu.memref_slice %arg5[%arg0, %add3A_175, %dma_start3A_210] : memref<2x10240x128xf32, #tpu.memory_space<hbm>> -> memref<1x80x128xf32, #tpu.memory_space<hbm>>
      %dma_start3A_212 = tpu.memref_squeeze %dma_start3A_211 : memref<1x80x128xf32, #tpu.memory_space<hbm>> -> memref<80x128xf32, #tpu.memory_space<hbm>>
      %dma_start3A_213 = arith.constant 0 : i32
      %dma_start3A_214 = arith.constant 0 : i32
      %dma_start3A_215 = tpu.memref_slice %arg8[%run_scoped3A_177, %dma_start3A_213, %dma_start3A_214] : memref<3x80x128xf32, #tpu.memory_space<vmem>> -> memref<1x80x128xf32, #tpu.memory_space<vmem>>
      %dma_start3A_216 = tpu.memref_squeeze %dma_start3A_215 : memref<1x80x128xf32, #tpu.memory_space<vmem>> -> memref<80x128xf32, #tpu.memory_space<vmem>>
      tpu.enqueue_dma source(%dma_start3A_216 : memref<80x128xf32, #tpu.memory_space<vmem>>) target(%dma_start3A_212 : memref<80x128xf32, #tpu.memory_space<hbm>>) target_semaphore(%run_scoped3A_202 : memref<!tpu.dma_semaphore, #tpu.memory_space<semaphore_mem>>)
      %dma_wait3A_217 = arith.constant 0 : i32
      %dma_wait3A_218 = arith.constant 0 : i32
      %dma_wait3A_219 = tpu.memref_slice %arg8[%run_scoped3A_177, %dma_wait3A_217, %dma_wait3A_218] : memref<3x80x128xf32, #tpu.memory_space<vmem>> -> memref<1x80x128xf32, #tpu.memory_space<vmem>>
      %dma_wait3A_220 = tpu.memref_squeeze %dma_wait3A_219 : memref<1x80x128xf32, #tpu.memory_space<vmem>> -> memref<80x128xf32, #tpu.memory_space<vmem>>
      %dma_wait3A_221 = arith.constant 0 : i32
      %dma_wait3A_222 = tpu.memref_slice %arg5[%arg0, %add3A_175, %dma_wait3A_221] : memref<2x10240x128xf32, #tpu.memory_space<hbm>> -> memref<1x80x128xf32, #tpu.memory_space<hbm>>
      %dma_wait3A_223 = tpu.memref_squeeze %dma_wait3A_222 : memref<1x80x128xf32, #tpu.memory_space<hbm>> -> memref<80x128xf32, #tpu.memory_space<hbm>>
      %dma_wait3A_224 = arith.constant 0 : i32
      %dma_wait3A_225 = tpu.memref_slice %arg5[%arg0, %add3A_175, %dma_wait3A_224] : memref<2x10240x128xf32, #tpu.memory_space<hbm>> -> memref<1x80x128xf32, #tpu.memory_space<hbm>>
      %dma_wait3A_226 = tpu.memref_squeeze %dma_wait3A_225 : memref<1x80x128xf32, #tpu.memory_space<hbm>> -> memref<80x128xf32, #tpu.memory_space<hbm>>
      %dma_wait3A_227 = arith.constant 0 : i32
      %dma_wait3A_228 = arith.constant 0 : i32
      %dma_wait3A_229 = tpu.memref_slice %arg8[%run_scoped3A_177, %dma_wait3A_227, %dma_wait3A_228] : memref<3x80x128xf32, #tpu.memory_space<vmem>> -> memref<1x80x128xf32, #tpu.memory_space<vmem>>
      %dma_wait3A_230 = tpu.memref_squeeze %dma_wait3A_229 : memref<1x80x128xf32, #tpu.memory_space<vmem>> -> memref<80x128xf32, #tpu.memory_space<vmem>>
      tpu.wait_dma2 semaphore(%run_scoped3A_202 : memref<!tpu.dma_semaphore, #tpu.memory_space<semaphore_mem>>) src(%dma_wait3A_230 : memref<80x128xf32, #tpu.memory_space<vmem>>) dst(%dma_wait3A_226 : memref<80x128xf32, #tpu.memory_space<hbm>>)
      tpu.yield
    }) : () -> ()
    %mul3A_178 = arith.constant 640 : i32
    %mul3A_179 = arith.muli %arg1, %mul3A_178 : i32
    %add3A_180 = arith.constant 320 : i32
    %add3A_181 = arith.addi %mul3A_179, %add3A_180 : i32
    %run_scoped3A_182 = arith.constant 0 : i32
    "tpu.region"() ({
      %run_scoped3A_202 = tpu.sem_alloc : memref<!tpu.dma_semaphore, #tpu.memory_space<semaphore_mem>>
      %dma_start3A_203 = arith.constant 0 : i32
      %dma_start3A_204 = arith.constant 0 : i32
      %dma_start3A_205 = tpu.memref_slice %arg8[%run_scoped3A_182, %dma_start3A_203, %dma_start3A_204] : memref<3x80x128xf32, #tpu.memory_space<vmem>> -> memref<1x80x128xf32, #tpu.memory_space<vmem>>
      %dma_start3A_206 = tpu.memref_squeeze %dma_start3A_205 : memref<1x80x128xf32, #tpu.memory_space<vmem>> -> memref<80x128xf32, #tpu.memory_space<vmem>>
      %dma_start3A_207 = arith.constant 0 : i32
      %dma_start3A_208 = tpu.memref_slice %arg9[%add3A_181, %dma_start3A_207] : memref<10240x128xf32, #tpu.memory_space<vmem_shared>> -> memref<80x128xf32, #tpu.memory_space<vmem_shared>>
      %dma_start3A_209 = arith.constant 0 : i32
      %dma_start3A_210 = arith.constant 0 : i32
      %dma_start3A_211 = tpu.memref_slice %arg8[%run_scoped3A_182, %dma_start3A_209, %dma_start3A_210] : memref<3x80x128xf32, #tpu.memory_space<vmem>> -> memref<1x80x128xf32, #tpu.memory_space<vmem>>
      %dma_start3A_212 = tpu.memref_squeeze %dma_start3A_211 : memref<1x80x128xf32, #tpu.memory_space<vmem>> -> memref<80x128xf32, #tpu.memory_space<vmem>>
      %dma_start3A_213 = arith.constant 0 : i32
      %dma_start3A_214 = tpu.memref_slice %arg9[%add3A_181, %dma_start3A_213] : memref<10240x128xf32, #tpu.memory_space<vmem_shared>> -> memref<80x128xf32, #tpu.memory_space<vmem_shared>>
      tpu.enqueue_dma source(%dma_start3A_214 : memref<80x128xf32, #tpu.memory_space<vmem_shared>>) target(%dma_start3A_212 : memref<80x128xf32, #tpu.memory_space<vmem>>) target_semaphore(%run_scoped3A_202 : memref<!tpu.dma_semaphore, #tpu.memory_space<semaphore_mem>>)
      %dma_wait3A_215 = arith.constant 0 : i32
      %dma_wait3A_216 = arith.constant 0 : i32
      %dma_wait3A_217 = tpu.memref_slice %arg8[%run_scoped3A_182, %dma_wait3A_215, %dma_wait3A_216] : memref<3x80x128xf32, #tpu.memory_space<vmem>> -> memref<1x80x128xf32, #tpu.memory_space<vmem>>
      %dma_wait3A_218 = tpu.memref_squeeze %dma_wait3A_217 : memref<1x80x128xf32, #tpu.memory_space<vmem>> -> memref<80x128xf32, #tpu.memory_space<vmem>>
      %dma_wait3A_219 = arith.constant 0 : i32
      %dma_wait3A_220 = tpu.memref_slice %arg9[%add3A_181, %dma_wait3A_219] : memref<10240x128xf32, #tpu.memory_space<vmem_shared>> -> memref<80x128xf32, #tpu.memory_space<vmem_shared>>
      %dma_wait3A_221 = arith.constant 0 : i32
      %dma_wait3A_222 = arith.constant 0 : i32
      %dma_wait3A_223 = tpu.memref_slice %arg8[%run_scoped3A_182, %dma_wait3A_221, %dma_wait3A_222] : memref<3x80x128xf32, #tpu.memory_space<vmem>> -> memref<1x80x128xf32, #tpu.memory_space<vmem>>
      %dma_wait3A_224 = tpu.memref_squeeze %dma_wait3A_223 : memref<1x80x128xf32, #tpu.memory_space<vmem>> -> memref<80x128xf32, #tpu.memory_space<vmem>>
      %dma_wait3A_225 = arith.constant 0 : i32
      %dma_wait3A_226 = tpu.memref_slice %arg9[%add3A_181, %dma_wait3A_225] : memref<10240x128xf32, #tpu.memory_space<vmem_shared>> -> memref<80x128xf32, #tpu.memory_space<vmem_shared>>
      tpu.wait_dma2 semaphore(%run_scoped3A_202 : memref<!tpu.dma_semaphore, #tpu.memory_space<semaphore_mem>>) src(%dma_wait3A_226 : memref<80x128xf32, #tpu.memory_space<vmem_shared>>) dst(%dma_wait3A_224 : memref<80x128xf32, #tpu.memory_space<vmem>>)
      tpu.yield
    }) : () -> ()
    %run_scoped3A_183 = arith.constant 0 : i32
    "tpu.region"() ({
      %run_scoped3A_202 = tpu.sem_alloc : memref<!tpu.dma_semaphore, #tpu.memory_space<semaphore_mem>>
      %dma_start3A_203 = arith.constant 0 : i32
      %dma_start3A_204 = arith.constant 0 : i32
      %dma_start3A_205 = tpu.memref_slice %arg8[%run_scoped3A_183, %dma_start3A_203, %dma_start3A_204] : memref<3x80x128xf32, #tpu.memory_space<vmem>> -> memref<1x80x128xf32, #tpu.memory_space<vmem>>
      %dma_start3A_206 = tpu.memref_squeeze %dma_start3A_205 : memref<1x80x128xf32, #tpu.memory_space<vmem>> -> memref<80x128xf32, #tpu.memory_space<vmem>>
      %dma_start3A_207 = arith.constant 0 : i32
      %dma_start3A_208 = tpu.memref_slice %arg5[%arg0, %add3A_181, %dma_start3A_207] : memref<2x10240x128xf32, #tpu.memory_space<hbm>> -> memref<1x80x128xf32, #tpu.memory_space<hbm>>
      %dma_start3A_209 = tpu.memref_squeeze %dma_start3A_208 : memref<1x80x128xf32, #tpu.memory_space<hbm>> -> memref<80x128xf32, #tpu.memory_space<hbm>>
      %dma_start3A_210 = arith.constant 0 : i32
      %dma_start3A_211 = tpu.memref_slice %arg5[%arg0, %add3A_181, %dma_start3A_210] : memref<2x10240x128xf32, #tpu.memory_space<hbm>> -> memref<1x80x128xf32, #tpu.memory_space<hbm>>
      %dma_start3A_212 = tpu.memref_squeeze %dma_start3A_211 : memref<1x80x128xf32, #tpu.memory_space<hbm>> -> memref<80x128xf32, #tpu.memory_space<hbm>>
      %dma_start3A_213 = arith.constant 0 : i32
      %dma_start3A_214 = arith.constant 0 : i32
      %dma_start3A_215 = tpu.memref_slice %arg8[%run_scoped3A_183, %dma_start3A_213, %dma_start3A_214] : memref<3x80x128xf32, #tpu.memory_space<vmem>> -> memref<1x80x128xf32, #tpu.memory_space<vmem>>
      %dma_start3A_216 = tpu.memref_squeeze %dma_start3A_215 : memref<1x80x128xf32, #tpu.memory_space<vmem>> -> memref<80x128xf32, #tpu.memory_space<vmem>>
      tpu.enqueue_dma source(%dma_start3A_216 : memref<80x128xf32, #tpu.memory_space<vmem>>) target(%dma_start3A_212 : memref<80x128xf32, #tpu.memory_space<hbm>>) target_semaphore(%run_scoped3A_202 : memref<!tpu.dma_semaphore, #tpu.memory_space<semaphore_mem>>)
      %dma_wait3A_217 = arith.constant 0 : i32
      %dma_wait3A_218 = arith.constant 0 : i32
      %dma_wait3A_219 = tpu.memref_slice %arg8[%run_scoped3A_183, %dma_wait3A_217, %dma_wait3A_218] : memref<3x80x128xf32, #tpu.memory_space<vmem>> -> memref<1x80x128xf32, #tpu.memory_space<vmem>>
      %dma_wait3A_220 = tpu.memref_squeeze %dma_wait3A_219 : memref<1x80x128xf32, #tpu.memory_space<vmem>> -> memref<80x128xf32, #tpu.memory_space<vmem>>
      %dma_wait3A_221 = arith.constant 0 : i32
      %dma_wait3A_222 = tpu.memref_slice %arg5[%arg0, %add3A_181, %dma_wait3A_221] : memref<2x10240x128xf32, #tpu.memory_space<hbm>> -> memref<1x80x128xf32, #tpu.memory_space<hbm>>
      %dma_wait3A_223 = tpu.memref_squeeze %dma_wait3A_222 : memref<1x80x128xf32, #tpu.memory_space<hbm>> -> memref<80x128xf32, #tpu.memory_space<hbm>>
      %dma_wait3A_224 = arith.constant 0 : i32
      %dma_wait3A_225 = tpu.memref_slice %arg5[%arg0, %add3A_181, %dma_wait3A_224] : memref<2x10240x128xf32, #tpu.memory_space<hbm>> -> memref<1x80x128xf32, #tpu.memory_space<hbm>>
      %dma_wait3A_226 = tpu.memref_squeeze %dma_wait3A_225 : memref<1x80x128xf32, #tpu.memory_space<hbm>> -> memref<80x128xf32, #tpu.memory_space<hbm>>
      %dma_wait3A_227 = arith.constant 0 : i32
      %dma_wait3A_228 = arith.constant 0 : i32
      %dma_wait3A_229 = tpu.memref_slice %arg8[%run_scoped3A_183, %dma_wait3A_227, %dma_wait3A_228] : memref<3x80x128xf32, #tpu.memory_space<vmem>> -> memref<1x80x128xf32, #tpu.memory_space<vmem>>
      %dma_wait3A_230 = tpu.memref_squeeze %dma_wait3A_229 : memref<1x80x128xf32, #tpu.memory_space<vmem>> -> memref<80x128xf32, #tpu.memory_space<vmem>>
      tpu.wait_dma2 semaphore(%run_scoped3A_202 : memref<!tpu.dma_semaphore, #tpu.memory_space<semaphore_mem>>) src(%dma_wait3A_230 : memref<80x128xf32, #tpu.memory_space<vmem>>) dst(%dma_wait3A_226 : memref<80x128xf32, #tpu.memory_space<hbm>>)
      tpu.yield
    }) : () -> ()
    %mul3A_184 = arith.constant 640 : i32
    %mul3A_185 = arith.muli %arg1, %mul3A_184 : i32
    %add3A_186 = arith.constant 400 : i32
    %add3A_187 = arith.addi %mul3A_185, %add3A_186 : i32
    %run_scoped3A_188 = arith.constant 0 : i32
    "tpu.region"() ({
      %run_scoped3A_202 = tpu.sem_alloc : memref<!tpu.dma_semaphore, #tpu.memory_space<semaphore_mem>>
      %dma_start3A_203 = arith.constant 0 : i32
      %dma_start3A_204 = arith.constant 0 : i32
      %dma_start3A_205 = tpu.memref_slice %arg8[%run_scoped3A_188, %dma_start3A_203, %dma_start3A_204] : memref<3x80x128xf32, #tpu.memory_space<vmem>> -> memref<1x80x128xf32, #tpu.memory_space<vmem>>
      %dma_start3A_206 = tpu.memref_squeeze %dma_start3A_205 : memref<1x80x128xf32, #tpu.memory_space<vmem>> -> memref<80x128xf32, #tpu.memory_space<vmem>>
      %dma_start3A_207 = arith.constant 0 : i32
      %dma_start3A_208 = tpu.memref_slice %arg9[%add3A_187, %dma_start3A_207] : memref<10240x128xf32, #tpu.memory_space<vmem_shared>> -> memref<80x128xf32, #tpu.memory_space<vmem_shared>>
      %dma_start3A_209 = arith.constant 0 : i32
      %dma_start3A_210 = arith.constant 0 : i32
      %dma_start3A_211 = tpu.memref_slice %arg8[%run_scoped3A_188, %dma_start3A_209, %dma_start3A_210] : memref<3x80x128xf32, #tpu.memory_space<vmem>> -> memref<1x80x128xf32, #tpu.memory_space<vmem>>
      %dma_start3A_212 = tpu.memref_squeeze %dma_start3A_211 : memref<1x80x128xf32, #tpu.memory_space<vmem>> -> memref<80x128xf32, #tpu.memory_space<vmem>>
      %dma_start3A_213 = arith.constant 0 : i32
      %dma_start3A_214 = tpu.memref_slice %arg9[%add3A_187, %dma_start3A_213] : memref<10240x128xf32, #tpu.memory_space<vmem_shared>> -> memref<80x128xf32, #tpu.memory_space<vmem_shared>>
      tpu.enqueue_dma source(%dma_start3A_214 : memref<80x128xf32, #tpu.memory_space<vmem_shared>>) target(%dma_start3A_212 : memref<80x128xf32, #tpu.memory_space<vmem>>) target_semaphore(%run_scoped3A_202 : memref<!tpu.dma_semaphore, #tpu.memory_space<semaphore_mem>>)
      %dma_wait3A_215 = arith.constant 0 : i32
      %dma_wait3A_216 = arith.constant 0 : i32
      %dma_wait3A_217 = tpu.memref_slice %arg8[%run_scoped3A_188, %dma_wait3A_215, %dma_wait3A_216] : memref<3x80x128xf32, #tpu.memory_space<vmem>> -> memref<1x80x128xf32, #tpu.memory_space<vmem>>
      %dma_wait3A_218 = tpu.memref_squeeze %dma_wait3A_217 : memref<1x80x128xf32, #tpu.memory_space<vmem>> -> memref<80x128xf32, #tpu.memory_space<vmem>>
      %dma_wait3A_219 = arith.constant 0 : i32
      %dma_wait3A_220 = tpu.memref_slice %arg9[%add3A_187, %dma_wait3A_219] : memref<10240x128xf32, #tpu.memory_space<vmem_shared>> -> memref<80x128xf32, #tpu.memory_space<vmem_shared>>
      %dma_wait3A_221 = arith.constant 0 : i32
      %dma_wait3A_222 = arith.constant 0 : i32
      %dma_wait3A_223 = tpu.memref_slice %arg8[%run_scoped3A_188, %dma_wait3A_221, %dma_wait3A_222] : memref<3x80x128xf32, #tpu.memory_space<vmem>> -> memref<1x80x128xf32, #tpu.memory_space<vmem>>
      %dma_wait3A_224 = tpu.memref_squeeze %dma_wait3A_223 : memref<1x80x128xf32, #tpu.memory_space<vmem>> -> memref<80x128xf32, #tpu.memory_space<vmem>>
      %dma_wait3A_225 = arith.constant 0 : i32
      %dma_wait3A_226 = tpu.memref_slice %arg9[%add3A_187, %dma_wait3A_225] : memref<10240x128xf32, #tpu.memory_space<vmem_shared>> -> memref<80x128xf32, #tpu.memory_space<vmem_shared>>
      tpu.wait_dma2 semaphore(%run_scoped3A_202 : memref<!tpu.dma_semaphore, #tpu.memory_space<semaphore_mem>>) src(%dma_wait3A_226 : memref<80x128xf32, #tpu.memory_space<vmem_shared>>) dst(%dma_wait3A_224 : memref<80x128xf32, #tpu.memory_space<vmem>>)
      tpu.yield
    }) : () -> ()
    %run_scoped3A_189 = arith.constant 0 : i32
    "tpu.region"() ({
      %run_scoped3A_202 = tpu.sem_alloc : memref<!tpu.dma_semaphore, #tpu.memory_space<semaphore_mem>>
      %dma_start3A_203 = arith.constant 0 : i32
      %dma_start3A_204 = arith.constant 0 : i32
      %dma_start3A_205 = tpu.memref_slice %arg8[%run_scoped3A_189, %dma_start3A_203, %dma_start3A_204] : memref<3x80x128xf32, #tpu.memory_space<vmem>> -> memref<1x80x128xf32, #tpu.memory_space<vmem>>
      %dma_start3A_206 = tpu.memref_squeeze %dma_start3A_205 : memref<1x80x128xf32, #tpu.memory_space<vmem>> -> memref<80x128xf32, #tpu.memory_space<vmem>>
      %dma_start3A_207 = arith.constant 0 : i32
      %dma_start3A_208 = tpu.memref_slice %arg5[%arg0, %add3A_187, %dma_start3A_207] : memref<2x10240x128xf32, #tpu.memory_space<hbm>> -> memref<1x80x128xf32, #tpu.memory_space<hbm>>
      %dma_start3A_209 = tpu.memref_squeeze %dma_start3A_208 : memref<1x80x128xf32, #tpu.memory_space<hbm>> -> memref<80x128xf32, #tpu.memory_space<hbm>>
      %dma_start3A_210 = arith.constant 0 : i32
      %dma_start3A_211 = tpu.memref_slice %arg5[%arg0, %add3A_187, %dma_start3A_210] : memref<2x10240x128xf32, #tpu.memory_space<hbm>> -> memref<1x80x128xf32, #tpu.memory_space<hbm>>
      %dma_start3A_212 = tpu.memref_squeeze %dma_start3A_211 : memref<1x80x128xf32, #tpu.memory_space<hbm>> -> memref<80x128xf32, #tpu.memory_space<hbm>>
      %dma_start3A_213 = arith.constant 0 : i32
      %dma_start3A_214 = arith.constant 0 : i32
      %dma_start3A_215 = tpu.memref_slice %arg8[%run_scoped3A_189, %dma_start3A_213, %dma_start3A_214] : memref<3x80x128xf32, #tpu.memory_space<vmem>> -> memref<1x80x128xf32, #tpu.memory_space<vmem>>
      %dma_start3A_216 = tpu.memref_squeeze %dma_start3A_215 : memref<1x80x128xf32, #tpu.memory_space<vmem>> -> memref<80x128xf32, #tpu.memory_space<vmem>>
      tpu.enqueue_dma source(%dma_start3A_216 : memref<80x128xf32, #tpu.memory_space<vmem>>) target(%dma_start3A_212 : memref<80x128xf32, #tpu.memory_space<hbm>>) target_semaphore(%run_scoped3A_202 : memref<!tpu.dma_semaphore, #tpu.memory_space<semaphore_mem>>)
      %dma_wait3A_217 = arith.constant 0 : i32
      %dma_wait3A_218 = arith.constant 0 : i32
      %dma_wait3A_219 = tpu.memref_slice %arg8[%run_scoped3A_189, %dma_wait3A_217, %dma_wait3A_218] : memref<3x80x128xf32, #tpu.memory_space<vmem>> -> memref<1x80x128xf32, #tpu.memory_space<vmem>>
      %dma_wait3A_220 = tpu.memref_squeeze %dma_wait3A_219 : memref<1x80x128xf32, #tpu.memory_space<vmem>> -> memref<80x128xf32, #tpu.memory_space<vmem>>
      %dma_wait3A_221 = arith.constant 0 : i32
      %dma_wait3A_222 = tpu.memref_slice %arg5[%arg0, %add3A_187, %dma_wait3A_221] : memref<2x10240x128xf32, #tpu.memory_space<hbm>> -> memref<1x80x128xf32, #tpu.memory_space<hbm>>
      %dma_wait3A_223 = tpu.memref_squeeze %dma_wait3A_222 : memref<1x80x128xf32, #tpu.memory_space<hbm>> -> memref<80x128xf32, #tpu.memory_space<hbm>>
      %dma_wait3A_224 = arith.constant 0 : i32
      %dma_wait3A_225 = tpu.memref_slice %arg5[%arg0, %add3A_187, %dma_wait3A_224] : memref<2x10240x128xf32, #tpu.memory_space<hbm>> -> memref<1x80x128xf32, #tpu.memory_space<hbm>>
      %dma_wait3A_226 = tpu.memref_squeeze %dma_wait3A_225 : memref<1x80x128xf32, #tpu.memory_space<hbm>> -> memref<80x128xf32, #tpu.memory_space<hbm>>
      %dma_wait3A_227 = arith.constant 0 : i32
      %dma_wait3A_228 = arith.constant 0 : i32
      %dma_wait3A_229 = tpu.memref_slice %arg8[%run_scoped3A_189, %dma_wait3A_227, %dma_wait3A_228] : memref<3x80x128xf32, #tpu.memory_space<vmem>> -> memref<1x80x128xf32, #tpu.memory_space<vmem>>
      %dma_wait3A_230 = tpu.memref_squeeze %dma_wait3A_229 : memref<1x80x128xf32, #tpu.memory_space<vmem>> -> memref<80x128xf32, #tpu.memory_space<vmem>>
      tpu.wait_dma2 semaphore(%run_scoped3A_202 : memref<!tpu.dma_semaphore, #tpu.memory_space<semaphore_mem>>) src(%dma_wait3A_230 : memref<80x128xf32, #tpu.memory_space<vmem>>) dst(%dma_wait3A_226 : memref<80x128xf32, #tpu.memory_space<hbm>>)
      tpu.yield
    }) : () -> ()
    %mul3A_190 = arith.constant 640 : i32
    %mul3A_191 = arith.muli %arg1, %mul3A_190 : i32
    %add3A_192 = arith.constant 480 : i32
    %add3A_193 = arith.addi %mul3A_191, %add3A_192 : i32
    %run_scoped3A_194 = arith.constant 0 : i32
    "tpu.region"() ({
      %run_scoped3A_202 = tpu.sem_alloc : memref<!tpu.dma_semaphore, #tpu.memory_space<semaphore_mem>>
      %dma_start3A_203 = arith.constant 0 : i32
      %dma_start3A_204 = arith.constant 0 : i32
      %dma_start3A_205 = tpu.memref_slice %arg8[%run_scoped3A_194, %dma_start3A_203, %dma_start3A_204] : memref<3x80x128xf32, #tpu.memory_space<vmem>> -> memref<1x80x128xf32, #tpu.memory_space<vmem>>
      %dma_start3A_206 = tpu.memref_squeeze %dma_start3A_205 : memref<1x80x128xf32, #tpu.memory_space<vmem>> -> memref<80x128xf32, #tpu.memory_space<vmem>>
      %dma_start3A_207 = arith.constant 0 : i32
      %dma_start3A_208 = tpu.memref_slice %arg9[%add3A_193, %dma_start3A_207] : memref<10240x128xf32, #tpu.memory_space<vmem_shared>> -> memref<80x128xf32, #tpu.memory_space<vmem_shared>>
      %dma_start3A_209 = arith.constant 0 : i32
      %dma_start3A_210 = arith.constant 0 : i32
      %dma_start3A_211 = tpu.memref_slice %arg8[%run_scoped3A_194, %dma_start3A_209, %dma_start3A_210] : memref<3x80x128xf32, #tpu.memory_space<vmem>> -> memref<1x80x128xf32, #tpu.memory_space<vmem>>
      %dma_start3A_212 = tpu.memref_squeeze %dma_start3A_211 : memref<1x80x128xf32, #tpu.memory_space<vmem>> -> memref<80x128xf32, #tpu.memory_space<vmem>>
      %dma_start3A_213 = arith.constant 0 : i32
      %dma_start3A_214 = tpu.memref_slice %arg9[%add3A_193, %dma_start3A_213] : memref<10240x128xf32, #tpu.memory_space<vmem_shared>> -> memref<80x128xf32, #tpu.memory_space<vmem_shared>>
      tpu.enqueue_dma source(%dma_start3A_214 : memref<80x128xf32, #tpu.memory_space<vmem_shared>>) target(%dma_start3A_212 : memref<80x128xf32, #tpu.memory_space<vmem>>) target_semaphore(%run_scoped3A_202 : memref<!tpu.dma_semaphore, #tpu.memory_space<semaphore_mem>>)
      %dma_wait3A_215 = arith.constant 0 : i32
      %dma_wait3A_216 = arith.constant 0 : i32
      %dma_wait3A_217 = tpu.memref_slice %arg8[%run_scoped3A_194, %dma_wait3A_215, %dma_wait3A_216] : memref<3x80x128xf32, #tpu.memory_space<vmem>> -> memref<1x80x128xf32, #tpu.memory_space<vmem>>
      %dma_wait3A_218 = tpu.memref_squeeze %dma_wait3A_217 : memref<1x80x128xf32, #tpu.memory_space<vmem>> -> memref<80x128xf32, #tpu.memory_space<vmem>>
      %dma_wait3A_219 = arith.constant 0 : i32
      %dma_wait3A_220 = tpu.memref_slice %arg9[%add3A_193, %dma_wait3A_219] : memref<10240x128xf32, #tpu.memory_space<vmem_shared>> -> memref<80x128xf32, #tpu.memory_space<vmem_shared>>
      %dma_wait3A_221 = arith.constant 0 : i32
      %dma_wait3A_222 = arith.constant 0 : i32
      %dma_wait3A_223 = tpu.memref_slice %arg8[%run_scoped3A_194, %dma_wait3A_221, %dma_wait3A_222] : memref<3x80x128xf32, #tpu.memory_space<vmem>> -> memref<1x80x128xf32, #tpu.memory_space<vmem>>
      %dma_wait3A_224 = tpu.memref_squeeze %dma_wait3A_223 : memref<1x80x128xf32, #tpu.memory_space<vmem>> -> memref<80x128xf32, #tpu.memory_space<vmem>>
      %dma_wait3A_225 = arith.constant 0 : i32
      %dma_wait3A_226 = tpu.memref_slice %arg9[%add3A_193, %dma_wait3A_225] : memref<10240x128xf32, #tpu.memory_space<vmem_shared>> -> memref<80x128xf32, #tpu.memory_space<vmem_shared>>
      tpu.wait_dma2 semaphore(%run_scoped3A_202 : memref<!tpu.dma_semaphore, #tpu.memory_space<semaphore_mem>>) src(%dma_wait3A_226 : memref<80x128xf32, #tpu.memory_space<vmem_shared>>) dst(%dma_wait3A_224 : memref<80x128xf32, #tpu.memory_space<vmem>>)
      tpu.yield
    }) : () -> ()
    %run_scoped3A_195 = arith.constant 0 : i32
    "tpu.region"() ({
      %run_scoped3A_202 = tpu.sem_alloc : memref<!tpu.dma_semaphore, #tpu.memory_space<semaphore_mem>>
      %dma_start3A_203 = arith.constant 0 : i32
      %dma_start3A_204 = arith.constant 0 : i32
      %dma_start3A_205 = tpu.memref_slice %arg8[%run_scoped3A_195, %dma_start3A_203, %dma_start3A_204] : memref<3x80x128xf32, #tpu.memory_space<vmem>> -> memref<1x80x128xf32, #tpu.memory_space<vmem>>
      %dma_start3A_206 = tpu.memref_squeeze %dma_start3A_205 : memref<1x80x128xf32, #tpu.memory_space<vmem>> -> memref<80x128xf32, #tpu.memory_space<vmem>>
      %dma_start3A_207 = arith.constant 0 : i32
      %dma_start3A_208 = tpu.memref_slice %arg5[%arg0, %add3A_193, %dma_start3A_207] : memref<2x10240x128xf32, #tpu.memory_space<hbm>> -> memref<1x80x128xf32, #tpu.memory_space<hbm>>
      %dma_start3A_209 = tpu.memref_squeeze %dma_start3A_208 : memref<1x80x128xf32, #tpu.memory_space<hbm>> -> memref<80x128xf32, #tpu.memory_space<hbm>>
      %dma_start3A_210 = arith.constant 0 : i32
      %dma_start3A_211 = tpu.memref_slice %arg5[%arg0, %add3A_193, %dma_start3A_210] : memref<2x10240x128xf32, #tpu.memory_space<hbm>> -> memref<1x80x128xf32, #tpu.memory_space<hbm>>
      %dma_start3A_212 = tpu.memref_squeeze %dma_start3A_211 : memref<1x80x128xf32, #tpu.memory_space<hbm>> -> memref<80x128xf32, #tpu.memory_space<hbm>>
      %dma_start3A_213 = arith.constant 0 : i32
      %dma_start3A_214 = arith.constant 0 : i32
      %dma_start3A_215 = tpu.memref_slice %arg8[%run_scoped3A_195, %dma_start3A_213, %dma_start3A_214] : memref<3x80x128xf32, #tpu.memory_space<vmem>> -> memref<1x80x128xf32, #tpu.memory_space<vmem>>
      %dma_start3A_216 = tpu.memref_squeeze %dma_start3A_215 : memref<1x80x128xf32, #tpu.memory_space<vmem>> -> memref<80x128xf32, #tpu.memory_space<vmem>>
      tpu.enqueue_dma source(%dma_start3A_216 : memref<80x128xf32, #tpu.memory_space<vmem>>) target(%dma_start3A_212 : memref<80x128xf32, #tpu.memory_space<hbm>>) target_semaphore(%run_scoped3A_202 : memref<!tpu.dma_semaphore, #tpu.memory_space<semaphore_mem>>)
      %dma_wait3A_217 = arith.constant 0 : i32
      %dma_wait3A_218 = arith.constant 0 : i32
      %dma_wait3A_219 = tpu.memref_slice %arg8[%run_scoped3A_195, %dma_wait3A_217, %dma_wait3A_218] : memref<3x80x128xf32, #tpu.memory_space<vmem>> -> memref<1x80x128xf32, #tpu.memory_space<vmem>>
      %dma_wait3A_220 = tpu.memref_squeeze %dma_wait3A_219 : memref<1x80x128xf32, #tpu.memory_space<vmem>> -> memref<80x128xf32, #tpu.memory_space<vmem>>
      %dma_wait3A_221 = arith.constant 0 : i32
      %dma_wait3A_222 = tpu.memref_slice %arg5[%arg0, %add3A_193, %dma_wait3A_221] : memref<2x10240x128xf32, #tpu.memory_space<hbm>> -> memref<1x80x128xf32, #tpu.memory_space<hbm>>
      %dma_wait3A_223 = tpu.memref_squeeze %dma_wait3A_222 : memref<1x80x128xf32, #tpu.memory_space<hbm>> -> memref<80x128xf32, #tpu.memory_space<hbm>>
      %dma_wait3A_224 = arith.constant 0 : i32
      %dma_wait3A_225 = tpu.memref_slice %arg5[%arg0, %add3A_193, %dma_wait3A_224] : memref<2x10240x128xf32, #tpu.memory_space<hbm>> -> memref<1x80x128xf32, #tpu.memory_space<hbm>>
      %dma_wait3A_226 = tpu.memref_squeeze %dma_wait3A_225 : memref<1x80x128xf32, #tpu.memory_space<hbm>> -> memref<80x128xf32, #tpu.memory_space<hbm>>
      %dma_wait3A_227 = arith.constant 0 : i32
      %dma_wait3A_228 = arith.constant 0 : i32
      %dma_wait3A_229 = tpu.memref_slice %arg8[%run_scoped3A_195, %dma_wait3A_227, %dma_wait3A_228] : memref<3x80x128xf32, #tpu.memory_space<vmem>> -> memref<1x80x128xf32, #tpu.memory_space<vmem>>
      %dma_wait3A_230 = tpu.memref_squeeze %dma_wait3A_229 : memref<1x80x128xf32, #tpu.memory_space<vmem>> -> memref<80x128xf32, #tpu.memory_space<vmem>>
      tpu.wait_dma2 semaphore(%run_scoped3A_202 : memref<!tpu.dma_semaphore, #tpu.memory_space<semaphore_mem>>) src(%dma_wait3A_230 : memref<80x128xf32, #tpu.memory_space<vmem>>) dst(%dma_wait3A_226 : memref<80x128xf32, #tpu.memory_space<hbm>>)
      tpu.yield
    }) : () -> ()
    %mul3A_196 = arith.constant 640 : i32
    %mul3A_197 = arith.muli %arg1, %mul3A_196 : i32
    %add3A_198 = arith.constant 560 : i32
    %add3A_199 = arith.addi %mul3A_197, %add3A_198 : i32
    %run_scoped3A_200 = arith.constant 0 : i32
    "tpu.region"() ({
      %run_scoped3A_202 = tpu.sem_alloc : memref<!tpu.dma_semaphore, #tpu.memory_space<semaphore_mem>>
      %dma_start3A_203 = arith.constant 0 : i32
      %dma_start3A_204 = arith.constant 0 : i32
      %dma_start3A_205 = tpu.memref_slice %arg8[%run_scoped3A_200, %dma_start3A_203, %dma_start3A_204] : memref<3x80x128xf32, #tpu.memory_space<vmem>> -> memref<1x80x128xf32, #tpu.memory_space<vmem>>
      %dma_start3A_206 = tpu.memref_squeeze %dma_start3A_205 : memref<1x80x128xf32, #tpu.memory_space<vmem>> -> memref<80x128xf32, #tpu.memory_space<vmem>>
      %dma_start3A_207 = arith.constant 0 : i32
      %dma_start3A_208 = tpu.memref_slice %arg9[%add3A_199, %dma_start3A_207] : memref<10240x128xf32, #tpu.memory_space<vmem_shared>> -> memref<80x128xf32, #tpu.memory_space<vmem_shared>>
      %dma_start3A_209 = arith.constant 0 : i32
      %dma_start3A_210 = arith.constant 0 : i32
      %dma_start3A_211 = tpu.memref_slice %arg8[%run_scoped3A_200, %dma_start3A_209, %dma_start3A_210] : memref<3x80x128xf32, #tpu.memory_space<vmem>> -> memref<1x80x128xf32, #tpu.memory_space<vmem>>
      %dma_start3A_212 = tpu.memref_squeeze %dma_start3A_211 : memref<1x80x128xf32, #tpu.memory_space<vmem>> -> memref<80x128xf32, #tpu.memory_space<vmem>>
      %dma_start3A_213 = arith.constant 0 : i32
      %dma_start3A_214 = tpu.memref_slice %arg9[%add3A_199, %dma_start3A_213] : memref<10240x128xf32, #tpu.memory_space<vmem_shared>> -> memref<80x128xf32, #tpu.memory_space<vmem_shared>>
      tpu.enqueue_dma source(%dma_start3A_214 : memref<80x128xf32, #tpu.memory_space<vmem_shared>>) target(%dma_start3A_212 : memref<80x128xf32, #tpu.memory_space<vmem>>) target_semaphore(%run_scoped3A_202 : memref<!tpu.dma_semaphore, #tpu.memory_space<semaphore_mem>>)
      %dma_wait3A_215 = arith.constant 0 : i32
      %dma_wait3A_216 = arith.constant 0 : i32
      %dma_wait3A_217 = tpu.memref_slice %arg8[%run_scoped3A_200, %dma_wait3A_215, %dma_wait3A_216] : memref<3x80x128xf32, #tpu.memory_space<vmem>> -> memref<1x80x128xf32, #tpu.memory_space<vmem>>
      %dma_wait3A_218 = tpu.memref_squeeze %dma_wait3A_217 : memref<1x80x128xf32, #tpu.memory_space<vmem>> -> memref<80x128xf32, #tpu.memory_space<vmem>>
      %dma_wait3A_219 = arith.constant 0 : i32
      %dma_wait3A_220 = tpu.memref_slice %arg9[%add3A_199, %dma_wait3A_219] : memref<10240x128xf32, #tpu.memory_space<vmem_shared>> -> memref<80x128xf32, #tpu.memory_space<vmem_shared>>
      %dma_wait3A_221 = arith.constant 0 : i32
      %dma_wait3A_222 = arith.constant 0 : i32
      %dma_wait3A_223 = tpu.memref_slice %arg8[%run_scoped3A_200, %dma_wait3A_221, %dma_wait3A_222] : memref<3x80x128xf32, #tpu.memory_space<vmem>> -> memref<1x80x128xf32, #tpu.memory_space<vmem>>
      %dma_wait3A_224 = tpu.memref_squeeze %dma_wait3A_223 : memref<1x80x128xf32, #tpu.memory_space<vmem>> -> memref<80x128xf32, #tpu.memory_space<vmem>>
      %dma_wait3A_225 = arith.constant 0 : i32
      %dma_wait3A_226 = tpu.memref_slice %arg9[%add3A_199, %dma_wait3A_225] : memref<10240x128xf32, #tpu.memory_space<vmem_shared>> -> memref<80x128xf32, #tpu.memory_space<vmem_shared>>
      tpu.wait_dma2 semaphore(%run_scoped3A_202 : memref<!tpu.dma_semaphore, #tpu.memory_space<semaphore_mem>>) src(%dma_wait3A_226 : memref<80x128xf32, #tpu.memory_space<vmem_shared>>) dst(%dma_wait3A_224 : memref<80x128xf32, #tpu.memory_space<vmem>>)
      tpu.yield
    }) : () -> ()
    %run_scoped3A_201 = arith.constant 0 : i32
    "tpu.region"() ({
      %run_scoped3A_202 = tpu.sem_alloc : memref<!tpu.dma_semaphore, #tpu.memory_space<semaphore_mem>>
      %dma_start3A_203 = arith.constant 0 : i32
      %dma_start3A_204 = arith.constant 0 : i32
      %dma_start3A_205 = tpu.memref_slice %arg8[%run_scoped3A_201, %dma_start3A_203, %dma_start3A_204] : memref<3x80x128xf32, #tpu.memory_space<vmem>> -> memref<1x80x128xf32, #tpu.memory_space<vmem>>
      %dma_start3A_206 = tpu.memref_squeeze %dma_start3A_205 : memref<1x80x128xf32, #tpu.memory_space<vmem>> -> memref<80x128xf32, #tpu.memory_space<vmem>>
      %dma_start3A_207 = arith.constant 0 : i32
      %dma_start3A_208 = tpu.memref_slice %arg5[%arg0, %add3A_199, %dma_start3A_207] : memref<2x10240x128xf32, #tpu.memory_space<hbm>> -> memref<1x80x128xf32, #tpu.memory_space<hbm>>
      %dma_start3A_209 = tpu.memref_squeeze %dma_start3A_208 : memref<1x80x128xf32, #tpu.memory_space<hbm>> -> memref<80x128xf32, #tpu.memory_space<hbm>>
      %dma_start3A_210 = arith.constant 0 : i32
      %dma_start3A_211 = tpu.memref_slice %arg5[%arg0, %add3A_199, %dma_start3A_210] : memref<2x10240x128xf32, #tpu.memory_space<hbm>> -> memref<1x80x128xf32, #tpu.memory_space<hbm>>
      %dma_start3A_212 = tpu.memref_squeeze %dma_start3A_211 : memref<1x80x128xf32, #tpu.memory_space<hbm>> -> memref<80x128xf32, #tpu.memory_space<hbm>>
      %dma_start3A_213 = arith.constant 0 : i32
      %dma_start3A_214 = arith.constant 0 : i32
      %dma_start3A_215 = tpu.memref_slice %arg8[%run_scoped3A_201, %dma_start3A_213, %dma_start3A_214] : memref<3x80x128xf32, #tpu.memory_space<vmem>> -> memref<1x80x128xf32, #tpu.memory_space<vmem>>
      %dma_start3A_216 = tpu.memref_squeeze %dma_start3A_215 : memref<1x80x128xf32, #tpu.memory_space<vmem>> -> memref<80x128xf32, #tpu.memory_space<vmem>>
      tpu.enqueue_dma source(%dma_start3A_216 : memref<80x128xf32, #tpu.memory_space<vmem>>) target(%dma_start3A_212 : memref<80x128xf32, #tpu.memory_space<hbm>>) target_semaphore(%run_scoped3A_202 : memref<!tpu.dma_semaphore, #tpu.memory_space<semaphore_mem>>)
      %dma_wait3A_217 = arith.constant 0 : i32
      %dma_wait3A_218 = arith.constant 0 : i32
      %dma_wait3A_219 = tpu.memref_slice %arg8[%run_scoped3A_201, %dma_wait3A_217, %dma_wait3A_218] : memref<3x80x128xf32, #tpu.memory_space<vmem>> -> memref<1x80x128xf32, #tpu.memory_space<vmem>>
      %dma_wait3A_220 = tpu.memref_squeeze %dma_wait3A_219 : memref<1x80x128xf32, #tpu.memory_space<vmem>> -> memref<80x128xf32, #tpu.memory_space<vmem>>
      %dma_wait3A_221 = arith.constant 0 : i32
      %dma_wait3A_222 = tpu.memref_slice %arg5[%arg0, %add3A_199, %dma_wait3A_221] : memref<2x10240x128xf32, #tpu.memory_space<hbm>> -> memref<1x80x128xf32, #tpu.memory_space<hbm>>
      %dma_wait3A_223 = tpu.memref_squeeze %dma_wait3A_222 : memref<1x80x128xf32, #tpu.memory_space<hbm>> -> memref<80x128xf32, #tpu.memory_space<hbm>>
      %dma_wait3A_224 = arith.constant 0 : i32
      %dma_wait3A_225 = tpu.memref_slice %arg5[%arg0, %add3A_199, %dma_wait3A_224] : memref<2x10240x128xf32, #tpu.memory_space<hbm>> -> memref<1x80x128xf32, #tpu.memory_space<hbm>>
      %dma_wait3A_226 = tpu.memref_squeeze %dma_wait3A_225 : memref<1x80x128xf32, #tpu.memory_space<hbm>> -> memref<80x128xf32, #tpu.memory_space<hbm>>
      %dma_wait3A_227 = arith.constant 0 : i32
      %dma_wait3A_228 = arith.constant 0 : i32
      %dma_wait3A_229 = tpu.memref_slice %arg8[%run_scoped3A_201, %dma_wait3A_227, %dma_wait3A_228] : memref<3x80x128xf32, #tpu.memory_space<vmem>> -> memref<1x80x128xf32, #tpu.memory_space<vmem>>
      %dma_wait3A_230 = tpu.memref_squeeze %dma_wait3A_229 : memref<1x80x128xf32, #tpu.memory_space<vmem>> -> memref<80x128xf32, #tpu.memory_space<vmem>>
      tpu.wait_dma2 semaphore(%run_scoped3A_202 : memref<!tpu.dma_semaphore, #tpu.memory_space<semaphore_mem>>) src(%dma_wait3A_230 : memref<80x128xf32, #tpu.memory_space<vmem>>) dst(%dma_wait3A_226 : memref<80x128xf32, #tpu.memory_space<hbm>>)
      tpu.yield
    }) : () -> ()
    return
  }
}

#map = affine_map<(d0, d1) -> (0)>
module attributes {stable_mosaic.version = 14 : i64} {
  func.func @_deg_kernel(%arg0: i32, %arg1: i32, %arg2: memref<320000xi32, #tpu.memory_space<hbm>>, %arg3: memref<20480xf32, #tpu.memory_space<hbm>>, %arg4: memref<5x80xi32, #tpu.memory_space<vmem>>, %arg5: memref<80xf32, #tpu.memory_space<vmem>>, %arg6: memref<640xf32, #tpu.memory_space<vmem>>, %arg7: memref<10240xf32, #tpu.memory_space<vmem_shared>>, %arg8: memref<!tpu.dma_semaphore, #tpu.memory_space<semaphore_mem>>, %arg9: memref<!tpu.dma_semaphore, #tpu.memory_space<semaphore_mem>>, %arg10: memref<!tpu.dma_semaphore, #tpu.memory_space<semaphore_mem>>, %arg11: memref<!tpu.dma_semaphore, #tpu.memory_space<semaphore_mem>>, %arg12: memref<!tpu.dma_semaphore, #tpu.memory_space<semaphore_mem>>, %arg13: memref<!tpu.dma_semaphore, #tpu.memory_space<semaphore_mem>>, %arg14: memref<!tpu.dma_semaphore, #tpu.memory_space<semaphore_mem>>, %arg15: memref<!tpu.dma_semaphore, #tpu.memory_space<semaphore_mem>>, %arg16: memref<!tpu.dma_semaphore, #tpu.memory_space<semaphore_mem>>, %arg17: memref<!tpu.dma_semaphore, #tpu.memory_space<semaphore_mem>>) attributes {dimension_semantics = [#tpu.dimension_semantics<core_parallel>, #tpu.dimension_semantics<subcore_parallel>], iteration_bounds = array<i64: 2, 16>, scalar_prefetch = 0 : i64, scratch_operands = 14 : i64, tpu.core_type = #tpu.core_type<sc_vector_subcore>, window_params = [{transform_indices = #map}, {transform_indices = #map}]} {
    %mul3A = arith.constant 2 : i32
    %mul3A_0 = arith.muli %arg1, %mul3A : i32
    %add3A = arith.addi %mul3A_0, %arg0 : i32
    %mul3A_1 = arith.constant 10000 : i32
    %mul3A_2 = arith.muli %add3A, %mul3A_1 : i32
    %broadcast_in_dim3A = arith.constant 0.000000e+00 : f32
    %broadcast_in_dim3A_3 = vector.broadcast %broadcast_in_dim3A : f32 to vector<16xf32>
    %scan3A = arith.constant 0 : i32
    %scan3A_4 = arith.constant 0 : i32
    %scan3A_5 = arith.constant 40 : i32
    %scan3A_6 = arith.addi %scan3A_4, %scan3A_5 : i32
    %scan3A_7 = arith.constant 1 : i32
    %scan3A_8 = scf.for %scan3A_90 = %scan3A_4 to %scan3A_6 step %scan3A_7 iter_args(%scan3A_91 = %scan3A) -> (i32)  : i32 {
      %mul3A_92 = arith.constant 16 : i32
      %mul3A_93 = arith.muli %scan3A_90, %mul3A_92 : i32
      %swap3A = arith.index_cast %mul3A_93 : i32 to index
      %swap3A_94 = tpu.vector_load %arg6[%swap3A] {strides = array<i32>} : memref<640xf32, #tpu.memory_space<vmem>>, vector<16xf32>,
      %swap3A_95 = vector.shape_cast %swap3A_94 : vector<16xf32> to vector<16xf32>
      %swap3A_96 = vector.shape_cast %broadcast_in_dim3A_3 : vector<16xf32> to vector<16xf32>
      tpu.vector_store %arg6[%swap3A], %swap3A_96 {strides = array<i32>} : memref<640xf32, #tpu.memory_space<vmem>>, vector<16xf32>,
      %scan3A_97 = arith.constant 0 : i32
      scf.yield %scan3A_97 : i32
    }
    %scan3A_9 = arith.constant 40 : i32
    %mul3A_10 = arith.constant 640 : i32
    %mul3A_11 = arith.muli %arg1, %mul3A_10 : i32
    "tpu.region"() ({
      %run_scoped3A = tpu.sem_alloc : memref<!tpu.dma_semaphore, #tpu.memory_space<semaphore_mem>>
      %dma_start3A = tpu.memref_slice %arg7[%mul3A_11] : memref<10240xf32, #tpu.memory_space<vmem_shared>> -> memref<640xf32, #tpu.memory_space<vmem_shared>>
      %dma_start3A_90 = tpu.memref_slice %arg7[%mul3A_11] : memref<10240xf32, #tpu.memory_space<vmem_shared>> -> memref<640xf32, #tpu.memory_space<vmem_shared>>
      tpu.enqueue_dma source(%arg6 : memref<640xf32, #tpu.memory_space<vmem>>) target(%dma_start3A_90 : memref<640xf32, #tpu.memory_space<vmem_shared>>) target_semaphore(%run_scoped3A : memref<!tpu.dma_semaphore, #tpu.memory_space<semaphore_mem>>)
      %dma_wait3A_91 = tpu.memref_slice %arg7[%mul3A_11] : memref<10240xf32, #tpu.memory_space<vmem_shared>> -> memref<640xf32, #tpu.memory_space<vmem_shared>>
      %dma_wait3A_92 = tpu.memref_slice %arg7[%mul3A_11] : memref<10240xf32, #tpu.memory_space<vmem_shared>> -> memref<640xf32, #tpu.memory_space<vmem_shared>>
      tpu.wait_dma2 semaphore(%run_scoped3A : memref<!tpu.dma_semaphore, #tpu.memory_space<semaphore_mem>>) src(%arg6 : memref<640xf32, #tpu.memory_space<vmem>>) dst(%dma_wait3A_92 : memref<640xf32, #tpu.memory_space<vmem_shared>>)
      tpu.yield
    }) : () -> ()
    %barrier3A = arith.constant 0 : index
    tpu.barrier barrier_id(%barrier3A)
    %broadcast_in_dim3A_12 = arith.constant 1.000000e+00 : f32
    %broadcast_in_dim3A_13 = vector.broadcast %broadcast_in_dim3A_12 : f32 to vector<16xf32>
    %scan3A_14 = arith.constant 0 : i32
    %scan3A_15 = arith.constant 0 : i32
    %scan3A_16 = arith.constant 5 : i32
    %scan3A_17 = arith.addi %scan3A_15, %scan3A_16 : i32
    %scan3A_18 = arith.constant 1 : i32
    %scan3A_19 = scf.for %scan3A_90 = %scan3A_15 to %scan3A_17 step %scan3A_18 iter_args(%scan3A_91 = %scan3A_14) -> (i32)  : i32 {
      %mul3A_92 = arith.constant 16 : i32
      %mul3A_93 = arith.muli %scan3A_90, %mul3A_92 : i32
      %swap3A = arith.index_cast %mul3A_93 : i32 to index
      %swap3A_94 = tpu.vector_load %arg5[%swap3A] {strides = array<i32>} : memref<80xf32, #tpu.memory_space<vmem>>, vector<16xf32>,
      %swap3A_95 = vector.shape_cast %swap3A_94 : vector<16xf32> to vector<16xf32>
      %swap3A_96 = vector.shape_cast %broadcast_in_dim3A_13 : vector<16xf32> to vector<16xf32>
      tpu.vector_store %arg5[%swap3A], %swap3A_96 {strides = array<i32>} : memref<80xf32, #tpu.memory_space<vmem>>, vector<16xf32>,
      %scan3A_97 = arith.constant 0 : i32
      scf.yield %scan3A_97 : i32
    }
    %scan3A_20 = arith.constant 5 : i32
    %scan3A_21 = arith.constant 0 : i32
    %scan3A_22 = arith.constant 0 : i32
    %scan3A_23 = arith.constant 25 : i32
    %scan3A_24 = arith.addi %scan3A_22, %scan3A_23 : i32
    %scan3A_25 = arith.constant 1 : i32
    %scan3A_26 = scf.for %scan3A_90 = %scan3A_22 to %scan3A_24 step %scan3A_25 iter_args(%scan3A_91 = %scan3A_21) -> (i32)  : i32 {
      %mul3A_92 = arith.constant 5 : i32
      %mul3A_93 = arith.muli %scan3A_90, %mul3A_92 : i32
      %add3A_94 = arith.constant 0 : i32
      %add3A_95 = arith.addi %mul3A_93, %add3A_94 : i32
      %mul3A_96 = arith.constant 80 : i32
      %mul3A_97 = arith.muli %add3A_95, %mul3A_96 : i32
      %add3A_98 = arith.addi %mul3A_2, %mul3A_97 : i32
      %gt3A = arith.constant 0 : i32
      %gt3A_99 = arith.cmpi sgt, %scan3A_90, %gt3A : i32
      %convert_element_type3A = arith.extui %gt3A_99 : i1 to i32
      %cond3A = arith.constant 0 : i32
      %cond3A_100 = arith.cmpi ne, %convert_element_type3A, %cond3A : i32
      scf.if %cond3A_100 {
        %dma_wait3A_269 = arith.constant 0 : i32
        %dma_wait3A_270 = arith.constant 0 : i32
        %dma_wait3A_271 = tpu.memref_slice %arg4[%dma_wait3A_269, %dma_wait3A_270] : memref<5x80xi32, #tpu.memory_space<vmem>> -> memref<1x80xi32, #tpu.memory_space<vmem>>
        %dma_wait3A_272 = tpu.memref_squeeze %dma_wait3A_271 : memref<1x80xi32, #tpu.memory_space<vmem>> -> memref<80xi32, #tpu.memory_space<vmem>>
        %dma_wait3A_273 = arith.constant 0 : i32
        %dma_wait3A_274 = tpu.memref_slice %arg2[%dma_wait3A_273] : memref<320000xi32, #tpu.memory_space<hbm>> -> memref<80xi32, #tpu.memory_space<hbm>>
        %dma_wait3A_275 = arith.constant 0 : i32
        %dma_wait3A_276 = tpu.memref_slice %arg4[%dma_wait3A_269, %dma_wait3A_275] : memref<5x80xi32, #tpu.memory_space<vmem>> -> memref<1x80xi32, #tpu.memory_space<vmem>>
        %dma_wait3A_277 = tpu.memref_squeeze %dma_wait3A_276 : memref<1x80xi32, #tpu.memory_space<vmem>> -> memref<80xi32, #tpu.memory_space<vmem>>
        %dma_wait3A_278 = arith.constant 0 : i32
        %dma_wait3A_279 = tpu.memref_slice %arg2[%dma_wait3A_278] : memref<320000xi32, #tpu.memory_space<hbm>> -> memref<80xi32, #tpu.memory_space<hbm>>
        tpu.wait_dma2 semaphore(%arg13 : memref<!tpu.dma_semaphore, #tpu.memory_space<semaphore_mem>>) src(%dma_wait3A_279 : memref<80xi32, #tpu.memory_space<hbm>>) dst(%dma_wait3A_277 : memref<80xi32, #tpu.memory_space<vmem>>)
      } else {
      }
      %dma_start3A = arith.constant 0 : i32
      %dma_start3A_101 = arith.constant 0 : i32
      %dma_start3A_102 = tpu.memref_slice %arg4[%dma_start3A, %dma_start3A_101] : memref<5x80xi32, #tpu.memory_space<vmem>> -> memref<1x80xi32, #tpu.memory_space<vmem>>
      %dma_start3A_103 = tpu.memref_squeeze %dma_start3A_102 : memref<1x80xi32, #tpu.memory_space<vmem>> -> memref<80xi32, #tpu.memory_space<vmem>>
      %dma_start3A_104 = tpu.memref_slice %arg2[%add3A_98] : memref<320000xi32, #tpu.memory_space<hbm>> -> memref<80xi32, #tpu.memory_space<hbm>>
      %dma_start3A_105 = arith.constant 0 : i32
      %dma_start3A_106 = tpu.memref_slice %arg4[%dma_start3A, %dma_start3A_105] : memref<5x80xi32, #tpu.memory_space<vmem>> -> memref<1x80xi32, #tpu.memory_space<vmem>>
      %dma_start3A_107 = tpu.memref_squeeze %dma_start3A_106 : memref<1x80xi32, #tpu.memory_space<vmem>> -> memref<80xi32, #tpu.memory_space<vmem>>
      %dma_start3A_108 = tpu.memref_slice %arg2[%add3A_98] : memref<320000xi32, #tpu.memory_space<hbm>> -> memref<80xi32, #tpu.memory_space<hbm>>
      tpu.enqueue_dma source(%dma_start3A_108 : memref<80xi32, #tpu.memory_space<hbm>>) target(%dma_start3A_107 : memref<80xi32, #tpu.memory_space<vmem>>) target_semaphore(%arg8 : memref<!tpu.dma_semaphore, #tpu.memory_space<semaphore_mem>>)
      %mul3A_109 = arith.constant 5 : i32
      %mul3A_110 = arith.muli %scan3A_90, %mul3A_109 : i32
      %add3A_111 = arith.constant 1 : i32
      %add3A_112 = arith.addi %mul3A_110, %add3A_111 : i32
      %mul3A_113 = arith.constant 80 : i32
      %mul3A_114 = arith.muli %add3A_112, %mul3A_113 : i32
      %add3A_115 = arith.addi %mul3A_2, %mul3A_114 : i32
      %gt3A_116 = arith.constant 0 : i32
      %gt3A_117 = arith.cmpi sgt, %scan3A_90, %gt3A_116 : i32
      %convert_element_type3A_118 = arith.extui %gt3A_117 : i1 to i32
      %cond3A_119 = arith.constant 0 : i32
      %cond3A_120 = arith.cmpi ne, %convert_element_type3A_118, %cond3A_119 : i32
      scf.if %cond3A_120 {
        %dma_wait3A_269 = arith.constant 1 : i32
        %dma_wait3A_270 = arith.constant 0 : i32
        %dma_wait3A_271 = tpu.memref_slice %arg4[%dma_wait3A_269, %dma_wait3A_270] : memref<5x80xi32, #tpu.memory_space<vmem>> -> memref<1x80xi32, #tpu.memory_space<vmem>>
        %dma_wait3A_272 = tpu.memref_squeeze %dma_wait3A_271 : memref<1x80xi32, #tpu.memory_space<vmem>> -> memref<80xi32, #tpu.memory_space<vmem>>
        %dma_wait3A_273 = arith.constant 0 : i32
        %dma_wait3A_274 = tpu.memref_slice %arg2[%dma_wait3A_273] : memref<320000xi32, #tpu.memory_space<hbm>> -> memref<80xi32, #tpu.memory_space<hbm>>
        %dma_wait3A_275 = arith.constant 0 : i32
        %dma_wait3A_276 = tpu.memref_slice %arg4[%dma_wait3A_269, %dma_wait3A_275] : memref<5x80xi32, #tpu.memory_space<vmem>> -> memref<1x80xi32, #tpu.memory_space<vmem>>
        %dma_wait3A_277 = tpu.memref_squeeze %dma_wait3A_276 : memref<1x80xi32, #tpu.memory_space<vmem>> -> memref<80xi32, #tpu.memory_space<vmem>>
        %dma_wait3A_278 = arith.constant 0 : i32
        %dma_wait3A_279 = tpu.memref_slice %arg2[%dma_wait3A_278] : memref<320000xi32, #tpu.memory_space<hbm>> -> memref<80xi32, #tpu.memory_space<hbm>>
        tpu.wait_dma2 semaphore(%arg14 : memref<!tpu.dma_semaphore, #tpu.memory_space<semaphore_mem>>) src(%dma_wait3A_279 : memref<80xi32, #tpu.memory_space<hbm>>) dst(%dma_wait3A_277 : memref<80xi32, #tpu.memory_space<vmem>>)
      } else {
      }
      %dma_start3A_121 = arith.constant 1 : i32
      %dma_start3A_122 = arith.constant 0 : i32
      %dma_start3A_123 = tpu.memref_slice %arg4[%dma_start3A_121, %dma_start3A_122] : memref<5x80xi32, #tpu.memory_space<vmem>> -> memref<1x80xi32, #tpu.memory_space<vmem>>
      %dma_start3A_124 = tpu.memref_squeeze %dma_start3A_123 : memref<1x80xi32, #tpu.memory_space<vmem>> -> memref<80xi32, #tpu.memory_space<vmem>>
      %dma_start3A_125 = tpu.memref_slice %arg2[%add3A_115] : memref<320000xi32, #tpu.memory_space<hbm>> -> memref<80xi32, #tpu.memory_space<hbm>>
      %dma_start3A_126 = arith.constant 0 : i32
      %dma_start3A_127 = tpu.memref_slice %arg4[%dma_start3A_121, %dma_start3A_126] : memref<5x80xi32, #tpu.memory_space<vmem>> -> memref<1x80xi32, #tpu.memory_space<vmem>>
      %dma_start3A_128 = tpu.memref_squeeze %dma_start3A_127 : memref<1x80xi32, #tpu.memory_space<vmem>> -> memref<80xi32, #tpu.memory_space<vmem>>
      %dma_start3A_129 = tpu.memref_slice %arg2[%add3A_115] : memref<320000xi32, #tpu.memory_space<hbm>> -> memref<80xi32, #tpu.memory_space<hbm>>
      tpu.enqueue_dma source(%dma_start3A_129 : memref<80xi32, #tpu.memory_space<hbm>>) target(%dma_start3A_128 : memref<80xi32, #tpu.memory_space<vmem>>) target_semaphore(%arg9 : memref<!tpu.dma_semaphore, #tpu.memory_space<semaphore_mem>>)
      %mul3A_130 = arith.constant 5 : i32
      %mul3A_131 = arith.muli %scan3A_90, %mul3A_130 : i32
      %add3A_132 = arith.constant 2 : i32
      %add3A_133 = arith.addi %mul3A_131, %add3A_132 : i32
      %mul3A_134 = arith.constant 80 : i32
      %mul3A_135 = arith.muli %add3A_133, %mul3A_134 : i32
      %add3A_136 = arith.addi %mul3A_2, %mul3A_135 : i32
      %gt3A_137 = arith.constant 0 : i32
      %gt3A_138 = arith.cmpi sgt, %scan3A_90, %gt3A_137 : i32
      %convert_element_type3A_139 = arith.extui %gt3A_138 : i1 to i32
      %cond3A_140 = arith.constant 0 : i32
      %cond3A_141 = arith.cmpi ne, %convert_element_type3A_139, %cond3A_140 : i32
      scf.if %cond3A_141 {
        %dma_wait3A_269 = arith.constant 2 : i32
        %dma_wait3A_270 = arith.constant 0 : i32
        %dma_wait3A_271 = tpu.memref_slice %arg4[%dma_wait3A_269, %dma_wait3A_270] : memref<5x80xi32, #tpu.memory_space<vmem>> -> memref<1x80xi32, #tpu.memory_space<vmem>>
        %dma_wait3A_272 = tpu.memref_squeeze %dma_wait3A_271 : memref<1x80xi32, #tpu.memory_space<vmem>> -> memref<80xi32, #tpu.memory_space<vmem>>
        %dma_wait3A_273 = arith.constant 0 : i32
        %dma_wait3A_274 = tpu.memref_slice %arg2[%dma_wait3A_273] : memref<320000xi32, #tpu.memory_space<hbm>> -> memref<80xi32, #tpu.memory_space<hbm>>
        %dma_wait3A_275 = arith.constant 0 : i32
        %dma_wait3A_276 = tpu.memref_slice %arg4[%dma_wait3A_269, %dma_wait3A_275] : memref<5x80xi32, #tpu.memory_space<vmem>> -> memref<1x80xi32, #tpu.memory_space<vmem>>
        %dma_wait3A_277 = tpu.memref_squeeze %dma_wait3A_276 : memref<1x80xi32, #tpu.memory_space<vmem>> -> memref<80xi32, #tpu.memory_space<vmem>>
        %dma_wait3A_278 = arith.constant 0 : i32
        %dma_wait3A_279 = tpu.memref_slice %arg2[%dma_wait3A_278] : memref<320000xi32, #tpu.memory_space<hbm>> -> memref<80xi32, #tpu.memory_space<hbm>>
        tpu.wait_dma2 semaphore(%arg15 : memref<!tpu.dma_semaphore, #tpu.memory_space<semaphore_mem>>) src(%dma_wait3A_279 : memref<80xi32, #tpu.memory_space<hbm>>) dst(%dma_wait3A_277 : memref<80xi32, #tpu.memory_space<vmem>>)
      } else {
      }
      %dma_start3A_142 = arith.constant 2 : i32
      %dma_start3A_143 = arith.constant 0 : i32
      %dma_start3A_144 = tpu.memref_slice %arg4[%dma_start3A_142, %dma_start3A_143] : memref<5x80xi32, #tpu.memory_space<vmem>> -> memref<1x80xi32, #tpu.memory_space<vmem>>
      %dma_start3A_145 = tpu.memref_squeeze %dma_start3A_144 : memref<1x80xi32, #tpu.memory_space<vmem>> -> memref<80xi32, #tpu.memory_space<vmem>>
      %dma_start3A_146 = tpu.memref_slice %arg2[%add3A_136] : memref<320000xi32, #tpu.memory_space<hbm>> -> memref<80xi32, #tpu.memory_space<hbm>>
      %dma_start3A_147 = arith.constant 0 : i32
      %dma_start3A_148 = tpu.memref_slice %arg4[%dma_start3A_142, %dma_start3A_147] : memref<5x80xi32, #tpu.memory_space<vmem>> -> memref<1x80xi32, #tpu.memory_space<vmem>>
      %dma_start3A_149 = tpu.memref_squeeze %dma_start3A_148 : memref<1x80xi32, #tpu.memory_space<vmem>> -> memref<80xi32, #tpu.memory_space<vmem>>
      %dma_start3A_150 = tpu.memref_slice %arg2[%add3A_136] : memref<320000xi32, #tpu.memory_space<hbm>> -> memref<80xi32, #tpu.memory_space<hbm>>
      tpu.enqueue_dma source(%dma_start3A_150 : memref<80xi32, #tpu.memory_space<hbm>>) target(%dma_start3A_149 : memref<80xi32, #tpu.memory_space<vmem>>) target_semaphore(%arg10 : memref<!tpu.dma_semaphore, #tpu.memory_space<semaphore_mem>>)
      %mul3A_151 = arith.constant 5 : i32
      %mul3A_152 = arith.muli %scan3A_90, %mul3A_151 : i32
      %add3A_153 = arith.constant 3 : i32
      %add3A_154 = arith.addi %mul3A_152, %add3A_153 : i32
      %mul3A_155 = arith.constant 80 : i32
      %mul3A_156 = arith.muli %add3A_154, %mul3A_155 : i32
      %add3A_157 = arith.addi %mul3A_2, %mul3A_156 : i32
      %gt3A_158 = arith.constant 0 : i32
      %gt3A_159 = arith.cmpi sgt, %scan3A_90, %gt3A_158 : i32
      %convert_element_type3A_160 = arith.extui %gt3A_159 : i1 to i32
      %cond3A_161 = arith.constant 0 : i32
      %cond3A_162 = arith.cmpi ne, %convert_element_type3A_160, %cond3A_161 : i32
      scf.if %cond3A_162 {
        %dma_wait3A_269 = arith.constant 3 : i32
        %dma_wait3A_270 = arith.constant 0 : i32
        %dma_wait3A_271 = tpu.memref_slice %arg4[%dma_wait3A_269, %dma_wait3A_270] : memref<5x80xi32, #tpu.memory_space<vmem>> -> memref<1x80xi32, #tpu.memory_space<vmem>>
        %dma_wait3A_272 = tpu.memref_squeeze %dma_wait3A_271 : memref<1x80xi32, #tpu.memory_space<vmem>> -> memref<80xi32, #tpu.memory_space<vmem>>
        %dma_wait3A_273 = arith.constant 0 : i32
        %dma_wait3A_274 = tpu.memref_slice %arg2[%dma_wait3A_273] : memref<320000xi32, #tpu.memory_space<hbm>> -> memref<80xi32, #tpu.memory_space<hbm>>
        %dma_wait3A_275 = arith.constant 0 : i32
        %dma_wait3A_276 = tpu.memref_slice %arg4[%dma_wait3A_269, %dma_wait3A_275] : memref<5x80xi32, #tpu.memory_space<vmem>> -> memref<1x80xi32, #tpu.memory_space<vmem>>
        %dma_wait3A_277 = tpu.memref_squeeze %dma_wait3A_276 : memref<1x80xi32, #tpu.memory_space<vmem>> -> memref<80xi32, #tpu.memory_space<vmem>>
        %dma_wait3A_278 = arith.constant 0 : i32
        %dma_wait3A_279 = tpu.memref_slice %arg2[%dma_wait3A_278] : memref<320000xi32, #tpu.memory_space<hbm>> -> memref<80xi32, #tpu.memory_space<hbm>>
        tpu.wait_dma2 semaphore(%arg16 : memref<!tpu.dma_semaphore, #tpu.memory_space<semaphore_mem>>) src(%dma_wait3A_279 : memref<80xi32, #tpu.memory_space<hbm>>) dst(%dma_wait3A_277 : memref<80xi32, #tpu.memory_space<vmem>>)
      } else {
      }
      %dma_start3A_163 = arith.constant 3 : i32
      %dma_start3A_164 = arith.constant 0 : i32
      %dma_start3A_165 = tpu.memref_slice %arg4[%dma_start3A_163, %dma_start3A_164] : memref<5x80xi32, #tpu.memory_space<vmem>> -> memref<1x80xi32, #tpu.memory_space<vmem>>
      %dma_start3A_166 = tpu.memref_squeeze %dma_start3A_165 : memref<1x80xi32, #tpu.memory_space<vmem>> -> memref<80xi32, #tpu.memory_space<vmem>>
      %dma_start3A_167 = tpu.memref_slice %arg2[%add3A_157] : memref<320000xi32, #tpu.memory_space<hbm>> -> memref<80xi32, #tpu.memory_space<hbm>>
      %dma_start3A_168 = arith.constant 0 : i32
      %dma_start3A_169 = tpu.memref_slice %arg4[%dma_start3A_163, %dma_start3A_168] : memref<5x80xi32, #tpu.memory_space<vmem>> -> memref<1x80xi32, #tpu.memory_space<vmem>>
      %dma_start3A_170 = tpu.memref_squeeze %dma_start3A_169 : memref<1x80xi32, #tpu.memory_space<vmem>> -> memref<80xi32, #tpu.memory_space<vmem>>
      %dma_start3A_171 = tpu.memref_slice %arg2[%add3A_157] : memref<320000xi32, #tpu.memory_space<hbm>> -> memref<80xi32, #tpu.memory_space<hbm>>
      tpu.enqueue_dma source(%dma_start3A_171 : memref<80xi32, #tpu.memory_space<hbm>>) target(%dma_start3A_170 : memref<80xi32, #tpu.memory_space<vmem>>) target_semaphore(%arg11 : memref<!tpu.dma_semaphore, #tpu.memory_space<semaphore_mem>>)
      %mul3A_172 = arith.constant 5 : i32
      %mul3A_173 = arith.muli %scan3A_90, %mul3A_172 : i32
      %add3A_174 = arith.constant 4 : i32
      %add3A_175 = arith.addi %mul3A_173, %add3A_174 : i32
      %mul3A_176 = arith.constant 80 : i32
      %mul3A_177 = arith.muli %add3A_175, %mul3A_176 : i32
      %add3A_178 = arith.addi %mul3A_2, %mul3A_177 : i32
      %gt3A_179 = arith.constant 0 : i32
      %gt3A_180 = arith.cmpi sgt, %scan3A_90, %gt3A_179 : i32
      %convert_element_type3A_181 = arith.extui %gt3A_180 : i1 to i32
      %cond3A_182 = arith.constant 0 : i32
      %cond3A_183 = arith.cmpi ne, %convert_element_type3A_181, %cond3A_182 : i32
      scf.if %cond3A_183 {
        %dma_wait3A_269 = arith.constant 4 : i32
        %dma_wait3A_270 = arith.constant 0 : i32
        %dma_wait3A_271 = tpu.memref_slice %arg4[%dma_wait3A_269, %dma_wait3A_270] : memref<5x80xi32, #tpu.memory_space<vmem>> -> memref<1x80xi32, #tpu.memory_space<vmem>>
        %dma_wait3A_272 = tpu.memref_squeeze %dma_wait3A_271 : memref<1x80xi32, #tpu.memory_space<vmem>> -> memref<80xi32, #tpu.memory_space<vmem>>
        %dma_wait3A_273 = arith.constant 0 : i32
        %dma_wait3A_274 = tpu.memref_slice %arg2[%dma_wait3A_273] : memref<320000xi32, #tpu.memory_space<hbm>> -> memref<80xi32, #tpu.memory_space<hbm>>
        %dma_wait3A_275 = arith.constant 0 : i32
        %dma_wait3A_276 = tpu.memref_slice %arg4[%dma_wait3A_269, %dma_wait3A_275] : memref<5x80xi32, #tpu.memory_space<vmem>> -> memref<1x80xi32, #tpu.memory_space<vmem>>
        %dma_wait3A_277 = tpu.memref_squeeze %dma_wait3A_276 : memref<1x80xi32, #tpu.memory_space<vmem>> -> memref<80xi32, #tpu.memory_space<vmem>>
        %dma_wait3A_278 = arith.constant 0 : i32
        %dma_wait3A_279 = tpu.memref_slice %arg2[%dma_wait3A_278] : memref<320000xi32, #tpu.memory_space<hbm>> -> memref<80xi32, #tpu.memory_space<hbm>>
        tpu.wait_dma2 semaphore(%arg17 : memref<!tpu.dma_semaphore, #tpu.memory_space<semaphore_mem>>) src(%dma_wait3A_279 : memref<80xi32, #tpu.memory_space<hbm>>) dst(%dma_wait3A_277 : memref<80xi32, #tpu.memory_space<vmem>>)
      } else {
      }
      %dma_start3A_184 = arith.constant 4 : i32
      %dma_start3A_185 = arith.constant 0 : i32
      %dma_start3A_186 = tpu.memref_slice %arg4[%dma_start3A_184, %dma_start3A_185] : memref<5x80xi32, #tpu.memory_space<vmem>> -> memref<1x80xi32, #tpu.memory_space<vmem>>
      %dma_start3A_187 = tpu.memref_squeeze %dma_start3A_186 : memref<1x80xi32, #tpu.memory_space<vmem>> -> memref<80xi32, #tpu.memory_space<vmem>>
      %dma_start3A_188 = tpu.memref_slice %arg2[%add3A_178] : memref<320000xi32, #tpu.memory_space<hbm>> -> memref<80xi32, #tpu.memory_space<hbm>>
      %dma_start3A_189 = arith.constant 0 : i32
      %dma_start3A_190 = tpu.memref_slice %arg4[%dma_start3A_184, %dma_start3A_189] : memref<5x80xi32, #tpu.memory_space<vmem>> -> memref<1x80xi32, #tpu.memory_space<vmem>>
      %dma_start3A_191 = tpu.memref_squeeze %dma_start3A_190 : memref<1x80xi32, #tpu.memory_space<vmem>> -> memref<80xi32, #tpu.memory_space<vmem>>
      %dma_start3A_192 = tpu.memref_slice %arg2[%add3A_178] : memref<320000xi32, #tpu.memory_space<hbm>> -> memref<80xi32, #tpu.memory_space<hbm>>
      tpu.enqueue_dma source(%dma_start3A_192 : memref<80xi32, #tpu.memory_space<hbm>>) target(%dma_start3A_191 : memref<80xi32, #tpu.memory_space<vmem>>) target_semaphore(%arg12 : memref<!tpu.dma_semaphore, #tpu.memory_space<semaphore_mem>>)
      %dma_wait3A_193 = arith.constant 0 : i32
      %dma_wait3A_194 = arith.constant 0 : i32
      %dma_wait3A_195 = tpu.memref_slice %arg4[%dma_wait3A_193, %dma_wait3A_194] : memref<5x80xi32, #tpu.memory_space<vmem>> -> memref<1x80xi32, #tpu.memory_space<vmem>>
      %dma_wait3A_196 = tpu.memref_squeeze %dma_wait3A_195 : memref<1x80xi32, #tpu.memory_space<vmem>> -> memref<80xi32, #tpu.memory_space<vmem>>
      %dma_wait3A_197 = tpu.memref_slice %arg2[%add3A_98] : memref<320000xi32, #tpu.memory_space<hbm>> -> memref<80xi32, #tpu.memory_space<hbm>>
      %dma_wait3A_198 = arith.constant 0 : i32
      %dma_wait3A_199 = tpu.memref_slice %arg4[%dma_wait3A_193, %dma_wait3A_198] : memref<5x80xi32, #tpu.memory_space<vmem>> -> memref<1x80xi32, #tpu.memory_space<vmem>>
      %dma_wait3A_200 = tpu.memref_squeeze %dma_wait3A_199 : memref<1x80xi32, #tpu.memory_space<vmem>> -> memref<80xi32, #tpu.memory_space<vmem>>
      %dma_wait3A_201 = tpu.memref_slice %arg2[%add3A_98] : memref<320000xi32, #tpu.memory_space<hbm>> -> memref<80xi32, #tpu.memory_space<hbm>>
      tpu.wait_dma2 semaphore(%arg8 : memref<!tpu.dma_semaphore, #tpu.memory_space<semaphore_mem>>) src(%dma_wait3A_201 : memref<80xi32, #tpu.memory_space<hbm>>) dst(%dma_wait3A_200 : memref<80xi32, #tpu.memory_space<vmem>>)
      %dma_start3A_202 = arith.constant 0 : i32
      %dma_start3A_203 = arith.constant 0 : i32
      %dma_start3A_204 = tpu.memref_slice %arg4[%dma_start3A_202, %dma_start3A_203] : memref<5x80xi32, #tpu.memory_space<vmem>> -> memref<1x80xi32, #tpu.memory_space<vmem>>
      %dma_start3A_205 = tpu.memref_squeeze %dma_start3A_204 : memref<1x80xi32, #tpu.memory_space<vmem>> -> memref<80xi32, #tpu.memory_space<vmem>>
      %dma_start3A_206 = arith.constant 0 : i32
      %dma_start3A_207 = tpu.memref_slice %arg7[%dma_start3A_206] : memref<10240xf32, #tpu.memory_space<vmem_shared>> -> memref<10240xf32, #tpu.memory_space<vmem_shared>>
      tpu.enqueue_indirect_dma source(%arg5 : memref<80xf32, #tpu.memory_space<vmem>>) target(%dma_start3A_207 : memref<10240xf32, #tpu.memory_space<vmem_shared>>) offsets(%dma_start3A_205 : memref<80xi32, #tpu.memory_space<vmem>>) semaphore(%arg13 : memref<!tpu.dma_semaphore, #tpu.memory_space<semaphore_mem>>) {add = true}
      %dma_wait3A_208 = arith.constant 1 : i32
      %dma_wait3A_209 = arith.constant 0 : i32
      %dma_wait3A_210 = tpu.memref_slice %arg4[%dma_wait3A_208, %dma_wait3A_209] : memref<5x80xi32, #tpu.memory_space<vmem>> -> memref<1x80xi32, #tpu.memory_space<vmem>>
      %dma_wait3A_211 = tpu.memref_squeeze %dma_wait3A_210 : memref<1x80xi32, #tpu.memory_space<vmem>> -> memref<80xi32, #tpu.memory_space<vmem>>
      %dma_wait3A_212 = tpu.memref_slice %arg2[%add3A_115] : memref<320000xi32, #tpu.memory_space<hbm>> -> memref<80xi32, #tpu.memory_space<hbm>>
      %dma_wait3A_213 = arith.constant 0 : i32
      %dma_wait3A_214 = tpu.memref_slice %arg4[%dma_wait3A_208, %dma_wait3A_213] : memref<5x80xi32, #tpu.memory_space<vmem>> -> memref<1x80xi32, #tpu.memory_space<vmem>>
      %dma_wait3A_215 = tpu.memref_squeeze %dma_wait3A_214 : memref<1x80xi32, #tpu.memory_space<vmem>> -> memref<80xi32, #tpu.memory_space<vmem>>
      %dma_wait3A_216 = tpu.memref_slice %arg2[%add3A_115] : memref<320000xi32, #tpu.memory_space<hbm>> -> memref<80xi32, #tpu.memory_space<hbm>>
      tpu.wait_dma2 semaphore(%arg9 : memref<!tpu.dma_semaphore, #tpu.memory_space<semaphore_mem>>) src(%dma_wait3A_216 : memref<80xi32, #tpu.memory_space<hbm>>) dst(%dma_wait3A_215 : memref<80xi32, #tpu.memory_space<vmem>>)
      %dma_start3A_217 = arith.constant 1 : i32
      %dma_start3A_218 = arith.constant 0 : i32
      %dma_start3A_219 = tpu.memref_slice %arg4[%dma_start3A_217, %dma_start3A_218] : memref<5x80xi32, #tpu.memory_space<vmem>> -> memref<1x80xi32, #tpu.memory_space<vmem>>
      %dma_start3A_220 = tpu.memref_squeeze %dma_start3A_219 : memref<1x80xi32, #tpu.memory_space<vmem>> -> memref<80xi32, #tpu.memory_space<vmem>>
      %dma_start3A_221 = arith.constant 0 : i32
      %dma_start3A_222 = tpu.memref_slice %arg7[%dma_start3A_221] : memref<10240xf32, #tpu.memory_space<vmem_shared>> -> memref<10240xf32, #tpu.memory_space<vmem_shared>>
      tpu.enqueue_indirect_dma source(%arg5 : memref<80xf32, #tpu.memory_space<vmem>>) target(%dma_start3A_222 : memref<10240xf32, #tpu.memory_space<vmem_shared>>) offsets(%dma_start3A_220 : memref<80xi32, #tpu.memory_space<vmem>>) semaphore(%arg14 : memref<!tpu.dma_semaphore, #tpu.memory_space<semaphore_mem>>) {add = true}
      %dma_wait3A_223 = arith.constant 2 : i32
      %dma_wait3A_224 = arith.constant 0 : i32
      %dma_wait3A_225 = tpu.memref_slice %arg4[%dma_wait3A_223, %dma_wait3A_224] : memref<5x80xi32, #tpu.memory_space<vmem>> -> memref<1x80xi32, #tpu.memory_space<vmem>>
      %dma_wait3A_226 = tpu.memref_squeeze %dma_wait3A_225 : memref<1x80xi32, #tpu.memory_space<vmem>> -> memref<80xi32, #tpu.memory_space<vmem>>
      %dma_wait3A_227 = tpu.memref_slice %arg2[%add3A_136] : memref<320000xi32, #tpu.memory_space<hbm>> -> memref<80xi32, #tpu.memory_space<hbm>>
      %dma_wait3A_228 = arith.constant 0 : i32
      %dma_wait3A_229 = tpu.memref_slice %arg4[%dma_wait3A_223, %dma_wait3A_228] : memref<5x80xi32, #tpu.memory_space<vmem>> -> memref<1x80xi32, #tpu.memory_space<vmem>>
      %dma_wait3A_230 = tpu.memref_squeeze %dma_wait3A_229 : memref<1x80xi32, #tpu.memory_space<vmem>> -> memref<80xi32, #tpu.memory_space<vmem>>
      %dma_wait3A_231 = tpu.memref_slice %arg2[%add3A_136] : memref<320000xi32, #tpu.memory_space<hbm>> -> memref<80xi32, #tpu.memory_space<hbm>>
      tpu.wait_dma2 semaphore(%arg10 : memref<!tpu.dma_semaphore, #tpu.memory_space<semaphore_mem>>) src(%dma_wait3A_231 : memref<80xi32, #tpu.memory_space<hbm>>) dst(%dma_wait3A_230 : memref<80xi32, #tpu.memory_space<vmem>>)
      %dma_start3A_232 = arith.constant 2 : i32
      %dma_start3A_233 = arith.constant 0 : i32
      %dma_start3A_234 = tpu.memref_slice %arg4[%dma_start3A_232, %dma_start3A_233] : memref<5x80xi32, #tpu.memory_space<vmem>> -> memref<1x80xi32, #tpu.memory_space<vmem>>
      %dma_start3A_235 = tpu.memref_squeeze %dma_start3A_234 : memref<1x80xi32, #tpu.memory_space<vmem>> -> memref<80xi32, #tpu.memory_space<vmem>>
      %dma_start3A_236 = arith.constant 0 : i32
      %dma_start3A_237 = tpu.memref_slice %arg7[%dma_start3A_236] : memref<10240xf32, #tpu.memory_space<vmem_shared>> -> memref<10240xf32, #tpu.memory_space<vmem_shared>>
      tpu.enqueue_indirect_dma source(%arg5 : memref<80xf32, #tpu.memory_space<vmem>>) target(%dma_start3A_237 : memref<10240xf32, #tpu.memory_space<vmem_shared>>) offsets(%dma_start3A_235 : memref<80xi32, #tpu.memory_space<vmem>>) semaphore(%arg15 : memref<!tpu.dma_semaphore, #tpu.memory_space<semaphore_mem>>) {add = true}
      %dma_wait3A_238 = arith.constant 3 : i32
      %dma_wait3A_239 = arith.constant 0 : i32
      %dma_wait3A_240 = tpu.memref_slice %arg4[%dma_wait3A_238, %dma_wait3A_239] : memref<5x80xi32, #tpu.memory_space<vmem>> -> memref<1x80xi32, #tpu.memory_space<vmem>>
      %dma_wait3A_241 = tpu.memref_squeeze %dma_wait3A_240 : memref<1x80xi32, #tpu.memory_space<vmem>> -> memref<80xi32, #tpu.memory_space<vmem>>
      %dma_wait3A_242 = tpu.memref_slice %arg2[%add3A_157] : memref<320000xi32, #tpu.memory_space<hbm>> -> memref<80xi32, #tpu.memory_space<hbm>>
      %dma_wait3A_243 = arith.constant 0 : i32
      %dma_wait3A_244 = tpu.memref_slice %arg4[%dma_wait3A_238, %dma_wait3A_243] : memref<5x80xi32, #tpu.memory_space<vmem>> -> memref<1x80xi32, #tpu.memory_space<vmem>>
      %dma_wait3A_245 = tpu.memref_squeeze %dma_wait3A_244 : memref<1x80xi32, #tpu.memory_space<vmem>> -> memref<80xi32, #tpu.memory_space<vmem>>
      %dma_wait3A_246 = tpu.memref_slice %arg2[%add3A_157] : memref<320000xi32, #tpu.memory_space<hbm>> -> memref<80xi32, #tpu.memory_space<hbm>>
      tpu.wait_dma2 semaphore(%arg11 : memref<!tpu.dma_semaphore, #tpu.memory_space<semaphore_mem>>) src(%dma_wait3A_246 : memref<80xi32, #tpu.memory_space<hbm>>) dst(%dma_wait3A_245 : memref<80xi32, #tpu.memory_space<vmem>>)
      %dma_start3A_247 = arith.constant 3 : i32
      %dma_start3A_248 = arith.constant 0 : i32
      %dma_start3A_249 = tpu.memref_slice %arg4[%dma_start3A_247, %dma_start3A_248] : memref<5x80xi32, #tpu.memory_space<vmem>> -> memref<1x80xi32, #tpu.memory_space<vmem>>
      %dma_start3A_250 = tpu.memref_squeeze %dma_start3A_249 : memref<1x80xi32, #tpu.memory_space<vmem>> -> memref<80xi32, #tpu.memory_space<vmem>>
      %dma_start3A_251 = arith.constant 0 : i32
      %dma_start3A_252 = tpu.memref_slice %arg7[%dma_start3A_251] : memref<10240xf32, #tpu.memory_space<vmem_shared>> -> memref<10240xf32, #tpu.memory_space<vmem_shared>>
      tpu.enqueue_indirect_dma source(%arg5 : memref<80xf32, #tpu.memory_space<vmem>>) target(%dma_start3A_252 : memref<10240xf32, #tpu.memory_space<vmem_shared>>) offsets(%dma_start3A_250 : memref<80xi32, #tpu.memory_space<vmem>>) semaphore(%arg16 : memref<!tpu.dma_semaphore, #tpu.memory_space<semaphore_mem>>) {add = true}
      %dma_wait3A_253 = arith.constant 4 : i32
      %dma_wait3A_254 = arith.constant 0 : i32
      %dma_wait3A_255 = tpu.memref_slice %arg4[%dma_wait3A_253, %dma_wait3A_254] : memref<5x80xi32, #tpu.memory_space<vmem>> -> memref<1x80xi32, #tpu.memory_space<vmem>>
      %dma_wait3A_256 = tpu.memref_squeeze %dma_wait3A_255 : memref<1x80xi32, #tpu.memory_space<vmem>> -> memref<80xi32, #tpu.memory_space<vmem>>
      %dma_wait3A_257 = tpu.memref_slice %arg2[%add3A_178] : memref<320000xi32, #tpu.memory_space<hbm>> -> memref<80xi32, #tpu.memory_space<hbm>>
      %dma_wait3A_258 = arith.constant 0 : i32
      %dma_wait3A_259 = tpu.memref_slice %arg4[%dma_wait3A_253, %dma_wait3A_258] : memref<5x80xi32, #tpu.memory_space<vmem>> -> memref<1x80xi32, #tpu.memory_space<vmem>>
      %dma_wait3A_260 = tpu.memref_squeeze %dma_wait3A_259 : memref<1x80xi32, #tpu.memory_space<vmem>> -> memref<80xi32, #tpu.memory_space<vmem>>
      %dma_wait3A_261 = tpu.memref_slice %arg2[%add3A_178] : memref<320000xi32, #tpu.memory_space<hbm>> -> memref<80xi32, #tpu.memory_space<hbm>>
      tpu.wait_dma2 semaphore(%arg12 : memref<!tpu.dma_semaphore, #tpu.memory_space<semaphore_mem>>) src(%dma_wait3A_261 : memref<80xi32, #tpu.memory_space<hbm>>) dst(%dma_wait3A_260 : memref<80xi32, #tpu.memory_space<vmem>>)
      %dma_start3A_262 = arith.constant 4 : i32
      %dma_start3A_263 = arith.constant 0 : i32
      %dma_start3A_264 = tpu.memref_slice %arg4[%dma_start3A_262, %dma_start3A_263] : memref<5x80xi32, #tpu.memory_space<vmem>> -> memref<1x80xi32, #tpu.memory_space<vmem>>
      %dma_start3A_265 = tpu.memref_squeeze %dma_start3A_264 : memref<1x80xi32, #tpu.memory_space<vmem>> -> memref<80xi32, #tpu.memory_space<vmem>>
      %dma_start3A_266 = arith.constant 0 : i32
      %dma_start3A_267 = tpu.memref_slice %arg7[%dma_start3A_266] : memref<10240xf32, #tpu.memory_space<vmem_shared>> -> memref<10240xf32, #tpu.memory_space<vmem_shared>>
      tpu.enqueue_indirect_dma source(%arg5 : memref<80xf32, #tpu.memory_space<vmem>>) target(%dma_start3A_267 : memref<10240xf32, #tpu.memory_space<vmem_shared>>) offsets(%dma_start3A_265 : memref<80xi32, #tpu.memory_space<vmem>>) semaphore(%arg17 : memref<!tpu.dma_semaphore, #tpu.memory_space<semaphore_mem>>) {add = true}
      %scan3A_268 = arith.constant 0 : i32
      scf.yield %scan3A_268 : i32
    }
    %scan3A_27 = arith.constant 25 : i32
    %dma_wait3A = arith.constant 0 : i32
    %dma_wait3A_28 = arith.constant 0 : i32
    %dma_wait3A_29 = tpu.memref_slice %arg4[%dma_wait3A, %dma_wait3A_28] : memref<5x80xi32, #tpu.memory_space<vmem>> -> memref<1x80xi32, #tpu.memory_space<vmem>>
    %dma_wait3A_30 = tpu.memref_squeeze %dma_wait3A_29 : memref<1x80xi32, #tpu.memory_space<vmem>> -> memref<80xi32, #tpu.memory_space<vmem>>
    %dma_wait3A_31 = arith.constant 0 : i32
    %dma_wait3A_32 = tpu.memref_slice %arg2[%dma_wait3A_31] : memref<320000xi32, #tpu.memory_space<hbm>> -> memref<80xi32, #tpu.memory_space<hbm>>
    %dma_wait3A_33 = arith.constant 0 : i32
    %dma_wait3A_34 = tpu.memref_slice %arg4[%dma_wait3A, %dma_wait3A_33] : memref<5x80xi32, #tpu.memory_space<vmem>> -> memref<1x80xi32, #tpu.memory_space<vmem>>
    %dma_wait3A_35 = tpu.memref_squeeze %dma_wait3A_34 : memref<1x80xi32, #tpu.memory_space<vmem>> -> memref<80xi32, #tpu.memory_space<vmem>>
    %dma_wait3A_36 = arith.constant 0 : i32
    %dma_wait3A_37 = tpu.memref_slice %arg2[%dma_wait3A_36] : memref<320000xi32, #tpu.memory_space<hbm>> -> memref<80xi32, #tpu.memory_space<hbm>>
    tpu.wait_dma2 semaphore(%arg13 : memref<!tpu.dma_semaphore, #tpu.memory_space<semaphore_mem>>) src(%dma_wait3A_37 : memref<80xi32, #tpu.memory_space<hbm>>) dst(%dma_wait3A_35 : memref<80xi32, #tpu.memory_space<vmem>>)
    %dma_wait3A_38 = arith.constant 1 : i32
    %dma_wait3A_39 = arith.constant 0 : i32
    %dma_wait3A_40 = tpu.memref_slice %arg4[%dma_wait3A_38, %dma_wait3A_39] : memref<5x80xi32, #tpu.memory_space<vmem>> -> memref<1x80xi32, #tpu.memory_space<vmem>>
    %dma_wait3A_41 = tpu.memref_squeeze %dma_wait3A_40 : memref<1x80xi32, #tpu.memory_space<vmem>> -> memref<80xi32, #tpu.memory_space<vmem>>
    %dma_wait3A_42 = arith.constant 0 : i32
    %dma_wait3A_43 = tpu.memref_slice %arg2[%dma_wait3A_42] : memref<320000xi32, #tpu.memory_space<hbm>> -> memref<80xi32, #tpu.memory_space<hbm>>
    %dma_wait3A_44 = arith.constant 0 : i32
    %dma_wait3A_45 = tpu.memref_slice %arg4[%dma_wait3A_38, %dma_wait3A_44] : memref<5x80xi32, #tpu.memory_space<vmem>> -> memref<1x80xi32, #tpu.memory_space<vmem>>
    %dma_wait3A_46 = tpu.memref_squeeze %dma_wait3A_45 : memref<1x80xi32, #tpu.memory_space<vmem>> -> memref<80xi32, #tpu.memory_space<vmem>>
    %dma_wait3A_47 = arith.constant 0 : i32
    %dma_wait3A_48 = tpu.memref_slice %arg2[%dma_wait3A_47] : memref<320000xi32, #tpu.memory_space<hbm>> -> memref<80xi32, #tpu.memory_space<hbm>>
    tpu.wait_dma2 semaphore(%arg14 : memref<!tpu.dma_semaphore, #tpu.memory_space<semaphore_mem>>) src(%dma_wait3A_48 : memref<80xi32, #tpu.memory_space<hbm>>) dst(%dma_wait3A_46 : memref<80xi32, #tpu.memory_space<vmem>>)
    %dma_wait3A_49 = arith.constant 2 : i32
    %dma_wait3A_50 = arith.constant 0 : i32
    %dma_wait3A_51 = tpu.memref_slice %arg4[%dma_wait3A_49, %dma_wait3A_50] : memref<5x80xi32, #tpu.memory_space<vmem>> -> memref<1x80xi32, #tpu.memory_space<vmem>>
    %dma_wait3A_52 = tpu.memref_squeeze %dma_wait3A_51 : memref<1x80xi32, #tpu.memory_space<vmem>> -> memref<80xi32, #tpu.memory_space<vmem>>
    %dma_wait3A_53 = arith.constant 0 : i32
    %dma_wait3A_54 = tpu.memref_slice %arg2[%dma_wait3A_53] : memref<320000xi32, #tpu.memory_space<hbm>> -> memref<80xi32, #tpu.memory_space<hbm>>
    %dma_wait3A_55 = arith.constant 0 : i32
    %dma_wait3A_56 = tpu.memref_slice %arg4[%dma_wait3A_49, %dma_wait3A_55] : memref<5x80xi32, #tpu.memory_space<vmem>> -> memref<1x80xi32, #tpu.memory_space<vmem>>
    %dma_wait3A_57 = tpu.memref_squeeze %dma_wait3A_56 : memref<1x80xi32, #tpu.memory_space<vmem>> -> memref<80xi32, #tpu.memory_space<vmem>>
    %dma_wait3A_58 = arith.constant 0 : i32
    %dma_wait3A_59 = tpu.memref_slice %arg2[%dma_wait3A_58] : memref<320000xi32, #tpu.memory_space<hbm>> -> memref<80xi32, #tpu.memory_space<hbm>>
    tpu.wait_dma2 semaphore(%arg15 : memref<!tpu.dma_semaphore, #tpu.memory_space<semaphore_mem>>) src(%dma_wait3A_59 : memref<80xi32, #tpu.memory_space<hbm>>) dst(%dma_wait3A_57 : memref<80xi32, #tpu.memory_space<vmem>>)
    %dma_wait3A_60 = arith.constant 3 : i32
    %dma_wait3A_61 = arith.constant 0 : i32
    %dma_wait3A_62 = tpu.memref_slice %arg4[%dma_wait3A_60, %dma_wait3A_61] : memref<5x80xi32, #tpu.memory_space<vmem>> -> memref<1x80xi32, #tpu.memory_space<vmem>>
    %dma_wait3A_63 = tpu.memref_squeeze %dma_wait3A_62 : memref<1x80xi32, #tpu.memory_space<vmem>> -> memref<80xi32, #tpu.memory_space<vmem>>
    %dma_wait3A_64 = arith.constant 0 : i32
    %dma_wait3A_65 = tpu.memref_slice %arg2[%dma_wait3A_64] : memref<320000xi32, #tpu.memory_space<hbm>> -> memref<80xi32, #tpu.memory_space<hbm>>
    %dma_wait3A_66 = arith.constant 0 : i32
    %dma_wait3A_67 = tpu.memref_slice %arg4[%dma_wait3A_60, %dma_wait3A_66] : memref<5x80xi32, #tpu.memory_space<vmem>> -> memref<1x80xi32, #tpu.memory_space<vmem>>
    %dma_wait3A_68 = tpu.memref_squeeze %dma_wait3A_67 : memref<1x80xi32, #tpu.memory_space<vmem>> -> memref<80xi32, #tpu.memory_space<vmem>>
    %dma_wait3A_69 = arith.constant 0 : i32
    %dma_wait3A_70 = tpu.memref_slice %arg2[%dma_wait3A_69] : memref<320000xi32, #tpu.memory_space<hbm>> -> memref<80xi32, #tpu.memory_space<hbm>>
    tpu.wait_dma2 semaphore(%arg16 : memref<!tpu.dma_semaphore, #tpu.memory_space<semaphore_mem>>) src(%dma_wait3A_70 : memref<80xi32, #tpu.memory_space<hbm>>) dst(%dma_wait3A_68 : memref<80xi32, #tpu.memory_space<vmem>>)
    %dma_wait3A_71 = arith.constant 4 : i32
    %dma_wait3A_72 = arith.constant 0 : i32
    %dma_wait3A_73 = tpu.memref_slice %arg4[%dma_wait3A_71, %dma_wait3A_72] : memref<5x80xi32, #tpu.memory_space<vmem>> -> memref<1x80xi32, #tpu.memory_space<vmem>>
    %dma_wait3A_74 = tpu.memref_squeeze %dma_wait3A_73 : memref<1x80xi32, #tpu.memory_space<vmem>> -> memref<80xi32, #tpu.memory_space<vmem>>
    %dma_wait3A_75 = arith.constant 0 : i32
    %dma_wait3A_76 = tpu.memref_slice %arg2[%dma_wait3A_75] : memref<320000xi32, #tpu.memory_space<hbm>> -> memref<80xi32, #tpu.memory_space<hbm>>
    %dma_wait3A_77 = arith.constant 0 : i32
    %dma_wait3A_78 = tpu.memref_slice %arg4[%dma_wait3A_71, %dma_wait3A_77] : memref<5x80xi32, #tpu.memory_space<vmem>> -> memref<1x80xi32, #tpu.memory_space<vmem>>
    %dma_wait3A_79 = tpu.memref_squeeze %dma_wait3A_78 : memref<1x80xi32, #tpu.memory_space<vmem>> -> memref<80xi32, #tpu.memory_space<vmem>>
    %dma_wait3A_80 = arith.constant 0 : i32
    %dma_wait3A_81 = tpu.memref_slice %arg2[%dma_wait3A_80] : memref<320000xi32, #tpu.memory_space<hbm>> -> memref<80xi32, #tpu.memory_space<hbm>>
    tpu.wait_dma2 semaphore(%arg17 : memref<!tpu.dma_semaphore, #tpu.memory_space<semaphore_mem>>) src(%dma_wait3A_81 : memref<80xi32, #tpu.memory_space<hbm>>) dst(%dma_wait3A_79 : memref<80xi32, #tpu.memory_space<vmem>>)
    %barrier3A_82 = arith.constant 0 : index
    tpu.barrier barrier_id(%barrier3A_82)
    %mul3A_83 = arith.constant 640 : i32
    %mul3A_84 = arith.muli %arg1, %mul3A_83 : i32
    "tpu.region"() ({
      %run_scoped3A = tpu.sem_alloc : memref<!tpu.dma_semaphore, #tpu.memory_space<semaphore_mem>>
      %dma_start3A = tpu.memref_slice %arg7[%mul3A_84] : memref<10240xf32, #tpu.memory_space<vmem_shared>> -> memref<640xf32, #tpu.memory_space<vmem_shared>>
      %dma_start3A_90 = tpu.memref_slice %arg7[%mul3A_84] : memref<10240xf32, #tpu.memory_space<vmem_shared>> -> memref<640xf32, #tpu.memory_space<vmem_shared>>
      tpu.enqueue_dma source(%dma_start3A_90 : memref<640xf32, #tpu.memory_space<vmem_shared>>) target(%arg6 : memref<640xf32, #tpu.memory_space<vmem>>) target_semaphore(%run_scoped3A : memref<!tpu.dma_semaphore, #tpu.memory_space<semaphore_mem>>)
      %dma_wait3A_91 = tpu.memref_slice %arg7[%mul3A_84] : memref<10240xf32, #tpu.memory_space<vmem_shared>> -> memref<640xf32, #tpu.memory_space<vmem_shared>>
      %dma_wait3A_92 = tpu.memref_slice %arg7[%mul3A_84] : memref<10240xf32, #tpu.memory_space<vmem_shared>> -> memref<640xf32, #tpu.memory_space<vmem_shared>>
      tpu.wait_dma2 semaphore(%run_scoped3A : memref<!tpu.dma_semaphore, #tpu.memory_space<semaphore_mem>>) src(%dma_wait3A_92 : memref<640xf32, #tpu.memory_space<vmem_shared>>) dst(%arg6 : memref<640xf32, #tpu.memory_space<vmem>>)
      tpu.yield
    }) : () -> ()
    %mul3A_85 = arith.constant 10240 : i32
    %mul3A_86 = arith.muli %arg0, %mul3A_85 : i32
    %mul3A_87 = arith.constant 640 : i32
    %mul3A_88 = arith.muli %arg1, %mul3A_87 : i32
    %add3A_89 = arith.addi %mul3A_86, %mul3A_88 : i32
    "tpu.region"() ({
      %run_scoped3A = tpu.sem_alloc : memref<!tpu.dma_semaphore, #tpu.memory_space<semaphore_mem>>
      %dma_start3A = tpu.memref_slice %arg3[%add3A_89] : memref<20480xf32, #tpu.memory_space<hbm>> -> memref<640xf32, #tpu.memory_space<hbm>>
      %dma_start3A_90 = tpu.memref_slice %arg3[%add3A_89] : memref<20480xf32, #tpu.memory_space<hbm>> -> memref<640xf32, #tpu.memory_space<hbm>>
      tpu.enqueue_dma source(%arg6 : memref<640xf32, #tpu.memory_space<vmem>>) target(%dma_start3A_90 : memref<640xf32, #tpu.memory_space<hbm>>) target_semaphore(%run_scoped3A : memref<!tpu.dma_semaphore, #tpu.memory_space<semaphore_mem>>)
      %dma_wait3A_91 = tpu.memref_slice %arg3[%add3A_89] : memref<20480xf32, #tpu.memory_space<hbm>> -> memref<640xf32, #tpu.memory_space<hbm>>
      %dma_wait3A_92 = tpu.memref_slice %arg3[%add3A_89] : memref<20480xf32, #tpu.memory_space<hbm>> -> memref<640xf32, #tpu.memory_space<hbm>>
      tpu.wait_dma2 semaphore(%run_scoped3A : memref<!tpu.dma_semaphore, #tpu.memory_space<semaphore_mem>>) src(%arg6 : memref<640xf32, #tpu.memory_space<vmem>>) dst(%dma_wait3A_92 : memref<640xf32, #tpu.memory_space<hbm>>)
      tpu.yield
    }) : () -> ()
    return
  }
}

#map = affine_map<(d0, d1) -> (0)>
#map1 = affine_map<(d0, d1) -> (0, 0)>
#map2 = affine_map<(d0, d1) -> (0, 0, 0)>
module attributes {stable_mosaic.version = 14 : i64} {
  func.func @spmm(%arg0: i32, %arg1: i32, %arg2: memref<320000xi32, #tpu.memory_space<hbm>>, %arg3: memref<320000xi32, #tpu.memory_space<hbm>>, %arg4: memref<10000x128xf32, #tpu.memory_space<hbm>>, %arg5: memref<2x10240x128xf32, #tpu.memory_space<hbm>>, %arg6: memref<10000xi32, #tpu.memory_space<vmem>>, %arg7: memref<3x80xi32, #tpu.memory_space<vmem>>, %arg8: memref<3x80x128xf32, #tpu.memory_space<vmem>>, %arg9: memref<10240x128xf32, #tpu.memory_space<vmem_shared>>, %arg10: memref<!tpu.dma_semaphore, #tpu.memory_space<semaphore_mem>>, %arg11: memref<!tpu.dma_semaphore, #tpu.memory_space<semaphore_mem>>, %arg12: memref<!tpu.dma_semaphore, #tpu.memory_space<semaphore_mem>>, %arg13: memref<!tpu.dma_semaphore, #tpu.memory_space<semaphore_mem>>, %arg14: memref<!tpu.dma_semaphore, #tpu.memory_space<semaphore_mem>>, %arg15: memref<!tpu.dma_semaphore, #tpu.memory_space<semaphore_mem>>, %arg16: memref<!tpu.dma_semaphore, #tpu.memory_space<semaphore_mem>>, %arg17: memref<!tpu.dma_semaphore, #tpu.memory_space<semaphore_mem>>, %arg18: memref<!tpu.dma_semaphore, #tpu.memory_space<semaphore_mem>>) attributes {dimension_semantics = [#tpu.dimension_semantics<core_parallel>, #tpu.dimension_semantics<subcore_parallel>], iteration_bounds = array<i64: 2, 16>, scalar_prefetch = 0 : i64, scratch_operands = 13 : i64, tpu.core_type = #tpu.core_type<sc_vector_subcore>, window_params = [{transform_indices = #map}, {transform_indices = #map}, {transform_indices = #map1}, {transform_indices = #map2}]} {
    %mul3A = arith.constant 2 : i32
    %mul3A_0 = arith.muli %arg1, %mul3A : i32
    %add3A = arith.addi %mul3A_0, %arg0 : i32
    %mul3A_1 = arith.constant 10000 : i32
    %mul3A_2 = arith.muli %add3A, %mul3A_1 : i32
    %dma_start3A = tpu.memref_slice %arg2[%mul3A_2] : memref<320000xi32, #tpu.memory_space<hbm>> -> memref<10000xi32, #tpu.memory_space<hbm>>
    %dma_start3A_3 = tpu.memref_slice %arg2[%mul3A_2] : memref<320000xi32, #tpu.memory_space<hbm>> -> memref<10000xi32, #tpu.memory_space<hbm>>
    tpu.enqueue_dma source(%dma_start3A_3 : memref<10000xi32, #tpu.memory_space<hbm>>) target(%arg6 : memref<10000xi32, #tpu.memory_space<vmem>>) target_semaphore(%arg10 : memref<!tpu.dma_semaphore, #tpu.memory_space<semaphore_mem>>)
    %broadcast_in_dim3A = arith.constant 0.000000e+00 : f32
    %broadcast_in_dim3A_4 = vector.broadcast %broadcast_in_dim3A : f32 to vector<16xf32>
    %scan3A = arith.constant 0 : i32
    %scan3A_5 = arith.constant 0 : i32
    %scan3A_6 = arith.constant 80 : i32
    %scan3A_7 = arith.addi %scan3A_5, %scan3A_6 : i32
    %scan3A_8 = arith.constant 1 : i32
    %scan3A_9 = scf.for %scan3A_202 = %scan3A_5 to %scan3A_7 step %scan3A_8 iter_args(%scan3A_203 = %scan3A) -> (i32)  : i32 {
      %swap3A = arith.constant 0 : i32
      %swap3A_204 = arith.index_cast %swap3A : i32 to index
      %swap3A_205 = arith.index_cast %scan3A_202 : i32 to index
      %swap3A_206 = arith.constant 0 : index
      %swap3A_207 = tpu.vector_load %arg8[%swap3A_204, %swap3A_205, %swap3A_206] {strides = array<i32>} : memref<3x80x128xf32, #tpu.memory_space<vmem>>, vector<1x1x16xf32>,
      %swap3A_208 = vector.shape_cast %swap3A_207 : vector<1x1x16xf32> to vector<16xf32>
      %swap3A_209 = vector.shape_cast %broadcast_in_dim3A_4 : vector<16xf32> to vector<1x1x16xf32>
      tpu.vector_store %arg8[%swap3A_204, %swap3A_205, %swap3A_206], %swap3A_209 {strides = array<i32>} : memref<3x80x128xf32, #tpu.memory_space<vmem>>, vector<1x1x16xf32>,
      %swap3A_210 = arith.constant 0 : i32
      %swap3A_211 = arith.index_cast %swap3A_210 : i32 to index
      %swap3A_212 = arith.index_cast %scan3A_202 : i32 to index
      %swap3A_213 = arith.constant 16 : index
      %swap3A_214 = tpu.vector_load %arg8[%swap3A_211, %swap3A_212, %swap3A_213] {strides = array<i32>} : memref<3x80x128xf32, #tpu.memory_space<vmem>>, vector<1x1x16xf32>,
      %swap3A_215 = vector.shape_cast %swap3A_214 : vector<1x1x16xf32> to vector<16xf32>
      %swap3A_216 = vector.shape_cast %broadcast_in_dim3A_4 : vector<16xf32> to vector<1x1x16xf32>
      tpu.vector_store %arg8[%swap3A_211, %swap3A_212, %swap3A_213], %swap3A_216 {strides = array<i32>} : memref<3x80x128xf32, #tpu.memory_space<vmem>>, vector<1x1x16xf32>,
      %swap3A_217 = arith.constant 0 : i32
      %swap3A_218 = arith.index_cast %swap3A_217 : i32 to index
      %swap3A_219 = arith.index_cast %scan3A_202 : i32 to index
      %swap3A_220 = arith.constant 32 : index
      %swap3A_221 = tpu.vector_load %arg8[%swap3A_218, %swap3A_219, %swap3A_220] {strides = array<i32>} : memref<3x80x128xf32, #tpu.memory_space<vmem>>, vector<1x1x16xf32>,
      %swap3A_222 = vector.shape_cast %swap3A_221 : vector<1x1x16xf32> to vector<16xf32>
      %swap3A_223 = vector.shape_cast %broadcast_in_dim3A_4 : vector<16xf32> to vector<1x1x16xf32>
      tpu.vector_store %arg8[%swap3A_218, %swap3A_219, %swap3A_220], %swap3A_223 {strides = array<i32>} : memref<3x80x128xf32, #tpu.memory_space<vmem>>, vector<1x1x16xf32>,
      %swap3A_224 = arith.constant 0 : i32
      %swap3A_225 = arith.index_cast %swap3A_224 : i32 to index
      %swap3A_226 = arith.index_cast %scan3A_202 : i32 to index
      %swap3A_227 = arith.constant 48 : index
      %swap3A_228 = tpu.vector_load %arg8[%swap3A_225, %swap3A_226, %swap3A_227] {strides = array<i32>} : memref<3x80x128xf32, #tpu.memory_space<vmem>>, vector<1x1x16xf32>,
      %swap3A_229 = vector.shape_cast %swap3A_228 : vector<1x1x16xf32> to vector<16xf32>
      %swap3A_230 = vector.shape_cast %broadcast_in_dim3A_4 : vector<16xf32> to vector<1x1x16xf32>
      tpu.vector_store %arg8[%swap3A_225, %swap3A_226, %swap3A_227], %swap3A_230 {strides = array<i32>} : memref<3x80x128xf32, #tpu.memory_space<vmem>>, vector<1x1x16xf32>,
      %swap3A_231 = arith.constant 0 : i32
      %swap3A_232 = arith.index_cast %swap3A_231 : i32 to index
      %swap3A_233 = arith.index_cast %scan3A_202 : i32 to index
      %swap3A_234 = arith.constant 64 : index
      %swap3A_235 = tpu.vector_load %arg8[%swap3A_232, %swap3A_233, %swap3A_234] {strides = array<i32>} : memref<3x80x128xf32, #tpu.memory_space<vmem>>, vector<1x1x16xf32>,
      %swap3A_236 = vector.shape_cast %swap3A_235 : vector<1x1x16xf32> to vector<16xf32>
      %swap3A_237 = vector.shape_cast %broadcast_in_dim3A_4 : vector<16xf32> to vector<1x1x16xf32>
      tpu.vector_store %arg8[%swap3A_232, %swap3A_233, %swap3A_234], %swap3A_237 {strides = array<i32>} : memref<3x80x128xf32, #tpu.memory_space<vmem>>, vector<1x1x16xf32>,
      %swap3A_238 = arith.constant 0 : i32
      %swap3A_239 = arith.index_cast %swap3A_238 : i32 to index
      %swap3A_240 = arith.index_cast %scan3A_202 : i32 to index
      %swap3A_241 = arith.constant 80 : index
      %swap3A_242 = tpu.vector_load %arg8[%swap3A_239, %swap3A_240, %swap3A_241] {strides = array<i32>} : memref<3x80x128xf32, #tpu.memory_space<vmem>>, vector<1x1x16xf32>,
      %swap3A_243 = vector.shape_cast %swap3A_242 : vector<1x1x16xf32> to vector<16xf32>
      %swap3A_244 = vector.shape_cast %broadcast_in_dim3A_4 : vector<16xf32> to vector<1x1x16xf32>
      tpu.vector_store %arg8[%swap3A_239, %swap3A_240, %swap3A_241], %swap3A_244 {strides = array<i32>} : memref<3x80x128xf32, #tpu.memory_space<vmem>>, vector<1x1x16xf32>,
      %swap3A_245 = arith.constant 0 : i32
      %swap3A_246 = arith.index_cast %swap3A_245 : i32 to index
      %swap3A_247 = arith.index_cast %scan3A_202 : i32 to index
      %swap3A_248 = arith.constant 96 : index
      %swap3A_249 = tpu.vector_load %arg8[%swap3A_246, %swap3A_247, %swap3A_248] {strides = array<i32>} : memref<3x80x128xf32, #tpu.memory_space<vmem>>, vector<1x1x16xf32>,
      %swap3A_250 = vector.shape_cast %swap3A_249 : vector<1x1x16xf32> to vector<16xf32>
      %swap3A_251 = vector.shape_cast %broadcast_in_dim3A_4 : vector<16xf32> to vector<1x1x16xf32>
      tpu.vector_store %arg8[%swap3A_246, %swap3A_247, %swap3A_248], %swap3A_251 {strides = array<i32>} : memref<3x80x128xf32, #tpu.memory_space<vmem>>, vector<1x1x16xf32>,
      %swap3A_252 = arith.constant 0 : i32
      %swap3A_253 = arith.index_cast %swap3A_252 : i32 to index
      %swap3A_254 = arith.index_cast %scan3A_202 : i32 to index
      %swap3A_255 = arith.constant 112 : index
      %swap3A_256 = tpu.vector_load %arg8[%swap3A_253, %swap3A_254, %swap3A_255] {strides = array<i32>} : memref<3x80x128xf32, #tpu.memory_space<vmem>>, vector<1x1x16xf32>,
      %swap3A_257 = vector.shape_cast %swap3A_256 : vector<1x1x16xf32> to vector<16xf32>
      %swap3A_258 = vector.shape_cast %broadcast_in_dim3A_4 : vector<16xf32> to vector<1x1x16xf32>
      tpu.vector_store %arg8[%swap3A_253, %swap3A_254, %swap3A_255], %swap3A_258 {strides = array<i32>} : memref<3x80x128xf32, #tpu.memory_space<vmem>>, vector<1x1x16xf32>,
      %scan3A_259 = arith.constant 0 : i32
      scf.yield %scan3A_259 : i32
    }
    %scan3A_10 = arith.constant 80 : i32
    %mul3A_11 = arith.constant 640 : i32
    %mul3A_12 = arith.muli %arg1, %mul3A_11 : i32
    %add3A_13 = arith.constant 0 : i32
    %add3A_14 = arith.addi %mul3A_12, %add3A_13 : i32
    %run_scoped3A = arith.constant 0 : i32
    "tpu.region"() ({
      %run_scoped3A_202 = tpu.sem_alloc : memref<!tpu.dma_semaphore, #tpu.memory_space<semaphore_mem>>
      %dma_start3A_203 = arith.constant 0 : i32
      %dma_start3A_204 = arith.constant 0 : i32
      %dma_start3A_205 = tpu.memref_slice %arg8[%run_scoped3A, %dma_start3A_203, %dma_start3A_204] : memref<3x80x128xf32, #tpu.memory_space<vmem>> -> memref<1x80x128xf32, #tpu.memory_space<vmem>>
      %dma_start3A_206 = tpu.memref_squeeze %dma_start3A_205 : memref<1x80x128xf32, #tpu.memory_space<vmem>> -> memref<80x128xf32, #tpu.memory_space<vmem>>
      %dma_start3A_207 = arith.constant 0 : i32
      %dma_start3A_208 = tpu.memref_slice %arg9[%add3A_14, %dma_start3A_207] : memref<10240x128xf32, #tpu.memory_space<vmem_shared>> -> memref<80x128xf32, #tpu.memory_space<vmem_shared>>
      %dma_start3A_209 = arith.constant 0 : i32
      %dma_start3A_210 = tpu.memref_slice %arg9[%add3A_14, %dma_start3A_209] : memref<10240x128xf32, #tpu.memory_space<vmem_shared>> -> memref<80x128xf32, #tpu.memory_space<vmem_shared>>
      %dma_start3A_211 = arith.constant 0 : i32
      %dma_start3A_212 = arith.constant 0 : i32
      %dma_start3A_213 = tpu.memref_slice %arg8[%run_scoped3A, %dma_start3A_211, %dma_start3A_212] : memref<3x80x128xf32, #tpu.memory_space<vmem>> -> memref<1x80x128xf32, #tpu.memory_space<vmem>>
      %dma_start3A_214 = tpu.memref_squeeze %dma_start3A_213 : memref<1x80x128xf32, #tpu.memory_space<vmem>> -> memref<80x128xf32, #tpu.memory_space<vmem>>
      tpu.enqueue_dma source(%dma_start3A_214 : memref<80x128xf32, #tpu.memory_space<vmem>>) target(%dma_start3A_210 : memref<80x128xf32, #tpu.memory_space<vmem_shared>>) target_semaphore(%run_scoped3A_202 : memref<!tpu.dma_semaphore, #tpu.memory_space<semaphore_mem>>)
      %dma_wait3A_215 = arith.constant 0 : i32
      %dma_wait3A_216 = arith.constant 0 : i32
      %dma_wait3A_217 = tpu.memref_slice %arg8[%run_scoped3A, %dma_wait3A_215, %dma_wait3A_216] : memref<3x80x128xf32, #tpu.memory_space<vmem>> -> memref<1x80x128xf32, #tpu.memory_space<vmem>>
      %dma_wait3A_218 = tpu.memref_squeeze %dma_wait3A_217 : memref<1x80x128xf32, #tpu.memory_space<vmem>> -> memref<80x128xf32, #tpu.memory_space<vmem>>
      %dma_wait3A_219 = arith.constant 0 : i32
      %dma_wait3A_220 = tpu.memref_slice %arg9[%add3A_14, %dma_wait3A_219] : memref<10240x128xf32, #tpu.memory_space<vmem_shared>> -> memref<80x128xf32, #tpu.memory_space<vmem_shared>>
      %dma_wait3A_221 = arith.constant 0 : i32
      %dma_wait3A_222 = tpu.memref_slice %arg9[%add3A_14, %dma_wait3A_221] : memref<10240x128xf32, #tpu.memory_space<vmem_shared>> -> memref<80x128xf32, #tpu.memory_space<vmem_shared>>
      %dma_wait3A_223 = arith.constant 0 : i32
      %dma_wait3A_224 = arith.constant 0 : i32
      %dma_wait3A_225 = tpu.memref_slice %arg8[%run_scoped3A, %dma_wait3A_223, %dma_wait3A_224] : memref<3x80x128xf32, #tpu.memory_space<vmem>> -> memref<1x80x128xf32, #tpu.memory_space<vmem>>
      %dma_wait3A_226 = tpu.memref_squeeze %dma_wait3A_225 : memref<1x80x128xf32, #tpu.memory_space<vmem>> -> memref<80x128xf32, #tpu.memory_space<vmem>>
      tpu.wait_dma2 semaphore(%run_scoped3A_202 : memref<!tpu.dma_semaphore, #tpu.memory_space<semaphore_mem>>) src(%dma_wait3A_226 : memref<80x128xf32, #tpu.memory_space<vmem>>) dst(%dma_wait3A_222 : memref<80x128xf32, #tpu.memory_space<vmem_shared>>)
      tpu.yield
    }) : () -> ()
    %mul3A_15 = arith.constant 640 : i32
    %mul3A_16 = arith.muli %arg1, %mul3A_15 : i32
    %add3A_17 = arith.constant 80 : i32
    %add3A_18 = arith.addi %mul3A_16, %add3A_17 : i32
    %run_scoped3A_19 = arith.constant 0 : i32
    "tpu.region"() ({
      %run_scoped3A_202 = tpu.sem_alloc : memref<!tpu.dma_semaphore, #tpu.memory_space<semaphore_mem>>
      %dma_start3A_203 = arith.constant 0 : i32
      %dma_start3A_204 = arith.constant 0 : i32
      %dma_start3A_205 = tpu.memref_slice %arg8[%run_scoped3A_19, %dma_start3A_203, %dma_start3A_204] : memref<3x80x128xf32, #tpu.memory_space<vmem>> -> memref<1x80x128xf32, #tpu.memory_space<vmem>>
      %dma_start3A_206 = tpu.memref_squeeze %dma_start3A_205 : memref<1x80x128xf32, #tpu.memory_space<vmem>> -> memref<80x128xf32, #tpu.memory_space<vmem>>
      %dma_start3A_207 = arith.constant 0 : i32
      %dma_start3A_208 = tpu.memref_slice %arg9[%add3A_18, %dma_start3A_207] : memref<10240x128xf32, #tpu.memory_space<vmem_shared>> -> memref<80x128xf32, #tpu.memory_space<vmem_shared>>
      %dma_start3A_209 = arith.constant 0 : i32
      %dma_start3A_210 = tpu.memref_slice %arg9[%add3A_18, %dma_start3A_209] : memref<10240x128xf32, #tpu.memory_space<vmem_shared>> -> memref<80x128xf32, #tpu.memory_space<vmem_shared>>
      %dma_start3A_211 = arith.constant 0 : i32
      %dma_start3A_212 = arith.constant 0 : i32
      %dma_start3A_213 = tpu.memref_slice %arg8[%run_scoped3A_19, %dma_start3A_211, %dma_start3A_212] : memref<3x80x128xf32, #tpu.memory_space<vmem>> -> memref<1x80x128xf32, #tpu.memory_space<vmem>>
      %dma_start3A_214 = tpu.memref_squeeze %dma_start3A_213 : memref<1x80x128xf32, #tpu.memory_space<vmem>> -> memref<80x128xf32, #tpu.memory_space<vmem>>
      tpu.enqueue_dma source(%dma_start3A_214 : memref<80x128xf32, #tpu.memory_space<vmem>>) target(%dma_start3A_210 : memref<80x128xf32, #tpu.memory_space<vmem_shared>>) target_semaphore(%run_scoped3A_202 : memref<!tpu.dma_semaphore, #tpu.memory_space<semaphore_mem>>)
      %dma_wait3A_215 = arith.constant 0 : i32
      %dma_wait3A_216 = arith.constant 0 : i32
      %dma_wait3A_217 = tpu.memref_slice %arg8[%run_scoped3A_19, %dma_wait3A_215, %dma_wait3A_216] : memref<3x80x128xf32, #tpu.memory_space<vmem>> -> memref<1x80x128xf32, #tpu.memory_space<vmem>>
      %dma_wait3A_218 = tpu.memref_squeeze %dma_wait3A_217 : memref<1x80x128xf32, #tpu.memory_space<vmem>> -> memref<80x128xf32, #tpu.memory_space<vmem>>
      %dma_wait3A_219 = arith.constant 0 : i32
      %dma_wait3A_220 = tpu.memref_slice %arg9[%add3A_18, %dma_wait3A_219] : memref<10240x128xf32, #tpu.memory_space<vmem_shared>> -> memref<80x128xf32, #tpu.memory_space<vmem_shared>>
      %dma_wait3A_221 = arith.constant 0 : i32
      %dma_wait3A_222 = tpu.memref_slice %arg9[%add3A_18, %dma_wait3A_221] : memref<10240x128xf32, #tpu.memory_space<vmem_shared>> -> memref<80x128xf32, #tpu.memory_space<vmem_shared>>
      %dma_wait3A_223 = arith.constant 0 : i32
      %dma_wait3A_224 = arith.constant 0 : i32
      %dma_wait3A_225 = tpu.memref_slice %arg8[%run_scoped3A_19, %dma_wait3A_223, %dma_wait3A_224] : memref<3x80x128xf32, #tpu.memory_space<vmem>> -> memref<1x80x128xf32, #tpu.memory_space<vmem>>
      %dma_wait3A_226 = tpu.memref_squeeze %dma_wait3A_225 : memref<1x80x128xf32, #tpu.memory_space<vmem>> -> memref<80x128xf32, #tpu.memory_space<vmem>>
      tpu.wait_dma2 semaphore(%run_scoped3A_202 : memref<!tpu.dma_semaphore, #tpu.memory_space<semaphore_mem>>) src(%dma_wait3A_226 : memref<80x128xf32, #tpu.memory_space<vmem>>) dst(%dma_wait3A_222 : memref<80x128xf32, #tpu.memory_space<vmem_shared>>)
      tpu.yield
    }) : () -> ()
    %mul3A_20 = arith.constant 640 : i32
    %mul3A_21 = arith.muli %arg1, %mul3A_20 : i32
    %add3A_22 = arith.constant 160 : i32
    %add3A_23 = arith.addi %mul3A_21, %add3A_22 : i32
    %run_scoped3A_24 = arith.constant 0 : i32
    "tpu.region"() ({
      %run_scoped3A_202 = tpu.sem_alloc : memref<!tpu.dma_semaphore, #tpu.memory_space<semaphore_mem>>
      %dma_start3A_203 = arith.constant 0 : i32
      %dma_start3A_204 = arith.constant 0 : i32
      %dma_start3A_205 = tpu.memref_slice %arg8[%run_scoped3A_24, %dma_start3A_203, %dma_start3A_204] : memref<3x80x128xf32, #tpu.memory_space<vmem>> -> memref<1x80x128xf32, #tpu.memory_space<vmem>>
      %dma_start3A_206 = tpu.memref_squeeze %dma_start3A_205 : memref<1x80x128xf32, #tpu.memory_space<vmem>> -> memref<80x128xf32, #tpu.memory_space<vmem>>
      %dma_start3A_207 = arith.constant 0 : i32
      %dma_start3A_208 = tpu.memref_slice %arg9[%add3A_23, %dma_start3A_207] : memref<10240x128xf32, #tpu.memory_space<vmem_shared>> -> memref<80x128xf32, #tpu.memory_space<vmem_shared>>
      %dma_start3A_209 = arith.constant 0 : i32
      %dma_start3A_210 = tpu.memref_slice %arg9[%add3A_23, %dma_start3A_209] : memref<10240x128xf32, #tpu.memory_space<vmem_shared>> -> memref<80x128xf32, #tpu.memory_space<vmem_shared>>
      %dma_start3A_211 = arith.constant 0 : i32
      %dma_start3A_212 = arith.constant 0 : i32
      %dma_start3A_213 = tpu.memref_slice %arg8[%run_scoped3A_24, %dma_start3A_211, %dma_start3A_212] : memref<3x80x128xf32, #tpu.memory_space<vmem>> -> memref<1x80x128xf32, #tpu.memory_space<vmem>>
      %dma_start3A_214 = tpu.memref_squeeze %dma_start3A_213 : memref<1x80x128xf32, #tpu.memory_space<vmem>> -> memref<80x128xf32, #tpu.memory_space<vmem>>
      tpu.enqueue_dma source(%dma_start3A_214 : memref<80x128xf32, #tpu.memory_space<vmem>>) target(%dma_start3A_210 : memref<80x128xf32, #tpu.memory_space<vmem_shared>>) target_semaphore(%run_scoped3A_202 : memref<!tpu.dma_semaphore, #tpu.memory_space<semaphore_mem>>)
      %dma_wait3A_215 = arith.constant 0 : i32
      %dma_wait3A_216 = arith.constant 0 : i32
      %dma_wait3A_217 = tpu.memref_slice %arg8[%run_scoped3A_24, %dma_wait3A_215, %dma_wait3A_216] : memref<3x80x128xf32, #tpu.memory_space<vmem>> -> memref<1x80x128xf32, #tpu.memory_space<vmem>>
      %dma_wait3A_218 = tpu.memref_squeeze %dma_wait3A_217 : memref<1x80x128xf32, #tpu.memory_space<vmem>> -> memref<80x128xf32, #tpu.memory_space<vmem>>
      %dma_wait3A_219 = arith.constant 0 : i32
      %dma_wait3A_220 = tpu.memref_slice %arg9[%add3A_23, %dma_wait3A_219] : memref<10240x128xf32, #tpu.memory_space<vmem_shared>> -> memref<80x128xf32, #tpu.memory_space<vmem_shared>>
      %dma_wait3A_221 = arith.constant 0 : i32
      %dma_wait3A_222 = tpu.memref_slice %arg9[%add3A_23, %dma_wait3A_221] : memref<10240x128xf32, #tpu.memory_space<vmem_shared>> -> memref<80x128xf32, #tpu.memory_space<vmem_shared>>
      %dma_wait3A_223 = arith.constant 0 : i32
      %dma_wait3A_224 = arith.constant 0 : i32
      %dma_wait3A_225 = tpu.memref_slice %arg8[%run_scoped3A_24, %dma_wait3A_223, %dma_wait3A_224] : memref<3x80x128xf32, #tpu.memory_space<vmem>> -> memref<1x80x128xf32, #tpu.memory_space<vmem>>
      %dma_wait3A_226 = tpu.memref_squeeze %dma_wait3A_225 : memref<1x80x128xf32, #tpu.memory_space<vmem>> -> memref<80x128xf32, #tpu.memory_space<vmem>>
      tpu.wait_dma2 semaphore(%run_scoped3A_202 : memref<!tpu.dma_semaphore, #tpu.memory_space<semaphore_mem>>) src(%dma_wait3A_226 : memref<80x128xf32, #tpu.memory_space<vmem>>) dst(%dma_wait3A_222 : memref<80x128xf32, #tpu.memory_space<vmem_shared>>)
      tpu.yield
    }) : () -> ()
    %mul3A_25 = arith.constant 640 : i32
    %mul3A_26 = arith.muli %arg1, %mul3A_25 : i32
    %add3A_27 = arith.constant 240 : i32
    %add3A_28 = arith.addi %mul3A_26, %add3A_27 : i32
    %run_scoped3A_29 = arith.constant 0 : i32
    "tpu.region"() ({
      %run_scoped3A_202 = tpu.sem_alloc : memref<!tpu.dma_semaphore, #tpu.memory_space<semaphore_mem>>
      %dma_start3A_203 = arith.constant 0 : i32
      %dma_start3A_204 = arith.constant 0 : i32
      %dma_start3A_205 = tpu.memref_slice %arg8[%run_scoped3A_29, %dma_start3A_203, %dma_start3A_204] : memref<3x80x128xf32, #tpu.memory_space<vmem>> -> memref<1x80x128xf32, #tpu.memory_space<vmem>>
      %dma_start3A_206 = tpu.memref_squeeze %dma_start3A_205 : memref<1x80x128xf32, #tpu.memory_space<vmem>> -> memref<80x128xf32, #tpu.memory_space<vmem>>
      %dma_start3A_207 = arith.constant 0 : i32
      %dma_start3A_208 = tpu.memref_slice %arg9[%add3A_28, %dma_start3A_207] : memref<10240x128xf32, #tpu.memory_space<vmem_shared>> -> memref<80x128xf32, #tpu.memory_space<vmem_shared>>
      %dma_start3A_209 = arith.constant 0 : i32
      %dma_start3A_210 = tpu.memref_slice %arg9[%add3A_28, %dma_start3A_209] : memref<10240x128xf32, #tpu.memory_space<vmem_shared>> -> memref<80x128xf32, #tpu.memory_space<vmem_shared>>
      %dma_start3A_211 = arith.constant 0 : i32
      %dma_start3A_212 = arith.constant 0 : i32
      %dma_start3A_213 = tpu.memref_slice %arg8[%run_scoped3A_29, %dma_start3A_211, %dma_start3A_212] : memref<3x80x128xf32, #tpu.memory_space<vmem>> -> memref<1x80x128xf32, #tpu.memory_space<vmem>>
      %dma_start3A_214 = tpu.memref_squeeze %dma_start3A_213 : memref<1x80x128xf32, #tpu.memory_space<vmem>> -> memref<80x128xf32, #tpu.memory_space<vmem>>
      tpu.enqueue_dma source(%dma_start3A_214 : memref<80x128xf32, #tpu.memory_space<vmem>>) target(%dma_start3A_210 : memref<80x128xf32, #tpu.memory_space<vmem_shared>>) target_semaphore(%run_scoped3A_202 : memref<!tpu.dma_semaphore, #tpu.memory_space<semaphore_mem>>)
      %dma_wait3A_215 = arith.constant 0 : i32
      %dma_wait3A_216 = arith.constant 0 : i32
      %dma_wait3A_217 = tpu.memref_slice %arg8[%run_scoped3A_29, %dma_wait3A_215, %dma_wait3A_216] : memref<3x80x128xf32, #tpu.memory_space<vmem>> -> memref<1x80x128xf32, #tpu.memory_space<vmem>>
      %dma_wait3A_218 = tpu.memref_squeeze %dma_wait3A_217 : memref<1x80x128xf32, #tpu.memory_space<vmem>> -> memref<80x128xf32, #tpu.memory_space<vmem>>
      %dma_wait3A_219 = arith.constant 0 : i32
      %dma_wait3A_220 = tpu.memref_slice %arg9[%add3A_28, %dma_wait3A_219] : memref<10240x128xf32, #tpu.memory_space<vmem_shared>> -> memref<80x128xf32, #tpu.memory_space<vmem_shared>>
      %dma_wait3A_221 = arith.constant 0 : i32
      %dma_wait3A_222 = tpu.memref_slice %arg9[%add3A_28, %dma_wait3A_221] : memref<10240x128xf32, #tpu.memory_space<vmem_shared>> -> memref<80x128xf32, #tpu.memory_space<vmem_shared>>
      %dma_wait3A_223 = arith.constant 0 : i32
      %dma_wait3A_224 = arith.constant 0 : i32
      %dma_wait3A_225 = tpu.memref_slice %arg8[%run_scoped3A_29, %dma_wait3A_223, %dma_wait3A_224] : memref<3x80x128xf32, #tpu.memory_space<vmem>> -> memref<1x80x128xf32, #tpu.memory_space<vmem>>
      %dma_wait3A_226 = tpu.memref_squeeze %dma_wait3A_225 : memref<1x80x128xf32, #tpu.memory_space<vmem>> -> memref<80x128xf32, #tpu.memory_space<vmem>>
      tpu.wait_dma2 semaphore(%run_scoped3A_202 : memref<!tpu.dma_semaphore, #tpu.memory_space<semaphore_mem>>) src(%dma_wait3A_226 : memref<80x128xf32, #tpu.memory_space<vmem>>) dst(%dma_wait3A_222 : memref<80x128xf32, #tpu.memory_space<vmem_shared>>)
      tpu.yield
    }) : () -> ()
    %mul3A_30 = arith.constant 640 : i32
    %mul3A_31 = arith.muli %arg1, %mul3A_30 : i32
    %add3A_32 = arith.constant 320 : i32
    %add3A_33 = arith.addi %mul3A_31, %add3A_32 : i32
    %run_scoped3A_34 = arith.constant 0 : i32
    "tpu.region"() ({
      %run_scoped3A_202 = tpu.sem_alloc : memref<!tpu.dma_semaphore, #tpu.memory_space<semaphore_mem>>
      %dma_start3A_203 = arith.constant 0 : i32
      %dma_start3A_204 = arith.constant 0 : i32
      %dma_start3A_205 = tpu.memref_slice %arg8[%run_scoped3A_34, %dma_start3A_203, %dma_start3A_204] : memref<3x80x128xf32, #tpu.memory_space<vmem>> -> memref<1x80x128xf32, #tpu.memory_space<vmem>>
      %dma_start3A_206 = tpu.memref_squeeze %dma_start3A_205 : memref<1x80x128xf32, #tpu.memory_space<vmem>> -> memref<80x128xf32, #tpu.memory_space<vmem>>
      %dma_start3A_207 = arith.constant 0 : i32
      %dma_start3A_208 = tpu.memref_slice %arg9[%add3A_33, %dma_start3A_207] : memref<10240x128xf32, #tpu.memory_space<vmem_shared>> -> memref<80x128xf32, #tpu.memory_space<vmem_shared>>
      %dma_start3A_209 = arith.constant 0 : i32
      %dma_start3A_210 = tpu.memref_slice %arg9[%add3A_33, %dma_start3A_209] : memref<10240x128xf32, #tpu.memory_space<vmem_shared>> -> memref<80x128xf32, #tpu.memory_space<vmem_shared>>
      %dma_start3A_211 = arith.constant 0 : i32
      %dma_start3A_212 = arith.constant 0 : i32
      %dma_start3A_213 = tpu.memref_slice %arg8[%run_scoped3A_34, %dma_start3A_211, %dma_start3A_212] : memref<3x80x128xf32, #tpu.memory_space<vmem>> -> memref<1x80x128xf32, #tpu.memory_space<vmem>>
      %dma_start3A_214 = tpu.memref_squeeze %dma_start3A_213 : memref<1x80x128xf32, #tpu.memory_space<vmem>> -> memref<80x128xf32, #tpu.memory_space<vmem>>
      tpu.enqueue_dma source(%dma_start3A_214 : memref<80x128xf32, #tpu.memory_space<vmem>>) target(%dma_start3A_210 : memref<80x128xf32, #tpu.memory_space<vmem_shared>>) target_semaphore(%run_scoped3A_202 : memref<!tpu.dma_semaphore, #tpu.memory_space<semaphore_mem>>)
      %dma_wait3A_215 = arith.constant 0 : i32
      %dma_wait3A_216 = arith.constant 0 : i32
      %dma_wait3A_217 = tpu.memref_slice %arg8[%run_scoped3A_34, %dma_wait3A_215, %dma_wait3A_216] : memref<3x80x128xf32, #tpu.memory_space<vmem>> -> memref<1x80x128xf32, #tpu.memory_space<vmem>>
      %dma_wait3A_218 = tpu.memref_squeeze %dma_wait3A_217 : memref<1x80x128xf32, #tpu.memory_space<vmem>> -> memref<80x128xf32, #tpu.memory_space<vmem>>
      %dma_wait3A_219 = arith.constant 0 : i32
      %dma_wait3A_220 = tpu.memref_slice %arg9[%add3A_33, %dma_wait3A_219] : memref<10240x128xf32, #tpu.memory_space<vmem_shared>> -> memref<80x128xf32, #tpu.memory_space<vmem_shared>>
      %dma_wait3A_221 = arith.constant 0 : i32
      %dma_wait3A_222 = tpu.memref_slice %arg9[%add3A_33, %dma_wait3A_221] : memref<10240x128xf32, #tpu.memory_space<vmem_shared>> -> memref<80x128xf32, #tpu.memory_space<vmem_shared>>
      %dma_wait3A_223 = arith.constant 0 : i32
      %dma_wait3A_224 = arith.constant 0 : i32
      %dma_wait3A_225 = tpu.memref_slice %arg8[%run_scoped3A_34, %dma_wait3A_223, %dma_wait3A_224] : memref<3x80x128xf32, #tpu.memory_space<vmem>> -> memref<1x80x128xf32, #tpu.memory_space<vmem>>
      %dma_wait3A_226 = tpu.memref_squeeze %dma_wait3A_225 : memref<1x80x128xf32, #tpu.memory_space<vmem>> -> memref<80x128xf32, #tpu.memory_space<vmem>>
      tpu.wait_dma2 semaphore(%run_scoped3A_202 : memref<!tpu.dma_semaphore, #tpu.memory_space<semaphore_mem>>) src(%dma_wait3A_226 : memref<80x128xf32, #tpu.memory_space<vmem>>) dst(%dma_wait3A_222 : memref<80x128xf32, #tpu.memory_space<vmem_shared>>)
      tpu.yield
    }) : () -> ()
    %mul3A_35 = arith.constant 640 : i32
    %mul3A_36 = arith.muli %arg1, %mul3A_35 : i32
    %add3A_37 = arith.constant 400 : i32
    %add3A_38 = arith.addi %mul3A_36, %add3A_37 : i32
    %run_scoped3A_39 = arith.constant 0 : i32
    "tpu.region"() ({
      %run_scoped3A_202 = tpu.sem_alloc : memref<!tpu.dma_semaphore, #tpu.memory_space<semaphore_mem>>
      %dma_start3A_203 = arith.constant 0 : i32
      %dma_start3A_204 = arith.constant 0 : i32
      %dma_start3A_205 = tpu.memref_slice %arg8[%run_scoped3A_39, %dma_start3A_203, %dma_start3A_204] : memref<3x80x128xf32, #tpu.memory_space<vmem>> -> memref<1x80x128xf32, #tpu.memory_space<vmem>>
      %dma_start3A_206 = tpu.memref_squeeze %dma_start3A_205 : memref<1x80x128xf32, #tpu.memory_space<vmem>> -> memref<80x128xf32, #tpu.memory_space<vmem>>
      %dma_start3A_207 = arith.constant 0 : i32
      %dma_start3A_208 = tpu.memref_slice %arg9[%add3A_38, %dma_start3A_207] : memref<10240x128xf32, #tpu.memory_space<vmem_shared>> -> memref<80x128xf32, #tpu.memory_space<vmem_shared>>
      %dma_start3A_209 = arith.constant 0 : i32
      %dma_start3A_210 = tpu.memref_slice %arg9[%add3A_38, %dma_start3A_209] : memref<10240x128xf32, #tpu.memory_space<vmem_shared>> -> memref<80x128xf32, #tpu.memory_space<vmem_shared>>
      %dma_start3A_211 = arith.constant 0 : i32
      %dma_start3A_212 = arith.constant 0 : i32
      %dma_start3A_213 = tpu.memref_slice %arg8[%run_scoped3A_39, %dma_start3A_211, %dma_start3A_212] : memref<3x80x128xf32, #tpu.memory_space<vmem>> -> memref<1x80x128xf32, #tpu.memory_space<vmem>>
      %dma_start3A_214 = tpu.memref_squeeze %dma_start3A_213 : memref<1x80x128xf32, #tpu.memory_space<vmem>> -> memref<80x128xf32, #tpu.memory_space<vmem>>
      tpu.enqueue_dma source(%dma_start3A_214 : memref<80x128xf32, #tpu.memory_space<vmem>>) target(%dma_start3A_210 : memref<80x128xf32, #tpu.memory_space<vmem_shared>>) target_semaphore(%run_scoped3A_202 : memref<!tpu.dma_semaphore, #tpu.memory_space<semaphore_mem>>)
      %dma_wait3A_215 = arith.constant 0 : i32
      %dma_wait3A_216 = arith.constant 0 : i32
      %dma_wait3A_217 = tpu.memref_slice %arg8[%run_scoped3A_39, %dma_wait3A_215, %dma_wait3A_216] : memref<3x80x128xf32, #tpu.memory_space<vmem>> -> memref<1x80x128xf32, #tpu.memory_space<vmem>>
      %dma_wait3A_218 = tpu.memref_squeeze %dma_wait3A_217 : memref<1x80x128xf32, #tpu.memory_space<vmem>> -> memref<80x128xf32, #tpu.memory_space<vmem>>
      %dma_wait3A_219 = arith.constant 0 : i32
      %dma_wait3A_220 = tpu.memref_slice %arg9[%add3A_38, %dma_wait3A_219] : memref<10240x128xf32, #tpu.memory_space<vmem_shared>> -> memref<80x128xf32, #tpu.memory_space<vmem_shared>>
      %dma_wait3A_221 = arith.constant 0 : i32
      %dma_wait3A_222 = tpu.memref_slice %arg9[%add3A_38, %dma_wait3A_221] : memref<10240x128xf32, #tpu.memory_space<vmem_shared>> -> memref<80x128xf32, #tpu.memory_space<vmem_shared>>
      %dma_wait3A_223 = arith.constant 0 : i32
      %dma_wait3A_224 = arith.constant 0 : i32
      %dma_wait3A_225 = tpu.memref_slice %arg8[%run_scoped3A_39, %dma_wait3A_223, %dma_wait3A_224] : memref<3x80x128xf32, #tpu.memory_space<vmem>> -> memref<1x80x128xf32, #tpu.memory_space<vmem>>
      %dma_wait3A_226 = tpu.memref_squeeze %dma_wait3A_225 : memref<1x80x128xf32, #tpu.memory_space<vmem>> -> memref<80x128xf32, #tpu.memory_space<vmem>>
      tpu.wait_dma2 semaphore(%run_scoped3A_202 : memref<!tpu.dma_semaphore, #tpu.memory_space<semaphore_mem>>) src(%dma_wait3A_226 : memref<80x128xf32, #tpu.memory_space<vmem>>) dst(%dma_wait3A_222 : memref<80x128xf32, #tpu.memory_space<vmem_shared>>)
      tpu.yield
    }) : () -> ()
    %mul3A_40 = arith.constant 640 : i32
    %mul3A_41 = arith.muli %arg1, %mul3A_40 : i32
    %add3A_42 = arith.constant 480 : i32
    %add3A_43 = arith.addi %mul3A_41, %add3A_42 : i32
    %run_scoped3A_44 = arith.constant 0 : i32
    "tpu.region"() ({
      %run_scoped3A_202 = tpu.sem_alloc : memref<!tpu.dma_semaphore, #tpu.memory_space<semaphore_mem>>
      %dma_start3A_203 = arith.constant 0 : i32
      %dma_start3A_204 = arith.constant 0 : i32
      %dma_start3A_205 = tpu.memref_slice %arg8[%run_scoped3A_44, %dma_start3A_203, %dma_start3A_204] : memref<3x80x128xf32, #tpu.memory_space<vmem>> -> memref<1x80x128xf32, #tpu.memory_space<vmem>>
      %dma_start3A_206 = tpu.memref_squeeze %dma_start3A_205 : memref<1x80x128xf32, #tpu.memory_space<vmem>> -> memref<80x128xf32, #tpu.memory_space<vmem>>
      %dma_start3A_207 = arith.constant 0 : i32
      %dma_start3A_208 = tpu.memref_slice %arg9[%add3A_43, %dma_start3A_207] : memref<10240x128xf32, #tpu.memory_space<vmem_shared>> -> memref<80x128xf32, #tpu.memory_space<vmem_shared>>
      %dma_start3A_209 = arith.constant 0 : i32
      %dma_start3A_210 = tpu.memref_slice %arg9[%add3A_43, %dma_start3A_209] : memref<10240x128xf32, #tpu.memory_space<vmem_shared>> -> memref<80x128xf32, #tpu.memory_space<vmem_shared>>
      %dma_start3A_211 = arith.constant 0 : i32
      %dma_start3A_212 = arith.constant 0 : i32
      %dma_start3A_213 = tpu.memref_slice %arg8[%run_scoped3A_44, %dma_start3A_211, %dma_start3A_212] : memref<3x80x128xf32, #tpu.memory_space<vmem>> -> memref<1x80x128xf32, #tpu.memory_space<vmem>>
      %dma_start3A_214 = tpu.memref_squeeze %dma_start3A_213 : memref<1x80x128xf32, #tpu.memory_space<vmem>> -> memref<80x128xf32, #tpu.memory_space<vmem>>
      tpu.enqueue_dma source(%dma_start3A_214 : memref<80x128xf32, #tpu.memory_space<vmem>>) target(%dma_start3A_210 : memref<80x128xf32, #tpu.memory_space<vmem_shared>>) target_semaphore(%run_scoped3A_202 : memref<!tpu.dma_semaphore, #tpu.memory_space<semaphore_mem>>)
      %dma_wait3A_215 = arith.constant 0 : i32
      %dma_wait3A_216 = arith.constant 0 : i32
      %dma_wait3A_217 = tpu.memref_slice %arg8[%run_scoped3A_44, %dma_wait3A_215, %dma_wait3A_216] : memref<3x80x128xf32, #tpu.memory_space<vmem>> -> memref<1x80x128xf32, #tpu.memory_space<vmem>>
      %dma_wait3A_218 = tpu.memref_squeeze %dma_wait3A_217 : memref<1x80x128xf32, #tpu.memory_space<vmem>> -> memref<80x128xf32, #tpu.memory_space<vmem>>
      %dma_wait3A_219 = arith.constant 0 : i32
      %dma_wait3A_220 = tpu.memref_slice %arg9[%add3A_43, %dma_wait3A_219] : memref<10240x128xf32, #tpu.memory_space<vmem_shared>> -> memref<80x128xf32, #tpu.memory_space<vmem_shared>>
      %dma_wait3A_221 = arith.constant 0 : i32
      %dma_wait3A_222 = tpu.memref_slice %arg9[%add3A_43, %dma_wait3A_221] : memref<10240x128xf32, #tpu.memory_space<vmem_shared>> -> memref<80x128xf32, #tpu.memory_space<vmem_shared>>
      %dma_wait3A_223 = arith.constant 0 : i32
      %dma_wait3A_224 = arith.constant 0 : i32
      %dma_wait3A_225 = tpu.memref_slice %arg8[%run_scoped3A_44, %dma_wait3A_223, %dma_wait3A_224] : memref<3x80x128xf32, #tpu.memory_space<vmem>> -> memref<1x80x128xf32, #tpu.memory_space<vmem>>
      %dma_wait3A_226 = tpu.memref_squeeze %dma_wait3A_225 : memref<1x80x128xf32, #tpu.memory_space<vmem>> -> memref<80x128xf32, #tpu.memory_space<vmem>>
      tpu.wait_dma2 semaphore(%run_scoped3A_202 : memref<!tpu.dma_semaphore, #tpu.memory_space<semaphore_mem>>) src(%dma_wait3A_226 : memref<80x128xf32, #tpu.memory_space<vmem>>) dst(%dma_wait3A_222 : memref<80x128xf32, #tpu.memory_space<vmem_shared>>)
      tpu.yield
    }) : () -> ()
    %mul3A_45 = arith.constant 640 : i32
    %mul3A_46 = arith.muli %arg1, %mul3A_45 : i32
    %add3A_47 = arith.constant 560 : i32
    %add3A_48 = arith.addi %mul3A_46, %add3A_47 : i32
    %run_scoped3A_49 = arith.constant 0 : i32
    "tpu.region"() ({
      %run_scoped3A_202 = tpu.sem_alloc : memref<!tpu.dma_semaphore, #tpu.memory_space<semaphore_mem>>
      %dma_start3A_203 = arith.constant 0 : i32
      %dma_start3A_204 = arith.constant 0 : i32
      %dma_start3A_205 = tpu.memref_slice %arg8[%run_scoped3A_49, %dma_start3A_203, %dma_start3A_204] : memref<3x80x128xf32, #tpu.memory_space<vmem>> -> memref<1x80x128xf32, #tpu.memory_space<vmem>>
      %dma_start3A_206 = tpu.memref_squeeze %dma_start3A_205 : memref<1x80x128xf32, #tpu.memory_space<vmem>> -> memref<80x128xf32, #tpu.memory_space<vmem>>
      %dma_start3A_207 = arith.constant 0 : i32
      %dma_start3A_208 = tpu.memref_slice %arg9[%add3A_48, %dma_start3A_207] : memref<10240x128xf32, #tpu.memory_space<vmem_shared>> -> memref<80x128xf32, #tpu.memory_space<vmem_shared>>
      %dma_start3A_209 = arith.constant 0 : i32
      %dma_start3A_210 = tpu.memref_slice %arg9[%add3A_48, %dma_start3A_209] : memref<10240x128xf32, #tpu.memory_space<vmem_shared>> -> memref<80x128xf32, #tpu.memory_space<vmem_shared>>
      %dma_start3A_211 = arith.constant 0 : i32
      %dma_start3A_212 = arith.constant 0 : i32
      %dma_start3A_213 = tpu.memref_slice %arg8[%run_scoped3A_49, %dma_start3A_211, %dma_start3A_212] : memref<3x80x128xf32, #tpu.memory_space<vmem>> -> memref<1x80x128xf32, #tpu.memory_space<vmem>>
      %dma_start3A_214 = tpu.memref_squeeze %dma_start3A_213 : memref<1x80x128xf32, #tpu.memory_space<vmem>> -> memref<80x128xf32, #tpu.memory_space<vmem>>
      tpu.enqueue_dma source(%dma_start3A_214 : memref<80x128xf32, #tpu.memory_space<vmem>>) target(%dma_start3A_210 : memref<80x128xf32, #tpu.memory_space<vmem_shared>>) target_semaphore(%run_scoped3A_202 : memref<!tpu.dma_semaphore, #tpu.memory_space<semaphore_mem>>)
      %dma_wait3A_215 = arith.constant 0 : i32
      %dma_wait3A_216 = arith.constant 0 : i32
      %dma_wait3A_217 = tpu.memref_slice %arg8[%run_scoped3A_49, %dma_wait3A_215, %dma_wait3A_216] : memref<3x80x128xf32, #tpu.memory_space<vmem>> -> memref<1x80x128xf32, #tpu.memory_space<vmem>>
      %dma_wait3A_218 = tpu.memref_squeeze %dma_wait3A_217 : memref<1x80x128xf32, #tpu.memory_space<vmem>> -> memref<80x128xf32, #tpu.memory_space<vmem>>
      %dma_wait3A_219 = arith.constant 0 : i32
      %dma_wait3A_220 = tpu.memref_slice %arg9[%add3A_48, %dma_wait3A_219] : memref<10240x128xf32, #tpu.memory_space<vmem_shared>> -> memref<80x128xf32, #tpu.memory_space<vmem_shared>>
      %dma_wait3A_221 = arith.constant 0 : i32
      %dma_wait3A_222 = tpu.memref_slice %arg9[%add3A_48, %dma_wait3A_221] : memref<10240x128xf32, #tpu.memory_space<vmem_shared>> -> memref<80x128xf32, #tpu.memory_space<vmem_shared>>
      %dma_wait3A_223 = arith.constant 0 : i32
      %dma_wait3A_224 = arith.constant 0 : i32
      %dma_wait3A_225 = tpu.memref_slice %arg8[%run_scoped3A_49, %dma_wait3A_223, %dma_wait3A_224] : memref<3x80x128xf32, #tpu.memory_space<vmem>> -> memref<1x80x128xf32, #tpu.memory_space<vmem>>
      %dma_wait3A_226 = tpu.memref_squeeze %dma_wait3A_225 : memref<1x80x128xf32, #tpu.memory_space<vmem>> -> memref<80x128xf32, #tpu.memory_space<vmem>>
      tpu.wait_dma2 semaphore(%run_scoped3A_202 : memref<!tpu.dma_semaphore, #tpu.memory_space<semaphore_mem>>) src(%dma_wait3A_226 : memref<80x128xf32, #tpu.memory_space<vmem>>) dst(%dma_wait3A_222 : memref<80x128xf32, #tpu.memory_space<vmem_shared>>)
      tpu.yield
    }) : () -> ()
    %dma_wait3A = tpu.memref_slice %arg2[%mul3A_2] : memref<320000xi32, #tpu.memory_space<hbm>> -> memref<10000xi32, #tpu.memory_space<hbm>>
    %dma_wait3A_50 = tpu.memref_slice %arg2[%mul3A_2] : memref<320000xi32, #tpu.memory_space<hbm>> -> memref<10000xi32, #tpu.memory_space<hbm>>
    tpu.wait_dma2 semaphore(%arg10 : memref<!tpu.dma_semaphore, #tpu.memory_space<semaphore_mem>>) src(%dma_wait3A_50 : memref<10000xi32, #tpu.memory_space<hbm>>) dst(%arg6 : memref<10000xi32, #tpu.memory_space<vmem>>)
    %barrier3A = arith.constant 0 : index
    tpu.barrier barrier_id(%barrier3A)
    %scan3A_51 = arith.constant 0 : i32
    %scan3A_52 = arith.constant 0 : i32
    %scan3A_53 = arith.constant 41 : i32
    %scan3A_54 = arith.addi %scan3A_52, %scan3A_53 : i32
    %scan3A_55 = arith.constant 1 : i32
    %scan3A_56 = scf.for %scan3A_202 = %scan3A_52 to %scan3A_54 step %scan3A_55 iter_args(%scan3A_203 = %scan3A_51) -> (i32)  : i32 {
      %mul3A_204 = arith.constant 3 : i32
      %mul3A_205 = arith.muli %scan3A_202, %mul3A_204 : i32
      %add3A_206 = arith.constant 0 : i32
      %add3A_207 = arith.addi %mul3A_205, %add3A_206 : i32
      %gt3A = arith.constant 0 : i32
      %gt3A_208 = arith.cmpi sgt, %scan3A_202, %gt3A : i32
      %convert_element_type3A = arith.extui %gt3A_208 : i1 to i32
      %cond3A = arith.constant 0 : i32
      %cond3A_209 = arith.cmpi ne, %convert_element_type3A, %cond3A : i32
      scf.if %cond3A_209 {
        %dma_wait3A_388 = arith.constant 0 : i32
        %dma_wait3A_389 = arith.constant 0 : i32
        %dma_wait3A_390 = arith.constant 0 : i32
        %dma_wait3A_391 = tpu.memref_slice %arg8[%dma_wait3A_388, %dma_wait3A_389, %dma_wait3A_390] : memref<3x80x128xf32, #tpu.memory_space<vmem>> -> memref<1x80x128xf32, #tpu.memory_space<vmem>>
        %dma_wait3A_392 = tpu.memref_squeeze %dma_wait3A_391 : memref<1x80x128xf32, #tpu.memory_space<vmem>> -> memref<80x128xf32, #tpu.memory_space<vmem>>
        %dma_wait3A_393 = arith.constant 0 : i32
        %dma_wait3A_394 = arith.constant 0 : i32
        %dma_wait3A_395 = tpu.memref_slice %arg4[%dma_wait3A_393, %dma_wait3A_394] : memref<10000x128xf32, #tpu.memory_space<hbm>> -> memref<80x128xf32, #tpu.memory_space<hbm>>
        %dma_wait3A_396 = arith.constant 0 : i32
        %dma_wait3A_397 = arith.constant 0 : i32
        %dma_wait3A_398 = tpu.memref_slice %arg8[%dma_wait3A_388, %dma_wait3A_396, %dma_wait3A_397] : memref<3x80x128xf32, #tpu.memory_space<vmem>> -> memref<1x80x128xf32, #tpu.memory_space<vmem>>
        %dma_wait3A_399 = tpu.memref_squeeze %dma_wait3A_398 : memref<1x80x128xf32, #tpu.memory_space<vmem>> -> memref<80x128xf32, #tpu.memory_space<vmem>>
        %dma_wait3A_400 = arith.constant 0 : i32
        %dma_wait3A_401 = arith.constant 0 : i32
        %dma_wait3A_402 = tpu.memref_slice %arg4[%dma_wait3A_400, %dma_wait3A_401] : memref<10000x128xf32, #tpu.memory_space<hbm>> -> memref<80x128xf32, #tpu.memory_space<hbm>>
        tpu.wait_dma2 semaphore(%arg16 : memref<!tpu.dma_semaphore, #tpu.memory_space<semaphore_mem>>) src(%dma_wait3A_402 : memref<80x128xf32, #tpu.memory_space<hbm>>) dst(%dma_wait3A_399 : memref<80x128xf32, #tpu.memory_space<vmem>>)
      } else {
      }
      %mul3A_210 = arith.constant 80 : i32
      %mul3A_211 = arith.muli %add3A_207, %mul3A_210 : i32
      %dma_start3A_212 = arith.constant 0 : i32
      %dma_start3A_213 = arith.constant 0 : i32
      %dma_start3A_214 = arith.constant 0 : i32
      %dma_start3A_215 = tpu.memref_slice %arg8[%dma_start3A_212, %dma_start3A_213, %dma_start3A_214] : memref<3x80x128xf32, #tpu.memory_space<vmem>> -> memref<1x80x128xf32, #tpu.memory_space<vmem>>
      %dma_start3A_216 = tpu.memref_squeeze %dma_start3A_215 : memref<1x80x128xf32, #tpu.memory_space<vmem>> -> memref<80x128xf32, #tpu.memory_space<vmem>>
      %dma_start3A_217 = tpu.memref_slice %arg6[%mul3A_211] : memref<10000xi32, #tpu.memory_space<vmem>> -> memref<80xi32, #tpu.memory_space<vmem>>
      %dma_start3A_218 = arith.constant 0 : i32
      %dma_start3A_219 = arith.constant 0 : i32
      %dma_start3A_220 = tpu.memref_slice %arg4[%dma_start3A_218, %dma_start3A_219] : memref<10000x128xf32, #tpu.memory_space<hbm>> -> memref<10000x128xf32, #tpu.memory_space<hbm>>
      tpu.enqueue_indirect_dma source(%dma_start3A_220 : memref<10000x128xf32, #tpu.memory_space<hbm>>) target(%dma_start3A_216 : memref<80x128xf32, #tpu.memory_space<vmem>>) offsets(%dma_start3A_217 : memref<80xi32, #tpu.memory_space<vmem>>) semaphore(%arg13 : memref<!tpu.dma_semaphore, #tpu.memory_space<semaphore_mem>>)
      %mul3A_221 = arith.constant 80 : i32
      %mul3A_222 = arith.muli %add3A_207, %mul3A_221 : i32
      %add3A_223 = arith.addi %mul3A_2, %mul3A_222 : i32
      %dma_start3A_224 = arith.constant 0 : i32
      %dma_start3A_225 = arith.constant 0 : i32
      %dma_start3A_226 = tpu.memref_slice %arg7[%dma_start3A_224, %dma_start3A_225] : memref<3x80xi32, #tpu.memory_space<vmem>> -> memref<1x80xi32, #tpu.memory_space<vmem>>
      %dma_start3A_227 = tpu.memref_squeeze %dma_start3A_226 : memref<1x80xi32, #tpu.memory_space<vmem>> -> memref<80xi32, #tpu.memory_space<vmem>>
      %dma_start3A_228 = tpu.memref_slice %arg3[%add3A_223] : memref<320000xi32, #tpu.memory_space<hbm>> -> memref<80xi32, #tpu.memory_space<hbm>>
      %dma_start3A_229 = arith.constant 0 : i32
      %dma_start3A_230 = tpu.memref_slice %arg7[%dma_start3A_224, %dma_start3A_229] : memref<3x80xi32, #tpu.memory_space<vmem>> -> memref<1x80xi32, #tpu.memory_space<vmem>>
      %dma_start3A_231 = tpu.memref_squeeze %dma_start3A_230 : memref<1x80xi32, #tpu.memory_space<vmem>> -> memref<80xi32, #tpu.memory_space<vmem>>
      %dma_start3A_232 = tpu.memref_slice %arg3[%add3A_223] : memref<320000xi32, #tpu.memory_space<hbm>> -> memref<80xi32, #tpu.memory_space<hbm>>
      tpu.enqueue_dma source(%dma_start3A_232 : memref<80xi32, #tpu.memory_space<hbm>>) target(%dma_start3A_231 : memref<80xi32, #tpu.memory_space<vmem>>) target_semaphore(%arg10 : memref<!tpu.dma_semaphore, #tpu.memory_space<semaphore_mem>>)
      %mul3A_233 = arith.constant 3 : i32
      %mul3A_234 = arith.muli %scan3A_202, %mul3A_233 : i32
      %add3A_235 = arith.constant 1 : i32
      %add3A_236 = arith.addi %mul3A_234, %add3A_235 : i32
      %gt3A_237 = arith.constant 0 : i32
      %gt3A_238 = arith.cmpi sgt, %scan3A_202, %gt3A_237 : i32
      %convert_element_type3A_239 = arith.extui %gt3A_238 : i1 to i32
      %cond3A_240 = arith.constant 0 : i32
      %cond3A_241 = arith.cmpi ne, %convert_element_type3A_239, %cond3A_240 : i32
      scf.if %cond3A_241 {
        %dma_wait3A_388 = arith.constant 1 : i32
        %dma_wait3A_389 = arith.constant 0 : i32
        %dma_wait3A_390 = arith.constant 0 : i32
        %dma_wait3A_391 = tpu.memref_slice %arg8[%dma_wait3A_388, %dma_wait3A_389, %dma_wait3A_390] : memref<3x80x128xf32, #tpu.memory_space<vmem>> -> memref<1x80x128xf32, #tpu.memory_space<vmem>>
        %dma_wait3A_392 = tpu.memref_squeeze %dma_wait3A_391 : memref<1x80x128xf32, #tpu.memory_space<vmem>> -> memref<80x128xf32, #tpu.memory_space<vmem>>
        %dma_wait3A_393 = arith.constant 0 : i32
        %dma_wait3A_394 = arith.constant 0 : i32
        %dma_wait3A_395 = tpu.memref_slice %arg4[%dma_wait3A_393, %dma_wait3A_394] : memref<10000x128xf32, #tpu.memory_space<hbm>> -> memref<80x128xf32, #tpu.memory_space<hbm>>
        %dma_wait3A_396 = arith.constant 0 : i32
        %dma_wait3A_397 = arith.constant 0 : i32
        %dma_wait3A_398 = tpu.memref_slice %arg8[%dma_wait3A_388, %dma_wait3A_396, %dma_wait3A_397] : memref<3x80x128xf32, #tpu.memory_space<vmem>> -> memref<1x80x128xf32, #tpu.memory_space<vmem>>
        %dma_wait3A_399 = tpu.memref_squeeze %dma_wait3A_398 : memref<1x80x128xf32, #tpu.memory_space<vmem>> -> memref<80x128xf32, #tpu.memory_space<vmem>>
        %dma_wait3A_400 = arith.constant 0 : i32
        %dma_wait3A_401 = arith.constant 0 : i32
        %dma_wait3A_402 = tpu.memref_slice %arg4[%dma_wait3A_400, %dma_wait3A_401] : memref<10000x128xf32, #tpu.memory_space<hbm>> -> memref<80x128xf32, #tpu.memory_space<hbm>>
        tpu.wait_dma2 semaphore(%arg17 : memref<!tpu.dma_semaphore, #tpu.memory_space<semaphore_mem>>) src(%dma_wait3A_402 : memref<80x128xf32, #tpu.memory_space<hbm>>) dst(%dma_wait3A_399 : memref<80x128xf32, #tpu.memory_space<vmem>>)
      } else {
      }
      %mul3A_242 = arith.constant 80 : i32
      %mul3A_243 = arith.muli %add3A_236, %mul3A_242 : i32
      %dma_start3A_244 = arith.constant 1 : i32
      %dma_start3A_245 = arith.constant 0 : i32
      %dma_start3A_246 = arith.constant 0 : i32
      %dma_start3A_247 = tpu.memref_slice %arg8[%dma_start3A_244, %dma_start3A_245, %dma_start3A_246] : memref<3x80x128xf32, #tpu.memory_space<vmem>> -> memref<1x80x128xf32, #tpu.memory_space<vmem>>
      %dma_start3A_248 = tpu.memref_squeeze %dma_start3A_247 : memref<1x80x128xf32, #tpu.memory_space<vmem>> -> memref<80x128xf32, #tpu.memory_space<vmem>>
      %dma_start3A_249 = tpu.memref_slice %arg6[%mul3A_243] : memref<10000xi32, #tpu.memory_space<vmem>> -> memref<80xi32, #tpu.memory_space<vmem>>
      %dma_start3A_250 = arith.constant 0 : i32
      %dma_start3A_251 = arith.constant 0 : i32
      %dma_start3A_252 = tpu.memref_slice %arg4[%dma_start3A_250, %dma_start3A_251] : memref<10000x128xf32, #tpu.memory_space<hbm>> -> memref<10000x128xf32, #tpu.memory_space<hbm>>
      tpu.enqueue_indirect_dma source(%dma_start3A_252 : memref<10000x128xf32, #tpu.memory_space<hbm>>) target(%dma_start3A_248 : memref<80x128xf32, #tpu.memory_space<vmem>>) offsets(%dma_start3A_249 : memref<80xi32, #tpu.memory_space<vmem>>) semaphore(%arg14 : memref<!tpu.dma_semaphore, #tpu.memory_space<semaphore_mem>>)
      %mul3A_253 = arith.constant 80 : i32
      %mul3A_254 = arith.muli %add3A_236, %mul3A_253 : i32
      %add3A_255 = arith.addi %mul3A_2, %mul3A_254 : i32
      %dma_start3A_256 = arith.constant 1 : i32
      %dma_start3A_257 = arith.constant 0 : i32
      %dma_start3A_258 = tpu.memref_slice %arg7[%dma_start3A_256, %dma_start3A_257] : memref<3x80xi32, #tpu.memory_space<vmem>> -> memref<1x80xi32, #tpu.memory_space<vmem>>
      %dma_start3A_259 = tpu.memref_squeeze %dma_start3A_258 : memref<1x80xi32, #tpu.memory_space<vmem>> -> memref<80xi32, #tpu.memory_space<vmem>>
      %dma_start3A_260 = tpu.memref_slice %arg3[%add3A_255] : memref<320000xi32, #tpu.memory_space<hbm>> -> memref<80xi32, #tpu.memory_space<hbm>>
      %dma_start3A_261 = arith.constant 0 : i32
      %dma_start3A_262 = tpu.memref_slice %arg7[%dma_start3A_256, %dma_start3A_261] : memref<3x80xi32, #tpu.memory_space<vmem>> -> memref<1x80xi32, #tpu.memory_space<vmem>>
      %dma_start3A_263 = tpu.memref_squeeze %dma_start3A_262 : memref<1x80xi32, #tpu.memory_space<vmem>> -> memref<80xi32, #tpu.memory_space<vmem>>
      %dma_start3A_264 = tpu.memref_slice %arg3[%add3A_255] : memref<320000xi32, #tpu.memory_space<hbm>> -> memref<80xi32, #tpu.memory_space<hbm>>
      tpu.enqueue_dma source(%dma_start3A_264 : memref<80xi32, #tpu.memory_space<hbm>>) target(%dma_start3A_263 : memref<80xi32, #tpu.memory_space<vmem>>) target_semaphore(%arg11 : memref<!tpu.dma_semaphore, #tpu.memory_space<semaphore_mem>>)
      %mul3A_265 = arith.constant 3 : i32
      %mul3A_266 = arith.muli %scan3A_202, %mul3A_265 : i32
      %add3A_267 = arith.constant 2 : i32
      %add3A_268 = arith.addi %mul3A_266, %add3A_267 : i32
      %gt3A_269 = arith.constant 0 : i32
      %gt3A_270 = arith.cmpi sgt, %scan3A_202, %gt3A_269 : i32
      %convert_element_type3A_271 = arith.extui %gt3A_270 : i1 to i32
      %cond3A_272 = arith.constant 0 : i32
      %cond3A_273 = arith.cmpi ne, %convert_element_type3A_271, %cond3A_272 : i32
      scf.if %cond3A_273 {
        %dma_wait3A_388 = arith.constant 2 : i32
        %dma_wait3A_389 = arith.constant 0 : i32
        %dma_wait3A_390 = arith.constant 0 : i32
        %dma_wait3A_391 = tpu.memref_slice %arg8[%dma_wait3A_388, %dma_wait3A_389, %dma_wait3A_390] : memref<3x80x128xf32, #tpu.memory_space<vmem>> -> memref<1x80x128xf32, #tpu.memory_space<vmem>>
        %dma_wait3A_392 = tpu.memref_squeeze %dma_wait3A_391 : memref<1x80x128xf32, #tpu.memory_space<vmem>> -> memref<80x128xf32, #tpu.memory_space<vmem>>
        %dma_wait3A_393 = arith.constant 0 : i32
        %dma_wait3A_394 = arith.constant 0 : i32
        %dma_wait3A_395 = tpu.memref_slice %arg4[%dma_wait3A_393, %dma_wait3A_394] : memref<10000x128xf32, #tpu.memory_space<hbm>> -> memref<80x128xf32, #tpu.memory_space<hbm>>
        %dma_wait3A_396 = arith.constant 0 : i32
        %dma_wait3A_397 = arith.constant 0 : i32
        %dma_wait3A_398 = tpu.memref_slice %arg8[%dma_wait3A_388, %dma_wait3A_396, %dma_wait3A_397] : memref<3x80x128xf32, #tpu.memory_space<vmem>> -> memref<1x80x128xf32, #tpu.memory_space<vmem>>
        %dma_wait3A_399 = tpu.memref_squeeze %dma_wait3A_398 : memref<1x80x128xf32, #tpu.memory_space<vmem>> -> memref<80x128xf32, #tpu.memory_space<vmem>>
        %dma_wait3A_400 = arith.constant 0 : i32
        %dma_wait3A_401 = arith.constant 0 : i32
        %dma_wait3A_402 = tpu.memref_slice %arg4[%dma_wait3A_400, %dma_wait3A_401] : memref<10000x128xf32, #tpu.memory_space<hbm>> -> memref<80x128xf32, #tpu.memory_space<hbm>>
        tpu.wait_dma2 semaphore(%arg18 : memref<!tpu.dma_semaphore, #tpu.memory_space<semaphore_mem>>) src(%dma_wait3A_402 : memref<80x128xf32, #tpu.memory_space<hbm>>) dst(%dma_wait3A_399 : memref<80x128xf32, #tpu.memory_space<vmem>>)
      } else {
      }
      %mul3A_274 = arith.constant 80 : i32
      %mul3A_275 = arith.muli %add3A_268, %mul3A_274 : i32
      %dma_start3A_276 = arith.constant 2 : i32
      %dma_start3A_277 = arith.constant 0 : i32
      %dma_start3A_278 = arith.constant 0 : i32
      %dma_start3A_279 = tpu.memref_slice %arg8[%dma_start3A_276, %dma_start3A_277, %dma_start3A_278] : memref<3x80x128xf32, #tpu.memory_space<vmem>> -> memref<1x80x128xf32, #tpu.memory_space<vmem>>
      %dma_start3A_280 = tpu.memref_squeeze %dma_start3A_279 : memref<1x80x128xf32, #tpu.memory_space<vmem>> -> memref<80x128xf32, #tpu.memory_space<vmem>>
      %dma_start3A_281 = tpu.memref_slice %arg6[%mul3A_275] : memref<10000xi32, #tpu.memory_space<vmem>> -> memref<80xi32, #tpu.memory_space<vmem>>
      %dma_start3A_282 = arith.constant 0 : i32
      %dma_start3A_283 = arith.constant 0 : i32
      %dma_start3A_284 = tpu.memref_slice %arg4[%dma_start3A_282, %dma_start3A_283] : memref<10000x128xf32, #tpu.memory_space<hbm>> -> memref<10000x128xf32, #tpu.memory_space<hbm>>
      tpu.enqueue_indirect_dma source(%dma_start3A_284 : memref<10000x128xf32, #tpu.memory_space<hbm>>) target(%dma_start3A_280 : memref<80x128xf32, #tpu.memory_space<vmem>>) offsets(%dma_start3A_281 : memref<80xi32, #tpu.memory_space<vmem>>) semaphore(%arg15 : memref<!tpu.dma_semaphore, #tpu.memory_space<semaphore_mem>>)
      %mul3A_285 = arith.constant 80 : i32
      %mul3A_286 = arith.muli %add3A_268, %mul3A_285 : i32
      %add3A_287 = arith.addi %mul3A_2, %mul3A_286 : i32
      %dma_start3A_288 = arith.constant 2 : i32
      %dma_start3A_289 = arith.constant 0 : i32
      %dma_start3A_290 = tpu.memref_slice %arg7[%dma_start3A_288, %dma_start3A_289] : memref<3x80xi32, #tpu.memory_space<vmem>> -> memref<1x80xi32, #tpu.memory_space<vmem>>
      %dma_start3A_291 = tpu.memref_squeeze %dma_start3A_290 : memref<1x80xi32, #tpu.memory_space<vmem>> -> memref<80xi32, #tpu.memory_space<vmem>>
      %dma_start3A_292 = tpu.memref_slice %arg3[%add3A_287] : memref<320000xi32, #tpu.memory_space<hbm>> -> memref<80xi32, #tpu.memory_space<hbm>>
      %dma_start3A_293 = arith.constant 0 : i32
      %dma_start3A_294 = tpu.memref_slice %arg7[%dma_start3A_288, %dma_start3A_293] : memref<3x80xi32, #tpu.memory_space<vmem>> -> memref<1x80xi32, #tpu.memory_space<vmem>>
      %dma_start3A_295 = tpu.memref_squeeze %dma_start3A_294 : memref<1x80xi32, #tpu.memory_space<vmem>> -> memref<80xi32, #tpu.memory_space<vmem>>
      %dma_start3A_296 = tpu.memref_slice %arg3[%add3A_287] : memref<320000xi32, #tpu.memory_space<hbm>> -> memref<80xi32, #tpu.memory_space<hbm>>
      tpu.enqueue_dma source(%dma_start3A_296 : memref<80xi32, #tpu.memory_space<hbm>>) target(%dma_start3A_295 : memref<80xi32, #tpu.memory_space<vmem>>) target_semaphore(%arg12 : memref<!tpu.dma_semaphore, #tpu.memory_space<semaphore_mem>>)
      %dma_wait3A_297 = arith.constant 0 : i32
      %dma_wait3A_298 = arith.constant 0 : i32
      %dma_wait3A_299 = arith.constant 0 : i32
      %dma_wait3A_300 = tpu.memref_slice %arg8[%dma_wait3A_297, %dma_wait3A_298, %dma_wait3A_299] : memref<3x80x128xf32, #tpu.memory_space<vmem>> -> memref<1x80x128xf32, #tpu.memory_space<vmem>>
      %dma_wait3A_301 = tpu.memref_squeeze %dma_wait3A_300 : memref<1x80x128xf32, #tpu.memory_space<vmem>> -> memref<80x128xf32, #tpu.memory_space<vmem>>
      %dma_wait3A_302 = tpu.memref_slice %arg6[%mul3A_211] : memref<10000xi32, #tpu.memory_space<vmem>> -> memref<80xi32, #tpu.memory_space<vmem>>
      %dma_wait3A_303 = arith.constant 0 : i32
      %dma_wait3A_304 = arith.constant 0 : i32
      %dma_wait3A_305 = tpu.memref_slice %arg4[%dma_wait3A_303, %dma_wait3A_304] : memref<10000x128xf32, #tpu.memory_space<hbm>> -> memref<10000x128xf32, #tpu.memory_space<hbm>>
      tpu.wait_indirect_dma semaphore(%arg13 : memref<!tpu.dma_semaphore, #tpu.memory_space<semaphore_mem>>) src(%dma_wait3A_305 : memref<10000x128xf32, #tpu.memory_space<hbm>>) dst(%dma_wait3A_301 : memref<80x128xf32, #tpu.memory_space<vmem>>)
      %dma_wait3A_306 = arith.constant 0 : i32
      %dma_wait3A_307 = arith.constant 0 : i32
      %dma_wait3A_308 = tpu.memref_slice %arg7[%dma_wait3A_306, %dma_wait3A_307] : memref<3x80xi32, #tpu.memory_space<vmem>> -> memref<1x80xi32, #tpu.memory_space<vmem>>
      %dma_wait3A_309 = tpu.memref_squeeze %dma_wait3A_308 : memref<1x80xi32, #tpu.memory_space<vmem>> -> memref<80xi32, #tpu.memory_space<vmem>>
      %dma_wait3A_310 = tpu.memref_slice %arg3[%add3A_223] : memref<320000xi32, #tpu.memory_space<hbm>> -> memref<80xi32, #tpu.memory_space<hbm>>
      %dma_wait3A_311 = arith.constant 0 : i32
      %dma_wait3A_312 = tpu.memref_slice %arg7[%dma_wait3A_306, %dma_wait3A_311] : memref<3x80xi32, #tpu.memory_space<vmem>> -> memref<1x80xi32, #tpu.memory_space<vmem>>
      %dma_wait3A_313 = tpu.memref_squeeze %dma_wait3A_312 : memref<1x80xi32, #tpu.memory_space<vmem>> -> memref<80xi32, #tpu.memory_space<vmem>>
      %dma_wait3A_314 = tpu.memref_slice %arg3[%add3A_223] : memref<320000xi32, #tpu.memory_space<hbm>> -> memref<80xi32, #tpu.memory_space<hbm>>
      tpu.wait_dma2 semaphore(%arg10 : memref<!tpu.dma_semaphore, #tpu.memory_space<semaphore_mem>>) src(%dma_wait3A_314 : memref<80xi32, #tpu.memory_space<hbm>>) dst(%dma_wait3A_313 : memref<80xi32, #tpu.memory_space<vmem>>)
      %dma_start3A_315 = arith.constant 0 : i32
      %dma_start3A_316 = arith.constant 0 : i32
      %dma_start3A_317 = arith.constant 0 : i32
      %dma_start3A_318 = arith.constant 0 : i32
      %dma_start3A_319 = tpu.memref_slice %arg8[%dma_start3A_315, %dma_start3A_317, %dma_start3A_318] : memref<3x80x128xf32, #tpu.memory_space<vmem>> -> memref<1x80x128xf32, #tpu.memory_space<vmem>>
      %dma_start3A_320 = tpu.memref_squeeze %dma_start3A_319 : memref<1x80x128xf32, #tpu.memory_space<vmem>> -> memref<80x128xf32, #tpu.memory_space<vmem>>
      %dma_start3A_321 = arith.constant 0 : i32
      %dma_start3A_322 = tpu.memref_slice %arg7[%dma_start3A_316, %dma_start3A_321] : memref<3x80xi32, #tpu.memory_space<vmem>> -> memref<1x80xi32, #tpu.memory_space<vmem>>
      %dma_start3A_323 = tpu.memref_squeeze %dma_start3A_322 : memref<1x80xi32, #tpu.memory_space<vmem>> -> memref<80xi32, #tpu.memory_space<vmem>>
      %dma_start3A_324 = arith.constant 0 : i32
      %dma_start3A_325 = arith.constant 0 : i32
      %dma_start3A_326 = tpu.memref_slice %arg9[%dma_start3A_324, %dma_start3A_325] : memref<10240x128xf32, #tpu.memory_space<vmem_shared>> -> memref<10240x128xf32, #tpu.memory_space<vmem_shared>>
      tpu.enqueue_indirect_dma source(%dma_start3A_320 : memref<80x128xf32, #tpu.memory_space<vmem>>) target(%dma_start3A_326 : memref<10240x128xf32, #tpu.memory_space<vmem_shared>>) offsets(%dma_start3A_323 : memref<80xi32, #tpu.memory_space<vmem>>) semaphore(%arg16 : memref<!tpu.dma_semaphore, #tpu.memory_space<semaphore_mem>>) {add = true}
      %dma_wait3A_327 = arith.constant 1 : i32
      %dma_wait3A_328 = arith.constant 0 : i32
      %dma_wait3A_329 = arith.constant 0 : i32
      %dma_wait3A_330 = tpu.memref_slice %arg8[%dma_wait3A_327, %dma_wait3A_328, %dma_wait3A_329] : memref<3x80x128xf32, #tpu.memory_space<vmem>> -> memref<1x80x128xf32, #tpu.memory_space<vmem>>
      %dma_wait3A_331 = tpu.memref_squeeze %dma_wait3A_330 : memref<1x80x128xf32, #tpu.memory_space<vmem>> -> memref<80x128xf32, #tpu.memory_space<vmem>>
      %dma_wait3A_332 = tpu.memref_slice %arg6[%mul3A_243] : memref<10000xi32, #tpu.memory_space<vmem>> -> memref<80xi32, #tpu.memory_space<vmem>>
      %dma_wait3A_333 = arith.constant 0 : i32
      %dma_wait3A_334 = arith.constant 0 : i32
      %dma_wait3A_335 = tpu.memref_slice %arg4[%dma_wait3A_333, %dma_wait3A_334] : memref<10000x128xf32, #tpu.memory_space<hbm>> -> memref<10000x128xf32, #tpu.memory_space<hbm>>
      tpu.wait_indirect_dma semaphore(%arg14 : memref<!tpu.dma_semaphore, #tpu.memory_space<semaphore_mem>>) src(%dma_wait3A_335 : memref<10000x128xf32, #tpu.memory_space<hbm>>) dst(%dma_wait3A_331 : memref<80x128xf32, #tpu.memory_space<vmem>>)
      %dma_wait3A_336 = arith.constant 1 : i32
      %dma_wait3A_337 = arith.constant 0 : i32
      %dma_wait3A_338 = tpu.memref_slice %arg7[%dma_wait3A_336, %dma_wait3A_337] : memref<3x80xi32, #tpu.memory_space<vmem>> -> memref<1x80xi32, #tpu.memory_space<vmem>>
      %dma_wait3A_339 = tpu.memref_squeeze %dma_wait3A_338 : memref<1x80xi32, #tpu.memory_space<vmem>> -> memref<80xi32, #tpu.memory_space<vmem>>
      %dma_wait3A_340 = tpu.memref_slice %arg3[%add3A_255] : memref<320000xi32, #tpu.memory_space<hbm>> -> memref<80xi32, #tpu.memory_space<hbm>>
      %dma_wait3A_341 = arith.constant 0 : i32
      %dma_wait3A_342 = tpu.memref_slice %arg7[%dma_wait3A_336, %dma_wait3A_341] : memref<3x80xi32, #tpu.memory_space<vmem>> -> memref<1x80xi32, #tpu.memory_space<vmem>>
      %dma_wait3A_343 = tpu.memref_squeeze %dma_wait3A_342 : memref<1x80xi32, #tpu.memory_space<vmem>> -> memref<80xi32, #tpu.memory_space<vmem>>
      %dma_wait3A_344 = tpu.memref_slice %arg3[%add3A_255] : memref<320000xi32, #tpu.memory_space<hbm>> -> memref<80xi32, #tpu.memory_space<hbm>>
      tpu.wait_dma2 semaphore(%arg11 : memref<!tpu.dma_semaphore, #tpu.memory_space<semaphore_mem>>) src(%dma_wait3A_344 : memref<80xi32, #tpu.memory_space<hbm>>) dst(%dma_wait3A_343 : memref<80xi32, #tpu.memory_space<vmem>>)
      %dma_start3A_345 = arith.constant 1 : i32
      %dma_start3A_346 = arith.constant 1 : i32
      %dma_start3A_347 = arith.constant 0 : i32
      %dma_start3A_348 = arith.constant 0 : i32
      %dma_start3A_349 = tpu.memref_slice %arg8[%dma_start3A_345, %dma_start3A_347, %dma_start3A_348] : memref<3x80x128xf32, #tpu.memory_space<vmem>> -> memref<1x80x128xf32, #tpu.memory_space<vmem>>
      %dma_start3A_350 = tpu.memref_squeeze %dma_start3A_349 : memref<1x80x128xf32, #tpu.memory_space<vmem>> -> memref<80x128xf32, #tpu.memory_space<vmem>>
      %dma_start3A_351 = arith.constant 0 : i32
      %dma_start3A_352 = tpu.memref_slice %arg7[%dma_start3A_346, %dma_start3A_351] : memref<3x80xi32, #tpu.memory_space<vmem>> -> memref<1x80xi32, #tpu.memory_space<vmem>>
      %dma_start3A_353 = tpu.memref_squeeze %dma_start3A_352 : memref<1x80xi32, #tpu.memory_space<vmem>> -> memref<80xi32, #tpu.memory_space<vmem>>
      %dma_start3A_354 = arith.constant 0 : i32
      %dma_start3A_355 = arith.constant 0 : i32
      %dma_start3A_356 = tpu.memref_slice %arg9[%dma_start3A_354, %dma_start3A_355] : memref<10240x128xf32, #tpu.memory_space<vmem_shared>> -> memref<10240x128xf32, #tpu.memory_space<vmem_shared>>
      tpu.enqueue_indirect_dma source(%dma_start3A_350 : memref<80x128xf32, #tpu.memory_space<vmem>>) target(%dma_start3A_356 : memref<10240x128xf32, #tpu.memory_space<vmem_shared>>) offsets(%dma_start3A_353 : memref<80xi32, #tpu.memory_space<vmem>>) semaphore(%arg17 : memref<!tpu.dma_semaphore, #tpu.memory_space<semaphore_mem>>) {add = true}
      %dma_wait3A_357 = arith.constant 2 : i32
      %dma_wait3A_358 = arith.constant 0 : i32
      %dma_wait3A_359 = arith.constant 0 : i32
      %dma_wait3A_360 = tpu.memref_slice %arg8[%dma_wait3A_357, %dma_wait3A_358, %dma_wait3A_359] : memref<3x80x128xf32, #tpu.memory_space<vmem>> -> memref<1x80x128xf32, #tpu.memory_space<vmem>>
      %dma_wait3A_361 = tpu.memref_squeeze %dma_wait3A_360 : memref<1x80x128xf32, #tpu.memory_space<vmem>> -> memref<80x128xf32, #tpu.memory_space<vmem>>
      %dma_wait3A_362 = tpu.memref_slice %arg6[%mul3A_275] : memref<10000xi32, #tpu.memory_space<vmem>> -> memref<80xi32, #tpu.memory_space<vmem>>
      %dma_wait3A_363 = arith.constant 0 : i32
      %dma_wait3A_364 = arith.constant 0 : i32
      %dma_wait3A_365 = tpu.memref_slice %arg4[%dma_wait3A_363, %dma_wait3A_364] : memref<10000x128xf32, #tpu.memory_space<hbm>> -> memref<10000x128xf32, #tpu.memory_space<hbm>>
      tpu.wait_indirect_dma semaphore(%arg15 : memref<!tpu.dma_semaphore, #tpu.memory_space<semaphore_mem>>) src(%dma_wait3A_365 : memref<10000x128xf32, #tpu.memory_space<hbm>>) dst(%dma_wait3A_361 : memref<80x128xf32, #tpu.memory_space<vmem>>)
      %dma_wait3A_366 = arith.constant 2 : i32
      %dma_wait3A_367 = arith.constant 0 : i32
      %dma_wait3A_368 = tpu.memref_slice %arg7[%dma_wait3A_366, %dma_wait3A_367] : memref<3x80xi32, #tpu.memory_space<vmem>> -> memref<1x80xi32, #tpu.memory_space<vmem>>
      %dma_wait3A_369 = tpu.memref_squeeze %dma_wait3A_368 : memref<1x80xi32, #tpu.memory_space<vmem>> -> memref<80xi32, #tpu.memory_space<vmem>>
      %dma_wait3A_370 = tpu.memref_slice %arg3[%add3A_287] : memref<320000xi32, #tpu.memory_space<hbm>> -> memref<80xi32, #tpu.memory_space<hbm>>
      %dma_wait3A_371 = arith.constant 0 : i32
      %dma_wait3A_372 = tpu.memref_slice %arg7[%dma_wait3A_366, %dma_wait3A_371] : memref<3x80xi32, #tpu.memory_space<vmem>> -> memref<1x80xi32, #tpu.memory_space<vmem>>
      %dma_wait3A_373 = tpu.memref_squeeze %dma_wait3A_372 : memref<1x80xi32, #tpu.memory_space<vmem>> -> memref<80xi32, #tpu.memory_space<vmem>>
      %dma_wait3A_374 = tpu.memref_slice %arg3[%add3A_287] : memref<320000xi32, #tpu.memory_space<hbm>> -> memref<80xi32, #tpu.memory_space<hbm>>
      tpu.wait_dma2 semaphore(%arg12 : memref<!tpu.dma_semaphore, #tpu.memory_space<semaphore_mem>>) src(%dma_wait3A_374 : memref<80xi32, #tpu.memory_space<hbm>>) dst(%dma_wait3A_373 : memref<80xi32, #tpu.memory_space<vmem>>)
      %dma_start3A_375 = arith.constant 2 : i32
      %dma_start3A_376 = arith.constant 2 : i32
      %dma_start3A_377 = arith.constant 0 : i32
      %dma_start3A_378 = arith.constant 0 : i32
      %dma_start3A_379 = tpu.memref_slice %arg8[%dma_start3A_375, %dma_start3A_377, %dma_start3A_378] : memref<3x80x128xf32, #tpu.memory_space<vmem>> -> memref<1x80x128xf32, #tpu.memory_space<vmem>>
      %dma_start3A_380 = tpu.memref_squeeze %dma_start3A_379 : memref<1x80x128xf32, #tpu.memory_space<vmem>> -> memref<80x128xf32, #tpu.memory_space<vmem>>
      %dma_start3A_381 = arith.constant 0 : i32
      %dma_start3A_382 = tpu.memref_slice %arg7[%dma_start3A_376, %dma_start3A_381] : memref<3x80xi32, #tpu.memory_space<vmem>> -> memref<1x80xi32, #tpu.memory_space<vmem>>
      %dma_start3A_383 = tpu.memref_squeeze %dma_start3A_382 : memref<1x80xi32, #tpu.memory_space<vmem>> -> memref<80xi32, #tpu.memory_space<vmem>>
      %dma_start3A_384 = arith.constant 0 : i32
      %dma_start3A_385 = arith.constant 0 : i32
      %dma_start3A_386 = tpu.memref_slice %arg9[%dma_start3A_384, %dma_start3A_385] : memref<10240x128xf32, #tpu.memory_space<vmem_shared>> -> memref<10240x128xf32, #tpu.memory_space<vmem_shared>>
      tpu.enqueue_indirect_dma source(%dma_start3A_380 : memref<80x128xf32, #tpu.memory_space<vmem>>) target(%dma_start3A_386 : memref<10240x128xf32, #tpu.memory_space<vmem_shared>>) offsets(%dma_start3A_383 : memref<80xi32, #tpu.memory_space<vmem>>) semaphore(%arg18 : memref<!tpu.dma_semaphore, #tpu.memory_space<semaphore_mem>>) {add = true}
      %scan3A_387 = arith.constant 0 : i32
      scf.yield %scan3A_387 : i32
    }
    %scan3A_57 = arith.constant 41 : i32
    %dma_wait3A_58 = arith.constant 0 : i32
    %dma_wait3A_59 = arith.constant 0 : i32
    %dma_wait3A_60 = arith.constant 0 : i32
    %dma_wait3A_61 = tpu.memref_slice %arg8[%dma_wait3A_58, %dma_wait3A_59, %dma_wait3A_60] : memref<3x80x128xf32, #tpu.memory_space<vmem>> -> memref<1x80x128xf32, #tpu.memory_space<vmem>>
    %dma_wait3A_62 = tpu.memref_squeeze %dma_wait3A_61 : memref<1x80x128xf32, #tpu.memory_space<vmem>> -> memref<80x128xf32, #tpu.memory_space<vmem>>
    %dma_wait3A_63 = arith.constant 0 : i32
    %dma_wait3A_64 = arith.constant 0 : i32
    %dma_wait3A_65 = tpu.memref_slice %arg4[%dma_wait3A_63, %dma_wait3A_64] : memref<10000x128xf32, #tpu.memory_space<hbm>> -> memref<80x128xf32, #tpu.memory_space<hbm>>
    %dma_wait3A_66 = arith.constant 0 : i32
    %dma_wait3A_67 = arith.constant 0 : i32
    %dma_wait3A_68 = tpu.memref_slice %arg8[%dma_wait3A_58, %dma_wait3A_66, %dma_wait3A_67] : memref<3x80x128xf32, #tpu.memory_space<vmem>> -> memref<1x80x128xf32, #tpu.memory_space<vmem>>
    %dma_wait3A_69 = tpu.memref_squeeze %dma_wait3A_68 : memref<1x80x128xf32, #tpu.memory_space<vmem>> -> memref<80x128xf32, #tpu.memory_space<vmem>>
    %dma_wait3A_70 = arith.constant 0 : i32
    %dma_wait3A_71 = arith.constant 0 : i32
    %dma_wait3A_72 = tpu.memref_slice %arg4[%dma_wait3A_70, %dma_wait3A_71] : memref<10000x128xf32, #tpu.memory_space<hbm>> -> memref<80x128xf32, #tpu.memory_space<hbm>>
    tpu.wait_dma2 semaphore(%arg16 : memref<!tpu.dma_semaphore, #tpu.memory_space<semaphore_mem>>) src(%dma_wait3A_72 : memref<80x128xf32, #tpu.memory_space<hbm>>) dst(%dma_wait3A_69 : memref<80x128xf32, #tpu.memory_space<vmem>>)
    %dma_wait3A_73 = arith.constant 1 : i32
    %dma_wait3A_74 = arith.constant 0 : i32
    %dma_wait3A_75 = arith.constant 0 : i32
    %dma_wait3A_76 = tpu.memref_slice %arg8[%dma_wait3A_73, %dma_wait3A_74, %dma_wait3A_75] : memref<3x80x128xf32, #tpu.memory_space<vmem>> -> memref<1x80x128xf32, #tpu.memory_space<vmem>>
    %dma_wait3A_77 = tpu.memref_squeeze %dma_wait3A_76 : memref<1x80x128xf32, #tpu.memory_space<vmem>> -> memref<80x128xf32, #tpu.memory_space<vmem>>
    %dma_wait3A_78 = arith.constant 0 : i32
    %dma_wait3A_79 = arith.constant 0 : i32
    %dma_wait3A_80 = tpu.memref_slice %arg4[%dma_wait3A_78, %dma_wait3A_79] : memref<10000x128xf32, #tpu.memory_space<hbm>> -> memref<80x128xf32, #tpu.memory_space<hbm>>
    %dma_wait3A_81 = arith.constant 0 : i32
    %dma_wait3A_82 = arith.constant 0 : i32
    %dma_wait3A_83 = tpu.memref_slice %arg8[%dma_wait3A_73, %dma_wait3A_81, %dma_wait3A_82] : memref<3x80x128xf32, #tpu.memory_space<vmem>> -> memref<1x80x128xf32, #tpu.memory_space<vmem>>
    %dma_wait3A_84 = tpu.memref_squeeze %dma_wait3A_83 : memref<1x80x128xf32, #tpu.memory_space<vmem>> -> memref<80x128xf32, #tpu.memory_space<vmem>>
    %dma_wait3A_85 = arith.constant 0 : i32
    %dma_wait3A_86 = arith.constant 0 : i32
    %dma_wait3A_87 = tpu.memref_slice %arg4[%dma_wait3A_85, %dma_wait3A_86] : memref<10000x128xf32, #tpu.memory_space<hbm>> -> memref<80x128xf32, #tpu.memory_space<hbm>>
    tpu.wait_dma2 semaphore(%arg17 : memref<!tpu.dma_semaphore, #tpu.memory_space<semaphore_mem>>) src(%dma_wait3A_87 : memref<80x128xf32, #tpu.memory_space<hbm>>) dst(%dma_wait3A_84 : memref<80x128xf32, #tpu.memory_space<vmem>>)
    %dma_wait3A_88 = arith.constant 2 : i32
    %dma_wait3A_89 = arith.constant 0 : i32
    %dma_wait3A_90 = arith.constant 0 : i32
    %dma_wait3A_91 = tpu.memref_slice %arg8[%dma_wait3A_88, %dma_wait3A_89, %dma_wait3A_90] : memref<3x80x128xf32, #tpu.memory_space<vmem>> -> memref<1x80x128xf32, #tpu.memory_space<vmem>>
    %dma_wait3A_92 = tpu.memref_squeeze %dma_wait3A_91 : memref<1x80x128xf32, #tpu.memory_space<vmem>> -> memref<80x128xf32, #tpu.memory_space<vmem>>
    %dma_wait3A_93 = arith.constant 0 : i32
    %dma_wait3A_94 = arith.constant 0 : i32
    %dma_wait3A_95 = tpu.memref_slice %arg4[%dma_wait3A_93, %dma_wait3A_94] : memref<10000x128xf32, #tpu.memory_space<hbm>> -> memref<80x128xf32, #tpu.memory_space<hbm>>
    %dma_wait3A_96 = arith.constant 0 : i32
    %dma_wait3A_97 = arith.constant 0 : i32
    %dma_wait3A_98 = tpu.memref_slice %arg8[%dma_wait3A_88, %dma_wait3A_96, %dma_wait3A_97] : memref<3x80x128xf32, #tpu.memory_space<vmem>> -> memref<1x80x128xf32, #tpu.memory_space<vmem>>
    %dma_wait3A_99 = tpu.memref_squeeze %dma_wait3A_98 : memref<1x80x128xf32, #tpu.memory_space<vmem>> -> memref<80x128xf32, #tpu.memory_space<vmem>>
    %dma_wait3A_100 = arith.constant 0 : i32
    %dma_wait3A_101 = arith.constant 0 : i32
    %dma_wait3A_102 = tpu.memref_slice %arg4[%dma_wait3A_100, %dma_wait3A_101] : memref<10000x128xf32, #tpu.memory_space<hbm>> -> memref<80x128xf32, #tpu.memory_space<hbm>>
    tpu.wait_dma2 semaphore(%arg18 : memref<!tpu.dma_semaphore, #tpu.memory_space<semaphore_mem>>) src(%dma_wait3A_102 : memref<80x128xf32, #tpu.memory_space<hbm>>) dst(%dma_wait3A_99 : memref<80x128xf32, #tpu.memory_space<vmem>>)
    %add3A_103 = arith.constant 9840 : i32
    %add3A_104 = arith.addi %mul3A_2, %add3A_103 : i32
    %run_scoped3A_105 = arith.constant 0 : i32
    "tpu.region"() ({
      %run_scoped3A_202 = tpu.sem_alloc : memref<!tpu.dma_semaphore, #tpu.memory_space<semaphore_mem>>
      %dma_start3A_203 = arith.constant 0 : i32
      %dma_start3A_204 = tpu.memref_slice %arg7[%run_scoped3A_105, %dma_start3A_203] : memref<3x80xi32, #tpu.memory_space<vmem>> -> memref<1x80xi32, #tpu.memory_space<vmem>>
      %dma_start3A_205 = tpu.memref_squeeze %dma_start3A_204 : memref<1x80xi32, #tpu.memory_space<vmem>> -> memref<80xi32, #tpu.memory_space<vmem>>
      %dma_start3A_206 = tpu.memref_slice %arg3[%add3A_104] : memref<320000xi32, #tpu.memory_space<hbm>> -> memref<80xi32, #tpu.memory_space<hbm>>
      %dma_start3A_207 = arith.constant 0 : i32
      %dma_start3A_208 = tpu.memref_slice %arg7[%run_scoped3A_105, %dma_start3A_207] : memref<3x80xi32, #tpu.memory_space<vmem>> -> memref<1x80xi32, #tpu.memory_space<vmem>>
      %dma_start3A_209 = tpu.memref_squeeze %dma_start3A_208 : memref<1x80xi32, #tpu.memory_space<vmem>> -> memref<80xi32, #tpu.memory_space<vmem>>
      %dma_start3A_210 = tpu.memref_slice %arg3[%add3A_104] : memref<320000xi32, #tpu.memory_space<hbm>> -> memref<80xi32, #tpu.memory_space<hbm>>
      tpu.enqueue_dma source(%dma_start3A_210 : memref<80xi32, #tpu.memory_space<hbm>>) target(%dma_start3A_209 : memref<80xi32, #tpu.memory_space<vmem>>) target_semaphore(%run_scoped3A_202 : memref<!tpu.dma_semaphore, #tpu.memory_space<semaphore_mem>>)
      %dma_wait3A_211 = arith.constant 0 : i32
      %dma_wait3A_212 = tpu.memref_slice %arg7[%run_scoped3A_105, %dma_wait3A_211] : memref<3x80xi32, #tpu.memory_space<vmem>> -> memref<1x80xi32, #tpu.memory_space<vmem>>
      %dma_wait3A_213 = tpu.memref_squeeze %dma_wait3A_212 : memref<1x80xi32, #tpu.memory_space<vmem>> -> memref<80xi32, #tpu.memory_space<vmem>>
      %dma_wait3A_214 = tpu.memref_slice %arg3[%add3A_104] : memref<320000xi32, #tpu.memory_space<hbm>> -> memref<80xi32, #tpu.memory_space<hbm>>
      %dma_wait3A_215 = arith.constant 0 : i32
      %dma_wait3A_216 = tpu.memref_slice %arg7[%run_scoped3A_105, %dma_wait3A_215] : memref<3x80xi32, #tpu.memory_space<vmem>> -> memref<1x80xi32, #tpu.memory_space<vmem>>
      %dma_wait3A_217 = tpu.memref_squeeze %dma_wait3A_216 : memref<1x80xi32, #tpu.memory_space<vmem>> -> memref<80xi32, #tpu.memory_space<vmem>>
      %dma_wait3A_218 = tpu.memref_slice %arg3[%add3A_104] : memref<320000xi32, #tpu.memory_space<hbm>> -> memref<80xi32, #tpu.memory_space<hbm>>
      tpu.wait_dma2 semaphore(%run_scoped3A_202 : memref<!tpu.dma_semaphore, #tpu.memory_space<semaphore_mem>>) src(%dma_wait3A_218 : memref<80xi32, #tpu.memory_space<hbm>>) dst(%dma_wait3A_217 : memref<80xi32, #tpu.memory_space<vmem>>)
      tpu.yield
    }) : () -> ()
    %dma_start3A_106 = arith.constant 0 : i32
    %dma_start3A_107 = arith.constant 0 : i32
    %dma_start3A_108 = arith.constant 0 : i32
    %dma_start3A_109 = tpu.memref_slice %arg8[%dma_start3A_106, %dma_start3A_107, %dma_start3A_108] : memref<3x80x128xf32, #tpu.memory_space<vmem>> -> memref<1x80x128xf32, #tpu.memory_space<vmem>>
    %dma_start3A_110 = tpu.memref_squeeze %dma_start3A_109 : memref<1x80x128xf32, #tpu.memory_space<vmem>> -> memref<80x128xf32, #tpu.memory_space<vmem>>
    %dma_start3A_111 = arith.constant 9840 : i32
    %dma_start3A_112 = tpu.memref_slice %arg6[%dma_start3A_111] : memref<10000xi32, #tpu.memory_space<vmem>> -> memref<80xi32, #tpu.memory_space<vmem>>
    %dma_start3A_113 = arith.constant 0 : i32
    %dma_start3A_114 = arith.constant 0 : i32
    %dma_start3A_115 = tpu.memref_slice %arg4[%dma_start3A_113, %dma_start3A_114] : memref<10000x128xf32, #tpu.memory_space<hbm>> -> memref<10000x128xf32, #tpu.memory_space<hbm>>
    tpu.enqueue_indirect_dma source(%dma_start3A_115 : memref<10000x128xf32, #tpu.memory_space<hbm>>) target(%dma_start3A_110 : memref<80x128xf32, #tpu.memory_space<vmem>>) offsets(%dma_start3A_112 : memref<80xi32, #tpu.memory_space<vmem>>) semaphore(%arg13 : memref<!tpu.dma_semaphore, #tpu.memory_space<semaphore_mem>>)
    %dma_wait3A_116 = arith.constant 0 : i32
    %dma_wait3A_117 = arith.constant 0 : i32
    %dma_wait3A_118 = arith.constant 0 : i32
    %dma_wait3A_119 = tpu.memref_slice %arg8[%dma_wait3A_116, %dma_wait3A_117, %dma_wait3A_118] : memref<3x80x128xf32, #tpu.memory_space<vmem>> -> memref<1x80x128xf32, #tpu.memory_space<vmem>>
    %dma_wait3A_120 = tpu.memref_squeeze %dma_wait3A_119 : memref<1x80x128xf32, #tpu.memory_space<vmem>> -> memref<80x128xf32, #tpu.memory_space<vmem>>
    %dma_wait3A_121 = arith.constant 9840 : i32
    %dma_wait3A_122 = tpu.memref_slice %arg6[%dma_wait3A_121] : memref<10000xi32, #tpu.memory_space<vmem>> -> memref<80xi32, #tpu.memory_space<vmem>>
    %dma_wait3A_123 = arith.constant 0 : i32
    %dma_wait3A_124 = arith.constant 0 : i32
    %dma_wait3A_125 = tpu.memref_slice %arg4[%dma_wait3A_123, %dma_wait3A_124] : memref<10000x128xf32, #tpu.memory_space<hbm>> -> memref<10000x128xf32, #tpu.memory_space<hbm>>
    tpu.wait_indirect_dma semaphore(%arg13 : memref<!tpu.dma_semaphore, #tpu.memory_space<semaphore_mem>>) src(%dma_wait3A_125 : memref<10000x128xf32, #tpu.memory_space<hbm>>) dst(%dma_wait3A_120 : memref<80x128xf32, #tpu.memory_space<vmem>>)
    %run_scoped3A_126 = arith.constant 0 : i32
    %run_scoped3A_127 = arith.constant 0 : i32
    "tpu.region"() ({
      %run_scoped3A_202 = tpu.sem_alloc : memref<!tpu.dma_semaphore, #tpu.memory_space<semaphore_mem>>
      %dma_start3A_203 = arith.constant 0 : i32
      %dma_start3A_204 = arith.constant 0 : i32
      %dma_start3A_205 = tpu.memref_slice %arg8[%run_scoped3A_126, %dma_start3A_203, %dma_start3A_204] : memref<3x80x128xf32, #tpu.memory_space<vmem>> -> memref<1x80x128xf32, #tpu.memory_space<vmem>>
      %dma_start3A_206 = tpu.memref_squeeze %dma_start3A_205 : memref<1x80x128xf32, #tpu.memory_space<vmem>> -> memref<80x128xf32, #tpu.memory_space<vmem>>
      %dma_start3A_207 = arith.constant 0 : i32
      %dma_start3A_208 = tpu.memref_slice %arg7[%run_scoped3A_127, %dma_start3A_207] : memref<3x80xi32, #tpu.memory_space<vmem>> -> memref<1x80xi32, #tpu.memory_space<vmem>>
      %dma_start3A_209 = tpu.memref_squeeze %dma_start3A_208 : memref<1x80xi32, #tpu.memory_space<vmem>> -> memref<80xi32, #tpu.memory_space<vmem>>
      %dma_start3A_210 = arith.constant 0 : i32
      %dma_start3A_211 = arith.constant 0 : i32
      %dma_start3A_212 = tpu.memref_slice %arg9[%dma_start3A_210, %dma_start3A_211] : memref<10240x128xf32, #tpu.memory_space<vmem_shared>> -> memref<10240x128xf32, #tpu.memory_space<vmem_shared>>
      tpu.enqueue_indirect_dma source(%dma_start3A_206 : memref<80x128xf32, #tpu.memory_space<vmem>>) target(%dma_start3A_212 : memref<10240x128xf32, #tpu.memory_space<vmem_shared>>) offsets(%dma_start3A_209 : memref<80xi32, #tpu.memory_space<vmem>>) semaphore(%run_scoped3A_202 : memref<!tpu.dma_semaphore, #tpu.memory_space<semaphore_mem>>) {add = true}
      %dma_wait3A_213 = arith.constant 0 : i32
      %dma_wait3A_214 = arith.constant 0 : i32
      %dma_wait3A_215 = tpu.memref_slice %arg8[%run_scoped3A_126, %dma_wait3A_213, %dma_wait3A_214] : memref<3x80x128xf32, #tpu.memory_space<vmem>> -> memref<1x80x128xf32, #tpu.memory_space<vmem>>
      %dma_wait3A_216 = tpu.memref_squeeze %dma_wait3A_215 : memref<1x80x128xf32, #tpu.memory_space<vmem>> -> memref<80x128xf32, #tpu.memory_space<vmem>>
      %dma_wait3A_217 = arith.constant 0 : i32
      %dma_wait3A_218 = tpu.memref_slice %arg7[%run_scoped3A_127, %dma_wait3A_217] : memref<3x80xi32, #tpu.memory_space<vmem>> -> memref<1x80xi32, #tpu.memory_space<vmem>>
      %dma_wait3A_219 = tpu.memref_squeeze %dma_wait3A_218 : memref<1x80xi32, #tpu.memory_space<vmem>> -> memref<80xi32, #tpu.memory_space<vmem>>
      %dma_wait3A_220 = arith.constant 0 : i32
      %dma_wait3A_221 = arith.constant 0 : i32
      %dma_wait3A_222 = tpu.memref_slice %arg9[%dma_wait3A_220, %dma_wait3A_221] : memref<10240x128xf32, #tpu.memory_space<vmem_shared>> -> memref<10240x128xf32, #tpu.memory_space<vmem_shared>>
      tpu.wait_indirect_dma semaphore(%run_scoped3A_202 : memref<!tpu.dma_semaphore, #tpu.memory_space<semaphore_mem>>) src(%dma_wait3A_216 : memref<80x128xf32, #tpu.memory_space<vmem>>) dst(%dma_wait3A_222 : memref<10240x128xf32, #tpu.memory_space<vmem_shared>>)
      tpu.yield
    }) : () -> ()
    %add3A_128 = arith.constant 9920 : i32
    %add3A_129 = arith.addi %mul3A_2, %add3A_128 : i32
    %run_scoped3A_130 = arith.constant 0 : i32
    "tpu.region"() ({
      %run_scoped3A_202 = tpu.sem_alloc : memref<!tpu.dma_semaphore, #tpu.memory_space<semaphore_mem>>
      %dma_start3A_203 = arith.constant 0 : i32
      %dma_start3A_204 = tpu.memref_slice %arg7[%run_scoped3A_130, %dma_start3A_203] : memref<3x80xi32, #tpu.memory_space<vmem>> -> memref<1x80xi32, #tpu.memory_space<vmem>>
      %dma_start3A_205 = tpu.memref_squeeze %dma_start3A_204 : memref<1x80xi32, #tpu.memory_space<vmem>> -> memref<80xi32, #tpu.memory_space<vmem>>
      %dma_start3A_206 = tpu.memref_slice %arg3[%add3A_129] : memref<320000xi32, #tpu.memory_space<hbm>> -> memref<80xi32, #tpu.memory_space<hbm>>
      %dma_start3A_207 = arith.constant 0 : i32
      %dma_start3A_208 = tpu.memref_slice %arg7[%run_scoped3A_130, %dma_start3A_207] : memref<3x80xi32, #tpu.memory_space<vmem>> -> memref<1x80xi32, #tpu.memory_space<vmem>>
      %dma_start3A_209 = tpu.memref_squeeze %dma_start3A_208 : memref<1x80xi32, #tpu.memory_space<vmem>> -> memref<80xi32, #tpu.memory_space<vmem>>
      %dma_start3A_210 = tpu.memref_slice %arg3[%add3A_129] : memref<320000xi32, #tpu.memory_space<hbm>> -> memref<80xi32, #tpu.memory_space<hbm>>
      tpu.enqueue_dma source(%dma_start3A_210 : memref<80xi32, #tpu.memory_space<hbm>>) target(%dma_start3A_209 : memref<80xi32, #tpu.memory_space<vmem>>) target_semaphore(%run_scoped3A_202 : memref<!tpu.dma_semaphore, #tpu.memory_space<semaphore_mem>>)
      %dma_wait3A_211 = arith.constant 0 : i32
      %dma_wait3A_212 = tpu.memref_slice %arg7[%run_scoped3A_130, %dma_wait3A_211] : memref<3x80xi32, #tpu.memory_space<vmem>> -> memref<1x80xi32, #tpu.memory_space<vmem>>
      %dma_wait3A_213 = tpu.memref_squeeze %dma_wait3A_212 : memref<1x80xi32, #tpu.memory_space<vmem>> -> memref<80xi32, #tpu.memory_space<vmem>>
      %dma_wait3A_214 = tpu.memref_slice %arg3[%add3A_129] : memref<320000xi32, #tpu.memory_space<hbm>> -> memref<80xi32, #tpu.memory_space<hbm>>
      %dma_wait3A_215 = arith.constant 0 : i32
      %dma_wait3A_216 = tpu.memref_slice %arg7[%run_scoped3A_130, %dma_wait3A_215] : memref<3x80xi32, #tpu.memory_space<vmem>> -> memref<1x80xi32, #tpu.memory_space<vmem>>
      %dma_wait3A_217 = tpu.memref_squeeze %dma_wait3A_216 : memref<1x80xi32, #tpu.memory_space<vmem>> -> memref<80xi32, #tpu.memory_space<vmem>>
      %dma_wait3A_218 = tpu.memref_slice %arg3[%add3A_129] : memref<320000xi32, #tpu.memory_space<hbm>> -> memref<80xi32, #tpu.memory_space<hbm>>
      tpu.wait_dma2 semaphore(%run_scoped3A_202 : memref<!tpu.dma_semaphore, #tpu.memory_space<semaphore_mem>>) src(%dma_wait3A_218 : memref<80xi32, #tpu.memory_space<hbm>>) dst(%dma_wait3A_217 : memref<80xi32, #tpu.memory_space<vmem>>)
      tpu.yield
    }) : () -> ()
    %dma_start3A_131 = arith.constant 0 : i32
    %dma_start3A_132 = arith.constant 0 : i32
    %dma_start3A_133 = arith.constant 0 : i32
    %dma_start3A_134 = tpu.memref_slice %arg8[%dma_start3A_131, %dma_start3A_132, %dma_start3A_133] : memref<3x80x128xf32, #tpu.memory_space<vmem>> -> memref<1x80x128xf32, #tpu.memory_space<vmem>>
    %dma_start3A_135 = tpu.memref_squeeze %dma_start3A_134 : memref<1x80x128xf32, #tpu.memory_space<vmem>> -> memref<80x128xf32, #tpu.memory_space<vmem>>
    %dma_start3A_136 = arith.constant 9920 : i32
    %dma_start3A_137 = tpu.memref_slice %arg6[%dma_start3A_136] : memref<10000xi32, #tpu.memory_space<vmem>> -> memref<80xi32, #tpu.memory_space<vmem>>
    %dma_start3A_138 = arith.constant 0 : i32
    %dma_start3A_139 = arith.constant 0 : i32
    %dma_start3A_140 = tpu.memref_slice %arg4[%dma_start3A_138, %dma_start3A_139] : memref<10000x128xf32, #tpu.memory_space<hbm>> -> memref<10000x128xf32, #tpu.memory_space<hbm>>
    tpu.enqueue_indirect_dma source(%dma_start3A_140 : memref<10000x128xf32, #tpu.memory_space<hbm>>) target(%dma_start3A_135 : memref<80x128xf32, #tpu.memory_space<vmem>>) offsets(%dma_start3A_137 : memref<80xi32, #tpu.memory_space<vmem>>) semaphore(%arg13 : memref<!tpu.dma_semaphore, #tpu.memory_space<semaphore_mem>>)
    %dma_wait3A_141 = arith.constant 0 : i32
    %dma_wait3A_142 = arith.constant 0 : i32
    %dma_wait3A_143 = arith.constant 0 : i32
    %dma_wait3A_144 = tpu.memref_slice %arg8[%dma_wait3A_141, %dma_wait3A_142, %dma_wait3A_143] : memref<3x80x128xf32, #tpu.memory_space<vmem>> -> memref<1x80x128xf32, #tpu.memory_space<vmem>>
    %dma_wait3A_145 = tpu.memref_squeeze %dma_wait3A_144 : memref<1x80x128xf32, #tpu.memory_space<vmem>> -> memref<80x128xf32, #tpu.memory_space<vmem>>
    %dma_wait3A_146 = arith.constant 9920 : i32
    %dma_wait3A_147 = tpu.memref_slice %arg6[%dma_wait3A_146] : memref<10000xi32, #tpu.memory_space<vmem>> -> memref<80xi32, #tpu.memory_space<vmem>>
    %dma_wait3A_148 = arith.constant 0 : i32
    %dma_wait3A_149 = arith.constant 0 : i32
    %dma_wait3A_150 = tpu.memref_slice %arg4[%dma_wait3A_148, %dma_wait3A_149] : memref<10000x128xf32, #tpu.memory_space<hbm>> -> memref<10000x128xf32, #tpu.memory_space<hbm>>
    tpu.wait_indirect_dma semaphore(%arg13 : memref<!tpu.dma_semaphore, #tpu.memory_space<semaphore_mem>>) src(%dma_wait3A_150 : memref<10000x128xf32, #tpu.memory_space<hbm>>) dst(%dma_wait3A_145 : memref<80x128xf32, #tpu.memory_space<vmem>>)
    %run_scoped3A_151 = arith.constant 0 : i32
    %run_scoped3A_152 = arith.constant 0 : i32
    "tpu.region"() ({
      %run_scoped3A_202 = tpu.sem_alloc : memref<!tpu.dma_semaphore, #tpu.memory_space<semaphore_mem>>
      %dma_start3A_203 = arith.constant 0 : i32
      %dma_start3A_204 = arith.constant 0 : i32
      %dma_start3A_205 = tpu.memref_slice %arg8[%run_scoped3A_151, %dma_start3A_203, %dma_start3A_204] : memref<3x80x128xf32, #tpu.memory_space<vmem>> -> memref<1x80x128xf32, #tpu.memory_space<vmem>>
      %dma_start3A_206 = tpu.memref_squeeze %dma_start3A_205 : memref<1x80x128xf32, #tpu.memory_space<vmem>> -> memref<80x128xf32, #tpu.memory_space<vmem>>
      %dma_start3A_207 = arith.constant 0 : i32
      %dma_start3A_208 = tpu.memref_slice %arg7[%run_scoped3A_152, %dma_start3A_207] : memref<3x80xi32, #tpu.memory_space<vmem>> -> memref<1x80xi32, #tpu.memory_space<vmem>>
      %dma_start3A_209 = tpu.memref_squeeze %dma_start3A_208 : memref<1x80xi32, #tpu.memory_space<vmem>> -> memref<80xi32, #tpu.memory_space<vmem>>
      %dma_start3A_210 = arith.constant 0 : i32
      %dma_start3A_211 = arith.constant 0 : i32
      %dma_start3A_212 = tpu.memref_slice %arg9[%dma_start3A_210, %dma_start3A_211] : memref<10240x128xf32, #tpu.memory_space<vmem_shared>> -> memref<10240x128xf32, #tpu.memory_space<vmem_shared>>
      tpu.enqueue_indirect_dma source(%dma_start3A_206 : memref<80x128xf32, #tpu.memory_space<vmem>>) target(%dma_start3A_212 : memref<10240x128xf32, #tpu.memory_space<vmem_shared>>) offsets(%dma_start3A_209 : memref<80xi32, #tpu.memory_space<vmem>>) semaphore(%run_scoped3A_202 : memref<!tpu.dma_semaphore, #tpu.memory_space<semaphore_mem>>) {add = true}
      %dma_wait3A_213 = arith.constant 0 : i32
      %dma_wait3A_214 = arith.constant 0 : i32
      %dma_wait3A_215 = tpu.memref_slice %arg8[%run_scoped3A_151, %dma_wait3A_213, %dma_wait3A_214] : memref<3x80x128xf32, #tpu.memory_space<vmem>> -> memref<1x80x128xf32, #tpu.memory_space<vmem>>
      %dma_wait3A_216 = tpu.memref_squeeze %dma_wait3A_215 : memref<1x80x128xf32, #tpu.memory_space<vmem>> -> memref<80x128xf32, #tpu.memory_space<vmem>>
      %dma_wait3A_217 = arith.constant 0 : i32
      %dma_wait3A_218 = tpu.memref_slice %arg7[%run_scoped3A_152, %dma_wait3A_217] : memref<3x80xi32, #tpu.memory_space<vmem>> -> memref<1x80xi32, #tpu.memory_space<vmem>>
      %dma_wait3A_219 = tpu.memref_squeeze %dma_wait3A_218 : memref<1x80xi32, #tpu.memory_space<vmem>> -> memref<80xi32, #tpu.memory_space<vmem>>
      %dma_wait3A_220 = arith.constant 0 : i32
      %dma_wait3A_221 = arith.constant 0 : i32
      %dma_wait3A_222 = tpu.memref_slice %arg9[%dma_wait3A_220, %dma_wait3A_221] : memref<10240x128xf32, #tpu.memory_space<vmem_shared>> -> memref<10240x128xf32, #tpu.memory_space<vmem_shared>>
      tpu.wait_indirect_dma semaphore(%run_scoped3A_202 : memref<!tpu.dma_semaphore, #tpu.memory_space<semaphore_mem>>) src(%dma_wait3A_216 : memref<80x128xf32, #tpu.memory_space<vmem>>) dst(%dma_wait3A_222 : memref<10240x128xf32, #tpu.memory_space<vmem_shared>>)
      tpu.yield
    }) : () -> ()
    %barrier3A_153 = arith.constant 0 : index
    tpu.barrier barrier_id(%barrier3A_153)
    %mul3A_154 = arith.constant 640 : i32
    %mul3A_155 = arith.muli %arg1, %mul3A_154 : i32
    %add3A_156 = arith.constant 0 : i32
    %add3A_157 = arith.addi %mul3A_155, %add3A_156 : i32
    %run_scoped3A_158 = arith.constant 0 : i32
    "tpu.region"() ({
      %run_scoped3A_202 = tpu.sem_alloc : memref<!tpu.dma_semaphore, #tpu.memory_space<semaphore_mem>>
      %dma_start3A_203 = arith.constant 0 : i32
      %dma_start3A_204 = arith.constant 0 : i32
      %dma_start3A_205 = tpu.memref_slice %arg8[%run_scoped3A_158, %dma_start3A_203, %dma_start3A_204] : memref<3x80x128xf32, #tpu.memory_space<vmem>> -> memref<1x80x128xf32, #tpu.memory_space<vmem>>
      %dma_start3A_206 = tpu.memref_squeeze %dma_start3A_205 : memref<1x80x128xf32, #tpu.memory_space<vmem>> -> memref<80x128xf32, #tpu.memory_space<vmem>>
      %dma_start3A_207 = arith.constant 0 : i32
      %dma_start3A_208 = tpu.memref_slice %arg9[%add3A_157, %dma_start3A_207] : memref<10240x128xf32, #tpu.memory_space<vmem_shared>> -> memref<80x128xf32, #tpu.memory_space<vmem_shared>>
      %dma_start3A_209 = arith.constant 0 : i32
      %dma_start3A_210 = arith.constant 0 : i32
      %dma_start3A_211 = tpu.memref_slice %arg8[%run_scoped3A_158, %dma_start3A_209, %dma_start3A_210] : memref<3x80x128xf32, #tpu.memory_space<vmem>> -> memref<1x80x128xf32, #tpu.memory_space<vmem>>
      %dma_start3A_212 = tpu.memref_squeeze %dma_start3A_211 : memref<1x80x128xf32, #tpu.memory_space<vmem>> -> memref<80x128xf32, #tpu.memory_space<vmem>>
      %dma_start3A_213 = arith.constant 0 : i32
      %dma_start3A_214 = tpu.memref_slice %arg9[%add3A_157, %dma_start3A_213] : memref<10240x128xf32, #tpu.memory_space<vmem_shared>> -> memref<80x128xf32, #tpu.memory_space<vmem_shared>>
      tpu.enqueue_dma source(%dma_start3A_214 : memref<80x128xf32, #tpu.memory_space<vmem_shared>>) target(%dma_start3A_212 : memref<80x128xf32, #tpu.memory_space<vmem>>) target_semaphore(%run_scoped3A_202 : memref<!tpu.dma_semaphore, #tpu.memory_space<semaphore_mem>>)
      %dma_wait3A_215 = arith.constant 0 : i32
      %dma_wait3A_216 = arith.constant 0 : i32
      %dma_wait3A_217 = tpu.memref_slice %arg8[%run_scoped3A_158, %dma_wait3A_215, %dma_wait3A_216] : memref<3x80x128xf32, #tpu.memory_space<vmem>> -> memref<1x80x128xf32, #tpu.memory_space<vmem>>
      %dma_wait3A_218 = tpu.memref_squeeze %dma_wait3A_217 : memref<1x80x128xf32, #tpu.memory_space<vmem>> -> memref<80x128xf32, #tpu.memory_space<vmem>>
      %dma_wait3A_219 = arith.constant 0 : i32
      %dma_wait3A_220 = tpu.memref_slice %arg9[%add3A_157, %dma_wait3A_219] : memref<10240x128xf32, #tpu.memory_space<vmem_shared>> -> memref<80x128xf32, #tpu.memory_space<vmem_shared>>
      %dma_wait3A_221 = arith.constant 0 : i32
      %dma_wait3A_222 = arith.constant 0 : i32
      %dma_wait3A_223 = tpu.memref_slice %arg8[%run_scoped3A_158, %dma_wait3A_221, %dma_wait3A_222] : memref<3x80x128xf32, #tpu.memory_space<vmem>> -> memref<1x80x128xf32, #tpu.memory_space<vmem>>
      %dma_wait3A_224 = tpu.memref_squeeze %dma_wait3A_223 : memref<1x80x128xf32, #tpu.memory_space<vmem>> -> memref<80x128xf32, #tpu.memory_space<vmem>>
      %dma_wait3A_225 = arith.constant 0 : i32
      %dma_wait3A_226 = tpu.memref_slice %arg9[%add3A_157, %dma_wait3A_225] : memref<10240x128xf32, #tpu.memory_space<vmem_shared>> -> memref<80x128xf32, #tpu.memory_space<vmem_shared>>
      tpu.wait_dma2 semaphore(%run_scoped3A_202 : memref<!tpu.dma_semaphore, #tpu.memory_space<semaphore_mem>>) src(%dma_wait3A_226 : memref<80x128xf32, #tpu.memory_space<vmem_shared>>) dst(%dma_wait3A_224 : memref<80x128xf32, #tpu.memory_space<vmem>>)
      tpu.yield
    }) : () -> ()
    %run_scoped3A_159 = arith.constant 0 : i32
    "tpu.region"() ({
      %run_scoped3A_202 = tpu.sem_alloc : memref<!tpu.dma_semaphore, #tpu.memory_space<semaphore_mem>>
      %dma_start3A_203 = arith.constant 0 : i32
      %dma_start3A_204 = arith.constant 0 : i32
      %dma_start3A_205 = tpu.memref_slice %arg8[%run_scoped3A_159, %dma_start3A_203, %dma_start3A_204] : memref<3x80x128xf32, #tpu.memory_space<vmem>> -> memref<1x80x128xf32, #tpu.memory_space<vmem>>
      %dma_start3A_206 = tpu.memref_squeeze %dma_start3A_205 : memref<1x80x128xf32, #tpu.memory_space<vmem>> -> memref<80x128xf32, #tpu.memory_space<vmem>>
      %dma_start3A_207 = arith.constant 0 : i32
      %dma_start3A_208 = tpu.memref_slice %arg5[%arg0, %add3A_157, %dma_start3A_207] : memref<2x10240x128xf32, #tpu.memory_space<hbm>> -> memref<1x80x128xf32, #tpu.memory_space<hbm>>
      %dma_start3A_209 = tpu.memref_squeeze %dma_start3A_208 : memref<1x80x128xf32, #tpu.memory_space<hbm>> -> memref<80x128xf32, #tpu.memory_space<hbm>>
      %dma_start3A_210 = arith.constant 0 : i32
      %dma_start3A_211 = tpu.memref_slice %arg5[%arg0, %add3A_157, %dma_start3A_210] : memref<2x10240x128xf32, #tpu.memory_space<hbm>> -> memref<1x80x128xf32, #tpu.memory_space<hbm>>
      %dma_start3A_212 = tpu.memref_squeeze %dma_start3A_211 : memref<1x80x128xf32, #tpu.memory_space<hbm>> -> memref<80x128xf32, #tpu.memory_space<hbm>>
      %dma_start3A_213 = arith.constant 0 : i32
      %dma_start3A_214 = arith.constant 0 : i32
      %dma_start3A_215 = tpu.memref_slice %arg8[%run_scoped3A_159, %dma_start3A_213, %dma_start3A_214] : memref<3x80x128xf32, #tpu.memory_space<vmem>> -> memref<1x80x128xf32, #tpu.memory_space<vmem>>
      %dma_start3A_216 = tpu.memref_squeeze %dma_start3A_215 : memref<1x80x128xf32, #tpu.memory_space<vmem>> -> memref<80x128xf32, #tpu.memory_space<vmem>>
      tpu.enqueue_dma source(%dma_start3A_216 : memref<80x128xf32, #tpu.memory_space<vmem>>) target(%dma_start3A_212 : memref<80x128xf32, #tpu.memory_space<hbm>>) target_semaphore(%run_scoped3A_202 : memref<!tpu.dma_semaphore, #tpu.memory_space<semaphore_mem>>)
      %dma_wait3A_217 = arith.constant 0 : i32
      %dma_wait3A_218 = arith.constant 0 : i32
      %dma_wait3A_219 = tpu.memref_slice %arg8[%run_scoped3A_159, %dma_wait3A_217, %dma_wait3A_218] : memref<3x80x128xf32, #tpu.memory_space<vmem>> -> memref<1x80x128xf32, #tpu.memory_space<vmem>>
      %dma_wait3A_220 = tpu.memref_squeeze %dma_wait3A_219 : memref<1x80x128xf32, #tpu.memory_space<vmem>> -> memref<80x128xf32, #tpu.memory_space<vmem>>
      %dma_wait3A_221 = arith.constant 0 : i32
      %dma_wait3A_222 = tpu.memref_slice %arg5[%arg0, %add3A_157, %dma_wait3A_221] : memref<2x10240x128xf32, #tpu.memory_space<hbm>> -> memref<1x80x128xf32, #tpu.memory_space<hbm>>
      %dma_wait3A_223 = tpu.memref_squeeze %dma_wait3A_222 : memref<1x80x128xf32, #tpu.memory_space<hbm>> -> memref<80x128xf32, #tpu.memory_space<hbm>>
      %dma_wait3A_224 = arith.constant 0 : i32
      %dma_wait3A_225 = tpu.memref_slice %arg5[%arg0, %add3A_157, %dma_wait3A_224] : memref<2x10240x128xf32, #tpu.memory_space<hbm>> -> memref<1x80x128xf32, #tpu.memory_space<hbm>>
      %dma_wait3A_226 = tpu.memref_squeeze %dma_wait3A_225 : memref<1x80x128xf32, #tpu.memory_space<hbm>> -> memref<80x128xf32, #tpu.memory_space<hbm>>
      %dma_wait3A_227 = arith.constant 0 : i32
      %dma_wait3A_228 = arith.constant 0 : i32
      %dma_wait3A_229 = tpu.memref_slice %arg8[%run_scoped3A_159, %dma_wait3A_227, %dma_wait3A_228] : memref<3x80x128xf32, #tpu.memory_space<vmem>> -> memref<1x80x128xf32, #tpu.memory_space<vmem>>
      %dma_wait3A_230 = tpu.memref_squeeze %dma_wait3A_229 : memref<1x80x128xf32, #tpu.memory_space<vmem>> -> memref<80x128xf32, #tpu.memory_space<vmem>>
      tpu.wait_dma2 semaphore(%run_scoped3A_202 : memref<!tpu.dma_semaphore, #tpu.memory_space<semaphore_mem>>) src(%dma_wait3A_230 : memref<80x128xf32, #tpu.memory_space<vmem>>) dst(%dma_wait3A_226 : memref<80x128xf32, #tpu.memory_space<hbm>>)
      tpu.yield
    }) : () -> ()
    %mul3A_160 = arith.constant 640 : i32
    %mul3A_161 = arith.muli %arg1, %mul3A_160 : i32
    %add3A_162 = arith.constant 80 : i32
    %add3A_163 = arith.addi %mul3A_161, %add3A_162 : i32
    %run_scoped3A_164 = arith.constant 0 : i32
    "tpu.region"() ({
      %run_scoped3A_202 = tpu.sem_alloc : memref<!tpu.dma_semaphore, #tpu.memory_space<semaphore_mem>>
      %dma_start3A_203 = arith.constant 0 : i32
      %dma_start3A_204 = arith.constant 0 : i32
      %dma_start3A_205 = tpu.memref_slice %arg8[%run_scoped3A_164, %dma_start3A_203, %dma_start3A_204] : memref<3x80x128xf32, #tpu.memory_space<vmem>> -> memref<1x80x128xf32, #tpu.memory_space<vmem>>
      %dma_start3A_206 = tpu.memref_squeeze %dma_start3A_205 : memref<1x80x128xf32, #tpu.memory_space<vmem>> -> memref<80x128xf32, #tpu.memory_space<vmem>>
      %dma_start3A_207 = arith.constant 0 : i32
      %dma_start3A_208 = tpu.memref_slice %arg9[%add3A_163, %dma_start3A_207] : memref<10240x128xf32, #tpu.memory_space<vmem_shared>> -> memref<80x128xf32, #tpu.memory_space<vmem_shared>>
      %dma_start3A_209 = arith.constant 0 : i32
      %dma_start3A_210 = arith.constant 0 : i32
      %dma_start3A_211 = tpu.memref_slice %arg8[%run_scoped3A_164, %dma_start3A_209, %dma_start3A_210] : memref<3x80x128xf32, #tpu.memory_space<vmem>> -> memref<1x80x128xf32, #tpu.memory_space<vmem>>
      %dma_start3A_212 = tpu.memref_squeeze %dma_start3A_211 : memref<1x80x128xf32, #tpu.memory_space<vmem>> -> memref<80x128xf32, #tpu.memory_space<vmem>>
      %dma_start3A_213 = arith.constant 0 : i32
      %dma_start3A_214 = tpu.memref_slice %arg9[%add3A_163, %dma_start3A_213] : memref<10240x128xf32, #tpu.memory_space<vmem_shared>> -> memref<80x128xf32, #tpu.memory_space<vmem_shared>>
      tpu.enqueue_dma source(%dma_start3A_214 : memref<80x128xf32, #tpu.memory_space<vmem_shared>>) target(%dma_start3A_212 : memref<80x128xf32, #tpu.memory_space<vmem>>) target_semaphore(%run_scoped3A_202 : memref<!tpu.dma_semaphore, #tpu.memory_space<semaphore_mem>>)
      %dma_wait3A_215 = arith.constant 0 : i32
      %dma_wait3A_216 = arith.constant 0 : i32
      %dma_wait3A_217 = tpu.memref_slice %arg8[%run_scoped3A_164, %dma_wait3A_215, %dma_wait3A_216] : memref<3x80x128xf32, #tpu.memory_space<vmem>> -> memref<1x80x128xf32, #tpu.memory_space<vmem>>
      %dma_wait3A_218 = tpu.memref_squeeze %dma_wait3A_217 : memref<1x80x128xf32, #tpu.memory_space<vmem>> -> memref<80x128xf32, #tpu.memory_space<vmem>>
      %dma_wait3A_219 = arith.constant 0 : i32
      %dma_wait3A_220 = tpu.memref_slice %arg9[%add3A_163, %dma_wait3A_219] : memref<10240x128xf32, #tpu.memory_space<vmem_shared>> -> memref<80x128xf32, #tpu.memory_space<vmem_shared>>
      %dma_wait3A_221 = arith.constant 0 : i32
      %dma_wait3A_222 = arith.constant 0 : i32
      %dma_wait3A_223 = tpu.memref_slice %arg8[%run_scoped3A_164, %dma_wait3A_221, %dma_wait3A_222] : memref<3x80x128xf32, #tpu.memory_space<vmem>> -> memref<1x80x128xf32, #tpu.memory_space<vmem>>
      %dma_wait3A_224 = tpu.memref_squeeze %dma_wait3A_223 : memref<1x80x128xf32, #tpu.memory_space<vmem>> -> memref<80x128xf32, #tpu.memory_space<vmem>>
      %dma_wait3A_225 = arith.constant 0 : i32
      %dma_wait3A_226 = tpu.memref_slice %arg9[%add3A_163, %dma_wait3A_225] : memref<10240x128xf32, #tpu.memory_space<vmem_shared>> -> memref<80x128xf32, #tpu.memory_space<vmem_shared>>
      tpu.wait_dma2 semaphore(%run_scoped3A_202 : memref<!tpu.dma_semaphore, #tpu.memory_space<semaphore_mem>>) src(%dma_wait3A_226 : memref<80x128xf32, #tpu.memory_space<vmem_shared>>) dst(%dma_wait3A_224 : memref<80x128xf32, #tpu.memory_space<vmem>>)
      tpu.yield
    }) : () -> ()
    %run_scoped3A_165 = arith.constant 0 : i32
    "tpu.region"() ({
      %run_scoped3A_202 = tpu.sem_alloc : memref<!tpu.dma_semaphore, #tpu.memory_space<semaphore_mem>>
      %dma_start3A_203 = arith.constant 0 : i32
      %dma_start3A_204 = arith.constant 0 : i32
      %dma_start3A_205 = tpu.memref_slice %arg8[%run_scoped3A_165, %dma_start3A_203, %dma_start3A_204] : memref<3x80x128xf32, #tpu.memory_space<vmem>> -> memref<1x80x128xf32, #tpu.memory_space<vmem>>
      %dma_start3A_206 = tpu.memref_squeeze %dma_start3A_205 : memref<1x80x128xf32, #tpu.memory_space<vmem>> -> memref<80x128xf32, #tpu.memory_space<vmem>>
      %dma_start3A_207 = arith.constant 0 : i32
      %dma_start3A_208 = tpu.memref_slice %arg5[%arg0, %add3A_163, %dma_start3A_207] : memref<2x10240x128xf32, #tpu.memory_space<hbm>> -> memref<1x80x128xf32, #tpu.memory_space<hbm>>
      %dma_start3A_209 = tpu.memref_squeeze %dma_start3A_208 : memref<1x80x128xf32, #tpu.memory_space<hbm>> -> memref<80x128xf32, #tpu.memory_space<hbm>>
      %dma_start3A_210 = arith.constant 0 : i32
      %dma_start3A_211 = tpu.memref_slice %arg5[%arg0, %add3A_163, %dma_start3A_210] : memref<2x10240x128xf32, #tpu.memory_space<hbm>> -> memref<1x80x128xf32, #tpu.memory_space<hbm>>
      %dma_start3A_212 = tpu.memref_squeeze %dma_start3A_211 : memref<1x80x128xf32, #tpu.memory_space<hbm>> -> memref<80x128xf32, #tpu.memory_space<hbm>>
      %dma_start3A_213 = arith.constant 0 : i32
      %dma_start3A_214 = arith.constant 0 : i32
      %dma_start3A_215 = tpu.memref_slice %arg8[%run_scoped3A_165, %dma_start3A_213, %dma_start3A_214] : memref<3x80x128xf32, #tpu.memory_space<vmem>> -> memref<1x80x128xf32, #tpu.memory_space<vmem>>
      %dma_start3A_216 = tpu.memref_squeeze %dma_start3A_215 : memref<1x80x128xf32, #tpu.memory_space<vmem>> -> memref<80x128xf32, #tpu.memory_space<vmem>>
      tpu.enqueue_dma source(%dma_start3A_216 : memref<80x128xf32, #tpu.memory_space<vmem>>) target(%dma_start3A_212 : memref<80x128xf32, #tpu.memory_space<hbm>>) target_semaphore(%run_scoped3A_202 : memref<!tpu.dma_semaphore, #tpu.memory_space<semaphore_mem>>)
      %dma_wait3A_217 = arith.constant 0 : i32
      %dma_wait3A_218 = arith.constant 0 : i32
      %dma_wait3A_219 = tpu.memref_slice %arg8[%run_scoped3A_165, %dma_wait3A_217, %dma_wait3A_218] : memref<3x80x128xf32, #tpu.memory_space<vmem>> -> memref<1x80x128xf32, #tpu.memory_space<vmem>>
      %dma_wait3A_220 = tpu.memref_squeeze %dma_wait3A_219 : memref<1x80x128xf32, #tpu.memory_space<vmem>> -> memref<80x128xf32, #tpu.memory_space<vmem>>
      %dma_wait3A_221 = arith.constant 0 : i32
      %dma_wait3A_222 = tpu.memref_slice %arg5[%arg0, %add3A_163, %dma_wait3A_221] : memref<2x10240x128xf32, #tpu.memory_space<hbm>> -> memref<1x80x128xf32, #tpu.memory_space<hbm>>
      %dma_wait3A_223 = tpu.memref_squeeze %dma_wait3A_222 : memref<1x80x128xf32, #tpu.memory_space<hbm>> -> memref<80x128xf32, #tpu.memory_space<hbm>>
      %dma_wait3A_224 = arith.constant 0 : i32
      %dma_wait3A_225 = tpu.memref_slice %arg5[%arg0, %add3A_163, %dma_wait3A_224] : memref<2x10240x128xf32, #tpu.memory_space<hbm>> -> memref<1x80x128xf32, #tpu.memory_space<hbm>>
      %dma_wait3A_226 = tpu.memref_squeeze %dma_wait3A_225 : memref<1x80x128xf32, #tpu.memory_space<hbm>> -> memref<80x128xf32, #tpu.memory_space<hbm>>
      %dma_wait3A_227 = arith.constant 0 : i32
      %dma_wait3A_228 = arith.constant 0 : i32
      %dma_wait3A_229 = tpu.memref_slice %arg8[%run_scoped3A_165, %dma_wait3A_227, %dma_wait3A_228] : memref<3x80x128xf32, #tpu.memory_space<vmem>> -> memref<1x80x128xf32, #tpu.memory_space<vmem>>
      %dma_wait3A_230 = tpu.memref_squeeze %dma_wait3A_229 : memref<1x80x128xf32, #tpu.memory_space<vmem>> -> memref<80x128xf32, #tpu.memory_space<vmem>>
      tpu.wait_dma2 semaphore(%run_scoped3A_202 : memref<!tpu.dma_semaphore, #tpu.memory_space<semaphore_mem>>) src(%dma_wait3A_230 : memref<80x128xf32, #tpu.memory_space<vmem>>) dst(%dma_wait3A_226 : memref<80x128xf32, #tpu.memory_space<hbm>>)
      tpu.yield
    }) : () -> ()
    %mul3A_166 = arith.constant 640 : i32
    %mul3A_167 = arith.muli %arg1, %mul3A_166 : i32
    %add3A_168 = arith.constant 160 : i32
    %add3A_169 = arith.addi %mul3A_167, %add3A_168 : i32
    %run_scoped3A_170 = arith.constant 0 : i32
    "tpu.region"() ({
      %run_scoped3A_202 = tpu.sem_alloc : memref<!tpu.dma_semaphore, #tpu.memory_space<semaphore_mem>>
      %dma_start3A_203 = arith.constant 0 : i32
      %dma_start3A_204 = arith.constant 0 : i32
      %dma_start3A_205 = tpu.memref_slice %arg8[%run_scoped3A_170, %dma_start3A_203, %dma_start3A_204] : memref<3x80x128xf32, #tpu.memory_space<vmem>> -> memref<1x80x128xf32, #tpu.memory_space<vmem>>
      %dma_start3A_206 = tpu.memref_squeeze %dma_start3A_205 : memref<1x80x128xf32, #tpu.memory_space<vmem>> -> memref<80x128xf32, #tpu.memory_space<vmem>>
      %dma_start3A_207 = arith.constant 0 : i32
      %dma_start3A_208 = tpu.memref_slice %arg9[%add3A_169, %dma_start3A_207] : memref<10240x128xf32, #tpu.memory_space<vmem_shared>> -> memref<80x128xf32, #tpu.memory_space<vmem_shared>>
      %dma_start3A_209 = arith.constant 0 : i32
      %dma_start3A_210 = arith.constant 0 : i32
      %dma_start3A_211 = tpu.memref_slice %arg8[%run_scoped3A_170, %dma_start3A_209, %dma_start3A_210] : memref<3x80x128xf32, #tpu.memory_space<vmem>> -> memref<1x80x128xf32, #tpu.memory_space<vmem>>
      %dma_start3A_212 = tpu.memref_squeeze %dma_start3A_211 : memref<1x80x128xf32, #tpu.memory_space<vmem>> -> memref<80x128xf32, #tpu.memory_space<vmem>>
      %dma_start3A_213 = arith.constant 0 : i32
      %dma_start3A_214 = tpu.memref_slice %arg9[%add3A_169, %dma_start3A_213] : memref<10240x128xf32, #tpu.memory_space<vmem_shared>> -> memref<80x128xf32, #tpu.memory_space<vmem_shared>>
      tpu.enqueue_dma source(%dma_start3A_214 : memref<80x128xf32, #tpu.memory_space<vmem_shared>>) target(%dma_start3A_212 : memref<80x128xf32, #tpu.memory_space<vmem>>) target_semaphore(%run_scoped3A_202 : memref<!tpu.dma_semaphore, #tpu.memory_space<semaphore_mem>>)
      %dma_wait3A_215 = arith.constant 0 : i32
      %dma_wait3A_216 = arith.constant 0 : i32
      %dma_wait3A_217 = tpu.memref_slice %arg8[%run_scoped3A_170, %dma_wait3A_215, %dma_wait3A_216] : memref<3x80x128xf32, #tpu.memory_space<vmem>> -> memref<1x80x128xf32, #tpu.memory_space<vmem>>
      %dma_wait3A_218 = tpu.memref_squeeze %dma_wait3A_217 : memref<1x80x128xf32, #tpu.memory_space<vmem>> -> memref<80x128xf32, #tpu.memory_space<vmem>>
      %dma_wait3A_219 = arith.constant 0 : i32
      %dma_wait3A_220 = tpu.memref_slice %arg9[%add3A_169, %dma_wait3A_219] : memref<10240x128xf32, #tpu.memory_space<vmem_shared>> -> memref<80x128xf32, #tpu.memory_space<vmem_shared>>
      %dma_wait3A_221 = arith.constant 0 : i32
      %dma_wait3A_222 = arith.constant 0 : i32
      %dma_wait3A_223 = tpu.memref_slice %arg8[%run_scoped3A_170, %dma_wait3A_221, %dma_wait3A_222] : memref<3x80x128xf32, #tpu.memory_space<vmem>> -> memref<1x80x128xf32, #tpu.memory_space<vmem>>
      %dma_wait3A_224 = tpu.memref_squeeze %dma_wait3A_223 : memref<1x80x128xf32, #tpu.memory_space<vmem>> -> memref<80x128xf32, #tpu.memory_space<vmem>>
      %dma_wait3A_225 = arith.constant 0 : i32
      %dma_wait3A_226 = tpu.memref_slice %arg9[%add3A_169, %dma_wait3A_225] : memref<10240x128xf32, #tpu.memory_space<vmem_shared>> -> memref<80x128xf32, #tpu.memory_space<vmem_shared>>
      tpu.wait_dma2 semaphore(%run_scoped3A_202 : memref<!tpu.dma_semaphore, #tpu.memory_space<semaphore_mem>>) src(%dma_wait3A_226 : memref<80x128xf32, #tpu.memory_space<vmem_shared>>) dst(%dma_wait3A_224 : memref<80x128xf32, #tpu.memory_space<vmem>>)
      tpu.yield
    }) : () -> ()
    %run_scoped3A_171 = arith.constant 0 : i32
    "tpu.region"() ({
      %run_scoped3A_202 = tpu.sem_alloc : memref<!tpu.dma_semaphore, #tpu.memory_space<semaphore_mem>>
      %dma_start3A_203 = arith.constant 0 : i32
      %dma_start3A_204 = arith.constant 0 : i32
      %dma_start3A_205 = tpu.memref_slice %arg8[%run_scoped3A_171, %dma_start3A_203, %dma_start3A_204] : memref<3x80x128xf32, #tpu.memory_space<vmem>> -> memref<1x80x128xf32, #tpu.memory_space<vmem>>
      %dma_start3A_206 = tpu.memref_squeeze %dma_start3A_205 : memref<1x80x128xf32, #tpu.memory_space<vmem>> -> memref<80x128xf32, #tpu.memory_space<vmem>>
      %dma_start3A_207 = arith.constant 0 : i32
      %dma_start3A_208 = tpu.memref_slice %arg5[%arg0, %add3A_169, %dma_start3A_207] : memref<2x10240x128xf32, #tpu.memory_space<hbm>> -> memref<1x80x128xf32, #tpu.memory_space<hbm>>
      %dma_start3A_209 = tpu.memref_squeeze %dma_start3A_208 : memref<1x80x128xf32, #tpu.memory_space<hbm>> -> memref<80x128xf32, #tpu.memory_space<hbm>>
      %dma_start3A_210 = arith.constant 0 : i32
      %dma_start3A_211 = tpu.memref_slice %arg5[%arg0, %add3A_169, %dma_start3A_210] : memref<2x10240x128xf32, #tpu.memory_space<hbm>> -> memref<1x80x128xf32, #tpu.memory_space<hbm>>
      %dma_start3A_212 = tpu.memref_squeeze %dma_start3A_211 : memref<1x80x128xf32, #tpu.memory_space<hbm>> -> memref<80x128xf32, #tpu.memory_space<hbm>>
      %dma_start3A_213 = arith.constant 0 : i32
      %dma_start3A_214 = arith.constant 0 : i32
      %dma_start3A_215 = tpu.memref_slice %arg8[%run_scoped3A_171, %dma_start3A_213, %dma_start3A_214] : memref<3x80x128xf32, #tpu.memory_space<vmem>> -> memref<1x80x128xf32, #tpu.memory_space<vmem>>
      %dma_start3A_216 = tpu.memref_squeeze %dma_start3A_215 : memref<1x80x128xf32, #tpu.memory_space<vmem>> -> memref<80x128xf32, #tpu.memory_space<vmem>>
      tpu.enqueue_dma source(%dma_start3A_216 : memref<80x128xf32, #tpu.memory_space<vmem>>) target(%dma_start3A_212 : memref<80x128xf32, #tpu.memory_space<hbm>>) target_semaphore(%run_scoped3A_202 : memref<!tpu.dma_semaphore, #tpu.memory_space<semaphore_mem>>)
      %dma_wait3A_217 = arith.constant 0 : i32
      %dma_wait3A_218 = arith.constant 0 : i32
      %dma_wait3A_219 = tpu.memref_slice %arg8[%run_scoped3A_171, %dma_wait3A_217, %dma_wait3A_218] : memref<3x80x128xf32, #tpu.memory_space<vmem>> -> memref<1x80x128xf32, #tpu.memory_space<vmem>>
      %dma_wait3A_220 = tpu.memref_squeeze %dma_wait3A_219 : memref<1x80x128xf32, #tpu.memory_space<vmem>> -> memref<80x128xf32, #tpu.memory_space<vmem>>
      %dma_wait3A_221 = arith.constant 0 : i32
      %dma_wait3A_222 = tpu.memref_slice %arg5[%arg0, %add3A_169, %dma_wait3A_221] : memref<2x10240x128xf32, #tpu.memory_space<hbm>> -> memref<1x80x128xf32, #tpu.memory_space<hbm>>
      %dma_wait3A_223 = tpu.memref_squeeze %dma_wait3A_222 : memref<1x80x128xf32, #tpu.memory_space<hbm>> -> memref<80x128xf32, #tpu.memory_space<hbm>>
      %dma_wait3A_224 = arith.constant 0 : i32
      %dma_wait3A_225 = tpu.memref_slice %arg5[%arg0, %add3A_169, %dma_wait3A_224] : memref<2x10240x128xf32, #tpu.memory_space<hbm>> -> memref<1x80x128xf32, #tpu.memory_space<hbm>>
      %dma_wait3A_226 = tpu.memref_squeeze %dma_wait3A_225 : memref<1x80x128xf32, #tpu.memory_space<hbm>> -> memref<80x128xf32, #tpu.memory_space<hbm>>
      %dma_wait3A_227 = arith.constant 0 : i32
      %dma_wait3A_228 = arith.constant 0 : i32
      %dma_wait3A_229 = tpu.memref_slice %arg8[%run_scoped3A_171, %dma_wait3A_227, %dma_wait3A_228] : memref<3x80x128xf32, #tpu.memory_space<vmem>> -> memref<1x80x128xf32, #tpu.memory_space<vmem>>
      %dma_wait3A_230 = tpu.memref_squeeze %dma_wait3A_229 : memref<1x80x128xf32, #tpu.memory_space<vmem>> -> memref<80x128xf32, #tpu.memory_space<vmem>>
      tpu.wait_dma2 semaphore(%run_scoped3A_202 : memref<!tpu.dma_semaphore, #tpu.memory_space<semaphore_mem>>) src(%dma_wait3A_230 : memref<80x128xf32, #tpu.memory_space<vmem>>) dst(%dma_wait3A_226 : memref<80x128xf32, #tpu.memory_space<hbm>>)
      tpu.yield
    }) : () -> ()
    %mul3A_172 = arith.constant 640 : i32
    %mul3A_173 = arith.muli %arg1, %mul3A_172 : i32
    %add3A_174 = arith.constant 240 : i32
    %add3A_175 = arith.addi %mul3A_173, %add3A_174 : i32
    %run_scoped3A_176 = arith.constant 0 : i32
    "tpu.region"() ({
      %run_scoped3A_202 = tpu.sem_alloc : memref<!tpu.dma_semaphore, #tpu.memory_space<semaphore_mem>>
      %dma_start3A_203 = arith.constant 0 : i32
      %dma_start3A_204 = arith.constant 0 : i32
      %dma_start3A_205 = tpu.memref_slice %arg8[%run_scoped3A_176, %dma_start3A_203, %dma_start3A_204] : memref<3x80x128xf32, #tpu.memory_space<vmem>> -> memref<1x80x128xf32, #tpu.memory_space<vmem>>
      %dma_start3A_206 = tpu.memref_squeeze %dma_start3A_205 : memref<1x80x128xf32, #tpu.memory_space<vmem>> -> memref<80x128xf32, #tpu.memory_space<vmem>>
      %dma_start3A_207 = arith.constant 0 : i32
      %dma_start3A_208 = tpu.memref_slice %arg9[%add3A_175, %dma_start3A_207] : memref<10240x128xf32, #tpu.memory_space<vmem_shared>> -> memref<80x128xf32, #tpu.memory_space<vmem_shared>>
      %dma_start3A_209 = arith.constant 0 : i32
      %dma_start3A_210 = arith.constant 0 : i32
      %dma_start3A_211 = tpu.memref_slice %arg8[%run_scoped3A_176, %dma_start3A_209, %dma_start3A_210] : memref<3x80x128xf32, #tpu.memory_space<vmem>> -> memref<1x80x128xf32, #tpu.memory_space<vmem>>
      %dma_start3A_212 = tpu.memref_squeeze %dma_start3A_211 : memref<1x80x128xf32, #tpu.memory_space<vmem>> -> memref<80x128xf32, #tpu.memory_space<vmem>>
      %dma_start3A_213 = arith.constant 0 : i32
      %dma_start3A_214 = tpu.memref_slice %arg9[%add3A_175, %dma_start3A_213] : memref<10240x128xf32, #tpu.memory_space<vmem_shared>> -> memref<80x128xf32, #tpu.memory_space<vmem_shared>>
      tpu.enqueue_dma source(%dma_start3A_214 : memref<80x128xf32, #tpu.memory_space<vmem_shared>>) target(%dma_start3A_212 : memref<80x128xf32, #tpu.memory_space<vmem>>) target_semaphore(%run_scoped3A_202 : memref<!tpu.dma_semaphore, #tpu.memory_space<semaphore_mem>>)
      %dma_wait3A_215 = arith.constant 0 : i32
      %dma_wait3A_216 = arith.constant 0 : i32
      %dma_wait3A_217 = tpu.memref_slice %arg8[%run_scoped3A_176, %dma_wait3A_215, %dma_wait3A_216] : memref<3x80x128xf32, #tpu.memory_space<vmem>> -> memref<1x80x128xf32, #tpu.memory_space<vmem>>
      %dma_wait3A_218 = tpu.memref_squeeze %dma_wait3A_217 : memref<1x80x128xf32, #tpu.memory_space<vmem>> -> memref<80x128xf32, #tpu.memory_space<vmem>>
      %dma_wait3A_219 = arith.constant 0 : i32
      %dma_wait3A_220 = tpu.memref_slice %arg9[%add3A_175, %dma_wait3A_219] : memref<10240x128xf32, #tpu.memory_space<vmem_shared>> -> memref<80x128xf32, #tpu.memory_space<vmem_shared>>
      %dma_wait3A_221 = arith.constant 0 : i32
      %dma_wait3A_222 = arith.constant 0 : i32
      %dma_wait3A_223 = tpu.memref_slice %arg8[%run_scoped3A_176, %dma_wait3A_221, %dma_wait3A_222] : memref<3x80x128xf32, #tpu.memory_space<vmem>> -> memref<1x80x128xf32, #tpu.memory_space<vmem>>
      %dma_wait3A_224 = tpu.memref_squeeze %dma_wait3A_223 : memref<1x80x128xf32, #tpu.memory_space<vmem>> -> memref<80x128xf32, #tpu.memory_space<vmem>>
      %dma_wait3A_225 = arith.constant 0 : i32
      %dma_wait3A_226 = tpu.memref_slice %arg9[%add3A_175, %dma_wait3A_225] : memref<10240x128xf32, #tpu.memory_space<vmem_shared>> -> memref<80x128xf32, #tpu.memory_space<vmem_shared>>
      tpu.wait_dma2 semaphore(%run_scoped3A_202 : memref<!tpu.dma_semaphore, #tpu.memory_space<semaphore_mem>>) src(%dma_wait3A_226 : memref<80x128xf32, #tpu.memory_space<vmem_shared>>) dst(%dma_wait3A_224 : memref<80x128xf32, #tpu.memory_space<vmem>>)
      tpu.yield
    }) : () -> ()
    %run_scoped3A_177 = arith.constant 0 : i32
    "tpu.region"() ({
      %run_scoped3A_202 = tpu.sem_alloc : memref<!tpu.dma_semaphore, #tpu.memory_space<semaphore_mem>>
      %dma_start3A_203 = arith.constant 0 : i32
      %dma_start3A_204 = arith.constant 0 : i32
      %dma_start3A_205 = tpu.memref_slice %arg8[%run_scoped3A_177, %dma_start3A_203, %dma_start3A_204] : memref<3x80x128xf32, #tpu.memory_space<vmem>> -> memref<1x80x128xf32, #tpu.memory_space<vmem>>
      %dma_start3A_206 = tpu.memref_squeeze %dma_start3A_205 : memref<1x80x128xf32, #tpu.memory_space<vmem>> -> memref<80x128xf32, #tpu.memory_space<vmem>>
      %dma_start3A_207 = arith.constant 0 : i32
      %dma_start3A_208 = tpu.memref_slice %arg5[%arg0, %add3A_175, %dma_start3A_207] : memref<2x10240x128xf32, #tpu.memory_space<hbm>> -> memref<1x80x128xf32, #tpu.memory_space<hbm>>
      %dma_start3A_209 = tpu.memref_squeeze %dma_start3A_208 : memref<1x80x128xf32, #tpu.memory_space<hbm>> -> memref<80x128xf32, #tpu.memory_space<hbm>>
      %dma_start3A_210 = arith.constant 0 : i32
      %dma_start3A_211 = tpu.memref_slice %arg5[%arg0, %add3A_175, %dma_start3A_210] : memref<2x10240x128xf32, #tpu.memory_space<hbm>> -> memref<1x80x128xf32, #tpu.memory_space<hbm>>
      %dma_start3A_212 = tpu.memref_squeeze %dma_start3A_211 : memref<1x80x128xf32, #tpu.memory_space<hbm>> -> memref<80x128xf32, #tpu.memory_space<hbm>>
      %dma_start3A_213 = arith.constant 0 : i32
      %dma_start3A_214 = arith.constant 0 : i32
      %dma_start3A_215 = tpu.memref_slice %arg8[%run_scoped3A_177, %dma_start3A_213, %dma_start3A_214] : memref<3x80x128xf32, #tpu.memory_space<vmem>> -> memref<1x80x128xf32, #tpu.memory_space<vmem>>
      %dma_start3A_216 = tpu.memref_squeeze %dma_start3A_215 : memref<1x80x128xf32, #tpu.memory_space<vmem>> -> memref<80x128xf32, #tpu.memory_space<vmem>>
      tpu.enqueue_dma source(%dma_start3A_216 : memref<80x128xf32, #tpu.memory_space<vmem>>) target(%dma_start3A_212 : memref<80x128xf32, #tpu.memory_space<hbm>>) target_semaphore(%run_scoped3A_202 : memref<!tpu.dma_semaphore, #tpu.memory_space<semaphore_mem>>)
      %dma_wait3A_217 = arith.constant 0 : i32
      %dma_wait3A_218 = arith.constant 0 : i32
      %dma_wait3A_219 = tpu.memref_slice %arg8[%run_scoped3A_177, %dma_wait3A_217, %dma_wait3A_218] : memref<3x80x128xf32, #tpu.memory_space<vmem>> -> memref<1x80x128xf32, #tpu.memory_space<vmem>>
      %dma_wait3A_220 = tpu.memref_squeeze %dma_wait3A_219 : memref<1x80x128xf32, #tpu.memory_space<vmem>> -> memref<80x128xf32, #tpu.memory_space<vmem>>
      %dma_wait3A_221 = arith.constant 0 : i32
      %dma_wait3A_222 = tpu.memref_slice %arg5[%arg0, %add3A_175, %dma_wait3A_221] : memref<2x10240x128xf32, #tpu.memory_space<hbm>> -> memref<1x80x128xf32, #tpu.memory_space<hbm>>
      %dma_wait3A_223 = tpu.memref_squeeze %dma_wait3A_222 : memref<1x80x128xf32, #tpu.memory_space<hbm>> -> memref<80x128xf32, #tpu.memory_space<hbm>>
      %dma_wait3A_224 = arith.constant 0 : i32
      %dma_wait3A_225 = tpu.memref_slice %arg5[%arg0, %add3A_175, %dma_wait3A_224] : memref<2x10240x128xf32, #tpu.memory_space<hbm>> -> memref<1x80x128xf32, #tpu.memory_space<hbm>>
      %dma_wait3A_226 = tpu.memref_squeeze %dma_wait3A_225 : memref<1x80x128xf32, #tpu.memory_space<hbm>> -> memref<80x128xf32, #tpu.memory_space<hbm>>
      %dma_wait3A_227 = arith.constant 0 : i32
      %dma_wait3A_228 = arith.constant 0 : i32
      %dma_wait3A_229 = tpu.memref_slice %arg8[%run_scoped3A_177, %dma_wait3A_227, %dma_wait3A_228] : memref<3x80x128xf32, #tpu.memory_space<vmem>> -> memref<1x80x128xf32, #tpu.memory_space<vmem>>
      %dma_wait3A_230 = tpu.memref_squeeze %dma_wait3A_229 : memref<1x80x128xf32, #tpu.memory_space<vmem>> -> memref<80x128xf32, #tpu.memory_space<vmem>>
      tpu.wait_dma2 semaphore(%run_scoped3A_202 : memref<!tpu.dma_semaphore, #tpu.memory_space<semaphore_mem>>) src(%dma_wait3A_230 : memref<80x128xf32, #tpu.memory_space<vmem>>) dst(%dma_wait3A_226 : memref<80x128xf32, #tpu.memory_space<hbm>>)
      tpu.yield
    }) : () -> ()
    %mul3A_178 = arith.constant 640 : i32
    %mul3A_179 = arith.muli %arg1, %mul3A_178 : i32
    %add3A_180 = arith.constant 320 : i32
    %add3A_181 = arith.addi %mul3A_179, %add3A_180 : i32
    %run_scoped3A_182 = arith.constant 0 : i32
    "tpu.region"() ({
      %run_scoped3A_202 = tpu.sem_alloc : memref<!tpu.dma_semaphore, #tpu.memory_space<semaphore_mem>>
      %dma_start3A_203 = arith.constant 0 : i32
      %dma_start3A_204 = arith.constant 0 : i32
      %dma_start3A_205 = tpu.memref_slice %arg8[%run_scoped3A_182, %dma_start3A_203, %dma_start3A_204] : memref<3x80x128xf32, #tpu.memory_space<vmem>> -> memref<1x80x128xf32, #tpu.memory_space<vmem>>
      %dma_start3A_206 = tpu.memref_squeeze %dma_start3A_205 : memref<1x80x128xf32, #tpu.memory_space<vmem>> -> memref<80x128xf32, #tpu.memory_space<vmem>>
      %dma_start3A_207 = arith.constant 0 : i32
      %dma_start3A_208 = tpu.memref_slice %arg9[%add3A_181, %dma_start3A_207] : memref<10240x128xf32, #tpu.memory_space<vmem_shared>> -> memref<80x128xf32, #tpu.memory_space<vmem_shared>>
      %dma_start3A_209 = arith.constant 0 : i32
      %dma_start3A_210 = arith.constant 0 : i32
      %dma_start3A_211 = tpu.memref_slice %arg8[%run_scoped3A_182, %dma_start3A_209, %dma_start3A_210] : memref<3x80x128xf32, #tpu.memory_space<vmem>> -> memref<1x80x128xf32, #tpu.memory_space<vmem>>
      %dma_start3A_212 = tpu.memref_squeeze %dma_start3A_211 : memref<1x80x128xf32, #tpu.memory_space<vmem>> -> memref<80x128xf32, #tpu.memory_space<vmem>>
      %dma_start3A_213 = arith.constant 0 : i32
      %dma_start3A_214 = tpu.memref_slice %arg9[%add3A_181, %dma_start3A_213] : memref<10240x128xf32, #tpu.memory_space<vmem_shared>> -> memref<80x128xf32, #tpu.memory_space<vmem_shared>>
      tpu.enqueue_dma source(%dma_start3A_214 : memref<80x128xf32, #tpu.memory_space<vmem_shared>>) target(%dma_start3A_212 : memref<80x128xf32, #tpu.memory_space<vmem>>) target_semaphore(%run_scoped3A_202 : memref<!tpu.dma_semaphore, #tpu.memory_space<semaphore_mem>>)
      %dma_wait3A_215 = arith.constant 0 : i32
      %dma_wait3A_216 = arith.constant 0 : i32
      %dma_wait3A_217 = tpu.memref_slice %arg8[%run_scoped3A_182, %dma_wait3A_215, %dma_wait3A_216] : memref<3x80x128xf32, #tpu.memory_space<vmem>> -> memref<1x80x128xf32, #tpu.memory_space<vmem>>
      %dma_wait3A_218 = tpu.memref_squeeze %dma_wait3A_217 : memref<1x80x128xf32, #tpu.memory_space<vmem>> -> memref<80x128xf32, #tpu.memory_space<vmem>>
      %dma_wait3A_219 = arith.constant 0 : i32
      %dma_wait3A_220 = tpu.memref_slice %arg9[%add3A_181, %dma_wait3A_219] : memref<10240x128xf32, #tpu.memory_space<vmem_shared>> -> memref<80x128xf32, #tpu.memory_space<vmem_shared>>
      %dma_wait3A_221 = arith.constant 0 : i32
      %dma_wait3A_222 = arith.constant 0 : i32
      %dma_wait3A_223 = tpu.memref_slice %arg8[%run_scoped3A_182, %dma_wait3A_221, %dma_wait3A_222] : memref<3x80x128xf32, #tpu.memory_space<vmem>> -> memref<1x80x128xf32, #tpu.memory_space<vmem>>
      %dma_wait3A_224 = tpu.memref_squeeze %dma_wait3A_223 : memref<1x80x128xf32, #tpu.memory_space<vmem>> -> memref<80x128xf32, #tpu.memory_space<vmem>>
      %dma_wait3A_225 = arith.constant 0 : i32
      %dma_wait3A_226 = tpu.memref_slice %arg9[%add3A_181, %dma_wait3A_225] : memref<10240x128xf32, #tpu.memory_space<vmem_shared>> -> memref<80x128xf32, #tpu.memory_space<vmem_shared>>
      tpu.wait_dma2 semaphore(%run_scoped3A_202 : memref<!tpu.dma_semaphore, #tpu.memory_space<semaphore_mem>>) src(%dma_wait3A_226 : memref<80x128xf32, #tpu.memory_space<vmem_shared>>) dst(%dma_wait3A_224 : memref<80x128xf32, #tpu.memory_space<vmem>>)
      tpu.yield
    }) : () -> ()
    %run_scoped3A_183 = arith.constant 0 : i32
    "tpu.region"() ({
      %run_scoped3A_202 = tpu.sem_alloc : memref<!tpu.dma_semaphore, #tpu.memory_space<semaphore_mem>>
      %dma_start3A_203 = arith.constant 0 : i32
      %dma_start3A_204 = arith.constant 0 : i32
      %dma_start3A_205 = tpu.memref_slice %arg8[%run_scoped3A_183, %dma_start3A_203, %dma_start3A_204] : memref<3x80x128xf32, #tpu.memory_space<vmem>> -> memref<1x80x128xf32, #tpu.memory_space<vmem>>
      %dma_start3A_206 = tpu.memref_squeeze %dma_start3A_205 : memref<1x80x128xf32, #tpu.memory_space<vmem>> -> memref<80x128xf32, #tpu.memory_space<vmem>>
      %dma_start3A_207 = arith.constant 0 : i32
      %dma_start3A_208 = tpu.memref_slice %arg5[%arg0, %add3A_181, %dma_start3A_207] : memref<2x10240x128xf32, #tpu.memory_space<hbm>> -> memref<1x80x128xf32, #tpu.memory_space<hbm>>
      %dma_start3A_209 = tpu.memref_squeeze %dma_start3A_208 : memref<1x80x128xf32, #tpu.memory_space<hbm>> -> memref<80x128xf32, #tpu.memory_space<hbm>>
      %dma_start3A_210 = arith.constant 0 : i32
      %dma_start3A_211 = tpu.memref_slice %arg5[%arg0, %add3A_181, %dma_start3A_210] : memref<2x10240x128xf32, #tpu.memory_space<hbm>> -> memref<1x80x128xf32, #tpu.memory_space<hbm>>
      %dma_start3A_212 = tpu.memref_squeeze %dma_start3A_211 : memref<1x80x128xf32, #tpu.memory_space<hbm>> -> memref<80x128xf32, #tpu.memory_space<hbm>>
      %dma_start3A_213 = arith.constant 0 : i32
      %dma_start3A_214 = arith.constant 0 : i32
      %dma_start3A_215 = tpu.memref_slice %arg8[%run_scoped3A_183, %dma_start3A_213, %dma_start3A_214] : memref<3x80x128xf32, #tpu.memory_space<vmem>> -> memref<1x80x128xf32, #tpu.memory_space<vmem>>
      %dma_start3A_216 = tpu.memref_squeeze %dma_start3A_215 : memref<1x80x128xf32, #tpu.memory_space<vmem>> -> memref<80x128xf32, #tpu.memory_space<vmem>>
      tpu.enqueue_dma source(%dma_start3A_216 : memref<80x128xf32, #tpu.memory_space<vmem>>) target(%dma_start3A_212 : memref<80x128xf32, #tpu.memory_space<hbm>>) target_semaphore(%run_scoped3A_202 : memref<!tpu.dma_semaphore, #tpu.memory_space<semaphore_mem>>)
      %dma_wait3A_217 = arith.constant 0 : i32
      %dma_wait3A_218 = arith.constant 0 : i32
      %dma_wait3A_219 = tpu.memref_slice %arg8[%run_scoped3A_183, %dma_wait3A_217, %dma_wait3A_218] : memref<3x80x128xf32, #tpu.memory_space<vmem>> -> memref<1x80x128xf32, #tpu.memory_space<vmem>>
      %dma_wait3A_220 = tpu.memref_squeeze %dma_wait3A_219 : memref<1x80x128xf32, #tpu.memory_space<vmem>> -> memref<80x128xf32, #tpu.memory_space<vmem>>
      %dma_wait3A_221 = arith.constant 0 : i32
      %dma_wait3A_222 = tpu.memref_slice %arg5[%arg0, %add3A_181, %dma_wait3A_221] : memref<2x10240x128xf32, #tpu.memory_space<hbm>> -> memref<1x80x128xf32, #tpu.memory_space<hbm>>
      %dma_wait3A_223 = tpu.memref_squeeze %dma_wait3A_222 : memref<1x80x128xf32, #tpu.memory_space<hbm>> -> memref<80x128xf32, #tpu.memory_space<hbm>>
      %dma_wait3A_224 = arith.constant 0 : i32
      %dma_wait3A_225 = tpu.memref_slice %arg5[%arg0, %add3A_181, %dma_wait3A_224] : memref<2x10240x128xf32, #tpu.memory_space<hbm>> -> memref<1x80x128xf32, #tpu.memory_space<hbm>>
      %dma_wait3A_226 = tpu.memref_squeeze %dma_wait3A_225 : memref<1x80x128xf32, #tpu.memory_space<hbm>> -> memref<80x128xf32, #tpu.memory_space<hbm>>
      %dma_wait3A_227 = arith.constant 0 : i32
      %dma_wait3A_228 = arith.constant 0 : i32
      %dma_wait3A_229 = tpu.memref_slice %arg8[%run_scoped3A_183, %dma_wait3A_227, %dma_wait3A_228] : memref<3x80x128xf32, #tpu.memory_space<vmem>> -> memref<1x80x128xf32, #tpu.memory_space<vmem>>
      %dma_wait3A_230 = tpu.memref_squeeze %dma_wait3A_229 : memref<1x80x128xf32, #tpu.memory_space<vmem>> -> memref<80x128xf32, #tpu.memory_space<vmem>>
      tpu.wait_dma2 semaphore(%run_scoped3A_202 : memref<!tpu.dma_semaphore, #tpu.memory_space<semaphore_mem>>) src(%dma_wait3A_230 : memref<80x128xf32, #tpu.memory_space<vmem>>) dst(%dma_wait3A_226 : memref<80x128xf32, #tpu.memory_space<hbm>>)
      tpu.yield
    }) : () -> ()
    %mul3A_184 = arith.constant 640 : i32
    %mul3A_185 = arith.muli %arg1, %mul3A_184 : i32
    %add3A_186 = arith.constant 400 : i32
    %add3A_187 = arith.addi %mul3A_185, %add3A_186 : i32
    %run_scoped3A_188 = arith.constant 0 : i32
    "tpu.region"() ({
      %run_scoped3A_202 = tpu.sem_alloc : memref<!tpu.dma_semaphore, #tpu.memory_space<semaphore_mem>>
      %dma_start3A_203 = arith.constant 0 : i32
      %dma_start3A_204 = arith.constant 0 : i32
      %dma_start3A_205 = tpu.memref_slice %arg8[%run_scoped3A_188, %dma_start3A_203, %dma_start3A_204] : memref<3x80x128xf32, #tpu.memory_space<vmem>> -> memref<1x80x128xf32, #tpu.memory_space<vmem>>
      %dma_start3A_206 = tpu.memref_squeeze %dma_start3A_205 : memref<1x80x128xf32, #tpu.memory_space<vmem>> -> memref<80x128xf32, #tpu.memory_space<vmem>>
      %dma_start3A_207 = arith.constant 0 : i32
      %dma_start3A_208 = tpu.memref_slice %arg9[%add3A_187, %dma_start3A_207] : memref<10240x128xf32, #tpu.memory_space<vmem_shared>> -> memref<80x128xf32, #tpu.memory_space<vmem_shared>>
      %dma_start3A_209 = arith.constant 0 : i32
      %dma_start3A_210 = arith.constant 0 : i32
      %dma_start3A_211 = tpu.memref_slice %arg8[%run_scoped3A_188, %dma_start3A_209, %dma_start3A_210] : memref<3x80x128xf32, #tpu.memory_space<vmem>> -> memref<1x80x128xf32, #tpu.memory_space<vmem>>
      %dma_start3A_212 = tpu.memref_squeeze %dma_start3A_211 : memref<1x80x128xf32, #tpu.memory_space<vmem>> -> memref<80x128xf32, #tpu.memory_space<vmem>>
      %dma_start3A_213 = arith.constant 0 : i32
      %dma_start3A_214 = tpu.memref_slice %arg9[%add3A_187, %dma_start3A_213] : memref<10240x128xf32, #tpu.memory_space<vmem_shared>> -> memref<80x128xf32, #tpu.memory_space<vmem_shared>>
      tpu.enqueue_dma source(%dma_start3A_214 : memref<80x128xf32, #tpu.memory_space<vmem_shared>>) target(%dma_start3A_212 : memref<80x128xf32, #tpu.memory_space<vmem>>) target_semaphore(%run_scoped3A_202 : memref<!tpu.dma_semaphore, #tpu.memory_space<semaphore_mem>>)
      %dma_wait3A_215 = arith.constant 0 : i32
      %dma_wait3A_216 = arith.constant 0 : i32
      %dma_wait3A_217 = tpu.memref_slice %arg8[%run_scoped3A_188, %dma_wait3A_215, %dma_wait3A_216] : memref<3x80x128xf32, #tpu.memory_space<vmem>> -> memref<1x80x128xf32, #tpu.memory_space<vmem>>
      %dma_wait3A_218 = tpu.memref_squeeze %dma_wait3A_217 : memref<1x80x128xf32, #tpu.memory_space<vmem>> -> memref<80x128xf32, #tpu.memory_space<vmem>>
      %dma_wait3A_219 = arith.constant 0 : i32
      %dma_wait3A_220 = tpu.memref_slice %arg9[%add3A_187, %dma_wait3A_219] : memref<10240x128xf32, #tpu.memory_space<vmem_shared>> -> memref<80x128xf32, #tpu.memory_space<vmem_shared>>
      %dma_wait3A_221 = arith.constant 0 : i32
      %dma_wait3A_222 = arith.constant 0 : i32
      %dma_wait3A_223 = tpu.memref_slice %arg8[%run_scoped3A_188, %dma_wait3A_221, %dma_wait3A_222] : memref<3x80x128xf32, #tpu.memory_space<vmem>> -> memref<1x80x128xf32, #tpu.memory_space<vmem>>
      %dma_wait3A_224 = tpu.memref_squeeze %dma_wait3A_223 : memref<1x80x128xf32, #tpu.memory_space<vmem>> -> memref<80x128xf32, #tpu.memory_space<vmem>>
      %dma_wait3A_225 = arith.constant 0 : i32
      %dma_wait3A_226 = tpu.memref_slice %arg9[%add3A_187, %dma_wait3A_225] : memref<10240x128xf32, #tpu.memory_space<vmem_shared>> -> memref<80x128xf32, #tpu.memory_space<vmem_shared>>
      tpu.wait_dma2 semaphore(%run_scoped3A_202 : memref<!tpu.dma_semaphore, #tpu.memory_space<semaphore_mem>>) src(%dma_wait3A_226 : memref<80x128xf32, #tpu.memory_space<vmem_shared>>) dst(%dma_wait3A_224 : memref<80x128xf32, #tpu.memory_space<vmem>>)
      tpu.yield
    }) : () -> ()
    %run_scoped3A_189 = arith.constant 0 : i32
    "tpu.region"() ({
      %run_scoped3A_202 = tpu.sem_alloc : memref<!tpu.dma_semaphore, #tpu.memory_space<semaphore_mem>>
      %dma_start3A_203 = arith.constant 0 : i32
      %dma_start3A_204 = arith.constant 0 : i32
      %dma_start3A_205 = tpu.memref_slice %arg8[%run_scoped3A_189, %dma_start3A_203, %dma_start3A_204] : memref<3x80x128xf32, #tpu.memory_space<vmem>> -> memref<1x80x128xf32, #tpu.memory_space<vmem>>
      %dma_start3A_206 = tpu.memref_squeeze %dma_start3A_205 : memref<1x80x128xf32, #tpu.memory_space<vmem>> -> memref<80x128xf32, #tpu.memory_space<vmem>>
      %dma_start3A_207 = arith.constant 0 : i32
      %dma_start3A_208 = tpu.memref_slice %arg5[%arg0, %add3A_187, %dma_start3A_207] : memref<2x10240x128xf32, #tpu.memory_space<hbm>> -> memref<1x80x128xf32, #tpu.memory_space<hbm>>
      %dma_start3A_209 = tpu.memref_squeeze %dma_start3A_208 : memref<1x80x128xf32, #tpu.memory_space<hbm>> -> memref<80x128xf32, #tpu.memory_space<hbm>>
      %dma_start3A_210 = arith.constant 0 : i32
      %dma_start3A_211 = tpu.memref_slice %arg5[%arg0, %add3A_187, %dma_start3A_210] : memref<2x10240x128xf32, #tpu.memory_space<hbm>> -> memref<1x80x128xf32, #tpu.memory_space<hbm>>
      %dma_start3A_212 = tpu.memref_squeeze %dma_start3A_211 : memref<1x80x128xf32, #tpu.memory_space<hbm>> -> memref<80x128xf32, #tpu.memory_space<hbm>>
      %dma_start3A_213 = arith.constant 0 : i32
      %dma_start3A_214 = arith.constant 0 : i32
      %dma_start3A_215 = tpu.memref_slice %arg8[%run_scoped3A_189, %dma_start3A_213, %dma_start3A_214] : memref<3x80x128xf32, #tpu.memory_space<vmem>> -> memref<1x80x128xf32, #tpu.memory_space<vmem>>
      %dma_start3A_216 = tpu.memref_squeeze %dma_start3A_215 : memref<1x80x128xf32, #tpu.memory_space<vmem>> -> memref<80x128xf32, #tpu.memory_space<vmem>>
      tpu.enqueue_dma source(%dma_start3A_216 : memref<80x128xf32, #tpu.memory_space<vmem>>) target(%dma_start3A_212 : memref<80x128xf32, #tpu.memory_space<hbm>>) target_semaphore(%run_scoped3A_202 : memref<!tpu.dma_semaphore, #tpu.memory_space<semaphore_mem>>)
      %dma_wait3A_217 = arith.constant 0 : i32
      %dma_wait3A_218 = arith.constant 0 : i32
      %dma_wait3A_219 = tpu.memref_slice %arg8[%run_scoped3A_189, %dma_wait3A_217, %dma_wait3A_218] : memref<3x80x128xf32, #tpu.memory_space<vmem>> -> memref<1x80x128xf32, #tpu.memory_space<vmem>>
      %dma_wait3A_220 = tpu.memref_squeeze %dma_wait3A_219 : memref<1x80x128xf32, #tpu.memory_space<vmem>> -> memref<80x128xf32, #tpu.memory_space<vmem>>
      %dma_wait3A_221 = arith.constant 0 : i32
      %dma_wait3A_222 = tpu.memref_slice %arg5[%arg0, %add3A_187, %dma_wait3A_221] : memref<2x10240x128xf32, #tpu.memory_space<hbm>> -> memref<1x80x128xf32, #tpu.memory_space<hbm>>
      %dma_wait3A_223 = tpu.memref_squeeze %dma_wait3A_222 : memref<1x80x128xf32, #tpu.memory_space<hbm>> -> memref<80x128xf32, #tpu.memory_space<hbm>>
      %dma_wait3A_224 = arith.constant 0 : i32
      %dma_wait3A_225 = tpu.memref_slice %arg5[%arg0, %add3A_187, %dma_wait3A_224] : memref<2x10240x128xf32, #tpu.memory_space<hbm>> -> memref<1x80x128xf32, #tpu.memory_space<hbm>>
      %dma_wait3A_226 = tpu.memref_squeeze %dma_wait3A_225 : memref<1x80x128xf32, #tpu.memory_space<hbm>> -> memref<80x128xf32, #tpu.memory_space<hbm>>
      %dma_wait3A_227 = arith.constant 0 : i32
      %dma_wait3A_228 = arith.constant 0 : i32
      %dma_wait3A_229 = tpu.memref_slice %arg8[%run_scoped3A_189, %dma_wait3A_227, %dma_wait3A_228] : memref<3x80x128xf32, #tpu.memory_space<vmem>> -> memref<1x80x128xf32, #tpu.memory_space<vmem>>
      %dma_wait3A_230 = tpu.memref_squeeze %dma_wait3A_229 : memref<1x80x128xf32, #tpu.memory_space<vmem>> -> memref<80x128xf32, #tpu.memory_space<vmem>>
      tpu.wait_dma2 semaphore(%run_scoped3A_202 : memref<!tpu.dma_semaphore, #tpu.memory_space<semaphore_mem>>) src(%dma_wait3A_230 : memref<80x128xf32, #tpu.memory_space<vmem>>) dst(%dma_wait3A_226 : memref<80x128xf32, #tpu.memory_space<hbm>>)
      tpu.yield
    }) : () -> ()
    %mul3A_190 = arith.constant 640 : i32
    %mul3A_191 = arith.muli %arg1, %mul3A_190 : i32
    %add3A_192 = arith.constant 480 : i32
    %add3A_193 = arith.addi %mul3A_191, %add3A_192 : i32
    %run_scoped3A_194 = arith.constant 0 : i32
    "tpu.region"() ({
      %run_scoped3A_202 = tpu.sem_alloc : memref<!tpu.dma_semaphore, #tpu.memory_space<semaphore_mem>>
      %dma_start3A_203 = arith.constant 0 : i32
      %dma_start3A_204 = arith.constant 0 : i32
      %dma_start3A_205 = tpu.memref_slice %arg8[%run_scoped3A_194, %dma_start3A_203, %dma_start3A_204] : memref<3x80x128xf32, #tpu.memory_space<vmem>> -> memref<1x80x128xf32, #tpu.memory_space<vmem>>
      %dma_start3A_206 = tpu.memref_squeeze %dma_start3A_205 : memref<1x80x128xf32, #tpu.memory_space<vmem>> -> memref<80x128xf32, #tpu.memory_space<vmem>>
      %dma_start3A_207 = arith.constant 0 : i32
      %dma_start3A_208 = tpu.memref_slice %arg9[%add3A_193, %dma_start3A_207] : memref<10240x128xf32, #tpu.memory_space<vmem_shared>> -> memref<80x128xf32, #tpu.memory_space<vmem_shared>>
      %dma_start3A_209 = arith.constant 0 : i32
      %dma_start3A_210 = arith.constant 0 : i32
      %dma_start3A_211 = tpu.memref_slice %arg8[%run_scoped3A_194, %dma_start3A_209, %dma_start3A_210] : memref<3x80x128xf32, #tpu.memory_space<vmem>> -> memref<1x80x128xf32, #tpu.memory_space<vmem>>
      %dma_start3A_212 = tpu.memref_squeeze %dma_start3A_211 : memref<1x80x128xf32, #tpu.memory_space<vmem>> -> memref<80x128xf32, #tpu.memory_space<vmem>>
      %dma_start3A_213 = arith.constant 0 : i32
      %dma_start3A_214 = tpu.memref_slice %arg9[%add3A_193, %dma_start3A_213] : memref<10240x128xf32, #tpu.memory_space<vmem_shared>> -> memref<80x128xf32, #tpu.memory_space<vmem_shared>>
      tpu.enqueue_dma source(%dma_start3A_214 : memref<80x128xf32, #tpu.memory_space<vmem_shared>>) target(%dma_start3A_212 : memref<80x128xf32, #tpu.memory_space<vmem>>) target_semaphore(%run_scoped3A_202 : memref<!tpu.dma_semaphore, #tpu.memory_space<semaphore_mem>>)
      %dma_wait3A_215 = arith.constant 0 : i32
      %dma_wait3A_216 = arith.constant 0 : i32
      %dma_wait3A_217 = tpu.memref_slice %arg8[%run_scoped3A_194, %dma_wait3A_215, %dma_wait3A_216] : memref<3x80x128xf32, #tpu.memory_space<vmem>> -> memref<1x80x128xf32, #tpu.memory_space<vmem>>
      %dma_wait3A_218 = tpu.memref_squeeze %dma_wait3A_217 : memref<1x80x128xf32, #tpu.memory_space<vmem>> -> memref<80x128xf32, #tpu.memory_space<vmem>>
      %dma_wait3A_219 = arith.constant 0 : i32
      %dma_wait3A_220 = tpu.memref_slice %arg9[%add3A_193, %dma_wait3A_219] : memref<10240x128xf32, #tpu.memory_space<vmem_shared>> -> memref<80x128xf32, #tpu.memory_space<vmem_shared>>
      %dma_wait3A_221 = arith.constant 0 : i32
      %dma_wait3A_222 = arith.constant 0 : i32
      %dma_wait3A_223 = tpu.memref_slice %arg8[%run_scoped3A_194, %dma_wait3A_221, %dma_wait3A_222] : memref<3x80x128xf32, #tpu.memory_space<vmem>> -> memref<1x80x128xf32, #tpu.memory_space<vmem>>
      %dma_wait3A_224 = tpu.memref_squeeze %dma_wait3A_223 : memref<1x80x128xf32, #tpu.memory_space<vmem>> -> memref<80x128xf32, #tpu.memory_space<vmem>>
      %dma_wait3A_225 = arith.constant 0 : i32
      %dma_wait3A_226 = tpu.memref_slice %arg9[%add3A_193, %dma_wait3A_225] : memref<10240x128xf32, #tpu.memory_space<vmem_shared>> -> memref<80x128xf32, #tpu.memory_space<vmem_shared>>
      tpu.wait_dma2 semaphore(%run_scoped3A_202 : memref<!tpu.dma_semaphore, #tpu.memory_space<semaphore_mem>>) src(%dma_wait3A_226 : memref<80x128xf32, #tpu.memory_space<vmem_shared>>) dst(%dma_wait3A_224 : memref<80x128xf32, #tpu.memory_space<vmem>>)
      tpu.yield
    }) : () -> ()
    %run_scoped3A_195 = arith.constant 0 : i32
    "tpu.region"() ({
      %run_scoped3A_202 = tpu.sem_alloc : memref<!tpu.dma_semaphore, #tpu.memory_space<semaphore_mem>>
      %dma_start3A_203 = arith.constant 0 : i32
      %dma_start3A_204 = arith.constant 0 : i32
      %dma_start3A_205 = tpu.memref_slice %arg8[%run_scoped3A_195, %dma_start3A_203, %dma_start3A_204] : memref<3x80x128xf32, #tpu.memory_space<vmem>> -> memref<1x80x128xf32, #tpu.memory_space<vmem>>
      %dma_start3A_206 = tpu.memref_squeeze %dma_start3A_205 : memref<1x80x128xf32, #tpu.memory_space<vmem>> -> memref<80x128xf32, #tpu.memory_space<vmem>>
      %dma_start3A_207 = arith.constant 0 : i32
      %dma_start3A_208 = tpu.memref_slice %arg5[%arg0, %add3A_193, %dma_start3A_207] : memref<2x10240x128xf32, #tpu.memory_space<hbm>> -> memref<1x80x128xf32, #tpu.memory_space<hbm>>
      %dma_start3A_209 = tpu.memref_squeeze %dma_start3A_208 : memref<1x80x128xf32, #tpu.memory_space<hbm>> -> memref<80x128xf32, #tpu.memory_space<hbm>>
      %dma_start3A_210 = arith.constant 0 : i32
      %dma_start3A_211 = tpu.memref_slice %arg5[%arg0, %add3A_193, %dma_start3A_210] : memref<2x10240x128xf32, #tpu.memory_space<hbm>> -> memref<1x80x128xf32, #tpu.memory_space<hbm>>
      %dma_start3A_212 = tpu.memref_squeeze %dma_start3A_211 : memref<1x80x128xf32, #tpu.memory_space<hbm>> -> memref<80x128xf32, #tpu.memory_space<hbm>>
      %dma_start3A_213 = arith.constant 0 : i32
      %dma_start3A_214 = arith.constant 0 : i32
      %dma_start3A_215 = tpu.memref_slice %arg8[%run_scoped3A_195, %dma_start3A_213, %dma_start3A_214] : memref<3x80x128xf32, #tpu.memory_space<vmem>> -> memref<1x80x128xf32, #tpu.memory_space<vmem>>
      %dma_start3A_216 = tpu.memref_squeeze %dma_start3A_215 : memref<1x80x128xf32, #tpu.memory_space<vmem>> -> memref<80x128xf32, #tpu.memory_space<vmem>>
      tpu.enqueue_dma source(%dma_start3A_216 : memref<80x128xf32, #tpu.memory_space<vmem>>) target(%dma_start3A_212 : memref<80x128xf32, #tpu.memory_space<hbm>>) target_semaphore(%run_scoped3A_202 : memref<!tpu.dma_semaphore, #tpu.memory_space<semaphore_mem>>)
      %dma_wait3A_217 = arith.constant 0 : i32
      %dma_wait3A_218 = arith.constant 0 : i32
      %dma_wait3A_219 = tpu.memref_slice %arg8[%run_scoped3A_195, %dma_wait3A_217, %dma_wait3A_218] : memref<3x80x128xf32, #tpu.memory_space<vmem>> -> memref<1x80x128xf32, #tpu.memory_space<vmem>>
      %dma_wait3A_220 = tpu.memref_squeeze %dma_wait3A_219 : memref<1x80x128xf32, #tpu.memory_space<vmem>> -> memref<80x128xf32, #tpu.memory_space<vmem>>
      %dma_wait3A_221 = arith.constant 0 : i32
      %dma_wait3A_222 = tpu.memref_slice %arg5[%arg0, %add3A_193, %dma_wait3A_221] : memref<2x10240x128xf32, #tpu.memory_space<hbm>> -> memref<1x80x128xf32, #tpu.memory_space<hbm>>
      %dma_wait3A_223 = tpu.memref_squeeze %dma_wait3A_222 : memref<1x80x128xf32, #tpu.memory_space<hbm>> -> memref<80x128xf32, #tpu.memory_space<hbm>>
      %dma_wait3A_224 = arith.constant 0 : i32
      %dma_wait3A_225 = tpu.memref_slice %arg5[%arg0, %add3A_193, %dma_wait3A_224] : memref<2x10240x128xf32, #tpu.memory_space<hbm>> -> memref<1x80x128xf32, #tpu.memory_space<hbm>>
      %dma_wait3A_226 = tpu.memref_squeeze %dma_wait3A_225 : memref<1x80x128xf32, #tpu.memory_space<hbm>> -> memref<80x128xf32, #tpu.memory_space<hbm>>
      %dma_wait3A_227 = arith.constant 0 : i32
      %dma_wait3A_228 = arith.constant 0 : i32
      %dma_wait3A_229 = tpu.memref_slice %arg8[%run_scoped3A_195, %dma_wait3A_227, %dma_wait3A_228] : memref<3x80x128xf32, #tpu.memory_space<vmem>> -> memref<1x80x128xf32, #tpu.memory_space<vmem>>
      %dma_wait3A_230 = tpu.memref_squeeze %dma_wait3A_229 : memref<1x80x128xf32, #tpu.memory_space<vmem>> -> memref<80x128xf32, #tpu.memory_space<vmem>>
      tpu.wait_dma2 semaphore(%run_scoped3A_202 : memref<!tpu.dma_semaphore, #tpu.memory_space<semaphore_mem>>) src(%dma_wait3A_230 : memref<80x128xf32, #tpu.memory_space<vmem>>) dst(%dma_wait3A_226 : memref<80x128xf32, #tpu.memory_space<hbm>>)
      tpu.yield
    }) : () -> ()
    %mul3A_196 = arith.constant 640 : i32
    %mul3A_197 = arith.muli %arg1, %mul3A_196 : i32
    %add3A_198 = arith.constant 560 : i32
    %add3A_199 = arith.addi %mul3A_197, %add3A_198 : i32
    %run_scoped3A_200 = arith.constant 0 : i32
    "tpu.region"() ({
      %run_scoped3A_202 = tpu.sem_alloc : memref<!tpu.dma_semaphore, #tpu.memory_space<semaphore_mem>>
      %dma_start3A_203 = arith.constant 0 : i32
      %dma_start3A_204 = arith.constant 0 : i32
      %dma_start3A_205 = tpu.memref_slice %arg8[%run_scoped3A_200, %dma_start3A_203, %dma_start3A_204] : memref<3x80x128xf32, #tpu.memory_space<vmem>> -> memref<1x80x128xf32, #tpu.memory_space<vmem>>
      %dma_start3A_206 = tpu.memref_squeeze %dma_start3A_205 : memref<1x80x128xf32, #tpu.memory_space<vmem>> -> memref<80x128xf32, #tpu.memory_space<vmem>>
      %dma_start3A_207 = arith.constant 0 : i32
      %dma_start3A_208 = tpu.memref_slice %arg9[%add3A_199, %dma_start3A_207] : memref<10240x128xf32, #tpu.memory_space<vmem_shared>> -> memref<80x128xf32, #tpu.memory_space<vmem_shared>>
      %dma_start3A_209 = arith.constant 0 : i32
      %dma_start3A_210 = arith.constant 0 : i32
      %dma_start3A_211 = tpu.memref_slice %arg8[%run_scoped3A_200, %dma_start3A_209, %dma_start3A_210] : memref<3x80x128xf32, #tpu.memory_space<vmem>> -> memref<1x80x128xf32, #tpu.memory_space<vmem>>
      %dma_start3A_212 = tpu.memref_squeeze %dma_start3A_211 : memref<1x80x128xf32, #tpu.memory_space<vmem>> -> memref<80x128xf32, #tpu.memory_space<vmem>>
      %dma_start3A_213 = arith.constant 0 : i32
      %dma_start3A_214 = tpu.memref_slice %arg9[%add3A_199, %dma_start3A_213] : memref<10240x128xf32, #tpu.memory_space<vmem_shared>> -> memref<80x128xf32, #tpu.memory_space<vmem_shared>>
      tpu.enqueue_dma source(%dma_start3A_214 : memref<80x128xf32, #tpu.memory_space<vmem_shared>>) target(%dma_start3A_212 : memref<80x128xf32, #tpu.memory_space<vmem>>) target_semaphore(%run_scoped3A_202 : memref<!tpu.dma_semaphore, #tpu.memory_space<semaphore_mem>>)
      %dma_wait3A_215 = arith.constant 0 : i32
      %dma_wait3A_216 = arith.constant 0 : i32
      %dma_wait3A_217 = tpu.memref_slice %arg8[%run_scoped3A_200, %dma_wait3A_215, %dma_wait3A_216] : memref<3x80x128xf32, #tpu.memory_space<vmem>> -> memref<1x80x128xf32, #tpu.memory_space<vmem>>
      %dma_wait3A_218 = tpu.memref_squeeze %dma_wait3A_217 : memref<1x80x128xf32, #tpu.memory_space<vmem>> -> memref<80x128xf32, #tpu.memory_space<vmem>>
      %dma_wait3A_219 = arith.constant 0 : i32
      %dma_wait3A_220 = tpu.memref_slice %arg9[%add3A_199, %dma_wait3A_219] : memref<10240x128xf32, #tpu.memory_space<vmem_shared>> -> memref<80x128xf32, #tpu.memory_space<vmem_shared>>
      %dma_wait3A_221 = arith.constant 0 : i32
      %dma_wait3A_222 = arith.constant 0 : i32
      %dma_wait3A_223 = tpu.memref_slice %arg8[%run_scoped3A_200, %dma_wait3A_221, %dma_wait3A_222] : memref<3x80x128xf32, #tpu.memory_space<vmem>> -> memref<1x80x128xf32, #tpu.memory_space<vmem>>
      %dma_wait3A_224 = tpu.memref_squeeze %dma_wait3A_223 : memref<1x80x128xf32, #tpu.memory_space<vmem>> -> memref<80x128xf32, #tpu.memory_space<vmem>>
      %dma_wait3A_225 = arith.constant 0 : i32
      %dma_wait3A_226 = tpu.memref_slice %arg9[%add3A_199, %dma_wait3A_225] : memref<10240x128xf32, #tpu.memory_space<vmem_shared>> -> memref<80x128xf32, #tpu.memory_space<vmem_shared>>
      tpu.wait_dma2 semaphore(%run_scoped3A_202 : memref<!tpu.dma_semaphore, #tpu.memory_space<semaphore_mem>>) src(%dma_wait3A_226 : memref<80x128xf32, #tpu.memory_space<vmem_shared>>) dst(%dma_wait3A_224 : memref<80x128xf32, #tpu.memory_space<vmem>>)
      tpu.yield
    }) : () -> ()
    %run_scoped3A_201 = arith.constant 0 : i32
    "tpu.region"() ({
      %run_scoped3A_202 = tpu.sem_alloc : memref<!tpu.dma_semaphore, #tpu.memory_space<semaphore_mem>>
      %dma_start3A_203 = arith.constant 0 : i32
      %dma_start3A_204 = arith.constant 0 : i32
      %dma_start3A_205 = tpu.memref_slice %arg8[%run_scoped3A_201, %dma_start3A_203, %dma_start3A_204] : memref<3x80x128xf32, #tpu.memory_space<vmem>> -> memref<1x80x128xf32, #tpu.memory_space<vmem>>
      %dma_start3A_206 = tpu.memref_squeeze %dma_start3A_205 : memref<1x80x128xf32, #tpu.memory_space<vmem>> -> memref<80x128xf32, #tpu.memory_space<vmem>>
      %dma_start3A_207 = arith.constant 0 : i32
      %dma_start3A_208 = tpu.memref_slice %arg5[%arg0, %add3A_199, %dma_start3A_207] : memref<2x10240x128xf32, #tpu.memory_space<hbm>> -> memref<1x80x128xf32, #tpu.memory_space<hbm>>
      %dma_start3A_209 = tpu.memref_squeeze %dma_start3A_208 : memref<1x80x128xf32, #tpu.memory_space<hbm>> -> memref<80x128xf32, #tpu.memory_space<hbm>>
      %dma_start3A_210 = arith.constant 0 : i32
      %dma_start3A_211 = tpu.memref_slice %arg5[%arg0, %add3A_199, %dma_start3A_210] : memref<2x10240x128xf32, #tpu.memory_space<hbm>> -> memref<1x80x128xf32, #tpu.memory_space<hbm>>
      %dma_start3A_212 = tpu.memref_squeeze %dma_start3A_211 : memref<1x80x128xf32, #tpu.memory_space<hbm>> -> memref<80x128xf32, #tpu.memory_space<hbm>>
      %dma_start3A_213 = arith.constant 0 : i32
      %dma_start3A_214 = arith.constant 0 : i32
      %dma_start3A_215 = tpu.memref_slice %arg8[%run_scoped3A_201, %dma_start3A_213, %dma_start3A_214] : memref<3x80x128xf32, #tpu.memory_space<vmem>> -> memref<1x80x128xf32, #tpu.memory_space<vmem>>
      %dma_start3A_216 = tpu.memref_squeeze %dma_start3A_215 : memref<1x80x128xf32, #tpu.memory_space<vmem>> -> memref<80x128xf32, #tpu.memory_space<vmem>>
      tpu.enqueue_dma source(%dma_start3A_216 : memref<80x128xf32, #tpu.memory_space<vmem>>) target(%dma_start3A_212 : memref<80x128xf32, #tpu.memory_space<hbm>>) target_semaphore(%run_scoped3A_202 : memref<!tpu.dma_semaphore, #tpu.memory_space<semaphore_mem>>)
      %dma_wait3A_217 = arith.constant 0 : i32
      %dma_wait3A_218 = arith.constant 0 : i32
      %dma_wait3A_219 = tpu.memref_slice %arg8[%run_scoped3A_201, %dma_wait3A_217, %dma_wait3A_218] : memref<3x80x128xf32, #tpu.memory_space<vmem>> -> memref<1x80x128xf32, #tpu.memory_space<vmem>>
      %dma_wait3A_220 = tpu.memref_squeeze %dma_wait3A_219 : memref<1x80x128xf32, #tpu.memory_space<vmem>> -> memref<80x128xf32, #tpu.memory_space<vmem>>
      %dma_wait3A_221 = arith.constant 0 : i32
      %dma_wait3A_222 = tpu.memref_slice %arg5[%arg0, %add3A_199, %dma_wait3A_221] : memref<2x10240x128xf32, #tpu.memory_space<hbm>> -> memref<1x80x128xf32, #tpu.memory_space<hbm>>
      %dma_wait3A_223 = tpu.memref_squeeze %dma_wait3A_222 : memref<1x80x128xf32, #tpu.memory_space<hbm>> -> memref<80x128xf32, #tpu.memory_space<hbm>>
      %dma_wait3A_224 = arith.constant 0 : i32
      %dma_wait3A_225 = tpu.memref_slice %arg5[%arg0, %add3A_199, %dma_wait3A_224] : memref<2x10240x128xf32, #tpu.memory_space<hbm>> -> memref<1x80x128xf32, #tpu.memory_space<hbm>>
      %dma_wait3A_226 = tpu.memref_squeeze %dma_wait3A_225 : memref<1x80x128xf32, #tpu.memory_space<hbm>> -> memref<80x128xf32, #tpu.memory_space<hbm>>
      %dma_wait3A_227 = arith.constant 0 : i32
      %dma_wait3A_228 = arith.constant 0 : i32
      %dma_wait3A_229 = tpu.memref_slice %arg8[%run_scoped3A_201, %dma_wait3A_227, %dma_wait3A_228] : memref<3x80x128xf32, #tpu.memory_space<vmem>> -> memref<1x80x128xf32, #tpu.memory_space<vmem>>
      %dma_wait3A_230 = tpu.memref_squeeze %dma_wait3A_229 : memref<1x80x128xf32, #tpu.memory_space<vmem>> -> memref<80x128xf32, #tpu.memory_space<vmem>>
      tpu.wait_dma2 semaphore(%run_scoped3A_202 : memref<!tpu.dma_semaphore, #tpu.memory_space<semaphore_mem>>) src(%dma_wait3A_230 : memref<80x128xf32, #tpu.memory_space<vmem>>) dst(%dma_wait3A_226 : memref<80x128xf32, #tpu.memory_space<hbm>>)
      tpu.yield
    }) : () -> ()
    return
  }
}

module attributes {stable_mosaic.version = 14 : i64} {
  func.func @_tcb_body(%arg0: i32, %arg1: memref<2x640x128xf32, #tpu.memory_space<vmem>>, %arg2: memref<640x128xf32, #tpu.memory_space<vmem>>, %arg3: memref<2x640xf32, #tpu.memory_space<vmem>>, %arg4: memref<1x128xf32, #tpu.memory_space<vmem>>, %arg5: memref<128x128xf32, #tpu.memory_space<vmem>>, %arg6: memref<640x128xf32, #tpu.memory_space<vmem>>) attributes {dimension_semantics = [#tpu.dimension_semantics<arbitrary>], iteration_bounds = array<i64: 16>, scalar_prefetch = 0 : i64, scratch_operands = 0 : i64, tpu.core_type = #tpu.core_type<tc>, window_params = [{transform_indices = @transform_0, window_bounds = array<i64: 2, 640, 128>}, {transform_indices = @transform_1, window_bounds = array<i64: 640, 128>}, {transform_indices = @transform_2, window_bounds = array<i64: 2, 640>}, {pipeline_mode = #tpu.pipeline_mode<synchronous>, transform_indices = @transform_3, window_bounds = array<i64: 1, 128>}, {pipeline_mode = #tpu.pipeline_mode<synchronous>, transform_indices = @transform_4, window_bounds = array<i64: 128, 128>}, {transform_indices = @transform_5, window_bounds = array<i64: 640, 128>}]} {
    %get3A = arith.constant 0 : index
    %get3A_0 = arith.constant 0 : index
    %get3A_1 = vector.load %arg3[%get3A, %get3A_0] : memref<2x640xf32, #tpu.memory_space<vmem>>, vector<2x640xf32>
    %slice3A = vector.extract_strided_slice %get3A_1 {offsets = [0, 0], sizes = [1, 640], strides = [1, 1]} : vector<2x640xf32> to vector<1x640xf32>
    %squeeze3A = vector.shape_cast %slice3A : vector<1x640xf32> to vector<640xf32>
    %slice3A_2 = vector.extract_strided_slice %get3A_1 {offsets = [1, 0], sizes = [1, 640], strides = [1, 1]} : vector<2x640xf32> to vector<1x640xf32>
    %squeeze3A_3 = vector.shape_cast %slice3A_2 : vector<1x640xf32> to vector<640xf32>
    %add3A = arith.addf %squeeze3A, %squeeze3A_3 : vector<640xf32>
    %add3A_4 = arith.constant 1.000000e+00 : f32
    %add3A_5 = vector.broadcast %add3A_4 : f32 to vector<640xf32>
    %add3A_6 = arith.addf %add3A, %add3A_5 : vector<640xf32>
    %rsqrt3A = math.rsqrt %add3A_6 : vector<640xf32>
    %broadcast_in_dim3A = vector.shape_cast %rsqrt3A : vector<640xf32> to vector<640x1xf32>
    %get3A_7 = arith.constant 0 : index
    %get3A_8 = arith.constant 0 : index
    %get3A_9 = arith.constant 0 : index
    %get3A_10 = vector.load %arg1[%get3A_7, %get3A_8, %get3A_9] : memref<2x640x128xf32, #tpu.memory_space<vmem>>, vector<1x640x128xf32>
    %get3A_11 = vector.shape_cast %get3A_10 : vector<1x640x128xf32> to vector<640x128xf32>
    %get3A_12 = arith.constant 1 : index
    %get3A_13 = arith.constant 0 : index
    %get3A_14 = arith.constant 0 : index
    %get3A_15 = vector.load %arg1[%get3A_12, %get3A_13, %get3A_14] : memref<2x640x128xf32, #tpu.memory_space<vmem>>, vector<1x640x128xf32>
    %get3A_16 = vector.shape_cast %get3A_15 : vector<1x640x128xf32> to vector<640x128xf32>
    %add3A_17 = arith.addf %get3A_11, %get3A_16 : vector<640x128xf32>
    %get3A_18 = arith.constant 0 : index
    %get3A_19 = arith.constant 0 : index
    %get3A_20 = vector.load %arg2[%get3A_18, %get3A_19] : memref<640x128xf32, #tpu.memory_space<vmem>>, vector<640x128xf32>
    %add3A_21 = arith.addf %add3A_17, %get3A_20 : vector<640x128xf32>
    %mul3A = vector.broadcast %broadcast_in_dim3A : vector<640x1xf32> to vector<640x128xf32>
    %mul3A_22 = arith.mulf %add3A_21, %mul3A : vector<640x128xf32>
    %get3A_23 = arith.constant 0 : index
    %get3A_24 = arith.constant 0 : index
    %get3A_25 = vector.load %arg4[%get3A_23, %get3A_24] : memref<1x128xf32, #tpu.memory_space<vmem>>, vector<1x128xf32>
    %add3A_26 = vector.broadcast %get3A_25 : vector<1x128xf32> to vector<640x128xf32>
    %add3A_27 = arith.addf %mul3A_22, %add3A_26 : vector<640x128xf32>
    %max3A = arith.constant 0.000000e+00 : f32
    %max3A_28 = vector.broadcast %max3A : f32 to vector<640x128xf32>
    %max3A_29 = arith.maximumf %add3A_27, %max3A_28 : vector<640x128xf32>
    %get3A_30 = arith.constant 0 : index
    %get3A_31 = arith.constant 0 : index
    %get3A_32 = vector.load %arg5[%get3A_30, %get3A_31] : memref<128x128xf32, #tpu.memory_space<vmem>>, vector<128x128xf32>
    %dot_general3A = arith.constant dense<0.000000e+00> : vector<640x128xf32>
    %dot_general3A_33 = tpu.matmul %max3A_29, %get3A_32, %dot_general3A {dimension_numbers = #tpu.dot_dimension_numbers<[1], [0], [0], [1], [0, 0, 1, 1], [], []>, transpose_lhs_hint = false} : vector<640x128xf32>, vector<128x128xf32>, vector<640x128xf32> -> vector<640x128xf32>
    %mul3A_34 = vector.broadcast %broadcast_in_dim3A : vector<640x1xf32> to vector<640x128xf32>
    %mul3A_35 = arith.mulf %dot_general3A_33, %mul3A_34 : vector<640x128xf32>
    %swap3A = arith.constant 0 : index
    %swap3A_36 = arith.constant 0 : index
    %swap3A_37 = vector.load %arg6[%swap3A, %swap3A_36] : memref<640x128xf32, #tpu.memory_space<vmem>>, vector<640x128xf32>
    tpu.vector_store %arg6[%swap3A, %swap3A_36], %mul3A_35 {strides = array<i32>} : memref<640x128xf32, #tpu.memory_space<vmem>>, vector<640x128xf32>,
    return
  }
  func.func @transform_0(%arg0: i32) -> (i32, i32, i32) {
    %c0_i32 = arith.constant 0 : i32
    %c0_i32_0 = arith.constant 0 : i32
    %c0_i32_1 = arith.constant 0 : i32
    return %c0_i32, %arg0, %c0_i32_0 : i32, i32, i32
  }
  func.func @transform_1(%arg0: i32) -> (i32, i32) {
    %c0_i32 = arith.constant 0 : i32
    %c0_i32_0 = arith.constant 0 : i32
    return %arg0, %c0_i32 : i32, i32
  }
  func.func @transform_2(%arg0: i32) -> (i32, i32) {
    %c0_i32 = arith.constant 0 : i32
    %c0_i32_0 = arith.constant 0 : i32
    return %c0_i32, %arg0 : i32, i32
  }
  func.func @transform_3(%arg0: i32) -> (i32, i32) {
    %c0_i32 = arith.constant 0 : i32
    %c0_i32_0 = arith.constant 0 : i32
    %c0_i32_1 = arith.constant 0 : i32
    return %c0_i32, %c0_i32_0 : i32, i32
  }
  func.func @transform_4(%arg0: i32) -> (i32, i32) {
    %c0_i32 = arith.constant 0 : i32
    %c0_i32_0 = arith.constant 0 : i32
    %c0_i32_1 = arith.constant 0 : i32
    return %c0_i32, %c0_i32_0 : i32, i32
  }
  func.func @transform_5(%arg0: i32) -> (i32, i32) {
    %c0_i32 = arith.constant 0 : i32
    %c0_i32_0 = arith.constant 0 : i32
    return %arg0, %c0_i32 : i32, i32
  }
}

module attributes {stable_mosaic.version = 14 : i64} {
  func.func @_tca_body(%arg0: i32, %arg1: memref<640x128xf32, #tpu.memory_space<vmem>>, %arg2: memref<128x128xf32, #tpu.memory_space<vmem>>, %arg3: memref<2x640xf32, #tpu.memory_space<vmem>>, %arg4: memref<640x128xf32, #tpu.memory_space<vmem>>) attributes {dimension_semantics = [#tpu.dimension_semantics<arbitrary>], iteration_bounds = array<i64: 16>, scalar_prefetch = 0 : i64, scratch_operands = 0 : i64, tpu.core_type = #tpu.core_type<tc>, window_params = [{transform_indices = @transform_0, window_bounds = array<i64: 640, 128>}, {pipeline_mode = #tpu.pipeline_mode<synchronous>, transform_indices = @transform_1, window_bounds = array<i64: 128, 128>}, {transform_indices = @transform_2, window_bounds = array<i64: 2, 640>}, {transform_indices = @transform_3, window_bounds = array<i64: 640, 128>}]} {
    %get3A = arith.constant 0 : index
    %get3A_0 = arith.constant 0 : index
    %get3A_1 = vector.load %arg3[%get3A, %get3A_0] : memref<2x640xf32, #tpu.memory_space<vmem>>, vector<2x640xf32>
    %slice3A = vector.extract_strided_slice %get3A_1 {offsets = [0, 0], sizes = [1, 640], strides = [1, 1]} : vector<2x640xf32> to vector<1x640xf32>
    %squeeze3A = vector.shape_cast %slice3A : vector<1x640xf32> to vector<640xf32>
    %slice3A_2 = vector.extract_strided_slice %get3A_1 {offsets = [1, 0], sizes = [1, 640], strides = [1, 1]} : vector<2x640xf32> to vector<1x640xf32>
    %squeeze3A_3 = vector.shape_cast %slice3A_2 : vector<1x640xf32> to vector<640xf32>
    %add3A = arith.addf %squeeze3A, %squeeze3A_3 : vector<640xf32>
    %add3A_4 = arith.constant 1.000000e+00 : f32
    %add3A_5 = vector.broadcast %add3A_4 : f32 to vector<640xf32>
    %add3A_6 = arith.addf %add3A, %add3A_5 : vector<640xf32>
    %rsqrt3A = math.rsqrt %add3A_6 : vector<640xf32>
    %broadcast_in_dim3A = vector.shape_cast %rsqrt3A : vector<640xf32> to vector<640x1xf32>
    %get3A_7 = arith.constant 0 : index
    %get3A_8 = arith.constant 0 : index
    %get3A_9 = vector.load %arg1[%get3A_7, %get3A_8] : memref<640x128xf32, #tpu.memory_space<vmem>>, vector<640x128xf32>
    %get3A_10 = arith.constant 0 : index
    %get3A_11 = arith.constant 0 : index
    %get3A_12 = vector.load %arg2[%get3A_10, %get3A_11] : memref<128x128xf32, #tpu.memory_space<vmem>>, vector<128x128xf32>
    %dot_general3A = arith.constant dense<0.000000e+00> : vector<640x128xf32>
    %dot_general3A_13 = tpu.matmul %get3A_9, %get3A_12, %dot_general3A {dimension_numbers = #tpu.dot_dimension_numbers<[1], [0], [0], [1], [0, 0, 1, 1], [], []>, transpose_lhs_hint = false} : vector<640x128xf32>, vector<128x128xf32>, vector<640x128xf32> -> vector<640x128xf32>
    %mul3A = vector.broadcast %broadcast_in_dim3A : vector<640x1xf32> to vector<640x128xf32>
    %mul3A_14 = arith.mulf %dot_general3A_13, %mul3A : vector<640x128xf32>
    %swap3A = arith.constant 0 : index
    %swap3A_15 = arith.constant 0 : index
    %swap3A_16 = vector.load %arg4[%swap3A, %swap3A_15] : memref<640x128xf32, #tpu.memory_space<vmem>>, vector<640x128xf32>
    tpu.vector_store %arg4[%swap3A, %swap3A_15], %mul3A_14 {strides = array<i32>} : memref<640x128xf32, #tpu.memory_space<vmem>>, vector<640x128xf32>,
    return
  }
  func.func @transform_0(%arg0: i32) -> (i32, i32) {
    %c0_i32 = arith.constant 0 : i32
    %c0_i32_0 = arith.constant 0 : i32
    return %arg0, %c0_i32 : i32, i32
  }
  func.func @transform_1(%arg0: i32) -> (i32, i32) {
    %c0_i32 = arith.constant 0 : i32
    %c0_i32_0 = arith.constant 0 : i32
    %c0_i32_1 = arith.constant 0 : i32
    return %c0_i32, %c0_i32_0 : i32, i32
  }
  func.func @transform_2(%arg0: i32) -> (i32, i32) {
    %c0_i32 = arith.constant 0 : i32
    %c0_i32_0 = arith.constant 0 : i32
    return %c0_i32, %arg0 : i32, i32
  }
  func.func @transform_3(%arg0: i32) -> (i32, i32) {
    %c0_i32 = arith.constant 0 : i32
    %c0_i32_0 = arith.constant 0 : i32
    return %arg0, %c0_i32 : i32, i32
  }
}

module attributes {stable_mosaic.version = 14 : i64} {
  func.func @_tcc_body(%arg0: i32, %arg1: memref<2x640x128xf32, #tpu.memory_space<vmem>>, %arg2: memref<640x128xf32, #tpu.memory_space<vmem>>, %arg3: memref<2x640xf32, #tpu.memory_space<vmem>>, %arg4: memref<1x3xf32, #tpu.memory_space<vmem>>, %arg5: memref<640x3xf32, #tpu.memory_space<vmem>>) attributes {dimension_semantics = [#tpu.dimension_semantics<arbitrary>], iteration_bounds = array<i64: 16>, scalar_prefetch = 0 : i64, scratch_operands = 0 : i64, tpu.core_type = #tpu.core_type<tc>, window_params = [{transform_indices = @transform_0, window_bounds = array<i64: 2, 640, 128>}, {transform_indices = @transform_1, window_bounds = array<i64: 640, 128>}, {transform_indices = @transform_2, window_bounds = array<i64: 2, 640>}, {pipeline_mode = #tpu.pipeline_mode<synchronous>, transform_indices = @transform_3, window_bounds = array<i64: 1, 3>}, {transform_indices = @transform_4, window_bounds = array<i64: 640, 3>}]} {
    %get3A = arith.constant 0 : index
    %get3A_0 = arith.constant 0 : index
    %get3A_1 = vector.load %arg3[%get3A, %get3A_0] : memref<2x640xf32, #tpu.memory_space<vmem>>, vector<2x640xf32>
    %slice3A = vector.extract_strided_slice %get3A_1 {offsets = [0, 0], sizes = [1, 640], strides = [1, 1]} : vector<2x640xf32> to vector<1x640xf32>
    %squeeze3A = vector.shape_cast %slice3A : vector<1x640xf32> to vector<640xf32>
    %slice3A_2 = vector.extract_strided_slice %get3A_1 {offsets = [1, 0], sizes = [1, 640], strides = [1, 1]} : vector<2x640xf32> to vector<1x640xf32>
    %squeeze3A_3 = vector.shape_cast %slice3A_2 : vector<1x640xf32> to vector<640xf32>
    %add3A = arith.addf %squeeze3A, %squeeze3A_3 : vector<640xf32>
    %add3A_4 = arith.constant 1.000000e+00 : f32
    %add3A_5 = vector.broadcast %add3A_4 : f32 to vector<640xf32>
    %add3A_6 = arith.addf %add3A, %add3A_5 : vector<640xf32>
    %rsqrt3A = math.rsqrt %add3A_6 : vector<640xf32>
    %broadcast_in_dim3A = vector.shape_cast %rsqrt3A : vector<640xf32> to vector<640x1xf32>
    %get3A_7 = arith.constant 0 : index
    %get3A_8 = arith.constant 0 : index
    %get3A_9 = arith.constant 0 : index
    %get3A_10 = vector.load %arg1[%get3A_7, %get3A_8, %get3A_9] : memref<2x640x128xf32, #tpu.memory_space<vmem>>, vector<1x640x128xf32>
    %get3A_11 = vector.shape_cast %get3A_10 : vector<1x640x128xf32> to vector<640x128xf32>
    %get3A_12 = arith.constant 1 : index
    %get3A_13 = arith.constant 0 : index
    %get3A_14 = arith.constant 0 : index
    %get3A_15 = vector.load %arg1[%get3A_12, %get3A_13, %get3A_14] : memref<2x640x128xf32, #tpu.memory_space<vmem>>, vector<1x640x128xf32>
    %get3A_16 = vector.shape_cast %get3A_15 : vector<1x640x128xf32> to vector<640x128xf32>
    %add3A_17 = arith.addf %get3A_11, %get3A_16 : vector<640x128xf32>
    %get3A_18 = arith.constant 0 : index
    %get3A_19 = arith.constant 0 : index
    %get3A_20 = vector.load %arg2[%get3A_18, %get3A_19] : memref<640x128xf32, #tpu.memory_space<vmem>>, vector<640x128xf32>
    %add3A_21 = arith.addf %add3A_17, %get3A_20 : vector<640x128xf32>
    %mul3A = vector.broadcast %broadcast_in_dim3A : vector<640x1xf32> to vector<640x128xf32>
    %mul3A_22 = arith.mulf %add3A_21, %mul3A : vector<640x128xf32>
    %slice3A_23 = vector.extract_strided_slice %mul3A_22 {offsets = [0, 0], sizes = [640, 3], strides = [1, 1]} : vector<640x128xf32> to vector<640x3xf32>
    %get3A_24 = arith.constant 0 : index
    %get3A_25 = arith.constant 0 : index
    %get3A_26 = vector.load %arg4[%get3A_24, %get3A_25] : memref<1x3xf32, #tpu.memory_space<vmem>>, vector<1x3xf32>
    %add3A_27 = vector.broadcast %get3A_26 : vector<1x3xf32> to vector<640x3xf32>
    %add3A_28 = arith.addf %slice3A_23, %add3A_27 : vector<640x3xf32>
    %swap3A = arith.constant 0 : index
    %swap3A_29 = arith.constant 0 : index
    %swap3A_30 = vector.load %arg5[%swap3A, %swap3A_29] : memref<640x3xf32, #tpu.memory_space<vmem>>, vector<640x3xf32>
    tpu.vector_store %arg5[%swap3A, %swap3A_29], %add3A_28 {strides = array<i32>} : memref<640x3xf32, #tpu.memory_space<vmem>>, vector<640x3xf32>,
    return
  }
  func.func @transform_0(%arg0: i32) -> (i32, i32, i32) {
    %c0_i32 = arith.constant 0 : i32
    %c0_i32_0 = arith.constant 0 : i32
    %c0_i32_1 = arith.constant 0 : i32
    return %c0_i32, %arg0, %c0_i32_0 : i32, i32, i32
  }
  func.func @transform_1(%arg0: i32) -> (i32, i32) {
    %c0_i32 = arith.constant 0 : i32
    %c0_i32_0 = arith.constant 0 : i32
    return %arg0, %c0_i32 : i32, i32
  }
  func.func @transform_2(%arg0: i32) -> (i32, i32) {
    %c0_i32 = arith.constant 0 : i32
    %c0_i32_0 = arith.constant 0 : i32
    return %c0_i32, %arg0 : i32, i32
  }
  func.func @transform_3(%arg0: i32) -> (i32, i32) {
    %c0_i32 = arith.constant 0 : i32
    %c0_i32_0 = arith.constant 0 : i32
    %c0_i32_1 = arith.constant 0 : i32
    return %c0_i32, %c0_i32_0 : i32, i32
  }
  func.func @transform_4(%arg0: i32) -> (i32, i32) {
    %c0_i32 = arith.constant 0 : i32
    %c0_i32_0 = arith.constant 0 : i32
    return %arg0, %c0_i32 : i32, i32
  }
}

</mosaic_0001>

<sc_bundles>
// kernel: kernel.11.cloned.1.call-start
scs
__scs_entry_jumppad:
0x0: {  	(pc) =	sbr.rel $0x88, $3  }
0x1: {  	(tag) =	ssettag $0x0;
	lr =	simm.s32 $0x1  }
0x2: {  	[smem:$0x3F9B] =	sst lr;
	_ =	strace $0xD0000000  }
0x3: {  	_ = 	snop  }
0x4: {  	_ = 	snop  }
0x5: {  	_ = 	snop  }
0x6: {  	_ = 	snop  }
0x7: {  	_ = 	snop  }
__scs_overlays_trampoline_lowered:
0x8: {  	[smem:$0x3FAA] =	sst s0  }
0x9: {  	[smem:$0x3FAB] =	sst s1  }
0xa: {  	[smem:$0x3FAC] =	sst s2  }
0xb: {  	[smem:$0x3FAD] =	sst s3  }
0xc: {  	[smem:$0x3FAE] =	sst s4  }
0xd: {  	[smem:$0x3FAF] =	sst s5  }
0xe: {  	[smem:$0x3FB0] =	sst s6  }
0xf: {  	[smem:$0x3FB1] =	sst s7  }
0x10: {  	[smem:$0x3FB2] =	sst s8  }
0x11: {  	[smem:$0x3FB3] =	sst s9;
	s0 =	simm.s32 @!p0 $0x0  }
0x12: {  	s1 =	sld [smem:$0x3F99];
	s0 =	simm.s32 @p0 $0x1  }
0x13: {  	[smem:$0x3FB4] =	sst s0;
	s0 =	simm.s32 @!p1 $0x0  }
0x14: {  	s2 =	sld [smem:$0x3F98];
	s0 =	simm.s32 @p1 $0x1  }
0x15: {  	[smem:$0x3FB5] =	sst s0;
	s0 =	simm.s32 @!p2 $0x0  }
0x16: {  	s3 =	sld [smem:$0x3FDB];
	s0 =	simm.s32 @p2 $0x1  }
0x17: {  	s4 =	simm.s32 $0x1BF5;
	[smem:$0x3FB7] =	sst s0  }
0x18: {  	s0 =	sld [smem:$0x3F9A];
	_ =	swait.ge [sflag:s4], $0x0  }
0x19: {  	s7 =	sld [smem:$0x3F9B]  }
0x1a: {  	s8 =	sadd.s32 $0xFFFFE003, lr  }
0x1b: {  	s9 =	sadd.s32 $0xFFFFFEF7, lr;
	s5 =	simm.s32 $0xFFFFFFFF;
	p2 =	slt.u32 s8, $0xFFFFF086  }
0x1c: {  	p1 =	slt.u32 s9, $0xF7A;
	s5 =	simm.s32 @!p2 $0x0  }
0x1d: {  	s5 =	simm.s32 @p1 $0x1;
	p0 =	seq.s32 s7, s2  }
0x1e: {  	s7 =	smul.u32 @!p0 $0xF7A, s2;
	p2 =	seq.s32 @!p0 s5, $0x0  }
0x1f: {  	s9 =	smul.u32 $0xF7A, s1;
	s8 =	simm.s32 @!p0 $0x1BF5;
	p2 =	por !p2, p0  }
0x20: {  	[sflag:s8] =	ssyncset.s32 @!p0 $0xFFFFF086;
	s6 =	sadd.s32 @!p0 s3, s7;
	s7 =	simm.s32 @!p0 $0x108  }
0x21: {  	s3 =	sadd.s32 s3, s9;
	s6 =	sadd.s32 @!p0 $0x88, s6;
	s7 =	simm.s32 @p2 $0x1082  }
0x22: {  	[simem:s7], [sflag:s8] =	dma.local @!p0 [hbm:s6], $0xF7A  }
0x23: {  	s9 =	sor.u32 $0xD0000000, s2;
	s6 =	simm.s32 $0x108;
	_ =	swait.ge @!p0 [sflag:s8], $0x0  }
0x24: {  	s3 =	sadd.s32 $0x88, s3;
	s6 =	simm.s32 @!p1 $0x1082;
	[sflag:s4] =	ssyncset.s32 $0xFFFFF086  }
0x25: {  	[simem:s6], [sflag:s4] =	dma.local [hbm:s3], $0xF7A  }
0x26: {  	[smem:$0x3F9B] =	sst s1;
	(tag) =	ssettag s2;
	_ =	strace s9  }
0x27: {  	s1 =	sld [smem:$0x3FAB]  }
0x28: {  	s2 =	sld [smem:$0x3FAC]  }
0x29: {  	s4 =	sld [smem:$0x3FAE]  }
0x2a: {  	p0 =	seq.s32 s5, $0x0;
	s5 =	sld [smem:$0x3FAF]  }
0x2b: {  	s6 =	sld [smem:$0x3FB0]  }
0x2c: {  	s7 =	sld [smem:$0x3FB1]  }
0x2d: {  	s3 =	simm.s32 $0x108;
	s8 =	sld [smem:$0x3FB2]  }
0x2e: {  	s3 =	simm.s32 @!p0 $0x1082;
	s9 =	sld [smem:$0x3FB3]  }
0x2f: {  	lr =	sadd.s32 s0, s3;
	s0 =	sld [smem:$0x3FAA]  }
0x30: {  	s3 =	sld [smem:$0x3FAD]  }
0x31: {  	[smem:$0x3FB6] =	sst s10  }
0x32: {  	s10 =	sld [smem:$0x3FB4];
	_ =	sdelay $0x3  }
0x33: {  	p0 =	seq.s32 s10, $0x1;
	s10 =	sld [smem:$0x3FB6];
	_ =	sdelay $0x3  }
0x34: {  	[smem:$0x3FB6] =	sst s10  }
0x35: {  	s10 =	sld [smem:$0x3FB5];
	_ =	sdelay $0x3  }
0x36: {  	p1 =	seq.s32 s10, $0x1;
	s10 =	sld [smem:$0x3FB6];
	_ =	sdelay $0x3  }
0x37: {  	[smem:$0x3FB6] =	sst s10  }
0x38: {  	s10 =	sld [smem:$0x3FB7]  }
0x39: {  	_ = 	snop;
	(pc) =	sbr.ind lr, $3  }
0x3a: {  	_ = 	snop  }
0x3b: {  	_ = 	snop  }
0x3c: {  	p2 =	seq.s32 s10, $0x1;
	s10 =	sld [smem:$0x3FB6]  }
0x3d: {  	_ =	shalt  }
0x3e: {  	_ =	shalt  }
0x3f: {  	_ =	shalt  }
0x40: {  	_ =	shalt  }
0x41: {  	_ =	shalt  }
0x42: {  	_ =	shalt  }
0x43: {  	_ =	shalt  }
0x44: {  	_ =	shalt  }
0x45: {  	_ =	shalt  }
0x46: {  	_ =	shalt  }
0x47: {  	_ =	shalt  }
0x48: {  	_ =	shalt  }
0x49: {  	_ =	shalt  }
0x4a: {  	_ =	shalt  }
0x4b: {  	_ =	shalt  }
0x4c: {  	_ =	shalt  }
0x4d: {  	_ =	shalt  }
0x4e: {  	_ =	shalt  }
0x4f: {  	_ =	shalt  }
0x50: {  	_ =	shalt  }
0x51: {  	_ =	shalt  }
0x52: {  	_ =	shalt  }
0x53: {  	_ =	shalt  }
0x54: {  	_ =	shalt  }
0x55: {  	_ =	shalt  }
0x56: {  	_ =	shalt  }
0x57: {  	_ =	shalt  }
0x58: {  	_ =	shalt  }
0x59: {  	_ =	shalt  }
0x5a: {  	_ =	shalt  }
0x5b: {  	_ =	shalt  }
0x5c: {  	_ =	shalt  }
0x5d: {  	_ =	shalt  }
0x5e: {  	_ =	shalt  }
0x5f: {  	_ =	shalt  }
0x60: {  	_ =	shalt  }
0x61: {  	_ =	shalt  }
0x62: {  	_ =	shalt  }
0x63: {  	_ =	shalt  }
0x64: {  	_ =	shalt  }
0x65: {  	_ =	shalt  }
0x66: {  	_ =	shalt  }
0x67: {  	_ =	shalt  }
0x68: {  	_ =	shalt  }
0x69: {  	_ =	shalt  }
0x6a: {  	_ =	shalt  }
0x6b: {  	_ =	shalt  }
0x6c: {  	_ =	shalt  }
0x6d: {  	_ =	shalt  }
0x6e: {  	_ =	shalt  }
0x6f: {  	_ =	shalt  }
0x70: {  	_ =	shalt  }
0x71: {  	_ =	shalt  }
0x72: {  	_ =	shalt  }
0x73: {  	_ =	shalt  }
0x74: {  	_ =	shalt  }
0x75: {  	_ =	shalt  }
0x76: {  	_ =	shalt  }
0x77: {  	_ =	shalt  }
0x78: {  	_ =	shalt  }
0x79: {  	_ =	shalt  }
0x7a: {  	_ =	shalt  }
0x7b: {  	_ =	shalt  }
0x7c: {  	_ =	shalt  }
0x7d: {  	_ =	shalt  }
0x7e: {  	_ =	shalt  }
0x7f: {  	_ =	shalt  }
0x80: {  	_ =	shalt  }
0x81: {  	_ =	shalt  }
0x82: {  	_ =	shalt  }
0x83: {  	_ =	shalt  }
0x84: {  	_ =	shalt  }
0x85: {  	_ =	shalt  }
0x86: {  	_ =	shalt  }
0x87: {  	_ =	shalt  }
.Lfunc_end0:
.L_simem_size_0:
called_computation.1_lowered:
.L_overlay_start_0:
0x88: {  	s2 =	sld [smem:$0x3FD9]  }
0x89: {  	s3 =	sld [smem:$0x3FFE];
	_ =	sdelay $0x1  }
0x8a: {  	s1 =	srdreg.scid  }
0x8b: {  	s0 =	sand.u32 $0x1, s1  }
0x8c: {  	s16 =	sshll.u32 s0, $0xA;
	s2 =	sadd.s32 s3, s2  }
0x8d: {  	s2 =	sadd.s32 s2, s16  }
0x8e: {  	[smem:$0x3FC2] =	sst s2  }
0x8f: {  	_ = 	snop  }
0x90: {  	(tm) =	ssettm $0x1  }
0x91: {  	s17 =	sld [smem:$0x3FFB];
	_ =	sdelay $0x3  }
0x92: {  	_ =	strace s17  }
0x93: {  	s2 =	sld [smem:$0x3FFC];
	_ =	sdelay $0x3  }
0x94: {  	_ =	strace s2  }
0x95: {  	s2 =	sld [smem:$0x3FFD];
	_ =	sdelay $0x3  }
0x96: {  	_ =	strace s2  }
0x97: {  	_ =	strace $0x8FFFFFFF  }
0x98: {  	s18 =	sld [smem:$0x3FDB];
	_ =	sdelay $0x1  }
0x99: {  	s19 =	simm.s32 $_scs_section_size  }
0x9a: {  	s4 =	simm.s32 $_size__tile_overlayer_lowered;
	s5 =	simm.s32 $_tile_overlayer_lowered  }
0x9b: {  	s22 =	simm.s32 $0x1BFF;
	s21 =	sshll.u32 s5, $0x1;
	s2 =	sadd.s32 s19, s18  }
0x9c: {  	s6 =	simm.s32 $0x0;
	s20 =	sshll.u32 s4, $0x1;
	s4 =	sadd.s32 s21, s2  }
0x9d: {  	[timem:s6], [sflag:s22] =	dma.local [hbm:s4], s20  }
0x9e: {  	_ =	swait.ge [sflag:s22], s20  }
0x9f: {  	s3 =	ssub.s32 $0x0, s20;
	[sflag:s22] =	ssyncset.done $0x0  }
0xa0: {  	[sflag:s22] =	ssyncadd.s32 s3;
	_ =	sdelay $0x1  }
0xa1: {  	s23 =	simm.s32 $0x1B8B  }
0xa2: {  	_ =	swait.ge [sflag:s23], $0x1  }
0xa3: {  	[sflag:s23] =	ssyncset.done $0x0  }
0xa4: {  	s25 =	simm.s32 $0x1B8E;
	s24 =	sld [smem:$0x3FFE];
	[sflag:s23] =	ssyncadd.s32 $0xFFFFFFFF  }
0xa5: {  	s26 =	simm.s32 $execute0_lowered;
	[smem:$0x3FD2] =	sst s25  }
0xa6: {  	s4 =	sshll.u32 s26, $0x1;
	_ =	strace $0x80000049;
	[dreg:$0x1] =	wrdreg $0xFFFFFFFF  }
0xa7: {  	s28 =	simm.s32 $_size_execute0_lowered;
	s2 =	sadd.s32 s2, s4;
	[dreg:$0x0] =	wrdreg $0x0  }
0xa8: {  	s4 =	sshll.u32 s28, $0x1;
	[dreg:$0x2] =	wrdreg s2  }
0xa9: {  	[dreg:$0x3] =	wrdreg s4  }
0xaa: {  	[dreg:$0x4] =	wrdreg $0xC0  }
0xab: {  	_ =	task [dreg:s6], $0x5FFFF  }
0xac: {  	[dreg:$0x1] =	wrdreg $0xFFFFFFFF  }
0xad: {  	[dreg:$0x0] =	wrdreg $0x60  }
0xae: {  	[dreg:$0x2] =	wrdreg s24  }
0xaf: {  	[dreg:$0x3] =	wrdreg $0xA1800  }
0xb0: {  	[dreg:$0x4] =	wrdreg $0x9  }
0xb1: {  	_ =	task.clear_ibuf [dreg:s6], $0x5FFFF;
	_ =	strace $0x90000049  }
0xb2: {  	s29 =	simm.s32 $0x9;
	_ =	strace $0x8000004B  }
0xb3: {  	_ =	swait.ge [sflag:s29], $0x1  }
0xb4: {  	[sflag:s29] =	ssyncadd.s32 $0xFFFFFFFF  }
0xb5: {  	_ =	strace $0x9000004B  }
0xb6: {  	_ =	sfence  }
0xb7: {  	s30 =	sld [smem:$0x0];
	_ =	sdelay $0x2  }
0xb8: {  	s31 =	sshll.u32 s1, $0xD;
	s1 =	sshrl.u32 s1, $0x2  }
0xb9: {  	s3 =	sand.u32 $0x4000, s31;
	s1 =	sadd.s32 s1, s30  }
0xba: {  	s0 =	sor.u32 s3, s0;
	s1 =	sshll.u32 s1, $0x11  }
0xbb: {  	s0 =	sor.u32 s1, s0  }
0xbc: {  	s0 =	sadd.s32 $0x8F2B, s0  }
0xbd: {  	[sflag:s0] =	ssyncadd.remote.s32 $0x1  }
0xbe: {  	_ =	sfence.sel $0xFFFF  }
0xbf: {  	[dreg:$0x0] =	wrdreg $0xFFFFFFFF;
	(pc) =	sbr.abs _section_cstart, $3  }
0xc0: {  	[dreg:$0x1] =	wrdreg $0xFFFFFFFF  }
0xc1: {  	_ =	task.clear_ibuf [dreg:s6], $0x2FFFF;
	_ =	strace $0x9FFFFFFF  }
0xc2: {  	(tm) =	ssettm $0x7FFFFFFF  }
0xc3: {  	_ =	shalt  }
tec
execute0_lowered:
.L_overlay_start_1:
0x0: {  	(tag) =	ssettag $0x1  }
0x1: {  	s0 =	rddreg [dreg:$0x0];
	s1 =	srdreg.scid  }
0x2: {  	s19 =	stileid.u32;
	s2 =	rddreg [dreg:$0x1]  }
0x3: {  	s3 =	simm.s32 $0x0;
	s29 =	simm.s32 $0x2;
	s30 =	simm.s32 $0x6  }
0x4: {  	s31 =	simm.s32 $0x3;
	s1 =	sand.u32 $0x1, s1;
	s6 =	smul.u32 $0x14000, s19  }
0x5: {  	s4 =	sshll.u32 s19, $0x1;
	[smem:$0x7FF] =	sst s3;
	s24 =	smul.u32 $0x4E20, s19  }
0x6: {  	s7 =	sadd.s32 $0x3C800, s0;
	s4 =	sor.u32 s1, s4;
	s12 =	smul.u32 $0x140000, s1  }
0x7: {  	_ =	strace $0x8000004A;
	s5 =	ssub.s32 $0x2, s1;
	s1 =	smul.u32 $0x2710, s1  }
0x8: {  	s4 =	smul.u32 $0x2710, s4;
	s8 =	sshrl.u32 s5, $0x1;
	s9 =	sor.u32 $0x2800, s6  }
0x9: {  	s10 =	sadd.s32 $0x5000, s6;
	s11 =	sadd.s32 $0x7800, s6;
	s14 =	sadd.s32 $0xA000, s6  }
0xa: {  	s15 =	sadd.s32 $0xC800, s6;
	s16 =	sadd.s32 $0xF000, s6;
	s17 =	sadd.s32 $0x11800, s6  }
0xb: {  	s5 =	ssub.s32 s5, s8;
	s8 =	smul.u32 $0x50000, s19;
	s6 =	sadd.s32 s6, s12  }
0xc: {  	s13 =	sadd.s32 s12, s9;
	s18 =	sadd.s32 s12, s10;
	s20 =	sadd.s32 s12, s15  }
0xd: {  	s23 =	sadd.s32 s12, s16;
	s1 =	sadd.s32 s1, s24;
	s4 =	sshrl.u32 s4, $0x3  }
0xe: {  	s6 =	sshrl.u32 s6, $0x3;
	s13 =	sshrl.u32 s13, $0x3;
	s28 =	sshrl.u32 s18, $0x3  }
0xf: {  	s18 =	sadd.s32 s12, s14;
	s22 =	sshrl.u32 s20, $0x3;
	s20 =	sadd.s32 s9, s2  }
0x10: {  	s9 =	sadd.s32 s15, s2;
	s5 =	smax.u32 s5, $0x1;
	s6 =	sadd.s32 s7, s6  }
0x11: {  	s26 =	sadd.s32 s7, s13;
	s13 =	sadd.s32 s12, s11;
	[dreg:$0xf] =	wrdreg s9  }
0x12: {  	s12 =	sadd.s32 s12, s17;
	s8 =	sshrl.u32 s8, $0x2;
	[dreg:$0x13] =	wrdreg s5  }
0x13: {  	s5 =	simm.s32 $0x1;
	s9 =	simm.s32 $0x2800;
	[dreg:$0x3] =	wrdreg s6  }
0x14: {  	[dreg:$0x4] =	wrdreg s26;
	s6 =	sadd.s32 s7, s28;
	s12 =	sshrl.u32 s12, $0x3  }
0x15: {  	[dreg:$0x5] =	wrdreg s6;
	s6 =	sshrl.u32 s13, $0x3;
	s26 =	sadd.s32 s7, s12  }
0x16: {  	s13 =	sshrl.u32 s18, $0x3;
	s18 =	sadd.s32 $0xF0, s1;
	[dreg:$0xa] =	wrdreg s26  }
0x17: {  	s28 =	sadd.s32 s4, s0;
	s6 =	sadd.s32 s7, s6;
	[dreg:$0x16] =	wrdreg s18  }
0x18: {  	s12 =	sadd.s32 $0x1A00, s0;
	s21 =	sadd.s32 s7, s13;
	[dreg:$0x6] =	wrdreg s6  }
0x19: {  	s19 =	sadd.s32 s8, s2;
	s15 =	sadd.s32 s12, s4;
	[dreg:$0x7] =	wrdreg s21  }
0x1a: {  	s13 =	sshrl.u32 s23, $0x3;
	s6 =	sadd.s32 s7, s22;
	[dreg:$0x12] =	wrdreg s15  }
0x1b: {  	s8 =	simm.s32 $0x5180;
	s25 =	sadd.s32 s7, s13;
	[dreg:$0x8] =	wrdreg s6  }
0x1c: {  	s4 =	simm.s32 $0xA;
	s7 =	sadd.s32 $0xB800, s28;
	[dreg:$0x9] =	wrdreg s25  }
0x1d: {  	s21 =	sadd.s32 s10, s2;
	s10 =	sadd.s32 s16, s2;
	[dreg:$0xb] =	wrdreg s7  }
0x1e: {  	s22 =	sadd.s32 s11, s2;
	s11 =	sadd.s32 s17, s2;
	[dreg:$0x10] =	wrdreg s10  }
0x1f: {  	s13 =	sadd.s32 $0x15600, s0;
	s23 =	sadd.s32 $0x4CE, s15;
	[dreg:$0x11] =	wrdreg s11  }
0x20: {  	s16 =	sadd.s32 $0x140, s1;
	s24 =	sadd.s32 $0x4D8, s15;
	[dreg:$0x17] =	wrdreg s23  }
0x21: {  	s26 =	sadd.s32 $0xA, s15;
	s28 =	sadd.s32 $0x14, s15;
	[dreg:$0x18] =	wrdreg s24  }
0x22: {  	s15 =	simm.s32 $0x9;
	s25 =	sadd.s32 s14, s2;
	[dreg:$0x19] =	wrdreg s26  }
0x23: {  	s14 =	sadd.s32 $0x190, s1;
	s17 =	sshrl.u32 s16, $0x3;
	[dreg:$0x1a] =	wrdreg s28  }
0x24: {  	s6 =	simm.s32 $0x50;
	s7 =	simm.s32 $0x2780;
	s10 =	simm.s32 $0x7980  }
0x25: {  	s11 =	simm.s32 $0x2880;
	s24 =	simm.s32 $0x5;
	[dreg:$0xc] =	wrdreg s21  }
0x26: {  	s1 =	simm.s32 $0x7;
	[dreg:$0xd] =	wrdreg s22;
	s0 =	sshrl.u32 s14, $0x3  }
0x27: {  	s23 =	simm.s32 $0x8;
	[dreg:$0xe] =	wrdreg s25;
	s0 =	sadd.s32 s0, s12  }
0x28: {  	s16 =	simm.s32 $0x0;
	[dreg:$0x14] =	wrdreg s0;
	s0 =	sadd.s32 s17, s12  }
0x29: {  	v0 =	vimm.f32 $0.0e+00;
	s14 =	simm.s32 $0x4;
	[dreg:$0x15] =	wrdreg s0;
	s0 =	simm.s32 $0x2980  }
.LBB2_1:
0x2a: {  	s17 =	rddreg [dreg:$0xb]  }
0x2b: {  	[tilespmem:s3], [sflag:$0x1] =	stream.linear.gather [hbm4b:s17+s3], $0x2710, $0x38;
	[tilespmem:$0x1E180] =	vst v63  }
0x2c: {  	s18 =	simm.s32 $0x200;
	s17 =	simm.s32 $0x0  }
.LBB2_2:
0x2d: {  	p0 =	sne.s32 s18, $0x9E00;
	[tilespmem:s17+$0x29F0] =	vst v0  }
0x2e: {  	[tilespmem:s17+$0x2980] =	vst v0  }
0x2f: {  	[tilespmem:s17+$0x2990] =	vst v0  }
.Ltmp0:
0x30: {  	[tilespmem:s17+$0x29A0] =	vst v0;
	(pc) =	sbr.rel @p0 .LBB2_2-.Ltmp0, $4  }
0x31: {  	[tilespmem:s17+$0x29B0] =	vst v0  }
0x32: {  	[tilespmem:s17+$0x29C0] =	vst v0  }
0x33: {  	[tilespmem:s17+$0x29D0] =	vst v0  }
0x34: {  	[tilespmem:s17+$0x29E0] =	vst v0;
	s17 =	sshra.s32 s18, $0x2;
	s18 =	sadd.s32 $0x200, s18  }
0x35: {  	[tilespmem:s17+$0x29F0] =	vst v0  }
0x36: {  	[tilespmem:s17+$0x2980] =	vst v0  }
0x37: {  	[tilespmem:s17+$0x2990] =	vst v0  }
0x38: {  	[tilespmem:s17+$0x29A0] =	vst v0  }
0x39: {  	[tilespmem:s17+$0x29B0] =	vst v0  }
0x3a: {  	[tilespmem:s17+$0x29C0] =	vst v0  }
0x3b: {  	[tilespmem:s17+$0x29D0] =	vst v0  }
0x3c: {  	[tilespmem:s17+$0x29E0] =	vst v0  }
0x3d: {  	[spmem:s19] =	stream.linear.scatter [tilespmem:s0], [sflag:$0xA], $0x2800, $0x38;
	[tilespmem:$0x1E180] =	vst v63  }
0x3e: {  	_ =	swait.ge [sflag:s4], $0x2800  }
0x3f: {  	[sflag:s4] =	ssyncset.done $0x0  }
0x40: {  	[sflag:s4] =	ssyncadd.s32 $0xFFFFD800  }
0x41: {  	[spmem:s20] =	stream.linear.scatter [tilespmem:s0], [sflag:$0xA], $0x2800, $0x38;
	[tilespmem:$0x1E180] =	vst v63  }
0x42: {  	_ =	swait.ge [sflag:s4], $0x2800  }
0x43: {  	[sflag:s4] =	ssyncset.done $0x0  }
0x44: {  	[sflag:s4] =	ssyncadd.s32 $0xFFFFD800  }
0x45: {  	[spmem:s21] =	stream.linear.scatter [tilespmem:s0], [sflag:$0xA], $0x2800, $0x38;
	[tilespmem:$0x1E180] =	vst v63  }
0x46: {  	_ =	swait.ge [sflag:s4], $0x2800  }
0x47: {  	[sflag:s4] =	ssyncset.done $0x0  }
0x48: {  	[sflag:s4] =	ssyncadd.s32 $0xFFFFD800  }
0x49: {  	[spmem:s22] =	stream.linear.scatter [tilespmem:s0], [sflag:$0xA], $0x2800, $0x38;
	[tilespmem:$0x1E180] =	vst v63  }
0x4a: {  	_ =	swait.ge [sflag:s4], $0x2800  }
0x4b: {  	[sflag:s4] =	ssyncset.done $0x0  }
0x4c: {  	[sflag:s4] =	ssyncadd.s32 $0xFFFFD800  }
0x4d: {  	[spmem:s25] =	stream.linear.scatter [tilespmem:s0], [sflag:$0xA], $0x2800, $0x38;
	[tilespmem:$0x1E180] =	vst v63  }
0x4e: {  	_ =	swait.ge [sflag:s4], $0x2800  }
0x4f: {  	[sflag:s4] =	ssyncset.done $0x0  }
0x50: {  	s28 =	smov.u32 s20;
	s20 =	rddreg [dreg:$0xf];
	[sflag:s4] =	ssyncadd.s32 $0xFFFFD800  }
0x51: {  	[spmem:s20] =	stream.linear.scatter [tilespmem:s0], [sflag:$0xA], $0x2800, $0x38;
	[tilespmem:$0x1E180] =	vst v63  }
0x52: {  	_ =	swait.ge [sflag:s4], $0x2800  }
0x53: {  	[sflag:s4] =	ssyncset.done $0x0  }
0x54: {  	s21 =	rddreg [dreg:$0x10];
	[sflag:s4] =	ssyncadd.s32 $0xFFFFD800  }
0x55: {  	[spmem:s21] =	stream.linear.scatter [tilespmem:s0], [sflag:$0xA], $0x2800, $0x38;
	[tilespmem:$0x1E180] =	vst v63  }
0x56: {  	_ =	swait.ge [sflag:s4], $0x2800  }
0x57: {  	[sflag:s4] =	ssyncset.done $0x0  }
0x58: {  	s22 =	rddreg [dreg:$0x11];
	[sflag:s4] =	ssyncadd.s32 $0xFFFFD800  }
0x59: {  	[spmem:s22] =	stream.linear.scatter [tilespmem:s0], [sflag:$0xA], $0x2800, $0x38;
	[tilespmem:$0x1E180] =	vst v63  }
0x5a: {  	_ =	swait.ge [sflag:s4], $0x2800  }
0x5b: {  	[sflag:s4] =	ssyncset.done $0x0  }
0x5c: {  	[sflag:s4] =	ssyncadd.s32 $0xFFFFD800  }
0x5d: {  	_ =	swait.ge [sflag:s5], $0x2710  }
0x5e: {  	[sflag:s5] =	ssyncset.done $0x0  }
0x5f: {  	[sflag:s5] =	ssyncadd.s32 $0xFFFFD8F0  }
0x60: {  	s25 =	simm.s32 $0x0;
	[bflag:$0x0] =	sbarrier.arrive $0xFFFF  }
0x61: {  	[tilespmem:s0], [sflag:$0x4] =	stream.indirect.gather [hbm4b:s13+s6], $0x80, s25, s6, $0xb8;
	[tilespmem:$0x1E180] =	vst v63  }
0x62: {  	s18 =	rddreg [dreg:$0x12]  }
0x63: {  	[tilespmem:s7], [sflag:$0x1] =	stream.linear.gather [hbm4b:s18+s25], $0x50, $0x38;
	[tilespmem:$0x1E180] =	vst v63  }
0x64: {  	_ = 	snop  }
0x65: {  	[tilespmem:s8], [sflag:$0x5] =	stream.indirect.gather [hbm4b:s13+s6], $0x80, s6, s6, $0xb8;
	[tilespmem:$0x1E180] =	vst v63  }
0x66: {  	s26 =	smov.u32 s19;
	s19 =	rddreg [dreg:$0x19]  }
0x67: {  	[tilespmem:s9], [sflag:$0x2] =	stream.linear.gather [hbm4b:s19+s25], $0x50, $0x38;
	[tilespmem:$0x1E180] =	vst v63  }
0x68: {  	s20 =	simm.s32 $0xA0  }
0x69: {  	[tilespmem:s10], [sflag:$0x6] =	stream.indirect.gather [hbm4b:s13+s6], $0x80, s20, s6, $0xb8;
	[tilespmem:$0x1E180] =	vst v63  }
0x6a: {  	s21 =	rddreg [dreg:$0x1a]  }
0x6b: {  	[tilespmem:s11], [sflag:$0x3] =	stream.linear.gather [hbm4b:s21+s25], $0x50, $0x38;
	[tilespmem:$0x1E180] =	vst v63  }
0x6c: {  	_ =	swait.ge [sflag:s14], $0x2800  }
0x6d: {  	[sflag:s14] =	ssyncset.done $0x0  }
0x6e: {  	[sflag:s14] =	ssyncadd.s32 $0xFFFFD800  }
0x6f: {  	_ =	swait.ge [sflag:s5], $0x50  }
0x70: {  	[sflag:s5] =	ssyncset.done $0x0  }
0x71: {  	[sflag:s5] =	ssyncadd.s32 $0xFFFFFFB0  }
0x72: {  	[spmem:s2] =	stream.indirect.scatter.add.f32 [tilespmem:s0], [sflag:$0x7], $0x80, s7, s6, $0xb8;
	[tilespmem:$0x1E180] =	vst v63  }
0x73: {  	_ =	swait.ge [sflag:s24], $0x2800  }
0x74: {  	[sflag:s24] =	ssyncset.done $0x0  }
0x75: {  	[sflag:s24] =	ssyncadd.s32 $0xFFFFD800  }
0x76: {  	_ =	swait.ge [sflag:s29], $0x50  }
0x77: {  	[sflag:s29] =	ssyncset.done $0x0  }
0x78: {  	[sflag:s29] =	ssyncadd.s32 $0xFFFFFFB0  }
0x79: {  	[spmem:s2] =	stream.indirect.scatter.add.f32 [tilespmem:s8], [sflag:$0x8], $0x80, s9, s6, $0xb8;
	[tilespmem:$0x1E180] =	vst v63  }
0x7a: {  	_ =	swait.ge [sflag:s30], $0x2800  }
0x7b: {  	[sflag:s30] =	ssyncset.done $0x0  }
0x7c: {  	[sflag:s30] =	ssyncadd.s32 $0xFFFFD800  }
0x7d: {  	_ =	swait.ge [sflag:s31], $0x50  }
0x7e: {  	[sflag:s31] =	ssyncset.done $0x0  }
0x7f: {  	[sflag:s31] =	ssyncadd.s32 $0xFFFFFFB0  }
0x80: {  	[spmem:s2] =	stream.indirect.scatter.add.f32 [tilespmem:s10], [sflag:$0x9], $0x80, s11, s6, $0xb8;
	[tilespmem:$0x1E180] =	vst v63  }
0x81: {  	_ =	swait.ge [sflag:s1], $0x2800  }
0x82: {  	[sflag:s1] =	ssyncset.done $0x0;
	s21 =	rddreg [dreg:$0x16]  }
0x83: {  	s22 =	simm.s32 $0xF0;
	[sflag:s1] =	ssyncadd.s32 $0xFFFFD800;
	s25 =	sshrl.u32 s21, $0x3  }
0x84: {  	[tilespmem:s0], [sflag:$0x4] =	stream.indirect.gather [hbm4b:s13+s6], $0x80, s22, s6, $0xb8;
	[tilespmem:$0x1E180] =	vst v63  }
0x85: {  	s19 =	sadd.s32 s12, s25  }
0x86: {  	[tilespmem:s7], [sflag:$0x1] =	stream.linear.gather [hbm4b:s19+s3], $0x50, $0x38;
	[tilespmem:$0x1E180] =	vst v63  }
0x87: {  	_ =	swait.ge [sflag:s23], $0x2800  }
0x88: {  	[sflag:s23] =	ssyncset.done $0x0  }
0x89: {  	s20 =	simm.s32 $0x140;
	[sflag:s23] =	ssyncadd.s32 $0xFFFFD800  }
0x8a: {  	[tilespmem:s8], [sflag:$0x5] =	stream.indirect.gather [hbm4b:s13+s6], $0x80, s20, s6, $0xb8;
	[tilespmem:$0x1E180] =	vst v63  }
0x8b: {  	s20 =	rddreg [dreg:$0x15]  }
0x8c: {  	[tilespmem:s9], [sflag:$0x2] =	stream.linear.gather [hbm4b:s20+s3], $0x50, $0x38;
	[tilespmem:$0x1E180] =	vst v63  }
0x8d: {  	_ =	swait.ge [sflag:s15], $0x2800  }
0x8e: {  	[sflag:s15] =	ssyncset.done $0x0  }
0x8f: {  	s22 =	simm.s32 $0x190;
	[sflag:s15] =	ssyncadd.s32 $0xFFFFD800  }
0x90: {  	[tilespmem:s10], [sflag:$0x6] =	stream.indirect.gather [hbm4b:s13+s6], $0x80, s22, s6, $0xb8;
	[tilespmem:$0x1E180] =	vst v63  }
0x91: {  	s25 =	rddreg [dreg:$0x14]  }
0x92: {  	[tilespmem:s11], [sflag:$0x3] =	stream.linear.gather [hbm4b:s25+s3], $0x50, $0x38;
	[tilespmem:$0x1E180] =	vst v63  }
0x93: {  	_ =	swait.ge [sflag:s14], $0x2800  }
0x94: {  	[sflag:s14] =	ssyncset.done $0x0  }
0x95: {  	[sflag:s14] =	ssyncadd.s32 $0xFFFFD800  }
0x96: {  	_ =	swait.ge [sflag:s5], $0x50  }
0x97: {  	[sflag:s5] =	ssyncset.done $0x0  }
0x98: {  	[sflag:s5] =	ssyncadd.s32 $0xFFFFFFB0  }
0x99: {  	[spmem:s2] =	stream.indirect.scatter.add.f32 [tilespmem:s0], [sflag:$0x7], $0x80, s7, s6, $0xb8;
	[tilespmem:$0x1E180] =	vst v63  }
0x9a: {  	_ =	swait.ge [sflag:s24], $0x2800  }
0x9b: {  	[sflag:s24] =	ssyncset.done $0x0  }
0x9c: {  	[sflag:s24] =	ssyncadd.s32 $0xFFFFD800  }
0x9d: {  	_ =	swait.ge [sflag:s29], $0x50  }
0x9e: {  	[sflag:s29] =	ssyncset.done $0x0  }
0x9f: {  	[sflag:s29] =	ssyncadd.s32 $0xFFFFFFB0  }
0xa0: {  	[spmem:s2] =	stream.indirect.scatter.add.f32 [tilespmem:s8], [sflag:$0x8], $0x80, s9, s6, $0xb8;
	[tilespmem:$0x1E180] =	vst v63  }
0xa1: {  	_ =	swait.ge [sflag:s30], $0x2800  }
0xa2: {  	[sflag:s30] =	ssyncset.done $0x0  }
0xa3: {  	[sflag:s30] =	ssyncadd.s32 $0xFFFFD800  }
0xa4: {  	_ =	swait.ge [sflag:s31], $0x50  }
0xa5: {  	s17 =	simm.s32 $0x3C0;
	s18 =	sadd.s32 $0xF0, s21;
	[sflag:s31] =	ssyncset.done $0x0  }
0xa6: {  	s20 =	sadd.s32 $0x1E, s20;
	s19 =	sadd.s32 $0x1E, s25;
	[sflag:s31] =	ssyncadd.s32 $0xFFFFFFB0  }
.LBB2_4:
0xa7: {  	[spmem:s2] =	stream.indirect.scatter.add.f32 [tilespmem:s10], [sflag:$0x9], $0x80, s11, s6, $0xb8;
	[tilespmem:$0x1E180] =	vst v63  }
0xa8: {  	s21 =	smov.u32 s17  }
0xa9: {  	p0 =	sne.s32 s17, $0x9240;
	s17 =	sadd.s32 $0x3C0, s17;
	_ =	swait.ge [sflag:s1], $0x2800  }
0xaa: {  	s21 =	sshra.s32 s21, $0x2;
	[sflag:s1] =	ssyncset.done $0x0  }
0xab: {  	s25 =	sshrl.u32 s18, $0x3;
	s22 =	sadd.s32 $0xF0, s21;
	[sflag:s1] =	ssyncadd.s32 $0xFFFFD800  }
0xac: {  	[tilespmem:s0], [sflag:$0x4] =	stream.indirect.gather [hbm4b:s13+s6], $0x80, s22, s6, $0xb8;
	[tilespmem:$0x1E180] =	vst v63  }
0xad: {  	s22 =	sadd.s32 s12, s25  }
0xae: {  	[tilespmem:s7], [sflag:$0x1] =	stream.linear.gather [hbm4b:s22+s3], $0x50, $0x38;
	[tilespmem:$0x1E180] =	vst v63  }
0xaf: {  	_ =	swait.ge [sflag:s23], $0x2800  }
0xb0: {  	[sflag:s23] =	ssyncset.done $0x0  }
0xb1: {  	s22 =	sadd.s32 $0x140, s21;
	[sflag:s23] =	ssyncadd.s32 $0xFFFFD800  }
0xb2: {  	[tilespmem:s8], [sflag:$0x5] =	stream.indirect.gather [hbm4b:s13+s6], $0x80, s22, s6, $0xb8;
	[tilespmem:$0x1E180] =	vst v63  }
0xb3: {  	_ = 	snop  }
0xb4: {  	[tilespmem:s9], [sflag:$0x2] =	stream.linear.gather [hbm4b:s20+s3], $0x50, $0x38;
	[tilespmem:$0x1E180] =	vst v63  }
0xb5: {  	_ =	swait.ge [sflag:s15], $0x2800  }
0xb6: {  	[sflag:s15] =	ssyncset.done $0x0  }
0xb7: {  	s21 =	sadd.s32 $0x190, s21;
	[sflag:s15] =	ssyncadd.s32 $0xFFFFD800  }
0xb8: {  	[tilespmem:s10], [sflag:$0x6] =	stream.indirect.gather [hbm4b:s13+s6], $0x80, s21, s6, $0xb8;
	[tilespmem:$0x1E180] =	vst v63  }
0xb9: {  	_ = 	snop  }
0xba: {  	[tilespmem:s11], [sflag:$0x3] =	stream.linear.gather [hbm4b:s19+s3], $0x50, $0x38;
	[tilespmem:$0x1E180] =	vst v63  }
0xbb: {  	_ =	swait.ge [sflag:s14], $0x2800  }
0xbc: {  	[sflag:s14] =	ssyncset.done $0x0  }
0xbd: {  	[sflag:s14] =	ssyncadd.s32 $0xFFFFD800  }
0xbe: {  	_ =	swait.ge [sflag:s5], $0x50  }
0xbf: {  	[sflag:s5] =	ssyncset.done $0x0  }
0xc0: {  	[sflag:s5] =	ssyncadd.s32 $0xFFFFFFB0  }
0xc1: {  	[spmem:s2] =	stream.indirect.scatter.add.f32 [tilespmem:s0], [sflag:$0x7], $0x80, s7, s6, $0xb8;
	[tilespmem:$0x1E180] =	vst v63  }
0xc2: {  	_ =	swait.ge [sflag:s24], $0x2800  }
0xc3: {  	[sflag:s24] =	ssyncset.done $0x0  }
0xc4: {  	[sflag:s24] =	ssyncadd.s32 $0xFFFFD800  }
0xc5: {  	_ =	swait.ge [sflag:s29], $0x50  }
0xc6: {  	[sflag:s29] =	ssyncset.done $0x0  }
0xc7: {  	[sflag:s29] =	ssyncadd.s32 $0xFFFFFFB0  }
0xc8: {  	[spmem:s2] =	stream.indirect.scatter.add.f32 [tilespmem:s8], [sflag:$0x8], $0x80, s9, s6, $0xb8;
	[tilespmem:$0x1E180] =	vst v63  }
0xc9: {  	_ =	swait.ge [sflag:s30], $0x2800  }
.Ltmp1:
0xca: {  	[sflag:s30] =	ssyncset.done $0x0;
	(pc) =	sbr.rel @p0 .LBB2_4-.Ltmp1, $4  }
0xcb: {  	[sflag:s30] =	ssyncadd.s32 $0xFFFFD800  }
0xcc: {  	_ =	swait.ge [sflag:s31], $0x50  }
0xcd: {  	s18 =	sadd.s32 $0xF0, s18;
	[sflag:s31] =	ssyncset.done $0x0  }
0xce: {  	s20 =	sadd.s32 $0x1E, s20;
	s19 =	sadd.s32 $0x1E, s19;
	[sflag:s31] =	ssyncadd.s32 $0xFFFFFFB0  }
0xcf: {  	[spmem:s2] =	stream.indirect.scatter.add.f32 [tilespmem:s10], [sflag:$0x9], $0x80, s11, s6, $0xb8;
	[tilespmem:$0x1E180] =	vst v63  }
0xd0: {  	_ =	swait.ge [sflag:s1], $0x2800  }
0xd1: {  	[sflag:s1] =	ssyncset.done $0x0  }
0xd2: {  	[sflag:s1] =	ssyncadd.s32 $0xFFFFD800  }
0xd3: {  	_ =	swait.ge [sflag:s23], $0x2800  }
0xd4: {  	[sflag:s23] =	ssyncset.done $0x0  }
0xd5: {  	[sflag:s23] =	ssyncadd.s32 $0xFFFFD800  }
0xd6: {  	_ =	swait.ge [sflag:s15], $0x2800  }
0xd7: {  	[sflag:s15] =	ssyncset.done $0x0  }
0xd8: {  	s17 =	rddreg [dreg:$0x17];
	[sflag:s15] =	ssyncadd.s32 $0xFFFFD800  }
0xd9: {  	[tilespmem:s7], [sflag:$0xA] =	stream.linear.gather [hbm4b:s17+s3], $0x50, $0x38;
	[tilespmem:$0x1E180] =	vst v63  }
0xda: {  	_ =	swait.ge [sflag:s4], $0x50  }
0xdb: {  	[sflag:s4] =	ssyncset.done $0x0  }
0xdc: {  	s25 =	simm.s32 $0x2670;
	[sflag:s4] =	ssyncadd.s32 $0xFFFFFFB0  }
0xdd: {  	[tilespmem:s0], [sflag:$0x4] =	stream.indirect.gather [hbm4b:s13+s6], $0x80, s25, s6, $0xb8;
	[tilespmem:$0x1E180] =	vst v63  }
0xde: {  	_ =	swait.ge [sflag:s14], $0x2800  }
0xdf: {  	[sflag:s14] =	ssyncset.done $0x0  }
0xe0: {  	[sflag:s14] =	ssyncadd.s32 $0xFFFFD800  }
0xe1: {  	[spmem:s2] =	stream.indirect.scatter.add.f32 [tilespmem:s0], [sflag:$0xA], $0x80, s7, s6, $0xb8;
	[tilespmem:$0x1E180] =	vst v63  }
0xe2: {  	_ =	swait.ge [sflag:s4], $0x2800  }
0xe3: {  	[sflag:s4] =	ssyncset.done $0x0  }
0xe4: {  	s18 =	rddreg [dreg:$0x18];
	[sflag:s4] =	ssyncadd.s32 $0xFFFFD800  }
0xe5: {  	[tilespmem:s7], [sflag:$0xA] =	stream.linear.gather [hbm4b:s18+s3], $0x50, $0x38;
	[tilespmem:$0x1E180] =	vst v63  }
0xe6: {  	_ =	swait.ge [sflag:s4], $0x50  }
0xe7: {  	[sflag:s4] =	ssyncset.done $0x0  }
0xe8: {  	s19 =	simm.s32 $0x26C0;
	[sflag:s4] =	ssyncadd.s32 $0xFFFFFFB0  }
0xe9: {  	[tilespmem:s0], [sflag:$0x4] =	stream.indirect.gather [hbm4b:s13+s6], $0x80, s19, s6, $0xb8;
	[tilespmem:$0x1E180] =	vst v63  }
0xea: {  	_ =	swait.ge [sflag:s14], $0x2800  }
0xeb: {  	[sflag:s14] =	ssyncset.done $0x0  }
0xec: {  	[sflag:s14] =	ssyncadd.s32 $0xFFFFD800  }
0xed: {  	[spmem:s2] =	stream.indirect.scatter.add.f32 [tilespmem:s0], [sflag:$0xA], $0x80, s7, s6, $0xb8;
	[tilespmem:$0x1E180] =	vst v63  }
0xee: {  	_ =	swait.ge [sflag:s4], $0x2800  }
0xef: {  	[sflag:s4] =	ssyncset.done $0x0  }
0xf0: {  	[sflag:s4] =	ssyncadd.s32 $0xFFFFD800  }
0xf1: {  	[bflag:$0x0] =	sbarrier.arrive $0xFFFF  }
0xf2: {  	[tilespmem:s0], [sflag:$0xA] =	stream.linear.gather [spmem:s26], $0x2800, $0x38;
	[tilespmem:$0x1E180] =	vst v63  }
0xf3: {  	_ =	swait.ge [sflag:s4], $0x2800  }
0xf4: {  	[sflag:s4] =	ssyncset.done $0x0  }
0xf5: {  	s20 =	rddreg [dreg:$0x3];
	[sflag:s4] =	ssyncadd.s32 $0xFFFFD800  }
0xf6: {  	[hbm4b:s20+s3] =	stream.linear.scatter [tilespmem:s0], [sflag:$0xA], $0x2800, $0x38;
	[tilespmem:$0x1E180] =	vst v63  }
0xf7: {  	_ =	swait.ge [sflag:s4], $0x2800  }
0xf8: {  	[sflag:s4] =	ssyncset.done $0x0  }
0xf9: {  	[sflag:s4] =	ssyncadd.s32 $0xFFFFD800  }
0xfa: {  	[tilespmem:s0], [sflag:$0xA] =	stream.linear.gather [spmem:s28], $0x2800, $0x38;
	[tilespmem:$0x1E180] =	vst v63  }
0xfb: {  	_ =	swait.ge [sflag:s4], $0x2800  }
0xfc: {  	[sflag:s4] =	ssyncset.done $0x0  }
0xfd: {  	s21 =	rddreg [dreg:$0x4];
	[sflag:s4] =	ssyncadd.s32 $0xFFFFD800  }
0xfe: {  	[hbm4b:s21+s3] =	stream.linear.scatter [tilespmem:s0], [sflag:$0xA], $0x2800, $0x38;
	[tilespmem:$0x1E180] =	vst v63  }
0xff: {  	_ =	swait.ge [sflag:s4], $0x2800  }
0x100: {  	[sflag:s4] =	ssyncset.done $0x0  }
0x101: {  	s21 =	rddreg [dreg:$0xc];
	[sflag:s4] =	ssyncadd.s32 $0xFFFFD800  }
0x102: {  	[tilespmem:s0], [sflag:$0xA] =	stream.linear.gather [spmem:s21], $0x2800, $0x38;
	[tilespmem:$0x1E180] =	vst v63  }
0x103: {  	_ =	swait.ge [sflag:s4], $0x2800  }
0x104: {  	[sflag:s4] =	ssyncset.done $0x0  }
0x105: {  	s22 =	rddreg [dreg:$0x5];
	[sflag:s4] =	ssyncadd.s32 $0xFFFFD800  }
0x106: {  	[hbm4b:s22+s3] =	stream.linear.scatter [tilespmem:s0], [sflag:$0xA], $0x2800, $0x38;
	[tilespmem:$0x1E180] =	vst v63  }
0x107: {  	_ =	swait.ge [sflag:s4], $0x2800  }
0x108: {  	[sflag:s4] =	ssyncset.done $0x0  }
0x109: {  	s22 =	rddreg [dreg:$0xd];
	[sflag:s4] =	ssyncadd.s32 $0xFFFFD800  }
0x10a: {  	[tilespmem:s0], [sflag:$0xA] =	stream.linear.gather [spmem:s22], $0x2800, $0x38;
	[tilespmem:$0x1E180] =	vst v63  }
0x10b: {  	_ =	swait.ge [sflag:s4], $0x2800  }
0x10c: {  	[sflag:s4] =	ssyncset.done $0x0  }
0x10d: {  	s25 =	rddreg [dreg:$0x6];
	[sflag:s4] =	ssyncadd.s32 $0xFFFFD800  }
0x10e: {  	[hbm4b:s25+s3] =	stream.linear.scatter [tilespmem:s0], [sflag:$0xA], $0x2800, $0x38;
	[tilespmem:$0x1E180] =	vst v63  }
0x10f: {  	_ =	swait.ge [sflag:s4], $0x2800  }
0x110: {  	[sflag:s4] =	ssyncset.done $0x0  }
0x111: {  	s25 =	rddreg [dreg:$0xe];
	[sflag:s4] =	ssyncadd.s32 $0xFFFFD800  }
0x112: {  	[tilespmem:s0], [sflag:$0xA] =	stream.linear.gather [spmem:s25], $0x2800, $0x38;
	[tilespmem:$0x1E180] =	vst v63  }
0x113: {  	_ =	swait.ge [sflag:s4], $0x2800  }
0x114: {  	[sflag:s4] =	ssyncset.done $0x0  }
0x115: {  	s19 =	smov.u32 s26;
	s26 =	rddreg [dreg:$0x7];
	[sflag:s4] =	ssyncadd.s32 $0xFFFFD800  }
0x116: {  	[hbm4b:s26+s3] =	stream.linear.scatter [tilespmem:s0], [sflag:$0xA], $0x2800, $0x38;
	[tilespmem:$0x1E180] =	vst v63  }
0x117: {  	_ =	swait.ge [sflag:s4], $0x2800  }
0x118: {  	[sflag:s4] =	ssyncset.done $0x0  }
0x119: {  	s20 =	smov.u32 s28;
	s28 =	rddreg [dreg:$0xf];
	[sflag:s4] =	ssyncadd.s32 $0xFFFFD800  }
0x11a: {  	[tilespmem:s0], [sflag:$0xA] =	stream.linear.gather [spmem:s28], $0x2800, $0x38;
	[tilespmem:$0x1E180] =	vst v63  }
0x11b: {  	_ =	swait.ge [sflag:s4], $0x2800  }
0x11c: {  	[sflag:s4] =	ssyncset.done $0x0  }
0x11d: {  	s18 =	rddreg [dreg:$0x8];
	[sflag:s4] =	ssyncadd.s32 $0xFFFFD800  }
0x11e: {  	[hbm4b:s18+s3] =	stream.linear.scatter [tilespmem:s0], [sflag:$0xA], $0x2800, $0x38;
	[tilespmem:$0x1E180] =	vst v63  }
0x11f: {  	_ =	swait.ge [sflag:s4], $0x2800  }
0x120: {  	[sflag:s4] =	ssyncset.done $0x0  }
0x121: {  	s26 =	rddreg [dreg:$0x10];
	[sflag:s4] =	ssyncadd.s32 $0xFFFFD800  }
0x122: {  	[tilespmem:s0], [sflag:$0xA] =	stream.linear.gather [spmem:s26], $0x2800, $0x38;
	[tilespmem:$0x1E180] =	vst v63  }
0x123: {  	_ =	swait.ge [sflag:s4], $0x2800  }
0x124: {  	[sflag:s4] =	ssyncset.done $0x0  }
0x125: {  	s28 =	rddreg [dreg:$0x9];
	[sflag:s4] =	ssyncadd.s32 $0xFFFFD800  }
0x126: {  	[hbm4b:s28+s3] =	stream.linear.scatter [tilespmem:s0], [sflag:$0xA], $0x2800, $0x38;
	[tilespmem:$0x1E180] =	vst v63  }
0x127: {  	_ =	swait.ge [sflag:s4], $0x2800  }
0x128: {  	[sflag:s4] =	ssyncset.done $0x0  }
0x129: {  	s18 =	rddreg [dreg:$0x11];
	[sflag:s4] =	ssyncadd.s32 $0xFFFFD800  }
0x12a: {  	[tilespmem:s0], [sflag:$0xA] =	stream.linear.gather [spmem:s18], $0x2800, $0x38;
	[tilespmem:$0x1E180] =	vst v63  }
0x12b: {  	_ =	swait.ge [sflag:s4], $0x2800  }
0x12c: {  	[sflag:s4] =	ssyncset.done $0x0  }
0x12d: {  	s26 =	rddreg [dreg:$0xa];
	[sflag:s4] =	ssyncadd.s32 $0xFFFFD800  }
0x12e: {  	[hbm4b:s26+s3] =	stream.linear.scatter [tilespmem:s0], [sflag:$0xA], $0x2800, $0x38;
	[tilespmem:$0x1E180] =	vst v63  }
0x12f: {  	_ =	swait.ge [sflag:s4], $0x2800  }
0x130: {  	s16 =	sadd.s32 $0x1, s16;
	s28 =	rddreg [dreg:$0x13]  }
0x131: {  	p0 =	sne.s32 s16, s28  }
.Ltmp2:
0x132: {  	_ = 	snop;
	(pc) =	sbr.rel @p0 .LBB2_1-.Ltmp2, $3  }
0x133: {  	_ =	sdelay $0x1  }
0x134: {  	[sflag:s4] =	ssyncset.done $0x0  }
0x135: {  	[sflag:s4] =	ssyncadd.s32 $0xFFFFD800  }
0x136: {  	_ =	sfence.sel $0x180000  }
0x137: {  	[bflag:$0x0] =	sbarrier.arrive $0xFFFF  }
0x138: {  	_ =	strace $0x9000004A  }
0x139: {  	s0 =	stileid.u32;
	[bflag:$0x2] =	sbarrier.arrive $0xFFFF  }
0x13a: {  	p0 =	sne.s32 s0, $0x0;
	s0 =	rddreg [dreg:$0x2]  }
0x13b: {  	s0 =	sadd.s32 @!p0 $0x100000, s0  }
0x13c: {  	[sflag:s0] =	ssyncadd.tile.s32 @!p0 $0x1;
	_ =	shalt  }
.Lfunc_end2:
_tile_overlayer_lowered:
.L_overlay_start_2:
0x13d: {  	(tag) =	ssettag $0x2  }
0x13e: {  	s0 =	rddreg [dreg:$0x0];
	s2 =	stileid.u32  }
0x13f: {  	s1 =	rddreg [dreg:$0x1];
	p0 =	sne.s32 s2, $0x0  }
0x140: {  	s3 =	rddreg [dreg:$0x2];
	[bflag:$0x3] =	sbarrier.arrive $0xFFFF;
	s2 =	simm.s32 @!p0 $0x1C0A  }
0x141: {  	[timem:s3], [sflag:s2] =	dma.local @!p0 [hbm:s0], s1  }
0x142: {  	s0 =	simm.s32 @!p0 $0xA  }
0x143: {  	_ =	swait.ge @!p0 [sflag:s0], s1  }
0x144: {  	s1 =	ssub.s32 @!p0 $0x0, s1;
	[sflag:s0] =	ssyncset.done @!p0 $0x0  }
0x145: {  	[sflag:s0] =	ssyncadd.s32 @!p0 s1  }
0x146: {  	[bflag:$0x3] =	sbarrier.arrive $0xFFFF  }
0x147: {  	_ =	shalt  }

// kernel: kernel.14.cloned.1.call-start
scs
__scs_entry_jumppad:
0x0: {  	(pc) =	sbr.rel $0x88, $3  }
0x1: {  	(tag) =	ssettag $0x0;
	lr =	simm.s32 $0x1  }
0x2: {  	[smem:$0x3F9B] =	sst lr;
	_ =	strace $0xD0000000  }
0x3: {  	_ = 	snop  }
0x4: {  	_ = 	snop  }
0x5: {  	_ = 	snop  }
0x6: {  	_ = 	snop  }
0x7: {  	_ = 	snop  }
__scs_overlays_trampoline_lowered:
0x8: {  	[smem:$0x3FAA] =	sst s0  }
0x9: {  	[smem:$0x3FAB] =	sst s1  }
0xa: {  	[smem:$0x3FAC] =	sst s2  }
0xb: {  	[smem:$0x3FAD] =	sst s3  }
0xc: {  	[smem:$0x3FAE] =	sst s4  }
0xd: {  	[smem:$0x3FAF] =	sst s5  }
0xe: {  	[smem:$0x3FB0] =	sst s6  }
0xf: {  	[smem:$0x3FB1] =	sst s7  }
0x10: {  	[smem:$0x3FB2] =	sst s8  }
0x11: {  	[smem:$0x3FB3] =	sst s9;
	s0 =	simm.s32 @!p0 $0x0  }
0x12: {  	s1 =	sld [smem:$0x3F99];
	s0 =	simm.s32 @p0 $0x1  }
0x13: {  	[smem:$0x3FB4] =	sst s0;
	s0 =	simm.s32 @!p1 $0x0  }
0x14: {  	s2 =	sld [smem:$0x3F98];
	s0 =	simm.s32 @p1 $0x1  }
0x15: {  	[smem:$0x3FB5] =	sst s0;
	s0 =	simm.s32 @!p2 $0x0  }
0x16: {  	s3 =	sld [smem:$0x3FDB];
	s0 =	simm.s32 @p2 $0x1  }
0x17: {  	s4 =	simm.s32 $0x1BF5;
	[smem:$0x3FB7] =	sst s0  }
0x18: {  	s0 =	sld [smem:$0x3F9A];
	_ =	swait.ge [sflag:s4], $0x0  }
0x19: {  	s7 =	sld [smem:$0x3F9B]  }
0x1a: {  	s8 =	sadd.s32 $0xFFFFE003, lr  }
0x1b: {  	s9 =	sadd.s32 $0xFFFFFEF7, lr;
	s5 =	simm.s32 $0xFFFFFFFF;
	p2 =	slt.u32 s8, $0xFFFFF086  }
0x1c: {  	p1 =	slt.u32 s9, $0xF7A;
	s5 =	simm.s32 @!p2 $0x0  }
0x1d: {  	s5 =	simm.s32 @p1 $0x1;
	p0 =	seq.s32 s7, s2  }
0x1e: {  	s7 =	smul.u32 @!p0 $0xF7A, s2;
	p2 =	seq.s32 @!p0 s5, $0x0  }
0x1f: {  	s9 =	smul.u32 $0xF7A, s1;
	s8 =	simm.s32 @!p0 $0x1BF5;
	p2 =	por !p2, p0  }
0x20: {  	[sflag:s8] =	ssyncset.s32 @!p0 $0xFFFFF086;
	s6 =	sadd.s32 @!p0 s3, s7;
	s7 =	simm.s32 @!p0 $0x108  }
0x21: {  	s3 =	sadd.s32 s3, s9;
	s6 =	sadd.s32 @!p0 $0x88, s6;
	s7 =	simm.s32 @p2 $0x1082  }
0x22: {  	[simem:s7], [sflag:s8] =	dma.local @!p0 [hbm:s6], $0xF7A  }
0x23: {  	s9 =	sor.u32 $0xD0000000, s2;
	s6 =	simm.s32 $0x108;
	_ =	swait.ge @!p0 [sflag:s8], $0x0  }
0x24: {  	s3 =	sadd.s32 $0x88, s3;
	s6 =	simm.s32 @!p1 $0x1082;
	[sflag:s4] =	ssyncset.s32 $0xFFFFF086  }
0x25: {  	[simem:s6], [sflag:s4] =	dma.local [hbm:s3], $0xF7A  }
0x26: {  	[smem:$0x3F9B] =	sst s1;
	(tag) =	ssettag s2;
	_ =	strace s9  }
0x27: {  	s1 =	sld [smem:$0x3FAB]  }
0x28: {  	s2 =	sld [smem:$0x3FAC]  }
0x29: {  	s4 =	sld [smem:$0x3FAE]  }
0x2a: {  	p0 =	seq.s32 s5, $0x0;
	s5 =	sld [smem:$0x3FAF]  }
0x2b: {  	s6 =	sld [smem:$0x3FB0]  }
0x2c: {  	s7 =	sld [smem:$0x3FB1]  }
0x2d: {  	s3 =	simm.s32 $0x108;
	s8 =	sld [smem:$0x3FB2]  }
0x2e: {  	s3 =	simm.s32 @!p0 $0x1082;
	s9 =	sld [smem:$0x3FB3]  }
0x2f: {  	lr =	sadd.s32 s0, s3;
	s0 =	sld [smem:$0x3FAA]  }
0x30: {  	s3 =	sld [smem:$0x3FAD]  }
0x31: {  	[smem:$0x3FB6] =	sst s10  }
0x32: {  	s10 =	sld [smem:$0x3FB4];
	_ =	sdelay $0x3  }
0x33: {  	p0 =	seq.s32 s10, $0x1;
	s10 =	sld [smem:$0x3FB6];
	_ =	sdelay $0x3  }
0x34: {  	[smem:$0x3FB6] =	sst s10  }
0x35: {  	s10 =	sld [smem:$0x3FB5];
	_ =	sdelay $0x3  }
0x36: {  	p1 =	seq.s32 s10, $0x1;
	s10 =	sld [smem:$0x3FB6];
	_ =	sdelay $0x3  }
0x37: {  	[smem:$0x3FB6] =	sst s10  }
0x38: {  	s10 =	sld [smem:$0x3FB7]  }
0x39: {  	_ = 	snop;
	(pc) =	sbr.ind lr, $3  }
0x3a: {  	_ = 	snop  }
0x3b: {  	_ = 	snop  }
0x3c: {  	p2 =	seq.s32 s10, $0x1;
	s10 =	sld [smem:$0x3FB6]  }
0x3d: {  	_ =	shalt  }
0x3e: {  	_ =	shalt  }
0x3f: {  	_ =	shalt  }
0x40: {  	_ =	shalt  }
0x41: {  	_ =	shalt  }
0x42: {  	_ =	shalt  }
0x43: {  	_ =	shalt  }
0x44: {  	_ =	shalt  }
0x45: {  	_ =	shalt  }
0x46: {  	_ =	shalt  }
0x47: {  	_ =	shalt  }
0x48: {  	_ =	shalt  }
0x49: {  	_ =	shalt  }
0x4a: {  	_ =	shalt  }
0x4b: {  	_ =	shalt  }
0x4c: {  	_ =	shalt  }
0x4d: {  	_ =	shalt  }
0x4e: {  	_ =	shalt  }
0x4f: {  	_ =	shalt  }
0x50: {  	_ =	shalt  }
0x51: {  	_ =	shalt  }
0x52: {  	_ =	shalt  }
0x53: {  	_ =	shalt  }
0x54: {  	_ =	shalt  }
0x55: {  	_ =	shalt  }
0x56: {  	_ =	shalt  }
0x57: {  	_ =	shalt  }
0x58: {  	_ =	shalt  }
0x59: {  	_ =	shalt  }
0x5a: {  	_ =	shalt  }
0x5b: {  	_ =	shalt  }
0x5c: {  	_ =	shalt  }
0x5d: {  	_ =	shalt  }
0x5e: {  	_ =	shalt  }
0x5f: {  	_ =	shalt  }
0x60: {  	_ =	shalt  }
0x61: {  	_ =	shalt  }
0x62: {  	_ =	shalt  }
0x63: {  	_ =	shalt  }
0x64: {  	_ =	shalt  }
0x65: {  	_ =	shalt  }
0x66: {  	_ =	shalt  }
0x67: {  	_ =	shalt  }
0x68: {  	_ =	shalt  }
0x69: {  	_ =	shalt  }
0x6a: {  	_ =	shalt  }
0x6b: {  	_ =	shalt  }
0x6c: {  	_ =	shalt  }
0x6d: {  	_ =	shalt  }
0x6e: {  	_ =	shalt  }
0x6f: {  	_ =	shalt  }
0x70: {  	_ =	shalt  }
0x71: {  	_ =	shalt  }
0x72: {  	_ =	shalt  }
0x73: {  	_ =	shalt  }
0x74: {  	_ =	shalt  }
0x75: {  	_ =	shalt  }
0x76: {  	_ =	shalt  }
0x77: {  	_ =	shalt  }
0x78: {  	_ =	shalt  }
0x79: {  	_ =	shalt  }
0x7a: {  	_ =	shalt  }
0x7b: {  	_ =	shalt  }
0x7c: {  	_ =	shalt  }
0x7d: {  	_ =	shalt  }
0x7e: {  	_ =	shalt  }
0x7f: {  	_ =	shalt  }
0x80: {  	_ =	shalt  }
0x81: {  	_ =	shalt  }
0x82: {  	_ =	shalt  }
0x83: {  	_ =	shalt  }
0x84: {  	_ =	shalt  }
0x85: {  	_ =	shalt  }
0x86: {  	_ =	shalt  }
0x87: {  	_ =	shalt  }
.Lfunc_end0:
.L_simem_size_0:
called_computation.2_lowered:
.L_overlay_start_0:
0x88: {  	s2 =	sld [smem:$0x3FD9]  }
0x89: {  	s3 =	sld [smem:$0x3FFE];
	_ =	sdelay $0x1  }
0x8a: {  	s1 =	srdreg.scid  }
0x8b: {  	s0 =	sand.u32 $0x1, s1  }
0x8c: {  	s16 =	sshll.u32 s0, $0xA;
	s2 =	sadd.s32 s3, s2  }
0x8d: {  	s2 =	sadd.s32 s2, s16  }
0x8e: {  	[smem:$0x3FC2] =	sst s2  }
0x8f: {  	_ = 	snop  }
0x90: {  	(tm) =	ssettm $0x1  }
0x91: {  	s17 =	sld [smem:$0x3FFB];
	_ =	sdelay $0x3  }
0x92: {  	_ =	strace s17  }
0x93: {  	s2 =	sld [smem:$0x3FFC];
	_ =	sdelay $0x3  }
0x94: {  	_ =	strace s2  }
0x95: {  	s2 =	sld [smem:$0x3FFD];
	_ =	sdelay $0x3  }
0x96: {  	_ =	strace s2  }
0x97: {  	_ =	strace $0x8FFFFFFF  }
0x98: {  	s18 =	sld [smem:$0x3FDB];
	_ =	sdelay $0x1  }
0x99: {  	s19 =	simm.s32 $_scs_section_size  }
0x9a: {  	s4 =	simm.s32 $_size__tile_overlayer_lowered;
	s5 =	simm.s32 $_tile_overlayer_lowered  }
0x9b: {  	s22 =	simm.s32 $0x1BFF;
	s21 =	sshll.u32 s5, $0x1;
	s2 =	sadd.s32 s19, s18  }
0x9c: {  	s6 =	simm.s32 $0x0;
	s20 =	sshll.u32 s4, $0x1;
	s4 =	sadd.s32 s21, s2  }
0x9d: {  	[timem:s6], [sflag:s22] =	dma.local [hbm:s4], s20  }
0x9e: {  	_ =	swait.ge [sflag:s22], s20  }
0x9f: {  	s3 =	ssub.s32 $0x0, s20;
	[sflag:s22] =	ssyncset.done $0x0  }
0xa0: {  	[sflag:s22] =	ssyncadd.s32 s3;
	_ =	sdelay $0x1  }
0xa1: {  	s23 =	simm.s32 $0x1B8B  }
0xa2: {  	_ =	swait.ge [sflag:s23], $0x1  }
0xa3: {  	[sflag:s23] =	ssyncset.done $0x0  }
0xa4: {  	s25 =	simm.s32 $0x1B8E;
	s24 =	sld [smem:$0x3FFE];
	[sflag:s23] =	ssyncadd.s32 $0xFFFFFFFF  }
0xa5: {  	s26 =	simm.s32 $execute0_lowered;
	[smem:$0x3FD2] =	sst s25  }
0xa6: {  	s4 =	sshll.u32 s26, $0x1;
	_ =	strace $0x8000004C;
	[dreg:$0x1] =	wrdreg $0xFFFFFFFF  }
0xa7: {  	s28 =	simm.s32 $_size_execute0_lowered;
	s2 =	sadd.s32 s2, s4;
	[dreg:$0x0] =	wrdreg $0x0  }
0xa8: {  	s4 =	sshll.u32 s28, $0x1;
	[dreg:$0x2] =	wrdreg s2  }
0xa9: {  	[dreg:$0x3] =	wrdreg s4  }
0xaa: {  	[dreg:$0x4] =	wrdreg $0xC0  }
0xab: {  	_ =	task [dreg:s6], $0x5FFFF  }
0xac: {  	[dreg:$0x1] =	wrdreg $0xFFFFFFFF  }
0xad: {  	[dreg:$0x0] =	wrdreg $0x60  }
0xae: {  	[dreg:$0x2] =	wrdreg s24  }
0xaf: {  	[dreg:$0x3] =	wrdreg $0xA1800  }
0xb0: {  	[dreg:$0x4] =	wrdreg $0x9  }
0xb1: {  	_ =	task.clear_ibuf [dreg:s6], $0x5FFFF;
	_ =	strace $0x9000004C  }
0xb2: {  	s29 =	simm.s32 $0x9;
	_ =	strace $0x8000004E  }
0xb3: {  	_ =	swait.ge [sflag:s29], $0x1  }
0xb4: {  	[sflag:s29] =	ssyncadd.s32 $0xFFFFFFFF  }
0xb5: {  	_ =	strace $0x9000004E  }
0xb6: {  	_ =	sfence  }
0xb7: {  	s30 =	sld [smem:$0x0];
	_ =	sdelay $0x2  }
0xb8: {  	s31 =	sshll.u32 s1, $0xD;
	s1 =	sshrl.u32 s1, $0x2  }
0xb9: {  	s3 =	sand.u32 $0x4000, s31;
	s1 =	sadd.s32 s1, s30  }
0xba: {  	s0 =	sor.u32 s3, s0;
	s1 =	sshll.u32 s1, $0x11  }
0xbb: {  	s0 =	sor.u32 s1, s0  }
0xbc: {  	s0 =	sadd.s32 $0x8F2B, s0  }
0xbd: {  	[sflag:s0] =	ssyncadd.remote.s32 $0x1  }
0xbe: {  	_ =	sfence.sel $0xFFFF  }
0xbf: {  	[dreg:$0x0] =	wrdreg $0xFFFFFFFF;
	(pc) =	sbr.abs _section_cstart, $3  }
0xc0: {  	[dreg:$0x1] =	wrdreg $0xFFFFFFFF  }
0xc1: {  	_ =	task.clear_ibuf [dreg:s6], $0x2FFFF;
	_ =	strace $0x9FFFFFFF  }
0xc2: {  	(tm) =	ssettm $0x7FFFFFFF  }
0xc3: {  	_ =	shalt  }
tec
execute0_lowered:
.L_overlay_start_1:
0x0: {  	(tag) =	ssettag $0x1  }
0x1: {  	s0 =	rddreg [dreg:$0x0];
	s1 =	srdreg.scid  }
0x2: {  	s19 =	stileid.u32;
	s2 =	rddreg [dreg:$0x1]  }
0x3: {  	s3 =	simm.s32 $0x0;
	s29 =	simm.s32 $0x2;
	s30 =	simm.s32 $0x6  }
0x4: {  	s31 =	simm.s32 $0x3;
	s1 =	sand.u32 $0x1, s1;
	s6 =	smul.u32 $0x14000, s19  }
0x5: {  	s4 =	sshll.u32 s19, $0x1;
	[smem:$0x7FF] =	sst s3;
	s24 =	smul.u32 $0x4E20, s19  }
0x6: {  	s7 =	sadd.s32 $0x3C800, s0;
	s4 =	sor.u32 s1, s4;
	s12 =	smul.u32 $0x140000, s1  }
0x7: {  	_ =	strace $0x8000004D;
	s5 =	ssub.s32 $0x2, s1;
	s1 =	smul.u32 $0x2710, s1  }
0x8: {  	s4 =	smul.u32 $0x2710, s4;
	s8 =	sshrl.u32 s5, $0x1;
	s9 =	sor.u32 $0x2800, s6  }
0x9: {  	s10 =	sadd.s32 $0x5000, s6;
	s11 =	sadd.s32 $0x7800, s6;
	s14 =	sadd.s32 $0xA000, s6  }
0xa: {  	s15 =	sadd.s32 $0xC800, s6;
	s16 =	sadd.s32 $0xF000, s6;
	s17 =	sadd.s32 $0x11800, s6  }
0xb: {  	s5 =	ssub.s32 s5, s8;
	s8 =	smul.u32 $0x50000, s19;
	s6 =	sadd.s32 s6, s12  }
0xc: {  	s13 =	sadd.s32 s12, s9;
	s18 =	sadd.s32 s12, s10;
	s20 =	sadd.s32 s12, s15  }
0xd: {  	s23 =	sadd.s32 s12, s16;
	s1 =	sadd.s32 s1, s24;
	s4 =	sshrl.u32 s4, $0x3  }
0xe: {  	s6 =	sshrl.u32 s6, $0x3;
	s13 =	sshrl.u32 s13, $0x3;
	s28 =	sshrl.u32 s18, $0x3  }
0xf: {  	s18 =	sadd.s32 s12, s14;
	s22 =	sshrl.u32 s20, $0x3;
	s20 =	sadd.s32 s9, s2  }
0x10: {  	s9 =	sadd.s32 s15, s2;
	s5 =	smax.u32 s5, $0x1;
	s6 =	sadd.s32 s7, s6  }
0x11: {  	s26 =	sadd.s32 s7, s13;
	s13 =	sadd.s32 s12, s11;
	[dreg:$0xf] =	wrdreg s9  }
0x12: {  	s12 =	sadd.s32 s12, s17;
	s8 =	sshrl.u32 s8, $0x2;
	[dreg:$0x13] =	wrdreg s5  }
0x13: {  	s5 =	simm.s32 $0x1;
	s9 =	simm.s32 $0x2800;
	[dreg:$0x3] =	wrdreg s6  }
0x14: {  	[dreg:$0x4] =	wrdreg s26;
	s6 =	sadd.s32 s7, s28;
	s12 =	sshrl.u32 s12, $0x3  }
0x15: {  	[dreg:$0x5] =	wrdreg s6;
	s6 =	sshrl.u32 s13, $0x3;
	s26 =	sadd.s32 s7, s12  }
0x16: {  	s13 =	sshrl.u32 s18, $0x3;
	s18 =	sadd.s32 $0xF0, s1;
	[dreg:$0xa] =	wrdreg s26  }
0x17: {  	s28 =	sadd.s32 s4, s0;
	s6 =	sadd.s32 s7, s6;
	[dreg:$0x16] =	wrdreg s18  }
0x18: {  	s12 =	sadd.s32 $0x1A00, s0;
	s21 =	sadd.s32 s7, s13;
	[dreg:$0x6] =	wrdreg s6  }
0x19: {  	s19 =	sadd.s32 s8, s2;
	s15 =	sadd.s32 s12, s4;
	[dreg:$0x7] =	wrdreg s21  }
0x1a: {  	s13 =	sshrl.u32 s23, $0x3;
	s6 =	sadd.s32 s7, s22;
	[dreg:$0x12] =	wrdreg s15  }
0x1b: {  	s8 =	simm.s32 $0x5180;
	s25 =	sadd.s32 s7, s13;
	[dreg:$0x8] =	wrdreg s6  }
0x1c: {  	s4 =	simm.s32 $0xA;
	s7 =	sadd.s32 $0xB800, s28;
	[dreg:$0x9] =	wrdreg s25  }
0x1d: {  	s21 =	sadd.s32 s10, s2;
	s10 =	sadd.s32 s16, s2;
	[dreg:$0xb] =	wrdreg s7  }
0x1e: {  	s22 =	sadd.s32 s11, s2;
	s11 =	sadd.s32 s17, s2;
	[dreg:$0x10] =	wrdreg s10  }
0x1f: {  	s13 =	sadd.s32 $0x15600, s0;
	s23 =	sadd.s32 $0x4CE, s15;
	[dreg:$0x11] =	wrdreg s11  }
0x20: {  	s16 =	sadd.s32 $0x140, s1;
	s24 =	sadd.s32 $0x4D8, s15;
	[dreg:$0x17] =	wrdreg s23  }
0x21: {  	s26 =	sadd.s32 $0xA, s15;
	s28 =	sadd.s32 $0x14, s15;
	[dreg:$0x18] =	wrdreg s24  }
0x22: {  	s15 =	simm.s32 $0x9;
	s25 =	sadd.s32 s14, s2;
	[dreg:$0x19] =	wrdreg s26  }
0x23: {  	s14 =	sadd.s32 $0x190, s1;
	s17 =	sshrl.u32 s16, $0x3;
	[dreg:$0x1a] =	wrdreg s28  }
0x24: {  	s6 =	simm.s32 $0x50;
	s7 =	simm.s32 $0x2780;
	s10 =	simm.s32 $0x7980  }
0x25: {  	s11 =	simm.s32 $0x2880;
	s24 =	simm.s32 $0x5;
	[dreg:$0xc] =	wrdreg s21  }
0x26: {  	s1 =	simm.s32 $0x7;
	[dreg:$0xd] =	wrdreg s22;
	s0 =	sshrl.u32 s14, $0x3  }
0x27: {  	s23 =	simm.s32 $0x8;
	[dreg:$0xe] =	wrdreg s25;
	s0 =	sadd.s32 s0, s12  }
0x28: {  	s16 =	simm.s32 $0x0;
	[dreg:$0x14] =	wrdreg s0;
	s0 =	sadd.s32 s17, s12  }
0x29: {  	v0 =	vimm.f32 $0.0e+00;
	s14 =	simm.s32 $0x4;
	[dreg:$0x15] =	wrdreg s0;
	s0 =	simm.s32 $0x2980  }
.LBB2_1:
0x2a: {  	s17 =	rddreg [dreg:$0xb]  }
0x2b: {  	[tilespmem:s3], [sflag:$0x1] =	stream.linear.gather [hbm4b:s17+s3], $0x2710, $0x38;
	[tilespmem:$0x1E180] =	vst v63  }
0x2c: {  	s18 =	simm.s32 $0x200;
	s17 =	simm.s32 $0x0  }
.LBB2_2:
0x2d: {  	p0 =	sne.s32 s18, $0x9E00;
	[tilespmem:s17+$0x29F0] =	vst v0  }
0x2e: {  	[tilespmem:s17+$0x2980] =	vst v0  }
0x2f: {  	[tilespmem:s17+$0x2990] =	vst v0  }
.Ltmp0:
0x30: {  	[tilespmem:s17+$0x29A0] =	vst v0;
	(pc) =	sbr.rel @p0 .LBB2_2-.Ltmp0, $4  }
0x31: {  	[tilespmem:s17+$0x29B0] =	vst v0  }
0x32: {  	[tilespmem:s17+$0x29C0] =	vst v0  }
0x33: {  	[tilespmem:s17+$0x29D0] =	vst v0  }
0x34: {  	[tilespmem:s17+$0x29E0] =	vst v0;
	s17 =	sshra.s32 s18, $0x2;
	s18 =	sadd.s32 $0x200, s18  }
0x35: {  	[tilespmem:s17+$0x29F0] =	vst v0  }
0x36: {  	[tilespmem:s17+$0x2980] =	vst v0  }
0x37: {  	[tilespmem:s17+$0x2990] =	vst v0  }
0x38: {  	[tilespmem:s17+$0x29A0] =	vst v0  }
0x39: {  	[tilespmem:s17+$0x29B0] =	vst v0  }
0x3a: {  	[tilespmem:s17+$0x29C0] =	vst v0  }
0x3b: {  	[tilespmem:s17+$0x29D0] =	vst v0  }
0x3c: {  	[tilespmem:s17+$0x29E0] =	vst v0  }
0x3d: {  	[spmem:s19] =	stream.linear.scatter [tilespmem:s0], [sflag:$0xA], $0x2800, $0x38;
	[tilespmem:$0x1E180] =	vst v63  }
0x3e: {  	_ =	swait.ge [sflag:s4], $0x2800  }
0x3f: {  	[sflag:s4] =	ssyncset.done $0x0  }
0x40: {  	[sflag:s4] =	ssyncadd.s32 $0xFFFFD800  }
0x41: {  	[spmem:s20] =	stream.linear.scatter [tilespmem:s0], [sflag:$0xA], $0x2800, $0x38;
	[tilespmem:$0x1E180] =	vst v63  }
0x42: {  	_ =	swait.ge [sflag:s4], $0x2800  }
0x43: {  	[sflag:s4] =	ssyncset.done $0x0  }
0x44: {  	[sflag:s4] =	ssyncadd.s32 $0xFFFFD800  }
0x45: {  	[spmem:s21] =	stream.linear.scatter [tilespmem:s0], [sflag:$0xA], $0x2800, $0x38;
	[tilespmem:$0x1E180] =	vst v63  }
0x46: {  	_ =	swait.ge [sflag:s4], $0x2800  }
0x47: {  	[sflag:s4] =	ssyncset.done $0x0  }
0x48: {  	[sflag:s4] =	ssyncadd.s32 $0xFFFFD800  }
0x49: {  	[spmem:s22] =	stream.linear.scatter [tilespmem:s0], [sflag:$0xA], $0x2800, $0x38;
	[tilespmem:$0x1E180] =	vst v63  }
0x4a: {  	_ =	swait.ge [sflag:s4], $0x2800  }
0x4b: {  	[sflag:s4] =	ssyncset.done $0x0  }
0x4c: {  	[sflag:s4] =	ssyncadd.s32 $0xFFFFD800  }
0x4d: {  	[spmem:s25] =	stream.linear.scatter [tilespmem:s0], [sflag:$0xA], $0x2800, $0x38;
	[tilespmem:$0x1E180] =	vst v63  }
0x4e: {  	_ =	swait.ge [sflag:s4], $0x2800  }
0x4f: {  	[sflag:s4] =	ssyncset.done $0x0  }
0x50: {  	s28 =	smov.u32 s20;
	s20 =	rddreg [dreg:$0xf];
	[sflag:s4] =	ssyncadd.s32 $0xFFFFD800  }
0x51: {  	[spmem:s20] =	stream.linear.scatter [tilespmem:s0], [sflag:$0xA], $0x2800, $0x38;
	[tilespmem:$0x1E180] =	vst v63  }
0x52: {  	_ =	swait.ge [sflag:s4], $0x2800  }
0x53: {  	[sflag:s4] =	ssyncset.done $0x0  }
0x54: {  	s21 =	rddreg [dreg:$0x10];
	[sflag:s4] =	ssyncadd.s32 $0xFFFFD800  }
0x55: {  	[spmem:s21] =	stream.linear.scatter [tilespmem:s0], [sflag:$0xA], $0x2800, $0x38;
	[tilespmem:$0x1E180] =	vst v63  }
0x56: {  	_ =	swait.ge [sflag:s4], $0x2800  }
0x57: {  	[sflag:s4] =	ssyncset.done $0x0  }
0x58: {  	s22 =	rddreg [dreg:$0x11];
	[sflag:s4] =	ssyncadd.s32 $0xFFFFD800  }
0x59: {  	[spmem:s22] =	stream.linear.scatter [tilespmem:s0], [sflag:$0xA], $0x2800, $0x38;
	[tilespmem:$0x1E180] =	vst v63  }
0x5a: {  	_ =	swait.ge [sflag:s4], $0x2800  }
0x5b: {  	[sflag:s4] =	ssyncset.done $0x0  }
0x5c: {  	[sflag:s4] =	ssyncadd.s32 $0xFFFFD800  }
0x5d: {  	_ =	swait.ge [sflag:s5], $0x2710  }
0x5e: {  	[sflag:s5] =	ssyncset.done $0x0  }
0x5f: {  	[sflag:s5] =	ssyncadd.s32 $0xFFFFD8F0  }
0x60: {  	s25 =	simm.s32 $0x0;
	[bflag:$0x0] =	sbarrier.arrive $0xFFFF  }
0x61: {  	[tilespmem:s0], [sflag:$0x4] =	stream.indirect.gather [hbm4b:s13+s6], $0x80, s25, s6, $0xb8;
	[tilespmem:$0x1E180] =	vst v63  }
0x62: {  	s18 =	rddreg [dreg:$0x12]  }
0x63: {  	[tilespmem:s7], [sflag:$0x1] =	stream.linear.gather [hbm4b:s18+s25], $0x50, $0x38;
	[tilespmem:$0x1E180] =	vst v63  }
0x64: {  	_ = 	snop  }
0x65: {  	[tilespmem:s8], [sflag:$0x5] =	stream.indirect.gather [hbm4b:s13+s6], $0x80, s6, s6, $0xb8;
	[tilespmem:$0x1E180] =	vst v63  }
0x66: {  	s26 =	smov.u32 s19;
	s19 =	rddreg [dreg:$0x19]  }
0x67: {  	[tilespmem:s9], [sflag:$0x2] =	stream.linear.gather [hbm4b:s19+s25], $0x50, $0x38;
	[tilespmem:$0x1E180] =	vst v63  }
0x68: {  	s20 =	simm.s32 $0xA0  }
0x69: {  	[tilespmem:s10], [sflag:$0x6] =	stream.indirect.gather [hbm4b:s13+s6], $0x80, s20, s6, $0xb8;
	[tilespmem:$0x1E180] =	vst v63  }
0x6a: {  	s21 =	rddreg [dreg:$0x1a]  }
0x6b: {  	[tilespmem:s11], [sflag:$0x3] =	stream.linear.gather [hbm4b:s21+s25], $0x50, $0x38;
	[tilespmem:$0x1E180] =	vst v63  }
0x6c: {  	_ =	swait.ge [sflag:s14], $0x2800  }
0x6d: {  	[sflag:s14] =	ssyncset.done $0x0  }
0x6e: {  	[sflag:s14] =	ssyncadd.s32 $0xFFFFD800  }
0x6f: {  	_ =	swait.ge [sflag:s5], $0x50  }
0x70: {  	[sflag:s5] =	ssyncset.done $0x0  }
0x71: {  	[sflag:s5] =	ssyncadd.s32 $0xFFFFFFB0  }
0x72: {  	[spmem:s2] =	stream.indirect.scatter.add.f32 [tilespmem:s0], [sflag:$0x7], $0x80, s7, s6, $0xb8;
	[tilespmem:$0x1E180] =	vst v63  }
0x73: {  	_ =	swait.ge [sflag:s24], $0x2800  }
0x74: {  	[sflag:s24] =	ssyncset.done $0x0  }
0x75: {  	[sflag:s24] =	ssyncadd.s32 $0xFFFFD800  }
0x76: {  	_ =	swait.ge [sflag:s29], $0x50  }
0x77: {  	[sflag:s29] =	ssyncset.done $0x0  }
0x78: {  	[sflag:s29] =	ssyncadd.s32 $0xFFFFFFB0  }
0x79: {  	[spmem:s2] =	stream.indirect.scatter.add.f32 [tilespmem:s8], [sflag:$0x8], $0x80, s9, s6, $0xb8;
	[tilespmem:$0x1E180] =	vst v63  }
0x7a: {  	_ =	swait.ge [sflag:s30], $0x2800  }
0x7b: {  	[sflag:s30] =	ssyncset.done $0x0  }
0x7c: {  	[sflag:s30] =	ssyncadd.s32 $0xFFFFD800  }
0x7d: {  	_ =	swait.ge [sflag:s31], $0x50  }
0x7e: {  	[sflag:s31] =	ssyncset.done $0x0  }
0x7f: {  	[sflag:s31] =	ssyncadd.s32 $0xFFFFFFB0  }
0x80: {  	[spmem:s2] =	stream.indirect.scatter.add.f32 [tilespmem:s10], [sflag:$0x9], $0x80, s11, s6, $0xb8;
	[tilespmem:$0x1E180] =	vst v63  }
0x81: {  	_ =	swait.ge [sflag:s1], $0x2800  }
0x82: {  	[sflag:s1] =	ssyncset.done $0x0;
	s21 =	rddreg [dreg:$0x16]  }
0x83: {  	s22 =	simm.s32 $0xF0;
	[sflag:s1] =	ssyncadd.s32 $0xFFFFD800;
	s25 =	sshrl.u32 s21, $0x3  }
0x84: {  	[tilespmem:s0], [sflag:$0x4] =	stream.indirect.gather [hbm4b:s13+s6], $0x80, s22, s6, $0xb8;
	[tilespmem:$0x1E180] =	vst v63  }
0x85: {  	s19 =	sadd.s32 s12, s25  }
0x86: {  	[tilespmem:s7], [sflag:$0x1] =	stream.linear.gather [hbm4b:s19+s3], $0x50, $0x38;
	[tilespmem:$0x1E180] =	vst v63  }
0x87: {  	_ =	swait.ge [sflag:s23], $0x2800  }
0x88: {  	[sflag:s23] =	ssyncset.done $0x0  }
0x89: {  	s20 =	simm.s32 $0x140;
	[sflag:s23] =	ssyncadd.s32 $0xFFFFD800  }
0x8a: {  	[tilespmem:s8], [sflag:$0x5] =	stream.indirect.gather [hbm4b:s13+s6], $0x80, s20, s6, $0xb8;
	[tilespmem:$0x1E180] =	vst v63  }
0x8b: {  	s20 =	rddreg [dreg:$0x15]  }
0x8c: {  	[tilespmem:s9], [sflag:$0x2] =	stream.linear.gather [hbm4b:s20+s3], $0x50, $0x38;
	[tilespmem:$0x1E180] =	vst v63  }
0x8d: {  	_ =	swait.ge [sflag:s15], $0x2800  }
0x8e: {  	[sflag:s15] =	ssyncset.done $0x0  }
0x8f: {  	s22 =	simm.s32 $0x190;
	[sflag:s15] =	ssyncadd.s32 $0xFFFFD800  }
0x90: {  	[tilespmem:s10], [sflag:$0x6] =	stream.indirect.gather [hbm4b:s13+s6], $0x80, s22, s6, $0xb8;
	[tilespmem:$0x1E180] =	vst v63  }
0x91: {  	s25 =	rddreg [dreg:$0x14]  }
0x92: {  	[tilespmem:s11], [sflag:$0x3] =	stream.linear.gather [hbm4b:s25+s3], $0x50, $0x38;
	[tilespmem:$0x1E180] =	vst v63  }
0x93: {  	_ =	swait.ge [sflag:s14], $0x2800  }
0x94: {  	[sflag:s14] =	ssyncset.done $0x0  }
0x95: {  	[sflag:s14] =	ssyncadd.s32 $0xFFFFD800  }
0x96: {  	_ =	swait.ge [sflag:s5], $0x50  }
0x97: {  	[sflag:s5] =	ssyncset.done $0x0  }
0x98: {  	[sflag:s5] =	ssyncadd.s32 $0xFFFFFFB0  }
0x99: {  	[spmem:s2] =	stream.indirect.scatter.add.f32 [tilespmem:s0], [sflag:$0x7], $0x80, s7, s6, $0xb8;
	[tilespmem:$0x1E180] =	vst v63  }
0x9a: {  	_ =	swait.ge [sflag:s24], $0x2800  }
0x9b: {  	[sflag:s24] =	ssyncset.done $0x0  }
0x9c: {  	[sflag:s24] =	ssyncadd.s32 $0xFFFFD800  }
0x9d: {  	_ =	swait.ge [sflag:s29], $0x50  }
0x9e: {  	[sflag:s29] =	ssyncset.done $0x0  }
0x9f: {  	[sflag:s29] =	ssyncadd.s32 $0xFFFFFFB0  }
0xa0: {  	[spmem:s2] =	stream.indirect.scatter.add.f32 [tilespmem:s8], [sflag:$0x8], $0x80, s9, s6, $0xb8;
	[tilespmem:$0x1E180] =	vst v63  }
0xa1: {  	_ =	swait.ge [sflag:s30], $0x2800  }
0xa2: {  	[sflag:s30] =	ssyncset.done $0x0  }
0xa3: {  	[sflag:s30] =	ssyncadd.s32 $0xFFFFD800  }
0xa4: {  	_ =	swait.ge [sflag:s31], $0x50  }
0xa5: {  	s17 =	simm.s32 $0x3C0;
	s18 =	sadd.s32 $0xF0, s21;
	[sflag:s31] =	ssyncset.done $0x0  }
0xa6: {  	s20 =	sadd.s32 $0x1E, s20;
	s19 =	sadd.s32 $0x1E, s25;
	[sflag:s31] =	ssyncadd.s32 $0xFFFFFFB0  }
.LBB2_4:
0xa7: {  	[spmem:s2] =	stream.indirect.scatter.add.f32 [tilespmem:s10], [sflag:$0x9], $0x80, s11, s6, $0xb8;
	[tilespmem:$0x1E180] =	vst v63  }
0xa8: {  	s21 =	smov.u32 s17  }
0xa9: {  	p0 =	sne.s32 s17, $0x9240;
	s17 =	sadd.s32 $0x3C0, s17;
	_ =	swait.ge [sflag:s1], $0x2800  }
0xaa: {  	s21 =	sshra.s32 s21, $0x2;
	[sflag:s1] =	ssyncset.done $0x0  }
0xab: {  	s25 =	sshrl.u32 s18, $0x3;
	s22 =	sadd.s32 $0xF0, s21;
	[sflag:s1] =	ssyncadd.s32 $0xFFFFD800  }
0xac: {  	[tilespmem:s0], [sflag:$0x4] =	stream.indirect.gather [hbm4b:s13+s6], $0x80, s22, s6, $0xb8;
	[tilespmem:$0x1E180] =	vst v63  }
0xad: {  	s22 =	sadd.s32 s12, s25  }
0xae: {  	[tilespmem:s7], [sflag:$0x1] =	stream.linear.gather [hbm4b:s22+s3], $0x50, $0x38;
	[tilespmem:$0x1E180] =	vst v63  }
0xaf: {  	_ =	swait.ge [sflag:s23], $0x2800  }
0xb0: {  	[sflag:s23] =	ssyncset.done $0x0  }
0xb1: {  	s22 =	sadd.s32 $0x140, s21;
	[sflag:s23] =	ssyncadd.s32 $0xFFFFD800  }
0xb2: {  	[tilespmem:s8], [sflag:$0x5] =	stream.indirect.gather [hbm4b:s13+s6], $0x80, s22, s6, $0xb8;
	[tilespmem:$0x1E180] =	vst v63  }
0xb3: {  	_ = 	snop  }
0xb4: {  	[tilespmem:s9], [sflag:$0x2] =	stream.linear.gather [hbm4b:s20+s3], $0x50, $0x38;
	[tilespmem:$0x1E180] =	vst v63  }
0xb5: {  	_ =	swait.ge [sflag:s15], $0x2800  }
0xb6: {  	[sflag:s15] =	ssyncset.done $0x0  }
0xb7: {  	s21 =	sadd.s32 $0x190, s21;
	[sflag:s15] =	ssyncadd.s32 $0xFFFFD800  }
0xb8: {  	[tilespmem:s10], [sflag:$0x6] =	stream.indirect.gather [hbm4b:s13+s6], $0x80, s21, s6, $0xb8;
	[tilespmem:$0x1E180] =	vst v63  }
0xb9: {  	_ = 	snop  }
0xba: {  	[tilespmem:s11], [sflag:$0x3] =	stream.linear.gather [hbm4b:s19+s3], $0x50, $0x38;
	[tilespmem:$0x1E180] =	vst v63  }
0xbb: {  	_ =	swait.ge [sflag:s14], $0x2800  }
0xbc: {  	[sflag:s14] =	ssyncset.done $0x0  }
0xbd: {  	[sflag:s14] =	ssyncadd.s32 $0xFFFFD800  }
0xbe: {  	_ =	swait.ge [sflag:s5], $0x50  }
0xbf: {  	[sflag:s5] =	ssyncset.done $0x0  }
0xc0: {  	[sflag:s5] =	ssyncadd.s32 $0xFFFFFFB0  }
0xc1: {  	[spmem:s2] =	stream.indirect.scatter.add.f32 [tilespmem:s0], [sflag:$0x7], $0x80, s7, s6, $0xb8;
	[tilespmem:$0x1E180] =	vst v63  }
0xc2: {  	_ =	swait.ge [sflag:s24], $0x2800  }
0xc3: {  	[sflag:s24] =	ssyncset.done $0x0  }
0xc4: {  	[sflag:s24] =	ssyncadd.s32 $0xFFFFD800  }
0xc5: {  	_ =	swait.ge [sflag:s29], $0x50  }
0xc6: {  	[sflag:s29] =	ssyncset.done $0x0  }
0xc7: {  	[sflag:s29] =	ssyncadd.s32 $0xFFFFFFB0  }
0xc8: {  	[spmem:s2] =	stream.indirect.scatter.add.f32 [tilespmem:s8], [sflag:$0x8], $0x80, s9, s6, $0xb8;
	[tilespmem:$0x1E180] =	vst v63  }
0xc9: {  	_ =	swait.ge [sflag:s30], $0x2800  }
.Ltmp1:
0xca: {  	[sflag:s30] =	ssyncset.done $0x0;
	(pc) =	sbr.rel @p0 .LBB2_4-.Ltmp1, $4  }
0xcb: {  	[sflag:s30] =	ssyncadd.s32 $0xFFFFD800  }
0xcc: {  	_ =	swait.ge [sflag:s31], $0x50  }
0xcd: {  	s18 =	sadd.s32 $0xF0, s18;
	[sflag:s31] =	ssyncset.done $0x0  }
0xce: {  	s20 =	sadd.s32 $0x1E, s20;
	s19 =	sadd.s32 $0x1E, s19;
	[sflag:s31] =	ssyncadd.s32 $0xFFFFFFB0  }
0xcf: {  	[spmem:s2] =	stream.indirect.scatter.add.f32 [tilespmem:s10], [sflag:$0x9], $0x80, s11, s6, $0xb8;
	[tilespmem:$0x1E180] =	vst v63  }
0xd0: {  	_ =	swait.ge [sflag:s1], $0x2800  }
0xd1: {  	[sflag:s1] =	ssyncset.done $0x0  }
0xd2: {  	[sflag:s1] =	ssyncadd.s32 $0xFFFFD800  }
0xd3: {  	_ =	swait.ge [sflag:s23], $0x2800  }
0xd4: {  	[sflag:s23] =	ssyncset.done $0x0  }
0xd5: {  	[sflag:s23] =	ssyncadd.s32 $0xFFFFD800  }
0xd6: {  	_ =	swait.ge [sflag:s15], $0x2800  }
0xd7: {  	[sflag:s15] =	ssyncset.done $0x0  }
0xd8: {  	s17 =	rddreg [dreg:$0x17];
	[sflag:s15] =	ssyncadd.s32 $0xFFFFD800  }
0xd9: {  	[tilespmem:s7], [sflag:$0xA] =	stream.linear.gather [hbm4b:s17+s3], $0x50, $0x38;
	[tilespmem:$0x1E180] =	vst v63  }
0xda: {  	_ =	swait.ge [sflag:s4], $0x50  }
0xdb: {  	[sflag:s4] =	ssyncset.done $0x0  }
0xdc: {  	s25 =	simm.s32 $0x2670;
	[sflag:s4] =	ssyncadd.s32 $0xFFFFFFB0  }
0xdd: {  	[tilespmem:s0], [sflag:$0x4] =	stream.indirect.gather [hbm4b:s13+s6], $0x80, s25, s6, $0xb8;
	[tilespmem:$0x1E180] =	vst v63  }
0xde: {  	_ =	swait.ge [sflag:s14], $0x2800  }
0xdf: {  	[sflag:s14] =	ssyncset.done $0x0  }
0xe0: {  	[sflag:s14] =	ssyncadd.s32 $0xFFFFD800  }
0xe1: {  	[spmem:s2] =	stream.indirect.scatter.add.f32 [tilespmem:s0], [sflag:$0xA], $0x80, s7, s6, $0xb8;
	[tilespmem:$0x1E180] =	vst v63  }
0xe2: {  	_ =	swait.ge [sflag:s4], $0x2800  }
0xe3: {  	[sflag:s4] =	ssyncset.done $0x0  }
0xe4: {  	s18 =	rddreg [dreg:$0x18];
	[sflag:s4] =	ssyncadd.s32 $0xFFFFD800  }
0xe5: {  	[tilespmem:s7], [sflag:$0xA] =	stream.linear.gather [hbm4b:s18+s3], $0x50, $0x38;
	[tilespmem:$0x1E180] =	vst v63  }
0xe6: {  	_ =	swait.ge [sflag:s4], $0x50  }
0xe7: {  	[sflag:s4] =	ssyncset.done $0x0  }
0xe8: {  	s19 =	simm.s32 $0x26C0;
	[sflag:s4] =	ssyncadd.s32 $0xFFFFFFB0  }
0xe9: {  	[tilespmem:s0], [sflag:$0x4] =	stream.indirect.gather [hbm4b:s13+s6], $0x80, s19, s6, $0xb8;
	[tilespmem:$0x1E180] =	vst v63  }
0xea: {  	_ =	swait.ge [sflag:s14], $0x2800  }
0xeb: {  	[sflag:s14] =	ssyncset.done $0x0  }
0xec: {  	[sflag:s14] =	ssyncadd.s32 $0xFFFFD800  }
0xed: {  	[spmem:s2] =	stream.indirect.scatter.add.f32 [tilespmem:s0], [sflag:$0xA], $0x80, s7, s6, $0xb8;
	[tilespmem:$0x1E180] =	vst v63  }
0xee: {  	_ =	swait.ge [sflag:s4], $0x2800  }
0xef: {  	[sflag:s4] =	ssyncset.done $0x0  }
0xf0: {  	[sflag:s4] =	ssyncadd.s32 $0xFFFFD800  }
0xf1: {  	[bflag:$0x0] =	sbarrier.arrive $0xFFFF  }
0xf2: {  	[tilespmem:s0], [sflag:$0xA] =	stream.linear.gather [spmem:s26], $0x2800, $0x38;
	[tilespmem:$0x1E180] =	vst v63  }
0xf3: {  	_ =	swait.ge [sflag:s4], $0x2800  }
0xf4: {  	[sflag:s4] =	ssyncset.done $0x0  }
0xf5: {  	s20 =	rddreg [dreg:$0x3];
	[sflag:s4] =	ssyncadd.s32 $0xFFFFD800  }
0xf6: {  	[hbm4b:s20+s3] =	stream.linear.scatter [tilespmem:s0], [sflag:$0xA], $0x2800, $0x38;
	[tilespmem:$0x1E180] =	vst v63  }
0xf7: {  	_ =	swait.ge [sflag:s4], $0x2800  }
0xf8: {  	[sflag:s4] =	ssyncset.done $0x0  }
0xf9: {  	[sflag:s4] =	ssyncadd.s32 $0xFFFFD800  }
0xfa: {  	[tilespmem:s0], [sflag:$0xA] =	stream.linear.gather [spmem:s28], $0x2800, $0x38;
	[tilespmem:$0x1E180] =	vst v63  }
0xfb: {  	_ =	swait.ge [sflag:s4], $0x2800  }
0xfc: {  	[sflag:s4] =	ssyncset.done $0x0  }
0xfd: {  	s21 =	rddreg [dreg:$0x4];
	[sflag:s4] =	ssyncadd.s32 $0xFFFFD800  }
0xfe: {  	[hbm4b:s21+s3] =	stream.linear.scatter [tilespmem:s0], [sflag:$0xA], $0x2800, $0x38;
	[tilespmem:$0x1E180] =	vst v63  }
0xff: {  	_ =	swait.ge [sflag:s4], $0x2800  }
0x100: {  	[sflag:s4] =	ssyncset.done $0x0  }
0x101: {  	s21 =	rddreg [dreg:$0xc];
	[sflag:s4] =	ssyncadd.s32 $0xFFFFD800  }
0x102: {  	[tilespmem:s0], [sflag:$0xA] =	stream.linear.gather [spmem:s21], $0x2800, $0x38;
	[tilespmem:$0x1E180] =	vst v63  }
0x103: {  	_ =	swait.ge [sflag:s4], $0x2800  }
0x104: {  	[sflag:s4] =	ssyncset.done $0x0  }
0x105: {  	s22 =	rddreg [dreg:$0x5];
	[sflag:s4] =	ssyncadd.s32 $0xFFFFD800  }
0x106: {  	[hbm4b:s22+s3] =	stream.linear.scatter [tilespmem:s0], [sflag:$0xA], $0x2800, $0x38;
	[tilespmem:$0x1E180] =	vst v63  }
0x107: {  	_ =	swait.ge [sflag:s4], $0x2800  }
0x108: {  	[sflag:s4] =	ssyncset.done $0x0  }
0x109: {  	s22 =	rddreg [dreg:$0xd];
	[sflag:s4] =	ssyncadd.s32 $0xFFFFD800  }
0x10a: {  	[tilespmem:s0], [sflag:$0xA] =	stream.linear.gather [spmem:s22], $0x2800, $0x38;
	[tilespmem:$0x1E180] =	vst v63  }
0x10b: {  	_ =	swait.ge [sflag:s4], $0x2800  }
0x10c: {  	[sflag:s4] =	ssyncset.done $0x0  }
0x10d: {  	s25 =	rddreg [dreg:$0x6];
	[sflag:s4] =	ssyncadd.s32 $0xFFFFD800  }
0x10e: {  	[hbm4b:s25+s3] =	stream.linear.scatter [tilespmem:s0], [sflag:$0xA], $0x2800, $0x38;
	[tilespmem:$0x1E180] =	vst v63  }
0x10f: {  	_ =	swait.ge [sflag:s4], $0x2800  }
0x110: {  	[sflag:s4] =	ssyncset.done $0x0  }
0x111: {  	s25 =	rddreg [dreg:$0xe];
	[sflag:s4] =	ssyncadd.s32 $0xFFFFD800  }
0x112: {  	[tilespmem:s0], [sflag:$0xA] =	stream.linear.gather [spmem:s25], $0x2800, $0x38;
	[tilespmem:$0x1E180] =	vst v63  }
0x113: {  	_ =	swait.ge [sflag:s4], $0x2800  }
0x114: {  	[sflag:s4] =	ssyncset.done $0x0  }
0x115: {  	s19 =	smov.u32 s26;
	s26 =	rddreg [dreg:$0x7];
	[sflag:s4] =	ssyncadd.s32 $0xFFFFD800  }
0x116: {  	[hbm4b:s26+s3] =	stream.linear.scatter [tilespmem:s0], [sflag:$0xA], $0x2800, $0x38;
	[tilespmem:$0x1E180] =	vst v63  }
0x117: {  	_ =	swait.ge [sflag:s4], $0x2800  }
0x118: {  	[sflag:s4] =	ssyncset.done $0x0  }
0x119: {  	s20 =	smov.u32 s28;
	s28 =	rddreg [dreg:$0xf];
	[sflag:s4] =	ssyncadd.s32 $0xFFFFD800  }
0x11a: {  	[tilespmem:s0], [sflag:$0xA] =	stream.linear.gather [spmem:s28], $0x2800, $0x38;
	[tilespmem:$0x1E180] =	vst v63  }
0x11b: {  	_ =	swait.ge [sflag:s4], $0x2800  }
0x11c: {  	[sflag:s4] =	ssyncset.done $0x0  }
0x11d: {  	s18 =	rddreg [dreg:$0x8];
	[sflag:s4] =	ssyncadd.s32 $0xFFFFD800  }
0x11e: {  	[hbm4b:s18+s3] =	stream.linear.scatter [tilespmem:s0], [sflag:$0xA], $0x2800, $0x38;
	[tilespmem:$0x1E180] =	vst v63  }
0x11f: {  	_ =	swait.ge [sflag:s4], $0x2800  }
0x120: {  	[sflag:s4] =	ssyncset.done $0x0  }
0x121: {  	s26 =	rddreg [dreg:$0x10];
	[sflag:s4] =	ssyncadd.s32 $0xFFFFD800  }
0x122: {  	[tilespmem:s0], [sflag:$0xA] =	stream.linear.gather [spmem:s26], $0x2800, $0x38;
	[tilespmem:$0x1E180] =	vst v63  }
0x123: {  	_ =	swait.ge [sflag:s4], $0x2800  }
0x124: {  	[sflag:s4] =	ssyncset.done $0x0  }
0x125: {  	s28 =	rddreg [dreg:$0x9];
	[sflag:s4] =	ssyncadd.s32 $0xFFFFD800  }
0x126: {  	[hbm4b:s28+s3] =	stream.linear.scatter [tilespmem:s0], [sflag:$0xA], $0x2800, $0x38;
	[tilespmem:$0x1E180] =	vst v63  }
0x127: {  	_ =	swait.ge [sflag:s4], $0x2800  }
0x128: {  	[sflag:s4] =	ssyncset.done $0x0  }
0x129: {  	s18 =	rddreg [dreg:$0x11];
	[sflag:s4] =	ssyncadd.s32 $0xFFFFD800  }
0x12a: {  	[tilespmem:s0], [sflag:$0xA] =	stream.linear.gather [spmem:s18], $0x2800, $0x38;
	[tilespmem:$0x1E180] =	vst v63  }
0x12b: {  	_ =	swait.ge [sflag:s4], $0x2800  }
0x12c: {  	[sflag:s4] =	ssyncset.done $0x0  }
0x12d: {  	s26 =	rddreg [dreg:$0xa];
	[sflag:s4] =	ssyncadd.s32 $0xFFFFD800  }
0x12e: {  	[hbm4b:s26+s3] =	stream.linear.scatter [tilespmem:s0], [sflag:$0xA], $0x2800, $0x38;
	[tilespmem:$0x1E180] =	vst v63  }
0x12f: {  	_ =	swait.ge [sflag:s4], $0x2800  }
0x130: {  	s16 =	sadd.s32 $0x1, s16;
	s28 =	rddreg [dreg:$0x13]  }
0x131: {  	p0 =	sne.s32 s16, s28  }
.Ltmp2:
0x132: {  	_ = 	snop;
	(pc) =	sbr.rel @p0 .LBB2_1-.Ltmp2, $3  }
0x133: {  	_ =	sdelay $0x1  }
0x134: {  	[sflag:s4] =	ssyncset.done $0x0  }
0x135: {  	[sflag:s4] =	ssyncadd.s32 $0xFFFFD800  }
0x136: {  	_ =	sfence.sel $0x180000  }
0x137: {  	[bflag:$0x0] =	sbarrier.arrive $0xFFFF  }
0x138: {  	_ =	strace $0x9000004D  }
0x139: {  	s0 =	stileid.u32;
	[bflag:$0x2] =	sbarrier.arrive $0xFFFF  }
0x13a: {  	p0 =	sne.s32 s0, $0x0;
	s0 =	rddreg [dreg:$0x2]  }
0x13b: {  	s0 =	sadd.s32 @!p0 $0x100000, s0  }
0x13c: {  	[sflag:s0] =	ssyncadd.tile.s32 @!p0 $0x1;
	_ =	shalt  }
.Lfunc_end2:
_tile_overlayer_lowered:
.L_overlay_start_2:
0x13d: {  	(tag) =	ssettag $0x2  }
0x13e: {  	s0 =	rddreg [dreg:$0x0];
	s2 =	stileid.u32  }
0x13f: {  	s1 =	rddreg [dreg:$0x1];
	p0 =	sne.s32 s2, $0x0  }
0x140: {  	s3 =	rddreg [dreg:$0x2];
	[bflag:$0x3] =	sbarrier.arrive $0xFFFF;
	s2 =	simm.s32 @!p0 $0x1C0A  }
0x141: {  	[timem:s3], [sflag:s2] =	dma.local @!p0 [hbm:s0], s1  }
0x142: {  	s0 =	simm.s32 @!p0 $0xA  }
0x143: {  	_ =	swait.ge @!p0 [sflag:s0], s1  }
0x144: {  	s1 =	ssub.s32 @!p0 $0x0, s1;
	[sflag:s0] =	ssyncset.done @!p0 $0x0  }
0x145: {  	[sflag:s0] =	ssyncadd.s32 @!p0 s1  }
0x146: {  	[bflag:$0x3] =	sbarrier.arrive $0xFFFF  }
0x147: {  	_ =	shalt  }

// kernel: kernel.8.cloned.1.call-start
scs
__scs_entry_jumppad:
0x0: {  	(pc) =	sbr.rel $0x88, $3  }
0x1: {  	(tag) =	ssettag $0x0;
	lr =	simm.s32 $0x1  }
0x2: {  	[smem:$0x3F9B] =	sst lr;
	_ =	strace $0xD0000000  }
0x3: {  	_ = 	snop  }
0x4: {  	_ = 	snop  }
0x5: {  	_ = 	snop  }
0x6: {  	_ = 	snop  }
0x7: {  	_ = 	snop  }
__scs_overlays_trampoline_lowered:
0x8: {  	[smem:$0x3FAA] =	sst s0  }
0x9: {  	[smem:$0x3FAB] =	sst s1  }
0xa: {  	[smem:$0x3FAC] =	sst s2  }
0xb: {  	[smem:$0x3FAD] =	sst s3  }
0xc: {  	[smem:$0x3FAE] =	sst s4  }
0xd: {  	[smem:$0x3FAF] =	sst s5  }
0xe: {  	[smem:$0x3FB0] =	sst s6  }
0xf: {  	[smem:$0x3FB1] =	sst s7  }
0x10: {  	[smem:$0x3FB2] =	sst s8  }
0x11: {  	[smem:$0x3FB3] =	sst s9;
	s0 =	simm.s32 @!p0 $0x0  }
0x12: {  	s1 =	sld [smem:$0x3F99];
	s0 =	simm.s32 @p0 $0x1  }
0x13: {  	[smem:$0x3FB4] =	sst s0;
	s0 =	simm.s32 @!p1 $0x0  }
0x14: {  	s2 =	sld [smem:$0x3F98];
	s0 =	simm.s32 @p1 $0x1  }
0x15: {  	[smem:$0x3FB5] =	sst s0;
	s0 =	simm.s32 @!p2 $0x0  }
0x16: {  	s3 =	sld [smem:$0x3FDB];
	s0 =	simm.s32 @p2 $0x1  }
0x17: {  	s4 =	simm.s32 $0x1BF5;
	[smem:$0x3FB7] =	sst s0  }
0x18: {  	s0 =	sld [smem:$0x3F9A];
	_ =	swait.ge [sflag:s4], $0x0  }
0x19: {  	s7 =	sld [smem:$0x3F9B]  }
0x1a: {  	s8 =	sadd.s32 $0xFFFFE003, lr  }
0x1b: {  	s9 =	sadd.s32 $0xFFFFFEF7, lr;
	s5 =	simm.s32 $0xFFFFFFFF;
	p2 =	slt.u32 s8, $0xFFFFF086  }
0x1c: {  	p1 =	slt.u32 s9, $0xF7A;
	s5 =	simm.s32 @!p2 $0x0  }
0x1d: {  	s5 =	simm.s32 @p1 $0x1;
	p0 =	seq.s32 s7, s2  }
0x1e: {  	s7 =	smul.u32 @!p0 $0xF7A, s2;
	p2 =	seq.s32 @!p0 s5, $0x0  }
0x1f: {  	s9 =	smul.u32 $0xF7A, s1;
	s8 =	simm.s32 @!p0 $0x1BF5;
	p2 =	por !p2, p0  }
0x20: {  	[sflag:s8] =	ssyncset.s32 @!p0 $0xFFFFF086;
	s6 =	sadd.s32 @!p0 s3, s7;
	s7 =	simm.s32 @!p0 $0x108  }
0x21: {  	s3 =	sadd.s32 s3, s9;
	s6 =	sadd.s32 @!p0 $0x88, s6;
	s7 =	simm.s32 @p2 $0x1082  }
0x22: {  	[simem:s7], [sflag:s8] =	dma.local @!p0 [hbm:s6], $0xF7A  }
0x23: {  	s9 =	sor.u32 $0xD0000000, s2;
	s6 =	simm.s32 $0x108;
	_ =	swait.ge @!p0 [sflag:s8], $0x0  }
0x24: {  	s3 =	sadd.s32 $0x88, s3;
	s6 =	simm.s32 @!p1 $0x1082;
	[sflag:s4] =	ssyncset.s32 $0xFFFFF086  }
0x25: {  	[simem:s6], [sflag:s4] =	dma.local [hbm:s3], $0xF7A  }
0x26: {  	[smem:$0x3F9B] =	sst s1;
	(tag) =	ssettag s2;
	_ =	strace s9  }
0x27: {  	s1 =	sld [smem:$0x3FAB]  }
0x28: {  	s2 =	sld [smem:$0x3FAC]  }
0x29: {  	s4 =	sld [smem:$0x3FAE]  }
0x2a: {  	p0 =	seq.s32 s5, $0x0;
	s5 =	sld [smem:$0x3FAF]  }
0x2b: {  	s6 =	sld [smem:$0x3FB0]  }
0x2c: {  	s7 =	sld [smem:$0x3FB1]  }
0x2d: {  	s3 =	simm.s32 $0x108;
	s8 =	sld [smem:$0x3FB2]  }
0x2e: {  	s3 =	simm.s32 @!p0 $0x1082;
	s9 =	sld [smem:$0x3FB3]  }
0x2f: {  	lr =	sadd.s32 s0, s3;
	s0 =	sld [smem:$0x3FAA]  }
0x30: {  	s3 =	sld [smem:$0x3FAD]  }
0x31: {  	[smem:$0x3FB6] =	sst s10  }
0x32: {  	s10 =	sld [smem:$0x3FB4];
	_ =	sdelay $0x3  }
0x33: {  	p0 =	seq.s32 s10, $0x1;
	s10 =	sld [smem:$0x3FB6];
	_ =	sdelay $0x3  }
0x34: {  	[smem:$0x3FB6] =	sst s10  }
0x35: {  	s10 =	sld [smem:$0x3FB5];
	_ =	sdelay $0x3  }
0x36: {  	p1 =	seq.s32 s10, $0x1;
	s10 =	sld [smem:$0x3FB6];
	_ =	sdelay $0x3  }
0x37: {  	[smem:$0x3FB6] =	sst s10  }
0x38: {  	s10 =	sld [smem:$0x3FB7]  }
0x39: {  	_ = 	snop;
	(pc) =	sbr.ind lr, $3  }
0x3a: {  	_ = 	snop  }
0x3b: {  	_ = 	snop  }
0x3c: {  	p2 =	seq.s32 s10, $0x1;
	s10 =	sld [smem:$0x3FB6]  }
0x3d: {  	_ =	shalt  }
0x3e: {  	_ =	shalt  }
0x3f: {  	_ =	shalt  }
0x40: {  	_ =	shalt  }
0x41: {  	_ =	shalt  }
0x42: {  	_ =	shalt  }
0x43: {  	_ =	shalt  }
0x44: {  	_ =	shalt  }
0x45: {  	_ =	shalt  }
0x46: {  	_ =	shalt  }
0x47: {  	_ =	shalt  }
0x48: {  	_ =	shalt  }
0x49: {  	_ =	shalt  }
0x4a: {  	_ =	shalt  }
0x4b: {  	_ =	shalt  }
0x4c: {  	_ =	shalt  }
0x4d: {  	_ =	shalt  }
0x4e: {  	_ =	shalt  }
0x4f: {  	_ =	shalt  }
0x50: {  	_ =	shalt  }
0x51: {  	_ =	shalt  }
0x52: {  	_ =	shalt  }
0x53: {  	_ =	shalt  }
0x54: {  	_ =	shalt  }
0x55: {  	_ =	shalt  }
0x56: {  	_ =	shalt  }
0x57: {  	_ =	shalt  }
0x58: {  	_ =	shalt  }
0x59: {  	_ =	shalt  }
0x5a: {  	_ =	shalt  }
0x5b: {  	_ =	shalt  }
0x5c: {  	_ =	shalt  }
0x5d: {  	_ =	shalt  }
0x5e: {  	_ =	shalt  }
0x5f: {  	_ =	shalt  }
0x60: {  	_ =	shalt  }
0x61: {  	_ =	shalt  }
0x62: {  	_ =	shalt  }
0x63: {  	_ =	shalt  }
0x64: {  	_ =	shalt  }
0x65: {  	_ =	shalt  }
0x66: {  	_ =	shalt  }
0x67: {  	_ =	shalt  }
0x68: {  	_ =	shalt  }
0x69: {  	_ =	shalt  }
0x6a: {  	_ =	shalt  }
0x6b: {  	_ =	shalt  }
0x6c: {  	_ =	shalt  }
0x6d: {  	_ =	shalt  }
0x6e: {  	_ =	shalt  }
0x6f: {  	_ =	shalt  }
0x70: {  	_ =	shalt  }
0x71: {  	_ =	shalt  }
0x72: {  	_ =	shalt  }
0x73: {  	_ =	shalt  }
0x74: {  	_ =	shalt  }
0x75: {  	_ =	shalt  }
0x76: {  	_ =	shalt  }
0x77: {  	_ =	shalt  }
0x78: {  	_ =	shalt  }
0x79: {  	_ =	shalt  }
0x7a: {  	_ =	shalt  }
0x7b: {  	_ =	shalt  }
0x7c: {  	_ =	shalt  }
0x7d: {  	_ =	shalt  }
0x7e: {  	_ =	shalt  }
0x7f: {  	_ =	shalt  }
0x80: {  	_ =	shalt  }
0x81: {  	_ =	shalt  }
0x82: {  	_ =	shalt  }
0x83: {  	_ =	shalt  }
0x84: {  	_ =	shalt  }
0x85: {  	_ =	shalt  }
0x86: {  	_ =	shalt  }
0x87: {  	_ =	shalt  }
.Lfunc_end0:
.L_simem_size_0:
called_computation_lowered:
.L_overlay_start_0:
0x88: {  	s2 =	sld [smem:$0x3FD9]  }
0x89: {  	s3 =	sld [smem:$0x3FFE];
	_ =	sdelay $0x1  }
0x8a: {  	s1 =	srdreg.scid  }
0x8b: {  	s0 =	sand.u32 $0x1, s1  }
0x8c: {  	s17 =	sshll.u32 s0, $0xA;
	s2 =	sadd.s32 s3, s2  }
0x8d: {  	s2 =	sadd.s32 s2, s17  }
0x8e: {  	[smem:$0x3FC2] =	sst s2  }
0x8f: {  	_ = 	snop  }
0x90: {  	s2 =	sld [smem:$0x3FD0];
	(tm) =	ssettm $0x1  }
0x91: {  	s18 =	sld [smem:$0x3FFB];
	_ =	sdelay $0x3  }
0x92: {  	_ =	strace s18  }
0x93: {  	s3 =	sld [smem:$0x3FFC];
	_ =	sdelay $0x3  }
0x94: {  	_ =	strace s3  }
0x95: {  	s3 =	sld [smem:$0x3FFD];
	_ =	sdelay $0x3  }
0x96: {  	_ =	strace s3  }
0x97: {  	_ =	strace $0x8FFFFFFF  }
0x98: {  	s19 =	sld [smem:$0x3FDB];
	_ =	sdelay $0x1  }
0x99: {  	s4 =	simm.s32 $_scs_section_size  }
0x9a: {  	s5 =	simm.s32 $_size__tile_overlayer_lowered;
	s6 =	simm.s32 $_tile_overlayer_lowered  }
0x9b: {  	s22 =	simm.s32 $0x1BFF;
	s21 =	sshll.u32 s6, $0x1;
	s3 =	sadd.s32 s4, s19  }
0x9c: {  	s7 =	simm.s32 $0x0;
	s20 =	sshll.u32 s5, $0x1;
	s5 =	sadd.s32 s21, s3  }
0x9d: {  	[timem:s7], [sflag:s22] =	dma.local [hbm:s5], s20  }
0x9e: {  	_ =	swait.ge [sflag:s22], s20  }
0x9f: {  	s4 =	ssub.s32 $0x0, s20;
	[sflag:s22] =	ssyncset.done $0x0  }
0xa0: {  	[sflag:s22] =	ssyncadd.s32 s4;
	_ =	sdelay $0x1  }
0xa1: {  	s23 =	simm.s32 $0x1B8B  }
0xa2: {  	_ =	swait.ge [sflag:s23], $0x1  }
0xa3: {  	[sflag:s23] =	ssyncset.done $0x0  }
0xa4: {  	s25 =	simm.s32 $0x1B8E;
	s24 =	sld [smem:$0x3FFE];
	[sflag:s23] =	ssyncadd.s32 $0xFFFFFFFF  }
0xa5: {  	s26 =	simm.s32 $execute0_lowered;
	[smem:$0x3FD2] =	sst s25  }
0xa6: {  	s5 =	sshll.u32 s26, $0x1;
	_ =	strace $0x80000046;
	[dreg:$0x1] =	wrdreg $0xFFFFFFFF  }
0xa7: {  	s28 =	simm.s32 $_size_execute0_lowered;
	s3 =	sadd.s32 s3, s5;
	[dreg:$0x0] =	wrdreg $0x0  }
0xa8: {  	s5 =	sshll.u32 s28, $0x1;
	[dreg:$0x2] =	wrdreg s3  }
0xa9: {  	[dreg:$0x3] =	wrdreg s5  }
0xaa: {  	[dreg:$0x4] =	wrdreg $0xC0  }
0xab: {  	_ =	task [dreg:s7], $0x5FFFF  }
0xac: {  	[dreg:$0x1] =	wrdreg $0xFFFFFFFF  }
0xad: {  	[dreg:$0x0] =	wrdreg $0x60  }
0xae: {  	[dreg:$0x2] =	wrdreg s24  }
0xaf: {  	[dreg:$0x3] =	wrdreg s2  }
0xb0: {  	[dreg:$0x4] =	wrdreg $0x7000  }
0xb1: {  	[dreg:$0x5] =	wrdreg $0x9  }
0xb2: {  	_ =	task.clear_ibuf [dreg:s7], $0x6FFFF;
	_ =	strace $0x90000046  }
0xb3: {  	s29 =	simm.s32 $0x9;
	_ =	strace $0x80000048  }
0xb4: {  	_ =	swait.ge [sflag:s29], $0x1  }
0xb5: {  	[sflag:s29] =	ssyncadd.s32 $0xFFFFFFFF  }
0xb6: {  	_ =	strace $0x90000048  }
0xb7: {  	_ =	sfence  }
0xb8: {  	s30 =	sld [smem:$0x0];
	_ =	sdelay $0x2  }
0xb9: {  	s31 =	sshll.u32 s1, $0xD;
	s1 =	sshrl.u32 s1, $0x2  }
0xba: {  	s3 =	sand.u32 $0x4000, s31;
	s1 =	sadd.s32 s1, s30  }
0xbb: {  	s0 =	sor.u32 s3, s0;
	s1 =	sshll.u32 s1, $0x11  }
0xbc: {  	s0 =	sor.u32 s1, s0  }
0xbd: {  	s0 =	sadd.s32 $0x8F2B, s0  }
0xbe: {  	[sflag:s0] =	ssyncadd.remote.s32 $0x1  }
0xbf: {  	_ =	sfence.sel $0xFFFF  }
0xc0: {  	[dreg:$0x0] =	wrdreg $0xFFFFFFFF;
	(pc) =	sbr.abs _section_cstart, $3  }
0xc1: {  	[dreg:$0x1] =	wrdreg $0xFFFFFFFF  }
0xc2: {  	_ =	task.clear_ibuf [dreg:s7], $0x2FFFF;
	_ =	strace $0x9FFFFFFF  }
0xc3: {  	(tm) =	ssettm $0x7FFFFFFF  }
tec
execute0_lowered:
.L_overlay_start_1:
0x0: {  	(tag) =	ssettag $0x1  }
0x1: {  	s0 =	rddreg [dreg:$0x0]  }
0x2: {  	s1 =	rddreg [dreg:$0x1]  }
0x3: {  	s3 =	srdreg.scid;
	s7 =	stileid.u32  }
0x4: {  	s2 =	rddreg [dreg:$0x2];
	s13 =	simm.s32 $0xB;
	s14 =	simm.s32 $0x80  }
0x5: {  	s15 =	simm.s32 $0x100;
	s16 =	simm.s32 $0x180;
	s17 =	simm.s32 $0x200  }
0x6: {  	s18 =	simm.s32 $0x1;
	s28 =	simm.s32 $0x8;
	s29 =	simm.s32 $0x9  }
0x7: {  	s30 =	simm.s32 $0xA;
	s31 =	simm.s32 $0x0;
	s5 =	smul.u32 $0x280, s7  }
0x8: {  	s4 =	sand.u32 $0x1, s3;
	s3 =	simm.s32 $0x0;
	s7 =	smul.u32 $0x4E20, s7  }
0x9: {  	s0 =	sadd.s32 $0x1A00, s0;
	s6 =	smul.u32 $0x2800, s4;
	s8 =	ssub.s32 $0x2, s4  }
0xa: {  	[smem:$0x7FF] =	sst s3;
	s4 =	smul.u32 $0x2710, s4;
	s9 =	sshrl.u32 s8, $0x1  }
0xb: {  	_ =	strace $0x80000047;
	s6 =	sadd.s32 s5, s6;
	s8 =	ssub.s32 s8, s9  }
0xc: {  	s10 =	sadd.s32 s4, s7;
	s4 =	sadd.s32 s5, s2;
	s6 =	sshrl.u32 s6, $0x3  }
0xd: {  	s19 =	sadd.s32 $0x140, s10;
	s20 =	smax.u32 s8, $0x1;
	s21 =	sadd.s32 $0xF0, s10  }
0xe: {  	s23 =	sadd.s32 $0xA0, s10;
	s11 =	sadd.s32 $0x50, s10;
	s26 =	sshrl.u32 s10, $0x3  }
0xf: {  	s1 =	sadd.s32 s1, s6;
	[dreg:$0x5] =	wrdreg s20;
	s22 =	sshrl.u32 s21, $0x3  }
0x10: {  	s24 =	sshrl.u32 s23, $0x3;
	s25 =	sshrl.u32 s11, $0x3;
	s11 =	sadd.s32 s26, s0  }
0x11: {  	s20 =	simm.s32 $0x400;
	s21 =	simm.s32 $0x2;
	s23 =	simm.s32 $0x4  }
0x12: {  	s26 =	simm.s32 $0x7;
	[dreg:$0x4] =	wrdreg s1;
	s1 =	sshrl.u32 s19, $0x3  }
0x13: {  	s8 =	sadd.s32 s22, s0;
	s9 =	sadd.s32 s24, s0;
	s10 =	sadd.s32 s25, s0  }
0x14: {  	s19 =	simm.s32 $0x50;
	s22 =	simm.s32 $0x3;
	s24 =	simm.s32 $0x5  }
0x15: {  	v0 =	vimm.f32 $0.0e+00;
	v1 =	vimm.f32 $1.000000000e+00;
	s25 =	simm.s32 $0x6;
	s7 =	sadd.s32 s1, s0;
	s1 =	simm.s32 $0x480  }
.LBB2_1:
0x16: {  	[tilespmem:$0x480] =	vst v0  }
0x17: {  	[tilespmem:$0x490] =	vst v0  }
0x18: {  	[tilespmem:$0x4A0] =	vst v0  }
0x19: {  	[tilespmem:$0x4B0] =	vst v0  }
0x1a: {  	[tilespmem:$0x4C0] =	vst v0  }
0x1b: {  	[tilespmem:$0x4D0] =	vst v0  }
0x1c: {  	[tilespmem:$0x4E0] =	vst v0  }
0x1d: {  	[tilespmem:$0x4F0] =	vst v0  }
0x1e: {  	[tilespmem:$0x500] =	vst v0  }
0x1f: {  	[tilespmem:$0x510] =	vst v0  }
0x20: {  	[tilespmem:$0x520] =	vst v0  }
0x21: {  	[tilespmem:$0x530] =	vst v0  }
0x22: {  	[tilespmem:$0x540] =	vst v0  }
0x23: {  	[tilespmem:$0x550] =	vst v0  }
0x24: {  	[tilespmem:$0x560] =	vst v0  }
0x25: {  	[tilespmem:$0x570] =	vst v0  }
0x26: {  	[tilespmem:$0x580] =	vst v0  }
0x27: {  	[tilespmem:$0x590] =	vst v0  }
0x28: {  	[tilespmem:$0x5A0] =	vst v0  }
0x29: {  	[tilespmem:$0x5B0] =	vst v0  }
0x2a: {  	[tilespmem:$0x5C0] =	vst v0  }
0x2b: {  	[tilespmem:$0x5D0] =	vst v0  }
0x2c: {  	[tilespmem:$0x5E0] =	vst v0  }
0x2d: {  	[tilespmem:$0x5F0] =	vst v0  }
0x2e: {  	[tilespmem:$0x600] =	vst v0  }
0x2f: {  	[tilespmem:$0x610] =	vst v0  }
0x30: {  	[tilespmem:$0x620] =	vst v0  }
0x31: {  	[tilespmem:$0x630] =	vst v0  }
0x32: {  	[tilespmem:$0x640] =	vst v0  }
0x33: {  	[tilespmem:$0x650] =	vst v0  }
0x34: {  	[tilespmem:$0x660] =	vst v0  }
0x35: {  	[tilespmem:$0x670] =	vst v0  }
0x36: {  	[tilespmem:$0x680] =	vst v0  }
0x37: {  	[tilespmem:$0x690] =	vst v0  }
0x38: {  	[tilespmem:$0x6A0] =	vst v0  }
0x39: {  	[tilespmem:$0x6B0] =	vst v0  }
0x3a: {  	[tilespmem:$0x6C0] =	vst v0  }
0x3b: {  	[tilespmem:$0x6D0] =	vst v0  }
0x3c: {  	[tilespmem:$0x6E0] =	vst v0  }
0x3d: {  	[tilespmem:$0x6F0] =	vst v0  }
0x3e: {  	[spmem:s4] =	stream.linear.scatter [tilespmem:s1], [sflag:$0xB], $0x280, $0x38;
	[tilespmem:$0x980] =	vst v63  }
0x3f: {  	_ =	swait.ge [sflag:s13], $0x280  }
0x40: {  	[sflag:s13] =	ssyncset.done $0x0  }
0x41: {  	[sflag:s13] =	ssyncadd.s32 $0xFFFFFD80  }
0x42: {  	[bflag:$0x0] =	sbarrier.arrive $0xFFFF  }
0x43: {  	[tilespmem:$0x400] =	vst v1  }
0x44: {  	[tilespmem:$0x410] =	vst v1  }
0x45: {  	[tilespmem:$0x420] =	vst v1  }
0x46: {  	p0 =	por $0x1, $0x1;
	[tilespmem:$0x430] =	vst v1  }
0x47: {  	s0 =	simm.s32 @!p0 $0x6;
	[tilespmem:$0x440] =	vst v1  }
0x48: {  	_ =	swait.ge @!p0 [sflag:s0], $0x50  }
0x49: {  	[sflag:s0] =	ssyncset.done @!p0 $0x0  }
0x4a: {  	s6 =	sadd.s32 $0x0, s11;
	s1 =	simm.s32 @!p0 $0x7;
	[sflag:s0] =	ssyncadd.s32 @!p0 $0xFFFFFFB0  }
0x4b: {  	[tilespmem:s3], [sflag:$0x1] =	stream.linear.gather [hbm4b:s6+s3], $0x50, $0x38;
	[tilespmem:$0x980] =	vst v63  }
0x4c: {  	_ =	swait.ge @!p0 [sflag:s1], $0x50  }
0x4d: {  	[sflag:s1] =	ssyncset.done @!p0 $0x0  }
0x4e: {  	s12 =	sadd.s32 $0x0, s10;
	[sflag:s1] =	ssyncadd.s32 @!p0 $0xFFFFFFB0;
	s1 =	simm.s32 @!p0 $0x8  }
0x4f: {  	[tilespmem:s14], [sflag:$0x2] =	stream.linear.gather [hbm4b:s12+s3], $0x50, $0x38;
	[tilespmem:$0x980] =	vst v63  }
0x50: {  	_ =	swait.ge @!p0 [sflag:s1], $0x50  }
0x51: {  	[sflag:s1] =	ssyncset.done @!p0 $0x0  }
0x52: {  	s5 =	sadd.s32 $0x0, s9;
	[sflag:s1] =	ssyncadd.s32 @!p0 $0xFFFFFFB0;
	s1 =	simm.s32 @!p0 $0x9  }
0x53: {  	[tilespmem:s15], [sflag:$0x3] =	stream.linear.gather [hbm4b:s5+s3], $0x50, $0x38;
	[tilespmem:$0x980] =	vst v63  }
0x54: {  	_ =	swait.ge @!p0 [sflag:s1], $0x50  }
0x55: {  	[sflag:s1] =	ssyncset.done @!p0 $0x0  }
0x56: {  	s6 =	sadd.s32 $0x0, s8;
	[sflag:s1] =	ssyncadd.s32 @!p0 $0xFFFFFFB0;
	s1 =	simm.s32 @!p0 $0xA  }
0x57: {  	[tilespmem:s16], [sflag:$0x4] =	stream.linear.gather [hbm4b:s6+s3], $0x50, $0x38;
	[tilespmem:$0x980] =	vst v63  }
0x58: {  	_ =	swait.ge @!p0 [sflag:s1], $0x50  }
0x59: {  	[sflag:s1] =	ssyncset.done @!p0 $0x0  }
0x5a: {  	s12 =	sadd.s32 $0x0, s7;
	[sflag:s1] =	ssyncadd.s32 @!p0 $0xFFFFFFB0  }
0x5b: {  	[tilespmem:s17], [sflag:$0x5] =	stream.linear.gather [hbm4b:s12+s3], $0x50, $0x38;
	[tilespmem:$0x980] =	vst v63  }
0x5c: {  	_ =	swait.ge [sflag:s18], $0x50  }
0x5d: {  	[sflag:s18] =	ssyncset.done $0x0  }
0x5e: {  	[sflag:s18] =	ssyncadd.s32 $0xFFFFFFB0  }
0x5f: {  	[spmem:s2] =	stream.indirect.scatter.add.f32 [tilespmem:s20], [sflag:$0x6], $0x1, s3, s19, $0xb8;
	[tilespmem:$0x980] =	vst v63  }
0x60: {  	_ =	swait.ge [sflag:s21], $0x50  }
0x61: {  	[sflag:s21] =	ssyncset.done $0x0  }
0x62: {  	[sflag:s21] =	ssyncadd.s32 $0xFFFFFFB0  }
0x63: {  	[spmem:s2] =	stream.indirect.scatter.add.f32 [tilespmem:s20], [sflag:$0x7], $0x1, s14, s19, $0xb8;
	[tilespmem:$0x980] =	vst v63  }
0x64: {  	_ =	swait.ge [sflag:s22], $0x50  }
0x65: {  	[sflag:s22] =	ssyncset.done $0x0  }
0x66: {  	[sflag:s22] =	ssyncadd.s32 $0xFFFFFFB0  }
0x67: {  	[spmem:s2] =	stream.indirect.scatter.add.f32 [tilespmem:s20], [sflag:$0x8], $0x1, s15, s19, $0xb8;
	[tilespmem:$0x980] =	vst v63  }
0x68: {  	_ =	swait.ge [sflag:s23], $0x50  }
0x69: {  	[sflag:s23] =	ssyncset.done $0x0  }
0x6a: {  	[sflag:s23] =	ssyncadd.s32 $0xFFFFFFB0  }
0x6b: {  	[spmem:s2] =	stream.indirect.scatter.add.f32 [tilespmem:s20], [sflag:$0x9], $0x1, s16, s19, $0xb8;
	[tilespmem:$0x980] =	vst v63  }
0x6c: {  	s0 =	simm.s32 $0x64;
	_ =	swait.ge [sflag:s24], $0x50  }
0x6d: {  	s1 =	simm.s32 $0x32;
	p0 =	por $0x0, $0x0;
	[sflag:s24] =	ssyncset.done $0x0  }
.LBB2_2:
0x6e: {  	s5 =	simm.s32 @!p0 $0x6  }
0x6f: {  	[sflag:s24] =	ssyncadd.s32 $0xFFFFFFB0;
	s6 =	smov.u32 s0;
	s0 =	sadd.s32 $0x32, s0  }
0x70: {  	[spmem:s2] =	stream.indirect.scatter.add.f32 [tilespmem:s20], [sflag:$0xA], $0x1, s17, s19, $0xb8;
	[tilespmem:$0x980] =	vst v63  }
0x71: {  	p1 =	sne.s32 s0, $0x4E2;
	_ =	swait.ge @!p0 [sflag:s5], $0x50  }
0x72: {  	[sflag:s5] =	ssyncset.done @!p0 $0x0  }
0x73: {  	s12 =	simm.s32 @!p0 $0x7;
	[sflag:s5] =	ssyncadd.s32 @!p0 $0xFFFFFFB0;
	s5 =	sadd.s32 s1, s11  }
0x74: {  	[tilespmem:s3], [sflag:$0x1] =	stream.linear.gather [hbm4b:s5+s3], $0x50, $0x38;
	[tilespmem:$0x980] =	vst v63  }
0x75: {  	_ =	swait.ge @!p0 [sflag:s12], $0x50  }
0x76: {  	[sflag:s12] =	ssyncset.done @!p0 $0x0  }
0x77: {  	s5 =	sadd.s32 s1, s10;
	[sflag:s12] =	ssyncadd.s32 @!p0 $0xFFFFFFB0;
	s12 =	simm.s32 @!p0 $0x8  }
0x78: {  	[tilespmem:s14], [sflag:$0x2] =	stream.linear.gather [hbm4b:s5+s3], $0x50, $0x38;
	[tilespmem:$0x980] =	vst v63  }
0x79: {  	_ =	swait.ge @!p0 [sflag:s12], $0x50  }
0x7a: {  	[sflag:s12] =	ssyncset.done @!p0 $0x0  }
0x7b: {  	s5 =	sadd.s32 s1, s9;
	[sflag:s12] =	ssyncadd.s32 @!p0 $0xFFFFFFB0;
	s12 =	simm.s32 @!p0 $0x9  }
0x7c: {  	[tilespmem:s15], [sflag:$0x3] =	stream.linear.gather [hbm4b:s5+s3], $0x50, $0x38;
	[tilespmem:$0x980] =	vst v63  }
0x7d: {  	_ =	swait.ge @!p0 [sflag:s12], $0x50  }
0x7e: {  	[sflag:s12] =	ssyncset.done @!p0 $0x0  }
0x7f: {  	s5 =	sadd.s32 s1, s8;
	[sflag:s12] =	ssyncadd.s32 @!p0 $0xFFFFFFB0;
	s12 =	simm.s32 @!p0 $0xA  }
0x80: {  	[tilespmem:s16], [sflag:$0x4] =	stream.linear.gather [hbm4b:s5+s3], $0x50, $0x38;
	[tilespmem:$0x980] =	vst v63  }
0x81: {  	_ =	swait.ge @!p0 [sflag:s12], $0x50  }
0x82: {  	[sflag:s12] =	ssyncset.done @!p0 $0x0  }
0x83: {  	s5 =	sadd.s32 s1, s7;
	s1 =	smov.u32 s6;
	[sflag:s12] =	ssyncadd.s32 @!p0 $0xFFFFFFB0  }
0x84: {  	[tilespmem:s17], [sflag:$0x5] =	stream.linear.gather [hbm4b:s5+s3], $0x50, $0x38;
	[tilespmem:$0x980] =	vst v63  }
0x85: {  	_ =	swait.ge [sflag:s18], $0x50  }
0x86: {  	[sflag:s18] =	ssyncset.done $0x0  }
0x87: {  	[sflag:s18] =	ssyncadd.s32 $0xFFFFFFB0  }
0x88: {  	[spmem:s2] =	stream.indirect.scatter.add.f32 [tilespmem:s20], [sflag:$0x6], $0x1, s3, s19, $0xb8;
	[tilespmem:$0x980] =	vst v63  }
0x89: {  	_ =	swait.ge [sflag:s21], $0x50  }
0x8a: {  	[sflag:s21] =	ssyncset.done $0x0  }
0x8b: {  	[sflag:s21] =	ssyncadd.s32 $0xFFFFFFB0  }
0x8c: {  	[spmem:s2] =	stream.indirect.scatter.add.f32 [tilespmem:s20], [sflag:$0x7], $0x1, s14, s19, $0xb8;
	[tilespmem:$0x980] =	vst v63  }
0x8d: {  	_ =	swait.ge [sflag:s22], $0x50  }
0x8e: {  	[sflag:s22] =	ssyncset.done $0x0  }
0x8f: {  	[sflag:s22] =	ssyncadd.s32 $0xFFFFFFB0  }
0x90: {  	[spmem:s2] =	stream.indirect.scatter.add.f32 [tilespmem:s20], [sflag:$0x8], $0x1, s15, s19, $0xb8;
	[tilespmem:$0x980] =	vst v63  }
0x91: {  	_ =	swait.ge [sflag:s23], $0x50  }
.Ltmp0:
0x92: {  	[sflag:s23] =	ssyncset.done $0x0;
	(pc) =	sbr.rel @p1 .LBB2_2-.Ltmp0, $4  }
0x93: {  	[sflag:s23] =	ssyncadd.s32 $0xFFFFFFB0  }
0x94: {  	[spmem:s2] =	stream.indirect.scatter.add.f32 [tilespmem:s20], [sflag:$0x9], $0x1, s16, s19, $0xb8;
	[tilespmem:$0x980] =	vst v63  }
0x95: {  	_ =	swait.ge [sflag:s24], $0x50  }
0x96: {  	p0 =	seq.s32 s1, $0x0;
	[sflag:s24] =	ssyncset.done $0x0  }
0x97: {  	s0 =	simm.s32 @!p0 $0x6;
	[sflag:s24] =	ssyncadd.s32 $0xFFFFFFB0  }
0x98: {  	[spmem:s2] =	stream.indirect.scatter.add.f32 [tilespmem:s20], [sflag:$0xA], $0x1, s17, s19, $0xb8;
	[tilespmem:$0x980] =	vst v63  }
0x99: {  	_ =	swait.ge @!p0 [sflag:s0], $0x50  }
0x9a: {  	[sflag:s0] =	ssyncset.done @!p0 $0x0  }
0x9b: {  	s12 =	sadd.s32 s1, s11;
	[sflag:s0] =	ssyncadd.s32 @!p0 $0xFFFFFFB0;
	s0 =	simm.s32 @!p0 $0x7  }
0x9c: {  	[tilespmem:s3], [sflag:$0x1] =	stream.linear.gather [hbm4b:s12+s3], $0x50, $0x38;
	[tilespmem:$0x980] =	vst v63  }
0x9d: {  	_ =	swait.ge @!p0 [sflag:s0], $0x50  }
0x9e: {  	[sflag:s0] =	ssyncset.done @!p0 $0x0  }
0x9f: {  	s5 =	sadd.s32 s1, s10;
	[sflag:s0] =	ssyncadd.s32 @!p0 $0xFFFFFFB0;
	s0 =	simm.s32 @!p0 $0x8  }
0xa0: {  	[tilespmem:s14], [sflag:$0x2] =	stream.linear.gather [hbm4b:s5+s3], $0x50, $0x38;
	[tilespmem:$0x980] =	vst v63  }
0xa1: {  	_ =	swait.ge @!p0 [sflag:s0], $0x50  }
0xa2: {  	[sflag:s0] =	ssyncset.done @!p0 $0x0  }
0xa3: {  	s6 =	sadd.s32 s1, s9;
	[sflag:s0] =	ssyncadd.s32 @!p0 $0xFFFFFFB0;
	s0 =	simm.s32 @!p0 $0x9  }
0xa4: {  	[tilespmem:s15], [sflag:$0x3] =	stream.linear.gather [hbm4b:s6+s3], $0x50, $0x38;
	[tilespmem:$0x980] =	vst v63  }
0xa5: {  	_ =	swait.ge @!p0 [sflag:s0], $0x50  }
0xa6: {  	[sflag:s0] =	ssyncset.done @!p0 $0x0  }
0xa7: {  	s12 =	sadd.s32 s1, s8;
	[sflag:s0] =	ssyncadd.s32 @!p0 $0xFFFFFFB0;
	s0 =	simm.s32 @!p0 $0xA  }
0xa8: {  	[tilespmem:s16], [sflag:$0x4] =	stream.linear.gather [hbm4b:s12+s3], $0x50, $0x38;
	[tilespmem:$0x980] =	vst v63  }
0xa9: {  	_ =	swait.ge @!p0 [sflag:s0], $0x50  }
0xaa: {  	[sflag:s0] =	ssyncset.done @!p0 $0x0  }
0xab: {  	s5 =	sadd.s32 s1, s7;
	[sflag:s0] =	ssyncadd.s32 @!p0 $0xFFFFFFB0  }
0xac: {  	[tilespmem:s17], [sflag:$0x5] =	stream.linear.gather [hbm4b:s5+s3], $0x50, $0x38;
	[tilespmem:$0x980] =	vst v63  }
0xad: {  	_ =	swait.ge [sflag:s18], $0x50  }
0xae: {  	[sflag:s18] =	ssyncset.done $0x0  }
0xaf: {  	[sflag:s18] =	ssyncadd.s32 $0xFFFFFFB0  }
0xb0: {  	[spmem:s2] =	stream.indirect.scatter.add.f32 [tilespmem:s20], [sflag:$0x6], $0x1, s3, s19, $0xb8;
	[tilespmem:$0x980] =	vst v63  }
0xb1: {  	_ =	swait.ge [sflag:s21], $0x50  }
0xb2: {  	[sflag:s21] =	ssyncset.done $0x0  }
0xb3: {  	[sflag:s21] =	ssyncadd.s32 $0xFFFFFFB0  }
0xb4: {  	[spmem:s2] =	stream.indirect.scatter.add.f32 [tilespmem:s20], [sflag:$0x7], $0x1, s14, s19, $0xb8;
	[tilespmem:$0x980] =	vst v63  }
0xb5: {  	_ =	swait.ge [sflag:s22], $0x50  }
0xb6: {  	[sflag:s22] =	ssyncset.done $0x0  }
0xb7: {  	[sflag:s22] =	ssyncadd.s32 $0xFFFFFFB0  }
0xb8: {  	[spmem:s2] =	stream.indirect.scatter.add.f32 [tilespmem:s20], [sflag:$0x8], $0x1, s15, s19, $0xb8;
	[tilespmem:$0x980] =	vst v63  }
0xb9: {  	_ =	swait.ge [sflag:s23], $0x50  }
0xba: {  	[sflag:s23] =	ssyncset.done $0x0  }
0xbb: {  	[sflag:s23] =	ssyncadd.s32 $0xFFFFFFB0  }
0xbc: {  	[spmem:s2] =	stream.indirect.scatter.add.f32 [tilespmem:s20], [sflag:$0x9], $0x1, s16, s19, $0xb8;
	[tilespmem:$0x980] =	vst v63  }
0xbd: {  	_ =	swait.ge [sflag:s24], $0x50  }
0xbe: {  	[sflag:s24] =	ssyncset.done $0x0  }
0xbf: {  	[sflag:s24] =	ssyncadd.s32 $0xFFFFFFB0  }
0xc0: {  	[spmem:s2] =	stream.indirect.scatter.add.f32 [tilespmem:s20], [sflag:$0xA], $0x1, s17, s19, $0xb8;
	[tilespmem:$0x980] =	vst v63  }
0xc1: {  	_ =	swait.ge [sflag:s25], $0x50  }
0xc2: {  	[sflag:s25] =	ssyncset.done $0x0  }
0xc3: {  	[sflag:s25] =	ssyncadd.s32 $0xFFFFFFB0  }
0xc4: {  	_ =	swait.ge [sflag:s26], $0x50  }
0xc5: {  	[sflag:s26] =	ssyncset.done $0x0  }
0xc6: {  	[sflag:s26] =	ssyncadd.s32 $0xFFFFFFB0  }
0xc7: {  	_ =	swait.ge [sflag:s28], $0x50  }
0xc8: {  	[sflag:s28] =	ssyncset.done $0x0  }
0xc9: {  	[sflag:s28] =	ssyncadd.s32 $0xFFFFFFB0  }
0xca: {  	_ =	swait.ge [sflag:s29], $0x50  }
0xcb: {  	[sflag:s29] =	ssyncset.done $0x0  }
0xcc: {  	[sflag:s29] =	ssyncadd.s32 $0xFFFFFFB0  }
0xcd: {  	_ =	swait.ge [sflag:s30], $0x50  }
0xce: {  	[sflag:s30] =	ssyncset.done $0x0  }
0xcf: {  	[sflag:s30] =	ssyncadd.s32 $0xFFFFFFB0  }
0xd0: {  	s1 =	simm.s32 $0x480;
	[bflag:$0x0] =	sbarrier.arrive $0xFFFF  }
0xd1: {  	[tilespmem:s1], [sflag:$0xB] =	stream.linear.gather [spmem:s4], $0x280, $0x38;
	[tilespmem:$0x980] =	vst v63  }
0xd2: {  	_ =	swait.ge [sflag:s13], $0x280  }
0xd3: {  	[sflag:s13] =	ssyncset.done $0x0  }
0xd4: {  	s6 =	rddreg [dreg:$0x4];
	[sflag:s13] =	ssyncadd.s32 $0xFFFFFD80  }
0xd5: {  	[hbm4b:s6+s3] =	stream.linear.scatter [tilespmem:s1], [sflag:$0xB], $0x280, $0x38;
	[tilespmem:$0x980] =	vst v63  }
0xd6: {  	_ =	swait.ge [sflag:s13], $0x280  }
0xd7: {  	s31 =	sadd.s32 $0x1, s31;
	s12 =	rddreg [dreg:$0x5]  }
0xd8: {  	p0 =	sne.s32 s31, s12  }
.Ltmp1:
0xd9: {  	_ = 	snop;
	(pc) =	sbr.rel @p0 .LBB2_1-.Ltmp1, $3  }
0xda: {  	_ =	sdelay $0x1  }
0xdb: {  	[sflag:s13] =	ssyncset.done $0x0  }
0xdc: {  	[sflag:s13] =	ssyncadd.s32 $0xFFFFFD80  }
0xdd: {  	_ =	sfence.sel $0x180000  }
0xde: {  	[bflag:$0x0] =	sbarrier.arrive $0xFFFF  }
0xdf: {  	_ =	strace $0x90000047  }
0xe0: {  	s0 =	stileid.u32;
	[bflag:$0x2] =	sbarrier.arrive $0xFFFF  }
0xe1: {  	p0 =	sne.s32 s0, $0x0;
	s0 =	rddreg [dreg:$0x3]  }
0xe2: {  	s0 =	sadd.s32 @!p0 $0x100000, s0  }
0xe3: {  	[sflag:s0] =	ssyncadd.tile.s32 @!p0 $0x1;
	_ =	shalt  }
.Lfunc_end2:
_tile_overlayer_lowered:
.L_overlay_start_2:
0xe4: {  	(tag) =	ssettag $0x2  }
0xe5: {  	s0 =	rddreg [dreg:$0x0];
	s2 =	stileid.u32  }
0xe6: {  	s1 =	rddreg [dreg:$0x1];
	p0 =	sne.s32 s2, $0x0  }
0xe7: {  	s3 =	rddreg [dreg:$0x2];
	[bflag:$0x3] =	sbarrier.arrive $0xFFFF;
	s2 =	simm.s32 @!p0 $0x1C0B  }
0xe8: {  	[timem:s3], [sflag:s2] =	dma.local @!p0 [hbm:s0], s1  }
0xe9: {  	s0 =	simm.s32 @!p0 $0xB  }
0xea: {  	_ =	swait.ge @!p0 [sflag:s0], s1  }
0xeb: {  	s1 =	ssub.s32 @!p0 $0x0, s1;
	[sflag:s0] =	ssyncset.done @!p0 $0x0  }
0xec: {  	[sflag:s0] =	ssyncadd.s32 @!p0 s1  }
0xed: {  	[bflag:$0x3] =	sbarrier.arrive $0xFFFF  }
0xee: {  	_ =	shalt  }

</sc_bundles>
